<compile_context>
chip_gen: v7x
topology: tpu7x:2x2x1
jax: 0.10.2.dev20260603
libtpu: 0.0.44.dev20260713+nightly
codegen_flags: <defaults>
</compile_context>

<pallas_src>
import functools

import jax
import jax.numpy as jnp
from jax import lax
from jax.experimental import pallas as pl
from jax.experimental.pallas import tpu as pltpu
from jax.experimental.pallas import tpu_sc as plsc

N = 10000
E = 320000
D = 128

NC = 2
NS = 16
NW = NC * NS

CH = 128
NCHUNKS = 2560
EPAD = NCHUNKS * CH
K0 = 120
K1 = 40

RPT = 632
RPAD = RPT * NS
DPT = 640
DPAD = DPT * NS
PAD_DST = N
ISH = 14
IMASK = (1 << ISH) - 1

ROWS_B = 1000



def _unpack(pidx, j, buf, shift, mask):
    for t in range(CH // 16):
        v = pidx[pl.ds(j * CH + t * 16, 16)]
        buf[pl.ds(t * 16, 16)] = (v >> shift) & mask


def _run_chunks(kc, y, pidx, rows0, rows1, sbuf0, sbuf1, dbuf, ones_v,
                sem0, sem1, agg, deg):
    _unpack(pidx, 0, sbuf0, 0, IMASK)
    pltpu.async_copy(y.at[sbuf0], rows0, sem0)

    def _pair(i, carry):
        j0 = 2 * i
        j1 = 2 * i + 1
        _unpack(pidx, j1, sbuf1, 0, IMASK)
        pltpu.make_async_copy(y.at[sbuf0], rows0, sem0).wait()
        pltpu.async_copy(y.at[sbuf1], rows1, sem1)

        _unpack(pidx, j0, dbuf, ISH, IMASK)
        pltpu.sync_copy(rows0, agg.at[dbuf], add=True)
        pltpu.sync_copy(ones_v, deg.at[dbuf], add=True)

        @pl.when(i < kc // 2 - 1)
        def _():
            _unpack(pidx, j0 + 2, sbuf0, 0, IMASK)

        pltpu.make_async_copy(y.at[sbuf1], rows1, sem1).wait()

        @pl.when(i < kc // 2 - 1)
        def _():
            pltpu.async_copy(y.at[sbuf0], rows0, sem0)

        _unpack(pidx, j1, dbuf, ISH, IMASK)
        pltpu.sync_copy(rows1, agg.at[dbuf], add=True)
        pltpu.sync_copy(ones_v, deg.at[dbuf], add=True)
        return carry
    lax.fori_loop(0, kc // 2, _pair, 0)


def _zero_agg_slice(rows0, agg, s):
    z16 = jnp.zeros((16,), jnp.float32)

    def _zrow(i, carry):
        def _zcol(j, carry2):
            rows0[i, pl.ds(j * 16, 16)] = z16
            return carry2
        return lax.fori_loop(0, D // 16, _zcol, carry)
    lax.fori_loop(0, CH, _zrow, 0)

    base = s * RPT
    for k in range(RPT // CH):
        pltpu.sync_copy(rows0, agg.at[pl.ds(base + k * CH, CH)])
    rem = RPT - (RPT // CH) * CH
    if rem:
        pltpu.sync_copy(rows0.at[pl.ds(0, rem)],
                        agg.at[pl.ds(base + RPT - rem, rem)])


def _sc_agg_body(y, pidxh, p, dcnt, pidx, rows0, rows1, sbuf0, sbuf1,
                 dbuf, ones_v, sem0, sem1, agg, deg):
    c = lax.axis_index("c")
    s = lax.axis_index("s")
    base = s * RPT

    z16 = jnp.zeros((16,), jnp.float32)
    for j in range(CH // 16):
        ones_v[pl.ds(j * 16, 16)] = z16 + 1.0

    _zero_agg_slice(rows0, agg, s)
    for k in range(DPT // CH):
        pltpu.sync_copy(rows0.at[0], deg.at[pl.ds(s * DPT + k * CH, CH)])

    @pl.when(c == 0)
    def _():
        pltpu.sync_copy(pidxh.at[pl.ds(s * K0 * CH, K0 * CH)],
                        pidx.at[pl.ds(0, K0 * CH)])

    @pl.when(c == 1)
    def _():
        pltpu.sync_copy(
            pidxh.at[pl.ds((NS * K0 + s * K1) * CH, K1 * CH)],
            pidx.at[pl.ds(0, K1 * CH)])

    plsc.subcore_barrier()

    args = (y, pidx, rows0, rows1, sbuf0, sbuf1, dbuf, ones_v,
            sem0, sem1, agg, deg)

    @pl.when(c == 0)
    def _():
        _run_chunks(K0, *args)

    @pl.when(c == 1)
    def _():
        _run_chunks(K1, *args)

    plsc.subcore_barrier()

    pltpu.sync_copy(agg.at[pl.ds(base, RPT)],
                    p.at[pl.ds(c * RPAD + base, RPT)])
    pltpu.sync_copy(deg.at[pl.ds(s * DPT, DPT)],
                    dcnt.at[pl.ds(c * DPAD + s * DPT, DPT)])


def _make_sc_agg():
    mesh = plsc.VectorSubcoreMesh(core_axis_name="c", subcore_axis_name="s",
                                  num_cores=NC, num_subcores=NS)
    out_type = (jax.ShapeDtypeStruct((NC * RPAD, D), jnp.float32),
                jax.ShapeDtypeStruct((NC * DPAD,), jnp.float32))
    return pl.kernel(
        _sc_agg_body,
        out_type=out_type,
        mesh=mesh,
        scratch_types=[
            pltpu.VMEM((K0 * CH,), jnp.int32),
            pltpu.VMEM((CH, D), jnp.float32),
            pltpu.VMEM((CH, D), jnp.float32),
            pltpu.VMEM((CH,), jnp.int32),
            pltpu.VMEM((CH,), jnp.int32),
            pltpu.VMEM((CH,), jnp.int32),
            pltpu.VMEM((CH,), jnp.float32),
            pltpu.SemaphoreType.DMA,
            pltpu.SemaphoreType.DMA,
            pltpu.VMEM_SHARED((RPAD, D), jnp.float32),
            pltpu.VMEM_SHARED((DPAD,), jnp.float32),
        ],
    )



def _mm_body(x_ref, w_ref, o_ref):
    o_ref[...] = jnp.dot(x_ref[...], w_ref[...],
                         preferred_element_type=jnp.float32)


def _tc_mm(x, w):
    return pl.pallas_call(
        _mm_body,
        grid=(N // ROWS_B,),
        in_specs=[pl.BlockSpec((ROWS_B, D), lambda i: (i, 0)),
                  pl.BlockSpec((D, D), lambda i: (0, 0))],
        out_specs=pl.BlockSpec((ROWS_B, D), lambda i: (i, 0)),
        out_shape=jax.ShapeDtypeStruct((N, D), jnp.float32),
    )(x, w)


def _norm_mm_body(p0_ref, p1_ref, d0_ref, d1_ref, b_ref, w_ref, y_ref, r_ref):
    r = 1.0 / jnp.maximum(d0_ref[...] + d1_ref[...], 1.0)
    h = (p0_ref[...] + p1_ref[...]) * r + b_ref[...]
    y_ref[...] = jnp.dot(h, w_ref[...], preferred_element_type=jnp.float32)
    r_ref[...] = r


def _tc_norm_mm(p0, p1, d0, d1, b, w):
    return pl.pallas_call(
        _norm_mm_body,
        grid=(N // ROWS_B,),
        in_specs=[pl.BlockSpec((ROWS_B, D), lambda i: (i, 0)),
                  pl.BlockSpec((ROWS_B, D), lambda i: (i, 0)),
                  pl.BlockSpec((ROWS_B, 1), lambda i: (i, 0)),
                  pl.BlockSpec((ROWS_B, 1), lambda i: (i, 0)),
                  pl.BlockSpec((1, D), lambda i: (0, 0)),
                  pl.BlockSpec((D, D), lambda i: (0, 0))],
        out_specs=(pl.BlockSpec((ROWS_B, D), lambda i: (i, 0)),
                   pl.BlockSpec((ROWS_B, 1), lambda i: (i, 0))),
        out_shape=(jax.ShapeDtypeStruct((N, D), jnp.float32),
                   jax.ShapeDtypeStruct((N, 1), jnp.float32)),
    )(p0, p1, d0, d1, b, w)


def _final_body(q0_ref, q1_ref, r_ref, b_ref, o_ref):
    o_ref[...] = (q0_ref[...] + q1_ref[...]) * r_ref[...] + b_ref[...]


def _tc_final(q0, q1, r, b):
    return pl.pallas_call(
        _final_body,
        grid=(N // ROWS_B,),
        in_specs=[pl.BlockSpec((ROWS_B, D), lambda i: (i, 0)),
                  pl.BlockSpec((ROWS_B, D), lambda i: (i, 0)),
                  pl.BlockSpec((ROWS_B, 1), lambda i: (i, 0)),
                  pl.BlockSpec((1, D), lambda i: (0, 0))],
        out_specs=pl.BlockSpec((ROWS_B, D), lambda i: (i, 0)),
        out_shape=jax.ShapeDtypeStruct((N, D), jnp.float32),
    )(q0, q1, r, b)



def kernel(x, edge_index, W1, b1, W2, b2):
    src = edge_index[0].astype(jnp.int32)
    dst = edge_index[1].astype(jnp.int32)
    packed = src | (dst << ISH)
    pidx = jnp.concatenate(
        [packed, jnp.full((EPAD - E,), PAD_DST << ISH, jnp.int32)])

    sc_agg = _make_sc_agg()

    y1 = _tc_mm(x, W1)
    p, dcnt = sc_agg(y1, pidx)
    d0 = dcnt[:N].reshape(N, 1)
    d1 = dcnt[DPAD:DPAD + N].reshape(N, 1)

    y2, rdeg = _tc_norm_mm(p[:N], p[RPAD:RPAD + N], d0, d1,
                           b1.reshape(1, D), W2)

    q, _ = sc_agg(y2, pidx)
    return _tc_final(q[:N], q[RPAD:RPAD + N], rdeg, b2.reshape(1, D))

# --- scband reference (transcript-rebuilt; emitter-appended) ---
"""Pipeline reference for scband-tgcnconv-59493886984312 (READ-ONLY COPY).

The authoritative reference and input builder live on the scoring server;
editing this copy changes nothing except your own understanding.
"""

import jax, jax.numpy as jnp
import numpy as np

N_NODES = 10000
N_EDGES = 320000
D_IN = 128
D_HID = 128

def setup_inputs(seed: int = 0) -> dict:
    key = jax.random.key(seed)
    k1, k2, k3, k4, k5, k6 = jax.random.split(key, 6)
    x = jax.random.normal(k1, (N_NODES, D_IN), dtype=jnp.float32)
    edge_index = jax.random.randint(k2, (2, N_EDGES), 0, N_NODES, dtype=jnp.int64)
    # GraphConv layer 0: input_size -> hidden_size
    W1 = jax.random.normal(k3, (D_IN, D_HID), dtype=jnp.float32) * (1.0 / np.sqrt(D_IN))
    b1 = jnp.zeros((D_HID,), dtype=jnp.float32)
    # GraphConv layer 1: hidden_size -> hidden_size
    W2 = jax.random.normal(k4, (D_HID, D_HID), dtype=jnp.float32) * (1.0 / np.sqrt(D_HID))
    b2 = jnp.zeros((D_HID,), dtype=jnp.float32)
    return {"x": x, "edge_index": edge_index, "W1": W1, "b1": b1, "W2": W2, "b2": b2}

def _graph_conv(x, src, dst, W, b, n_nodes):
    # message passing: gather source features, scatter-add to destinations
    msgs = jnp.take(x, src, axis=0)
    agg = jax.ops.segment_sum(msgs, dst, num_segments=n_nodes)
    # norm='mean': divide by in-degree (clamped to >= 1 to avoid div-by-zero)
    deg = jax.ops.segment_sum(jnp.ones((src.shape[0],), dtype=x.dtype), dst, num_segments=n_nodes)
    agg = agg / jnp.clip(deg, 1.0, None)[:, None]
    # root_weight=False, activation=None: just the neighbor transform + bias
    return agg @ W + b

def reference(x, edge_index, W1, b1, W2, b2):
    src = edge_index[0]
    dst = edge_index[1]
    h = _graph_conv(x, src, dst, W1, b1, N_NODES)
    h = _graph_conv(h, src, dst, W2, b2, N_NODES)
    return h

if __name__ == "__main__":
    import jax
    _d = setup_inputs()
    print(jax.jit(kernel)(*tuple(_d.values())))

</pallas_src>

<mosaic_0001>
#map = affine_map<(d0, d1) -> (0, 0)>
#map1 = affine_map<(d0, d1) -> (0)>
module attributes {stable_mosaic.version = 14 : i64} {
  func.func @_sc_agg_body(%arg0: i32, %arg1: i32, %arg2: memref<10000x128xf32, #tpu.memory_space<hbm>>, %arg3: memref<327680xi32, #tpu.memory_space<hbm>>, %arg4: memref<20224x128xf32, #tpu.memory_space<hbm>>, %arg5: memref<20480xf32, #tpu.memory_space<hbm>>, %arg6: memref<15360xi32, #tpu.memory_space<vmem>>, %arg7: memref<128x128xf32, #tpu.memory_space<vmem>>, %arg8: memref<128x128xf32, #tpu.memory_space<vmem>>, %arg9: memref<128xi32, #tpu.memory_space<vmem>>, %arg10: memref<128xi32, #tpu.memory_space<vmem>>, %arg11: memref<128xi32, #tpu.memory_space<vmem>>, %arg12: memref<128xf32, #tpu.memory_space<vmem>>, %arg13: memref<!tpu.dma_semaphore, #tpu.memory_space<semaphore_mem>>, %arg14: memref<!tpu.dma_semaphore, #tpu.memory_space<semaphore_mem>>, %arg15: memref<10112x128xf32, #tpu.memory_space<vmem_shared>>, %arg16: memref<10240xf32, #tpu.memory_space<vmem_shared>>) attributes {dimension_semantics = [#tpu.dimension_semantics<core_parallel>, #tpu.dimension_semantics<subcore_parallel>], iteration_bounds = array<i64: 2, 16>, scalar_prefetch = 0 : i64, scratch_operands = 11 : i64, tpu.core_type = #tpu.core_type<sc_vector_subcore>, window_params = [{transform_indices = #map}, {transform_indices = #map1}, {transform_indices = #map}, {transform_indices = #map1}]} {
    %mul3A = arith.constant 632 : i32
    %mul3A_0 = arith.muli %arg1, %mul3A : i32
    %broadcast_in_dim3A = arith.constant 0.000000e+00 : f32
    %broadcast_in_dim3A_1 = vector.broadcast %broadcast_in_dim3A : f32 to vector<16xf32>
    %add3A = arith.constant 1.000000e+00 : f32
    %add3A_2 = vector.broadcast %add3A : f32 to vector<16xf32>
    %add3A_3 = arith.addf %broadcast_in_dim3A_1, %add3A_2 : vector<16xf32>
    %swap3A = arith.constant 0 : index
    %swap3A_4 = tpu.vector_load %arg12[%swap3A] {strides = array<i32>} : memref<128xf32, #tpu.memory_space<vmem>>, vector<16xf32>,
    %swap3A_5 = vector.shape_cast %swap3A_4 : vector<16xf32> to vector<16xf32>
    %swap3A_6 = vector.shape_cast %add3A_3 : vector<16xf32> to vector<16xf32>
    tpu.vector_store %arg12[%swap3A], %swap3A_6 {strides = array<i32>} : memref<128xf32, #tpu.memory_space<vmem>>, vector<16xf32>,
    %add3A_7 = arith.constant 1.000000e+00 : f32
    %add3A_8 = vector.broadcast %add3A_7 : f32 to vector<16xf32>
    %add3A_9 = arith.addf %broadcast_in_dim3A_1, %add3A_8 : vector<16xf32>
    %swap3A_10 = arith.constant 16 : index
    %swap3A_11 = tpu.vector_load %arg12[%swap3A_10] {strides = array<i32>} : memref<128xf32, #tpu.memory_space<vmem>>, vector<16xf32>,
    %swap3A_12 = vector.shape_cast %swap3A_11 : vector<16xf32> to vector<16xf32>
    %swap3A_13 = vector.shape_cast %add3A_9 : vector<16xf32> to vector<16xf32>
    tpu.vector_store %arg12[%swap3A_10], %swap3A_13 {strides = array<i32>} : memref<128xf32, #tpu.memory_space<vmem>>, vector<16xf32>,
    %add3A_14 = arith.constant 1.000000e+00 : f32
    %add3A_15 = vector.broadcast %add3A_14 : f32 to vector<16xf32>
    %add3A_16 = arith.addf %broadcast_in_dim3A_1, %add3A_15 : vector<16xf32>
    %swap3A_17 = arith.constant 32 : index
    %swap3A_18 = tpu.vector_load %arg12[%swap3A_17] {strides = array<i32>} : memref<128xf32, #tpu.memory_space<vmem>>, vector<16xf32>,
    %swap3A_19 = vector.shape_cast %swap3A_18 : vector<16xf32> to vector<16xf32>
    %swap3A_20 = vector.shape_cast %add3A_16 : vector<16xf32> to vector<16xf32>
    tpu.vector_store %arg12[%swap3A_17], %swap3A_20 {strides = array<i32>} : memref<128xf32, #tpu.memory_space<vmem>>, vector<16xf32>,
    %add3A_21 = arith.constant 1.000000e+00 : f32
    %add3A_22 = vector.broadcast %add3A_21 : f32 to vector<16xf32>
    %add3A_23 = arith.addf %broadcast_in_dim3A_1, %add3A_22 : vector<16xf32>
    %swap3A_24 = arith.constant 48 : index
    %swap3A_25 = tpu.vector_load %arg12[%swap3A_24] {strides = array<i32>} : memref<128xf32, #tpu.memory_space<vmem>>, vector<16xf32>,
    %swap3A_26 = vector.shape_cast %swap3A_25 : vector<16xf32> to vector<16xf32>
    %swap3A_27 = vector.shape_cast %add3A_23 : vector<16xf32> to vector<16xf32>
    tpu.vector_store %arg12[%swap3A_24], %swap3A_27 {strides = array<i32>} : memref<128xf32, #tpu.memory_space<vmem>>, vector<16xf32>,
    %add3A_28 = arith.constant 1.000000e+00 : f32
    %add3A_29 = vector.broadcast %add3A_28 : f32 to vector<16xf32>
    %add3A_30 = arith.addf %broadcast_in_dim3A_1, %add3A_29 : vector<16xf32>
    %swap3A_31 = arith.constant 64 : index
    %swap3A_32 = tpu.vector_load %arg12[%swap3A_31] {strides = array<i32>} : memref<128xf32, #tpu.memory_space<vmem>>, vector<16xf32>,
    %swap3A_33 = vector.shape_cast %swap3A_32 : vector<16xf32> to vector<16xf32>
    %swap3A_34 = vector.shape_cast %add3A_30 : vector<16xf32> to vector<16xf32>
    tpu.vector_store %arg12[%swap3A_31], %swap3A_34 {strides = array<i32>} : memref<128xf32, #tpu.memory_space<vmem>>, vector<16xf32>,
    %add3A_35 = arith.constant 1.000000e+00 : f32
    %add3A_36 = vector.broadcast %add3A_35 : f32 to vector<16xf32>
    %add3A_37 = arith.addf %broadcast_in_dim3A_1, %add3A_36 : vector<16xf32>
    %swap3A_38 = arith.constant 80 : index
    %swap3A_39 = tpu.vector_load %arg12[%swap3A_38] {strides = array<i32>} : memref<128xf32, #tpu.memory_space<vmem>>, vector<16xf32>,
    %swap3A_40 = vector.shape_cast %swap3A_39 : vector<16xf32> to vector<16xf32>
    %swap3A_41 = vector.shape_cast %add3A_37 : vector<16xf32> to vector<16xf32>
    tpu.vector_store %arg12[%swap3A_38], %swap3A_41 {strides = array<i32>} : memref<128xf32, #tpu.memory_space<vmem>>, vector<16xf32>,
    %add3A_42 = arith.constant 1.000000e+00 : f32
    %add3A_43 = vector.broadcast %add3A_42 : f32 to vector<16xf32>
    %add3A_44 = arith.addf %broadcast_in_dim3A_1, %add3A_43 : vector<16xf32>
    %swap3A_45 = arith.constant 96 : index
    %swap3A_46 = tpu.vector_load %arg12[%swap3A_45] {strides = array<i32>} : memref<128xf32, #tpu.memory_space<vmem>>, vector<16xf32>,
    %swap3A_47 = vector.shape_cast %swap3A_46 : vector<16xf32> to vector<16xf32>
    %swap3A_48 = vector.shape_cast %add3A_44 : vector<16xf32> to vector<16xf32>
    tpu.vector_store %arg12[%swap3A_45], %swap3A_48 {strides = array<i32>} : memref<128xf32, #tpu.memory_space<vmem>>, vector<16xf32>,
    %add3A_49 = arith.constant 1.000000e+00 : f32
    %add3A_50 = vector.broadcast %add3A_49 : f32 to vector<16xf32>
    %add3A_51 = arith.addf %broadcast_in_dim3A_1, %add3A_50 : vector<16xf32>
    %swap3A_52 = arith.constant 112 : index
    %swap3A_53 = tpu.vector_load %arg12[%swap3A_52] {strides = array<i32>} : memref<128xf32, #tpu.memory_space<vmem>>, vector<16xf32>,
    %swap3A_54 = vector.shape_cast %swap3A_53 : vector<16xf32> to vector<16xf32>
    %swap3A_55 = vector.shape_cast %add3A_51 : vector<16xf32> to vector<16xf32>
    tpu.vector_store %arg12[%swap3A_52], %swap3A_55 {strides = array<i32>} : memref<128xf32, #tpu.memory_space<vmem>>, vector<16xf32>,
    %broadcast_in_dim3A_56 = arith.constant 0.000000e+00 : f32
    %broadcast_in_dim3A_57 = vector.broadcast %broadcast_in_dim3A_56 : f32 to vector<16xf32>
    %scan3A = arith.constant 0 : i32
    %scan3A_58 = arith.constant 0 : i32
    %scan3A_59 = arith.constant 128 : i32
    %scan3A_60 = arith.addi %scan3A_58, %scan3A_59 : i32
    %scan3A_61 = arith.constant 1 : i32
    scf.for %scan3A_128 = %scan3A_58 to %scan3A_60 step %scan3A_61  : i32 {
      %scan3A_129 = arith.constant 0 : i32
      %scan3A_130 = arith.constant 8 : i32
      %scan3A_131 = arith.addi %scan3A_129, %scan3A_130 : i32
      %scan3A_132 = arith.constant 1 : i32
      scf.for %scan3A_134 = %scan3A_129 to %scan3A_131 step %scan3A_132  : i32 {
        %mul3A_135 = arith.constant 16 : i32
        %mul3A_136 = arith.muli %scan3A_134, %mul3A_135 : i32
        %swap3A_137 = arith.index_cast %scan3A_128 : i32 to index
        %swap3A_138 = arith.index_cast %mul3A_136 : i32 to index
        %swap3A_139 = tpu.vector_load %arg7[%swap3A_137, %swap3A_138] {strides = array<i32>} : memref<128x128xf32, #tpu.memory_space<vmem>>, vector<1x16xf32>,
        %swap3A_140 = vector.shape_cast %swap3A_139 : vector<1x16xf32> to vector<16xf32>
        %swap3A_141 = vector.shape_cast %broadcast_in_dim3A_57 : vector<16xf32> to vector<1x16xf32>
        tpu.vector_store %arg7[%swap3A_137, %swap3A_138], %swap3A_141 {strides = array<i32>} : memref<128x128xf32, #tpu.memory_space<vmem>>, vector<1x16xf32>,
      }
      %scan3A_133 = arith.constant 8 : i32
    }
    %scan3A_62 = arith.constant 128 : i32
    %mul3A_63 = arith.constant 632 : i32
    %mul3A_64 = arith.muli %arg1, %mul3A_63 : i32
    %add3A_65 = arith.constant 0 : i32
    %add3A_66 = arith.addi %mul3A_64, %add3A_65 : i32
    "tpu.region"() ({
      %run_scoped3A_128 = tpu.sem_alloc : memref<!tpu.dma_semaphore, #tpu.memory_space<semaphore_mem>>
      %dma_start3A = arith.constant 0 : i32
      %dma_start3A_129 = tpu.memref_slice %arg15[%add3A_66, %dma_start3A] : memref<10112x128xf32, #tpu.memory_space<vmem_shared>> -> memref<128x128xf32, #tpu.memory_space<vmem_shared>>
      %dma_start3A_130 = arith.constant 0 : i32
      %dma_start3A_131 = tpu.memref_slice %arg15[%add3A_66, %dma_start3A_130] : memref<10112x128xf32, #tpu.memory_space<vmem_shared>> -> memref<128x128xf32, #tpu.memory_space<vmem_shared>>
      tpu.enqueue_dma source(%arg7 : memref<128x128xf32, #tpu.memory_space<vmem>>) target(%dma_start3A_131 : memref<128x128xf32, #tpu.memory_space<vmem_shared>>) target_semaphore(%run_scoped3A_128 : memref<!tpu.dma_semaphore, #tpu.memory_space<semaphore_mem>>)
      %dma_wait3A = arith.constant 0 : i32
      %dma_wait3A_132 = tpu.memref_slice %arg15[%add3A_66, %dma_wait3A] : memref<10112x128xf32, #tpu.memory_space<vmem_shared>> -> memref<128x128xf32, #tpu.memory_space<vmem_shared>>
      %dma_wait3A_133 = arith.constant 0 : i32
      %dma_wait3A_134 = tpu.memref_slice %arg15[%add3A_66, %dma_wait3A_133] : memref<10112x128xf32, #tpu.memory_space<vmem_shared>> -> memref<128x128xf32, #tpu.memory_space<vmem_shared>>
      tpu.wait_dma2 semaphore(%run_scoped3A_128 : memref<!tpu.dma_semaphore, #tpu.memory_space<semaphore_mem>>) src(%arg7 : memref<128x128xf32, #tpu.memory_space<vmem>>) dst(%dma_wait3A_134 : memref<128x128xf32, #tpu.memory_space<vmem_shared>>)
      tpu.yield
    }) : () -> ()
    %add3A_67 = arith.constant 128 : i32
    %add3A_68 = arith.addi %mul3A_64, %add3A_67 : i32
    "tpu.region"() ({
      %run_scoped3A_128 = tpu.sem_alloc : memref<!tpu.dma_semaphore, #tpu.memory_space<semaphore_mem>>
      %dma_start3A = arith.constant 0 : i32
      %dma_start3A_129 = tpu.memref_slice %arg15[%add3A_68, %dma_start3A] : memref<10112x128xf32, #tpu.memory_space<vmem_shared>> -> memref<128x128xf32, #tpu.memory_space<vmem_shared>>
      %dma_start3A_130 = arith.constant 0 : i32
      %dma_start3A_131 = tpu.memref_slice %arg15[%add3A_68, %dma_start3A_130] : memref<10112x128xf32, #tpu.memory_space<vmem_shared>> -> memref<128x128xf32, #tpu.memory_space<vmem_shared>>
      tpu.enqueue_dma source(%arg7 : memref<128x128xf32, #tpu.memory_space<vmem>>) target(%dma_start3A_131 : memref<128x128xf32, #tpu.memory_space<vmem_shared>>) target_semaphore(%run_scoped3A_128 : memref<!tpu.dma_semaphore, #tpu.memory_space<semaphore_mem>>)
      %dma_wait3A = arith.constant 0 : i32
      %dma_wait3A_132 = tpu.memref_slice %arg15[%add3A_68, %dma_wait3A] : memref<10112x128xf32, #tpu.memory_space<vmem_shared>> -> memref<128x128xf32, #tpu.memory_space<vmem_shared>>
      %dma_wait3A_133 = arith.constant 0 : i32
      %dma_wait3A_134 = tpu.memref_slice %arg15[%add3A_68, %dma_wait3A_133] : memref<10112x128xf32, #tpu.memory_space<vmem_shared>> -> memref<128x128xf32, #tpu.memory_space<vmem_shared>>
      tpu.wait_dma2 semaphore(%run_scoped3A_128 : memref<!tpu.dma_semaphore, #tpu.memory_space<semaphore_mem>>) src(%arg7 : memref<128x128xf32, #tpu.memory_space<vmem>>) dst(%dma_wait3A_134 : memref<128x128xf32, #tpu.memory_space<vmem_shared>>)
      tpu.yield
    }) : () -> ()
    %add3A_69 = arith.constant 256 : i32
    %add3A_70 = arith.addi %mul3A_64, %add3A_69 : i32
    "tpu.region"() ({
      %run_scoped3A_128 = tpu.sem_alloc : memref<!tpu.dma_semaphore, #tpu.memory_space<semaphore_mem>>
      %dma_start3A = arith.constant 0 : i32
      %dma_start3A_129 = tpu.memref_slice %arg15[%add3A_70, %dma_start3A] : memref<10112x128xf32, #tpu.memory_space<vmem_shared>> -> memref<128x128xf32, #tpu.memory_space<vmem_shared>>
      %dma_start3A_130 = arith.constant 0 : i32
      %dma_start3A_131 = tpu.memref_slice %arg15[%add3A_70, %dma_start3A_130] : memref<10112x128xf32, #tpu.memory_space<vmem_shared>> -> memref<128x128xf32, #tpu.memory_space<vmem_shared>>
      tpu.enqueue_dma source(%arg7 : memref<128x128xf32, #tpu.memory_space<vmem>>) target(%dma_start3A_131 : memref<128x128xf32, #tpu.memory_space<vmem_shared>>) target_semaphore(%run_scoped3A_128 : memref<!tpu.dma_semaphore, #tpu.memory_space<semaphore_mem>>)
      %dma_wait3A = arith.constant 0 : i32
      %dma_wait3A_132 = tpu.memref_slice %arg15[%add3A_70, %dma_wait3A] : memref<10112x128xf32, #tpu.memory_space<vmem_shared>> -> memref<128x128xf32, #tpu.memory_space<vmem_shared>>
      %dma_wait3A_133 = arith.constant 0 : i32
      %dma_wait3A_134 = tpu.memref_slice %arg15[%add3A_70, %dma_wait3A_133] : memref<10112x128xf32, #tpu.memory_space<vmem_shared>> -> memref<128x128xf32, #tpu.memory_space<vmem_shared>>
      tpu.wait_dma2 semaphore(%run_scoped3A_128 : memref<!tpu.dma_semaphore, #tpu.memory_space<semaphore_mem>>) src(%arg7 : memref<128x128xf32, #tpu.memory_space<vmem>>) dst(%dma_wait3A_134 : memref<128x128xf32, #tpu.memory_space<vmem_shared>>)
      tpu.yield
    }) : () -> ()
    %add3A_71 = arith.constant 384 : i32
    %add3A_72 = arith.addi %mul3A_64, %add3A_71 : i32
    "tpu.region"() ({
      %run_scoped3A_128 = tpu.sem_alloc : memref<!tpu.dma_semaphore, #tpu.memory_space<semaphore_mem>>
      %dma_start3A = arith.constant 0 : i32
      %dma_start3A_129 = tpu.memref_slice %arg15[%add3A_72, %dma_start3A] : memref<10112x128xf32, #tpu.memory_space<vmem_shared>> -> memref<128x128xf32, #tpu.memory_space<vmem_shared>>
      %dma_start3A_130 = arith.constant 0 : i32
      %dma_start3A_131 = tpu.memref_slice %arg15[%add3A_72, %dma_start3A_130] : memref<10112x128xf32, #tpu.memory_space<vmem_shared>> -> memref<128x128xf32, #tpu.memory_space<vmem_shared>>
      tpu.enqueue_dma source(%arg7 : memref<128x128xf32, #tpu.memory_space<vmem>>) target(%dma_start3A_131 : memref<128x128xf32, #tpu.memory_space<vmem_shared>>) target_semaphore(%run_scoped3A_128 : memref<!tpu.dma_semaphore, #tpu.memory_space<semaphore_mem>>)
      %dma_wait3A = arith.constant 0 : i32
      %dma_wait3A_132 = tpu.memref_slice %arg15[%add3A_72, %dma_wait3A] : memref<10112x128xf32, #tpu.memory_space<vmem_shared>> -> memref<128x128xf32, #tpu.memory_space<vmem_shared>>
      %dma_wait3A_133 = arith.constant 0 : i32
      %dma_wait3A_134 = tpu.memref_slice %arg15[%add3A_72, %dma_wait3A_133] : memref<10112x128xf32, #tpu.memory_space<vmem_shared>> -> memref<128x128xf32, #tpu.memory_space<vmem_shared>>
      tpu.wait_dma2 semaphore(%run_scoped3A_128 : memref<!tpu.dma_semaphore, #tpu.memory_space<semaphore_mem>>) src(%arg7 : memref<128x128xf32, #tpu.memory_space<vmem>>) dst(%dma_wait3A_134 : memref<128x128xf32, #tpu.memory_space<vmem_shared>>)
      tpu.yield
    }) : () -> ()
    %add3A_73 = arith.constant 632 : i32
    %add3A_74 = arith.addi %mul3A_64, %add3A_73 : i32
    %sub3A = arith.constant 120 : i32
    %sub3A_75 = arith.subi %add3A_74, %sub3A : i32
    "tpu.region"() ({
      %run_scoped3A_128 = tpu.sem_alloc : memref<!tpu.dma_semaphore, #tpu.memory_space<semaphore_mem>>
      %dma_start3A = arith.constant 0 : i32
      %dma_start3A_129 = arith.constant 0 : i32
      %dma_start3A_130 = tpu.memref_slice %arg7[%dma_start3A, %dma_start3A_129] : memref<128x128xf32, #tpu.memory_space<vmem>> -> memref<120x128xf32, #tpu.memory_space<vmem>>
      %dma_start3A_131 = arith.constant 0 : i32
      %dma_start3A_132 = tpu.memref_slice %arg15[%sub3A_75, %dma_start3A_131] : memref<10112x128xf32, #tpu.memory_space<vmem_shared>> -> memref<120x128xf32, #tpu.memory_space<vmem_shared>>
      %dma_start3A_133 = arith.constant 0 : i32
      %dma_start3A_134 = tpu.memref_slice %arg15[%sub3A_75, %dma_start3A_133] : memref<10112x128xf32, #tpu.memory_space<vmem_shared>> -> memref<120x128xf32, #tpu.memory_space<vmem_shared>>
      %dma_start3A_135 = arith.constant 0 : i32
      %dma_start3A_136 = arith.constant 0 : i32
      %dma_start3A_137 = tpu.memref_slice %arg7[%dma_start3A_135, %dma_start3A_136] : memref<128x128xf32, #tpu.memory_space<vmem>> -> memref<120x128xf32, #tpu.memory_space<vmem>>
      tpu.enqueue_dma source(%dma_start3A_137 : memref<120x128xf32, #tpu.memory_space<vmem>>) target(%dma_start3A_134 : memref<120x128xf32, #tpu.memory_space<vmem_shared>>) target_semaphore(%run_scoped3A_128 : memref<!tpu.dma_semaphore, #tpu.memory_space<semaphore_mem>>)
      %dma_wait3A = arith.constant 0 : i32
      %dma_wait3A_138 = arith.constant 0 : i32
      %dma_wait3A_139 = tpu.memref_slice %arg7[%dma_wait3A, %dma_wait3A_138] : memref<128x128xf32, #tpu.memory_space<vmem>> -> memref<120x128xf32, #tpu.memory_space<vmem>>
      %dma_wait3A_140 = arith.constant 0 : i32
      %dma_wait3A_141 = tpu.memref_slice %arg15[%sub3A_75, %dma_wait3A_140] : memref<10112x128xf32, #tpu.memory_space<vmem_shared>> -> memref<120x128xf32, #tpu.memory_space<vmem_shared>>
      %dma_wait3A_142 = arith.constant 0 : i32
      %dma_wait3A_143 = tpu.memref_slice %arg15[%sub3A_75, %dma_wait3A_142] : memref<10112x128xf32, #tpu.memory_space<vmem_shared>> -> memref<120x128xf32, #tpu.memory_space<vmem_shared>>
      %dma_wait3A_144 = arith.constant 0 : i32
      %dma_wait3A_145 = arith.constant 0 : i32
      %dma_wait3A_146 = tpu.memref_slice %arg7[%dma_wait3A_144, %dma_wait3A_145] : memref<128x128xf32, #tpu.memory_space<vmem>> -> memref<120x128xf32, #tpu.memory_space<vmem>>
      tpu.wait_dma2 semaphore(%run_scoped3A_128 : memref<!tpu.dma_semaphore, #tpu.memory_space<semaphore_mem>>) src(%dma_wait3A_146 : memref<120x128xf32, #tpu.memory_space<vmem>>) dst(%dma_wait3A_143 : memref<120x128xf32, #tpu.memory_space<vmem_shared>>)
      tpu.yield
    }) : () -> ()
    %mul3A_76 = arith.constant 640 : i32
    %mul3A_77 = arith.muli %arg1, %mul3A_76 : i32
    %add3A_78 = arith.constant 0 : i32
    %add3A_79 = arith.addi %mul3A_77, %add3A_78 : i32
    %run_scoped3A = arith.constant 0 : i32
    "tpu.region"() ({
      %run_scoped3A_128 = tpu.sem_alloc : memref<!tpu.dma_semaphore, #tpu.memory_space<semaphore_mem>>
      %dma_start3A = arith.constant 0 : i32
      %dma_start3A_129 = tpu.memref_slice %arg7[%run_scoped3A, %dma_start3A] : memref<128x128xf32, #tpu.memory_space<vmem>> -> memref<1x128xf32, #tpu.memory_space<vmem>>
      %dma_start3A_130 = tpu.memref_squeeze %dma_start3A_129 : memref<1x128xf32, #tpu.memory_space<vmem>> -> memref<128xf32, #tpu.memory_space<vmem>>
      %dma_start3A_131 = tpu.memref_slice %arg16[%add3A_79] : memref<10240xf32, #tpu.memory_space<vmem_shared>> -> memref<128xf32, #tpu.memory_space<vmem_shared>>
      %dma_start3A_132 = tpu.memref_slice %arg16[%add3A_79] : memref<10240xf32, #tpu.memory_space<vmem_shared>> -> memref<128xf32, #tpu.memory_space<vmem_shared>>
      %dma_start3A_133 = arith.constant 0 : i32
      %dma_start3A_134 = tpu.memref_slice %arg7[%run_scoped3A, %dma_start3A_133] : memref<128x128xf32, #tpu.memory_space<vmem>> -> memref<1x128xf32, #tpu.memory_space<vmem>>
      %dma_start3A_135 = tpu.memref_squeeze %dma_start3A_134 : memref<1x128xf32, #tpu.memory_space<vmem>> -> memref<128xf32, #tpu.memory_space<vmem>>
      tpu.enqueue_dma source(%dma_start3A_135 : memref<128xf32, #tpu.memory_space<vmem>>) target(%dma_start3A_132 : memref<128xf32, #tpu.memory_space<vmem_shared>>) target_semaphore(%run_scoped3A_128 : memref<!tpu.dma_semaphore, #tpu.memory_space<semaphore_mem>>)
      %dma_wait3A = arith.constant 0 : i32
      %dma_wait3A_136 = tpu.memref_slice %arg7[%run_scoped3A, %dma_wait3A] : memref<128x128xf32, #tpu.memory_space<vmem>> -> memref<1x128xf32, #tpu.memory_space<vmem>>
      %dma_wait3A_137 = tpu.memref_squeeze %dma_wait3A_136 : memref<1x128xf32, #tpu.memory_space<vmem>> -> memref<128xf32, #tpu.memory_space<vmem>>
      %dma_wait3A_138 = tpu.memref_slice %arg16[%add3A_79] : memref<10240xf32, #tpu.memory_space<vmem_shared>> -> memref<128xf32, #tpu.memory_space<vmem_shared>>
      %dma_wait3A_139 = tpu.memref_slice %arg16[%add3A_79] : memref<10240xf32, #tpu.memory_space<vmem_shared>> -> memref<128xf32, #tpu.memory_space<vmem_shared>>
      %dma_wait3A_140 = arith.constant 0 : i32
      %dma_wait3A_141 = tpu.memref_slice %arg7[%run_scoped3A, %dma_wait3A_140] : memref<128x128xf32, #tpu.memory_space<vmem>> -> memref<1x128xf32, #tpu.memory_space<vmem>>
      %dma_wait3A_142 = tpu.memref_squeeze %dma_wait3A_141 : memref<1x128xf32, #tpu.memory_space<vmem>> -> memref<128xf32, #tpu.memory_space<vmem>>
      tpu.wait_dma2 semaphore(%run_scoped3A_128 : memref<!tpu.dma_semaphore, #tpu.memory_space<semaphore_mem>>) src(%dma_wait3A_142 : memref<128xf32, #tpu.memory_space<vmem>>) dst(%dma_wait3A_139 : memref<128xf32, #tpu.memory_space<vmem_shared>>)
      tpu.yield
    }) : () -> ()
    %mul3A_80 = arith.constant 640 : i32
    %mul3A_81 = arith.muli %arg1, %mul3A_80 : i32
    %add3A_82 = arith.constant 128 : i32
    %add3A_83 = arith.addi %mul3A_81, %add3A_82 : i32
    %run_scoped3A_84 = arith.constant 0 : i32
    "tpu.region"() ({
      %run_scoped3A_128 = tpu.sem_alloc : memref<!tpu.dma_semaphore, #tpu.memory_space<semaphore_mem>>
      %dma_start3A = arith.constant 0 : i32
      %dma_start3A_129 = tpu.memref_slice %arg7[%run_scoped3A_84, %dma_start3A] : memref<128x128xf32, #tpu.memory_space<vmem>> -> memref<1x128xf32, #tpu.memory_space<vmem>>
      %dma_start3A_130 = tpu.memref_squeeze %dma_start3A_129 : memref<1x128xf32, #tpu.memory_space<vmem>> -> memref<128xf32, #tpu.memory_space<vmem>>
      %dma_start3A_131 = tpu.memref_slice %arg16[%add3A_83] : memref<10240xf32, #tpu.memory_space<vmem_shared>> -> memref<128xf32, #tpu.memory_space<vmem_shared>>
      %dma_start3A_132 = tpu.memref_slice %arg16[%add3A_83] : memref<10240xf32, #tpu.memory_space<vmem_shared>> -> memref<128xf32, #tpu.memory_space<vmem_shared>>
      %dma_start3A_133 = arith.constant 0 : i32
      %dma_start3A_134 = tpu.memref_slice %arg7[%run_scoped3A_84, %dma_start3A_133] : memref<128x128xf32, #tpu.memory_space<vmem>> -> memref<1x128xf32, #tpu.memory_space<vmem>>
      %dma_start3A_135 = tpu.memref_squeeze %dma_start3A_134 : memref<1x128xf32, #tpu.memory_space<vmem>> -> memref<128xf32, #tpu.memory_space<vmem>>
      tpu.enqueue_dma source(%dma_start3A_135 : memref<128xf32, #tpu.memory_space<vmem>>) target(%dma_start3A_132 : memref<128xf32, #tpu.memory_space<vmem_shared>>) target_semaphore(%run_scoped3A_128 : memref<!tpu.dma_semaphore, #tpu.memory_space<semaphore_mem>>)
      %dma_wait3A = arith.constant 0 : i32
      %dma_wait3A_136 = tpu.memref_slice %arg7[%run_scoped3A_84, %dma_wait3A] : memref<128x128xf32, #tpu.memory_space<vmem>> -> memref<1x128xf32, #tpu.memory_space<vmem>>
      %dma_wait3A_137 = tpu.memref_squeeze %dma_wait3A_136 : memref<1x128xf32, #tpu.memory_space<vmem>> -> memref<128xf32, #tpu.memory_space<vmem>>
      %dma_wait3A_138 = tpu.memref_slice %arg16[%add3A_83] : memref<10240xf32, #tpu.memory_space<vmem_shared>> -> memref<128xf32, #tpu.memory_space<vmem_shared>>
      %dma_wait3A_139 = tpu.memref_slice %arg16[%add3A_83] : memref<10240xf32, #tpu.memory_space<vmem_shared>> -> memref<128xf32, #tpu.memory_space<vmem_shared>>
      %dma_wait3A_140 = arith.constant 0 : i32
      %dma_wait3A_141 = tpu.memref_slice %arg7[%run_scoped3A_84, %dma_wait3A_140] : memref<128x128xf32, #tpu.memory_space<vmem>> -> memref<1x128xf32, #tpu.memory_space<vmem>>
      %dma_wait3A_142 = tpu.memref_squeeze %dma_wait3A_141 : memref<1x128xf32, #tpu.memory_space<vmem>> -> memref<128xf32, #tpu.memory_space<vmem>>
      tpu.wait_dma2 semaphore(%run_scoped3A_128 : memref<!tpu.dma_semaphore, #tpu.memory_space<semaphore_mem>>) src(%dma_wait3A_142 : memref<128xf32, #tpu.memory_space<vmem>>) dst(%dma_wait3A_139 : memref<128xf32, #tpu.memory_space<vmem_shared>>)
      tpu.yield
    }) : () -> ()
    %mul3A_85 = arith.constant 640 : i32
    %mul3A_86 = arith.muli %arg1, %mul3A_85 : i32
    %add3A_87 = arith.constant 256 : i32
    %add3A_88 = arith.addi %mul3A_86, %add3A_87 : i32
    %run_scoped3A_89 = arith.constant 0 : i32
    "tpu.region"() ({
      %run_scoped3A_128 = tpu.sem_alloc : memref<!tpu.dma_semaphore, #tpu.memory_space<semaphore_mem>>
      %dma_start3A = arith.constant 0 : i32
      %dma_start3A_129 = tpu.memref_slice %arg7[%run_scoped3A_89, %dma_start3A] : memref<128x128xf32, #tpu.memory_space<vmem>> -> memref<1x128xf32, #tpu.memory_space<vmem>>
      %dma_start3A_130 = tpu.memref_squeeze %dma_start3A_129 : memref<1x128xf32, #tpu.memory_space<vmem>> -> memref<128xf32, #tpu.memory_space<vmem>>
      %dma_start3A_131 = tpu.memref_slice %arg16[%add3A_88] : memref<10240xf32, #tpu.memory_space<vmem_shared>> -> memref<128xf32, #tpu.memory_space<vmem_shared>>
      %dma_start3A_132 = tpu.memref_slice %arg16[%add3A_88] : memref<10240xf32, #tpu.memory_space<vmem_shared>> -> memref<128xf32, #tpu.memory_space<vmem_shared>>
      %dma_start3A_133 = arith.constant 0 : i32
      %dma_start3A_134 = tpu.memref_slice %arg7[%run_scoped3A_89, %dma_start3A_133] : memref<128x128xf32, #tpu.memory_space<vmem>> -> memref<1x128xf32, #tpu.memory_space<vmem>>
      %dma_start3A_135 = tpu.memref_squeeze %dma_start3A_134 : memref<1x128xf32, #tpu.memory_space<vmem>> -> memref<128xf32, #tpu.memory_space<vmem>>
      tpu.enqueue_dma source(%dma_start3A_135 : memref<128xf32, #tpu.memory_space<vmem>>) target(%dma_start3A_132 : memref<128xf32, #tpu.memory_space<vmem_shared>>) target_semaphore(%run_scoped3A_128 : memref<!tpu.dma_semaphore, #tpu.memory_space<semaphore_mem>>)
      %dma_wait3A = arith.constant 0 : i32
      %dma_wait3A_136 = tpu.memref_slice %arg7[%run_scoped3A_89, %dma_wait3A] : memref<128x128xf32, #tpu.memory_space<vmem>> -> memref<1x128xf32, #tpu.memory_space<vmem>>
      %dma_wait3A_137 = tpu.memref_squeeze %dma_wait3A_136 : memref<1x128xf32, #tpu.memory_space<vmem>> -> memref<128xf32, #tpu.memory_space<vmem>>
      %dma_wait3A_138 = tpu.memref_slice %arg16[%add3A_88] : memref<10240xf32, #tpu.memory_space<vmem_shared>> -> memref<128xf32, #tpu.memory_space<vmem_shared>>
      %dma_wait3A_139 = tpu.memref_slice %arg16[%add3A_88] : memref<10240xf32, #tpu.memory_space<vmem_shared>> -> memref<128xf32, #tpu.memory_space<vmem_shared>>
      %dma_wait3A_140 = arith.constant 0 : i32
      %dma_wait3A_141 = tpu.memref_slice %arg7[%run_scoped3A_89, %dma_wait3A_140] : memref<128x128xf32, #tpu.memory_space<vmem>> -> memref<1x128xf32, #tpu.memory_space<vmem>>
      %dma_wait3A_142 = tpu.memref_squeeze %dma_wait3A_141 : memref<1x128xf32, #tpu.memory_space<vmem>> -> memref<128xf32, #tpu.memory_space<vmem>>
      tpu.wait_dma2 semaphore(%run_scoped3A_128 : memref<!tpu.dma_semaphore, #tpu.memory_space<semaphore_mem>>) src(%dma_wait3A_142 : memref<128xf32, #tpu.memory_space<vmem>>) dst(%dma_wait3A_139 : memref<128xf32, #tpu.memory_space<vmem_shared>>)
      tpu.yield
    }) : () -> ()
    %mul3A_90 = arith.constant 640 : i32
    %mul3A_91 = arith.muli %arg1, %mul3A_90 : i32
    %add3A_92 = arith.constant 384 : i32
    %add3A_93 = arith.addi %mul3A_91, %add3A_92 : i32
    %run_scoped3A_94 = arith.constant 0 : i32
    "tpu.region"() ({
      %run_scoped3A_128 = tpu.sem_alloc : memref<!tpu.dma_semaphore, #tpu.memory_space<semaphore_mem>>
      %dma_start3A = arith.constant 0 : i32
      %dma_start3A_129 = tpu.memref_slice %arg7[%run_scoped3A_94, %dma_start3A] : memref<128x128xf32, #tpu.memory_space<vmem>> -> memref<1x128xf32, #tpu.memory_space<vmem>>
      %dma_start3A_130 = tpu.memref_squeeze %dma_start3A_129 : memref<1x128xf32, #tpu.memory_space<vmem>> -> memref<128xf32, #tpu.memory_space<vmem>>
      %dma_start3A_131 = tpu.memref_slice %arg16[%add3A_93] : memref<10240xf32, #tpu.memory_space<vmem_shared>> -> memref<128xf32, #tpu.memory_space<vmem_shared>>
      %dma_start3A_132 = tpu.memref_slice %arg16[%add3A_93] : memref<10240xf32, #tpu.memory_space<vmem_shared>> -> memref<128xf32, #tpu.memory_space<vmem_shared>>
      %dma_start3A_133 = arith.constant 0 : i32
      %dma_start3A_134 = tpu.memref_slice %arg7[%run_scoped3A_94, %dma_start3A_133] : memref<128x128xf32, #tpu.memory_space<vmem>> -> memref<1x128xf32, #tpu.memory_space<vmem>>
      %dma_start3A_135 = tpu.memref_squeeze %dma_start3A_134 : memref<1x128xf32, #tpu.memory_space<vmem>> -> memref<128xf32, #tpu.memory_space<vmem>>
      tpu.enqueue_dma source(%dma_start3A_135 : memref<128xf32, #tpu.memory_space<vmem>>) target(%dma_start3A_132 : memref<128xf32, #tpu.memory_space<vmem_shared>>) target_semaphore(%run_scoped3A_128 : memref<!tpu.dma_semaphore, #tpu.memory_space<semaphore_mem>>)
      %dma_wait3A = arith.constant 0 : i32
      %dma_wait3A_136 = tpu.memref_slice %arg7[%run_scoped3A_94, %dma_wait3A] : memref<128x128xf32, #tpu.memory_space<vmem>> -> memref<1x128xf32, #tpu.memory_space<vmem>>
      %dma_wait3A_137 = tpu.memref_squeeze %dma_wait3A_136 : memref<1x128xf32, #tpu.memory_space<vmem>> -> memref<128xf32, #tpu.memory_space<vmem>>
      %dma_wait3A_138 = tpu.memref_slice %arg16[%add3A_93] : memref<10240xf32, #tpu.memory_space<vmem_shared>> -> memref<128xf32, #tpu.memory_space<vmem_shared>>
      %dma_wait3A_139 = tpu.memref_slice %arg16[%add3A_93] : memref<10240xf32, #tpu.memory_space<vmem_shared>> -> memref<128xf32, #tpu.memory_space<vmem_shared>>
      %dma_wait3A_140 = arith.constant 0 : i32
      %dma_wait3A_141 = tpu.memref_slice %arg7[%run_scoped3A_94, %dma_wait3A_140] : memref<128x128xf32, #tpu.memory_space<vmem>> -> memref<1x128xf32, #tpu.memory_space<vmem>>
      %dma_wait3A_142 = tpu.memref_squeeze %dma_wait3A_141 : memref<1x128xf32, #tpu.memory_space<vmem>> -> memref<128xf32, #tpu.memory_space<vmem>>
      tpu.wait_dma2 semaphore(%run_scoped3A_128 : memref<!tpu.dma_semaphore, #tpu.memory_space<semaphore_mem>>) src(%dma_wait3A_142 : memref<128xf32, #tpu.memory_space<vmem>>) dst(%dma_wait3A_139 : memref<128xf32, #tpu.memory_space<vmem_shared>>)
      tpu.yield
    }) : () -> ()
    %mul3A_95 = arith.constant 640 : i32
    %mul3A_96 = arith.muli %arg1, %mul3A_95 : i32
    %add3A_97 = arith.constant 512 : i32
    %add3A_98 = arith.addi %mul3A_96, %add3A_97 : i32
    %run_scoped3A_99 = arith.constant 0 : i32
    "tpu.region"() ({
      %run_scoped3A_128 = tpu.sem_alloc : memref<!tpu.dma_semaphore, #tpu.memory_space<semaphore_mem>>
      %dma_start3A = arith.constant 0 : i32
      %dma_start3A_129 = tpu.memref_slice %arg7[%run_scoped3A_99, %dma_start3A] : memref<128x128xf32, #tpu.memory_space<vmem>> -> memref<1x128xf32, #tpu.memory_space<vmem>>
      %dma_start3A_130 = tpu.memref_squeeze %dma_start3A_129 : memref<1x128xf32, #tpu.memory_space<vmem>> -> memref<128xf32, #tpu.memory_space<vmem>>
      %dma_start3A_131 = tpu.memref_slice %arg16[%add3A_98] : memref<10240xf32, #tpu.memory_space<vmem_shared>> -> memref<128xf32, #tpu.memory_space<vmem_shared>>
      %dma_start3A_132 = tpu.memref_slice %arg16[%add3A_98] : memref<10240xf32, #tpu.memory_space<vmem_shared>> -> memref<128xf32, #tpu.memory_space<vmem_shared>>
      %dma_start3A_133 = arith.constant 0 : i32
      %dma_start3A_134 = tpu.memref_slice %arg7[%run_scoped3A_99, %dma_start3A_133] : memref<128x128xf32, #tpu.memory_space<vmem>> -> memref<1x128xf32, #tpu.memory_space<vmem>>
      %dma_start3A_135 = tpu.memref_squeeze %dma_start3A_134 : memref<1x128xf32, #tpu.memory_space<vmem>> -> memref<128xf32, #tpu.memory_space<vmem>>
      tpu.enqueue_dma source(%dma_start3A_135 : memref<128xf32, #tpu.memory_space<vmem>>) target(%dma_start3A_132 : memref<128xf32, #tpu.memory_space<vmem_shared>>) target_semaphore(%run_scoped3A_128 : memref<!tpu.dma_semaphore, #tpu.memory_space<semaphore_mem>>)
      %dma_wait3A = arith.constant 0 : i32
      %dma_wait3A_136 = tpu.memref_slice %arg7[%run_scoped3A_99, %dma_wait3A] : memref<128x128xf32, #tpu.memory_space<vmem>> -> memref<1x128xf32, #tpu.memory_space<vmem>>
      %dma_wait3A_137 = tpu.memref_squeeze %dma_wait3A_136 : memref<1x128xf32, #tpu.memory_space<vmem>> -> memref<128xf32, #tpu.memory_space<vmem>>
      %dma_wait3A_138 = tpu.memref_slice %arg16[%add3A_98] : memref<10240xf32, #tpu.memory_space<vmem_shared>> -> memref<128xf32, #tpu.memory_space<vmem_shared>>
      %dma_wait3A_139 = tpu.memref_slice %arg16[%add3A_98] : memref<10240xf32, #tpu.memory_space<vmem_shared>> -> memref<128xf32, #tpu.memory_space<vmem_shared>>
      %dma_wait3A_140 = arith.constant 0 : i32
      %dma_wait3A_141 = tpu.memref_slice %arg7[%run_scoped3A_99, %dma_wait3A_140] : memref<128x128xf32, #tpu.memory_space<vmem>> -> memref<1x128xf32, #tpu.memory_space<vmem>>
      %dma_wait3A_142 = tpu.memref_squeeze %dma_wait3A_141 : memref<1x128xf32, #tpu.memory_space<vmem>> -> memref<128xf32, #tpu.memory_space<vmem>>
      tpu.wait_dma2 semaphore(%run_scoped3A_128 : memref<!tpu.dma_semaphore, #tpu.memory_space<semaphore_mem>>) src(%dma_wait3A_142 : memref<128xf32, #tpu.memory_space<vmem>>) dst(%dma_wait3A_139 : memref<128xf32, #tpu.memory_space<vmem_shared>>)
      tpu.yield
    }) : () -> ()
    %eq3A = arith.constant 0 : i32
    %eq3A_100 = arith.cmpi eq, %arg0, %eq3A : i32
    %convert_element_type3A = arith.extui %eq3A_100 : i1 to i32
    %cond3A = arith.constant 0 : i32
    %cond3A_101 = arith.cmpi ne, %convert_element_type3A, %cond3A : i32
    scf.if %cond3A_101 {
      %mul3A_128 = arith.constant 120 : i32
      %mul3A_129 = arith.muli %arg1, %mul3A_128 : i32
      %mul3A_130 = arith.constant 128 : i32
      %mul3A_131 = arith.muli %mul3A_129, %mul3A_130 : i32
      "tpu.region"() ({
        %run_scoped3A_132 = tpu.sem_alloc : memref<!tpu.dma_semaphore, #tpu.memory_space<semaphore_mem>>
        %dma_start3A = arith.constant 0 : i32
        %dma_start3A_133 = tpu.memref_slice %arg6[%dma_start3A] : memref<15360xi32, #tpu.memory_space<vmem>> -> memref<15360xi32, #tpu.memory_space<vmem>>
        %dma_start3A_134 = tpu.memref_slice %arg3[%mul3A_131] : memref<327680xi32, #tpu.memory_space<hbm>> -> memref<15360xi32, #tpu.memory_space<hbm>>
        %dma_start3A_135 = arith.constant 0 : i32
        %dma_start3A_136 = tpu.memref_slice %arg6[%dma_start3A_135] : memref<15360xi32, #tpu.memory_space<vmem>> -> memref<15360xi32, #tpu.memory_space<vmem>>
        %dma_start3A_137 = tpu.memref_slice %arg3[%mul3A_131] : memref<327680xi32, #tpu.memory_space<hbm>> -> memref<15360xi32, #tpu.memory_space<hbm>>
        tpu.enqueue_dma source(%dma_start3A_137 : memref<15360xi32, #tpu.memory_space<hbm>>) target(%dma_start3A_136 : memref<15360xi32, #tpu.memory_space<vmem>>) target_semaphore(%run_scoped3A_132 : memref<!tpu.dma_semaphore, #tpu.memory_space<semaphore_mem>>)
        %dma_wait3A = arith.constant 0 : i32
        %dma_wait3A_138 = tpu.memref_slice %arg6[%dma_wait3A] : memref<15360xi32, #tpu.memory_space<vmem>> -> memref<15360xi32, #tpu.memory_space<vmem>>
        %dma_wait3A_139 = tpu.memref_slice %arg3[%mul3A_131] : memref<327680xi32, #tpu.memory_space<hbm>> -> memref<15360xi32, #tpu.memory_space<hbm>>
        %dma_wait3A_140 = arith.constant 0 : i32
        %dma_wait3A_141 = tpu.memref_slice %arg6[%dma_wait3A_140] : memref<15360xi32, #tpu.memory_space<vmem>> -> memref<15360xi32, #tpu.memory_space<vmem>>
        %dma_wait3A_142 = tpu.memref_slice %arg3[%mul3A_131] : memref<327680xi32, #tpu.memory_space<hbm>> -> memref<15360xi32, #tpu.memory_space<hbm>>
        tpu.wait_dma2 semaphore(%run_scoped3A_132 : memref<!tpu.dma_semaphore, #tpu.memory_space<semaphore_mem>>) src(%dma_wait3A_142 : memref<15360xi32, #tpu.memory_space<hbm>>) dst(%dma_wait3A_141 : memref<15360xi32, #tpu.memory_space<vmem>>)
        tpu.yield
      }) : () -> ()
    } else {
    }
    %eq3A_102 = arith.constant 1 : i32
    %eq3A_103 = arith.cmpi eq, %arg0, %eq3A_102 : i32
    %convert_element_type3A_104 = arith.extui %eq3A_103 : i1 to i32
    %cond3A_105 = arith.constant 0 : i32
    %cond3A_106 = arith.cmpi ne, %convert_element_type3A_104, %cond3A_105 : i32
    scf.if %cond3A_106 {
      %mul3A_128 = arith.constant 40 : i32
      %mul3A_129 = arith.muli %arg1, %mul3A_128 : i32
      %add3A_130 = arith.constant 1920 : i32
      %add3A_131 = arith.addi %add3A_130, %mul3A_129 : i32
      %mul3A_132 = arith.constant 128 : i32
      %mul3A_133 = arith.muli %add3A_131, %mul3A_132 : i32
      "tpu.region"() ({
        %run_scoped3A_134 = tpu.sem_alloc : memref<!tpu.dma_semaphore, #tpu.memory_space<semaphore_mem>>
        %dma_start3A = arith.constant 0 : i32
        %dma_start3A_135 = tpu.memref_slice %arg6[%dma_start3A] : memref<15360xi32, #tpu.memory_space<vmem>> -> memref<5120xi32, #tpu.memory_space<vmem>>
        %dma_start3A_136 = tpu.memref_slice %arg3[%mul3A_133] : memref<327680xi32, #tpu.memory_space<hbm>> -> memref<5120xi32, #tpu.memory_space<hbm>>
        %dma_start3A_137 = arith.constant 0 : i32
        %dma_start3A_138 = tpu.memref_slice %arg6[%dma_start3A_137] : memref<15360xi32, #tpu.memory_space<vmem>> -> memref<5120xi32, #tpu.memory_space<vmem>>
        %dma_start3A_139 = tpu.memref_slice %arg3[%mul3A_133] : memref<327680xi32, #tpu.memory_space<hbm>> -> memref<5120xi32, #tpu.memory_space<hbm>>
        tpu.enqueue_dma source(%dma_start3A_139 : memref<5120xi32, #tpu.memory_space<hbm>>) target(%dma_start3A_138 : memref<5120xi32, #tpu.memory_space<vmem>>) target_semaphore(%run_scoped3A_134 : memref<!tpu.dma_semaphore, #tpu.memory_space<semaphore_mem>>)
        %dma_wait3A = arith.constant 0 : i32
        %dma_wait3A_140 = tpu.memref_slice %arg6[%dma_wait3A] : memref<15360xi32, #tpu.memory_space<vmem>> -> memref<5120xi32, #tpu.memory_space<vmem>>
        %dma_wait3A_141 = tpu.memref_slice %arg3[%mul3A_133] : memref<327680xi32, #tpu.memory_space<hbm>> -> memref<5120xi32, #tpu.memory_space<hbm>>
        %dma_wait3A_142 = arith.constant 0 : i32
        %dma_wait3A_143 = tpu.memref_slice %arg6[%dma_wait3A_142] : memref<15360xi32, #tpu.memory_space<vmem>> -> memref<5120xi32, #tpu.memory_space<vmem>>
        %dma_wait3A_144 = tpu.memref_slice %arg3[%mul3A_133] : memref<327680xi32, #tpu.memory_space<hbm>> -> memref<5120xi32, #tpu.memory_space<hbm>>
        tpu.wait_dma2 semaphore(%run_scoped3A_134 : memref<!tpu.dma_semaphore, #tpu.memory_space<semaphore_mem>>) src(%dma_wait3A_144 : memref<5120xi32, #tpu.memory_space<hbm>>) dst(%dma_wait3A_143 : memref<5120xi32, #tpu.memory_space<vmem>>)
        tpu.yield
      }) : () -> ()
    } else {
    }
    %barrier3A = arith.constant 0 : index
    tpu.barrier barrier_id(%barrier3A)
    %eq3A_107 = arith.constant 0 : i32
    %eq3A_108 = arith.cmpi eq, %arg0, %eq3A_107 : i32
    %convert_element_type3A_109 = arith.extui %eq3A_108 : i1 to i32
    %cond3A_110 = arith.constant 0 : i32
    %cond3A_111 = arith.cmpi ne, %convert_element_type3A_109, %cond3A_110 : i32
    scf.if %cond3A_111 {
      %get3A = arith.constant 0 : index
      %get3A_128 = tpu.vector_load %arg6[%get3A] {strides = array<i32>} : memref<15360xi32, #tpu.memory_space<vmem>>, vector<16xi32>,
      %get3A_129 = vector.shape_cast %get3A_128 : vector<16xi32> to vector<16xi32>
      %shift_right_arithmetic3A = arith.constant 0 : i32
      %shift_right_arithmetic3A_130 = vector.broadcast %shift_right_arithmetic3A : i32 to vector<16xi32>
      %shift_right_arithmetic3A_131 = arith.shrsi %get3A_129, %shift_right_arithmetic3A_130 : vector<16xi32>
      %and3A = arith.constant 16383 : i32
      %and3A_132 = vector.broadcast %and3A : i32 to vector<16xi32>
      %and3A_133 = arith.andi %shift_right_arithmetic3A_131, %and3A_132 : vector<16xi32>
      %swap3A_134 = arith.constant 0 : index
      %swap3A_135 = tpu.vector_load %arg9[%swap3A_134] {strides = array<i32>} : memref<128xi32, #tpu.memory_space<vmem>>, vector<16xi32>,
      %swap3A_136 = vector.shape_cast %swap3A_135 : vector<16xi32> to vector<16xi32>
      %swap3A_137 = vector.shape_cast %and3A_133 : vector<16xi32> to vector<16xi32>
      tpu.vector_store %arg9[%swap3A_134], %swap3A_137 {strides = array<i32>} : memref<128xi32, #tpu.memory_space<vmem>>, vector<16xi32>,
      %get3A_138 = arith.constant 16 : index
      %get3A_139 = tpu.vector_load %arg6[%get3A_138] {strides = array<i32>} : memref<15360xi32, #tpu.memory_space<vmem>>, vector<16xi32>,
      %get3A_140 = vector.shape_cast %get3A_139 : vector<16xi32> to vector<16xi32>
      %shift_right_arithmetic3A_141 = arith.constant 0 : i32
      %shift_right_arithmetic3A_142 = vector.broadcast %shift_right_arithmetic3A_141 : i32 to vector<16xi32>
      %shift_right_arithmetic3A_143 = arith.shrsi %get3A_140, %shift_right_arithmetic3A_142 : vector<16xi32>
      %and3A_144 = arith.constant 16383 : i32
      %and3A_145 = vector.broadcast %and3A_144 : i32 to vector<16xi32>
      %and3A_146 = arith.andi %shift_right_arithmetic3A_143, %and3A_145 : vector<16xi32>
      %swap3A_147 = arith.constant 16 : index
      %swap3A_148 = tpu.vector_load %arg9[%swap3A_147] {strides = array<i32>} : memref<128xi32, #tpu.memory_space<vmem>>, vector<16xi32>,
      %swap3A_149 = vector.shape_cast %swap3A_148 : vector<16xi32> to vector<16xi32>
      %swap3A_150 = vector.shape_cast %and3A_146 : vector<16xi32> to vector<16xi32>
      tpu.vector_store %arg9[%swap3A_147], %swap3A_150 {strides = array<i32>} : memref<128xi32, #tpu.memory_space<vmem>>, vector<16xi32>,
      %get3A_151 = arith.constant 32 : index
      %get3A_152 = tpu.vector_load %arg6[%get3A_151] {strides = array<i32>} : memref<15360xi32, #tpu.memory_space<vmem>>, vector<16xi32>,
      %get3A_153 = vector.shape_cast %get3A_152 : vector<16xi32> to vector<16xi32>
      %shift_right_arithmetic3A_154 = arith.constant 0 : i32
      %shift_right_arithmetic3A_155 = vector.broadcast %shift_right_arithmetic3A_154 : i32 to vector<16xi32>
      %shift_right_arithmetic3A_156 = arith.shrsi %get3A_153, %shift_right_arithmetic3A_155 : vector<16xi32>
      %and3A_157 = arith.constant 16383 : i32
      %and3A_158 = vector.broadcast %and3A_157 : i32 to vector<16xi32>
      %and3A_159 = arith.andi %shift_right_arithmetic3A_156, %and3A_158 : vector<16xi32>
      %swap3A_160 = arith.constant 32 : index
      %swap3A_161 = tpu.vector_load %arg9[%swap3A_160] {strides = array<i32>} : memref<128xi32, #tpu.memory_space<vmem>>, vector<16xi32>,
      %swap3A_162 = vector.shape_cast %swap3A_161 : vector<16xi32> to vector<16xi32>
      %swap3A_163 = vector.shape_cast %and3A_159 : vector<16xi32> to vector<16xi32>
      tpu.vector_store %arg9[%swap3A_160], %swap3A_163 {strides = array<i32>} : memref<128xi32, #tpu.memory_space<vmem>>, vector<16xi32>,
      %get3A_164 = arith.constant 48 : index
      %get3A_165 = tpu.vector_load %arg6[%get3A_164] {strides = array<i32>} : memref<15360xi32, #tpu.memory_space<vmem>>, vector<16xi32>,
      %get3A_166 = vector.shape_cast %get3A_165 : vector<16xi32> to vector<16xi32>
      %shift_right_arithmetic3A_167 = arith.constant 0 : i32
      %shift_right_arithmetic3A_168 = vector.broadcast %shift_right_arithmetic3A_167 : i32 to vector<16xi32>
      %shift_right_arithmetic3A_169 = arith.shrsi %get3A_166, %shift_right_arithmetic3A_168 : vector<16xi32>
      %and3A_170 = arith.constant 16383 : i32
      %and3A_171 = vector.broadcast %and3A_170 : i32 to vector<16xi32>
      %and3A_172 = arith.andi %shift_right_arithmetic3A_169, %and3A_171 : vector<16xi32>
      %swap3A_173 = arith.constant 48 : index
      %swap3A_174 = tpu.vector_load %arg9[%swap3A_173] {strides = array<i32>} : memref<128xi32, #tpu.memory_space<vmem>>, vector<16xi32>,
      %swap3A_175 = vector.shape_cast %swap3A_174 : vector<16xi32> to vector<16xi32>
      %swap3A_176 = vector.shape_cast %and3A_172 : vector<16xi32> to vector<16xi32>
      tpu.vector_store %arg9[%swap3A_173], %swap3A_176 {strides = array<i32>} : memref<128xi32, #tpu.memory_space<vmem>>, vector<16xi32>,
      %get3A_177 = arith.constant 64 : index
      %get3A_178 = tpu.vector_load %arg6[%get3A_177] {strides = array<i32>} : memref<15360xi32, #tpu.memory_space<vmem>>, vector<16xi32>,
      %get3A_179 = vector.shape_cast %get3A_178 : vector<16xi32> to vector<16xi32>
      %shift_right_arithmetic3A_180 = arith.constant 0 : i32
      %shift_right_arithmetic3A_181 = vector.broadcast %shift_right_arithmetic3A_180 : i32 to vector<16xi32>
      %shift_right_arithmetic3A_182 = arith.shrsi %get3A_179, %shift_right_arithmetic3A_181 : vector<16xi32>
      %and3A_183 = arith.constant 16383 : i32
      %and3A_184 = vector.broadcast %and3A_183 : i32 to vector<16xi32>
      %and3A_185 = arith.andi %shift_right_arithmetic3A_182, %and3A_184 : vector<16xi32>
      %swap3A_186 = arith.constant 64 : index
      %swap3A_187 = tpu.vector_load %arg9[%swap3A_186] {strides = array<i32>} : memref<128xi32, #tpu.memory_space<vmem>>, vector<16xi32>,
      %swap3A_188 = vector.shape_cast %swap3A_187 : vector<16xi32> to vector<16xi32>
      %swap3A_189 = vector.shape_cast %and3A_185 : vector<16xi32> to vector<16xi32>
      tpu.vector_store %arg9[%swap3A_186], %swap3A_189 {strides = array<i32>} : memref<128xi32, #tpu.memory_space<vmem>>, vector<16xi32>,
      %get3A_190 = arith.constant 80 : index
      %get3A_191 = tpu.vector_load %arg6[%get3A_190] {strides = array<i32>} : memref<15360xi32, #tpu.memory_space<vmem>>, vector<16xi32>,
      %get3A_192 = vector.shape_cast %get3A_191 : vector<16xi32> to vector<16xi32>
      %shift_right_arithmetic3A_193 = arith.constant 0 : i32
      %shift_right_arithmetic3A_194 = vector.broadcast %shift_right_arithmetic3A_193 : i32 to vector<16xi32>
      %shift_right_arithmetic3A_195 = arith.shrsi %get3A_192, %shift_right_arithmetic3A_194 : vector<16xi32>
      %and3A_196 = arith.constant 16383 : i32
      %and3A_197 = vector.broadcast %and3A_196 : i32 to vector<16xi32>
      %and3A_198 = arith.andi %shift_right_arithmetic3A_195, %and3A_197 : vector<16xi32>
      %swap3A_199 = arith.constant 80 : index
      %swap3A_200 = tpu.vector_load %arg9[%swap3A_199] {strides = array<i32>} : memref<128xi32, #tpu.memory_space<vmem>>, vector<16xi32>,
      %swap3A_201 = vector.shape_cast %swap3A_200 : vector<16xi32> to vector<16xi32>
      %swap3A_202 = vector.shape_cast %and3A_198 : vector<16xi32> to vector<16xi32>
      tpu.vector_store %arg9[%swap3A_199], %swap3A_202 {strides = array<i32>} : memref<128xi32, #tpu.memory_space<vmem>>, vector<16xi32>,
      %get3A_203 = arith.constant 96 : index
      %get3A_204 = tpu.vector_load %arg6[%get3A_203] {strides = array<i32>} : memref<15360xi32, #tpu.memory_space<vmem>>, vector<16xi32>,
      %get3A_205 = vector.shape_cast %get3A_204 : vector<16xi32> to vector<16xi32>
      %shift_right_arithmetic3A_206 = arith.constant 0 : i32
      %shift_right_arithmetic3A_207 = vector.broadcast %shift_right_arithmetic3A_206 : i32 to vector<16xi32>
      %shift_right_arithmetic3A_208 = arith.shrsi %get3A_205, %shift_right_arithmetic3A_207 : vector<16xi32>
      %and3A_209 = arith.constant 16383 : i32
      %and3A_210 = vector.broadcast %and3A_209 : i32 to vector<16xi32>
      %and3A_211 = arith.andi %shift_right_arithmetic3A_208, %and3A_210 : vector<16xi32>
      %swap3A_212 = arith.constant 96 : index
      %swap3A_213 = tpu.vector_load %arg9[%swap3A_212] {strides = array<i32>} : memref<128xi32, #tpu.memory_space<vmem>>, vector<16xi32>,
      %swap3A_214 = vector.shape_cast %swap3A_213 : vector<16xi32> to vector<16xi32>
      %swap3A_215 = vector.shape_cast %and3A_211 : vector<16xi32> to vector<16xi32>
      tpu.vector_store %arg9[%swap3A_212], %swap3A_215 {strides = array<i32>} : memref<128xi32, #tpu.memory_space<vmem>>, vector<16xi32>,
      %get3A_216 = arith.constant 112 : index
      %get3A_217 = tpu.vector_load %arg6[%get3A_216] {strides = array<i32>} : memref<15360xi32, #tpu.memory_space<vmem>>, vector<16xi32>,
      %get3A_218 = vector.shape_cast %get3A_217 : vector<16xi32> to vector<16xi32>
      %shift_right_arithmetic3A_219 = arith.constant 0 : i32
      %shift_right_arithmetic3A_220 = vector.broadcast %shift_right_arithmetic3A_219 : i32 to vector<16xi32>
      %shift_right_arithmetic3A_221 = arith.shrsi %get3A_218, %shift_right_arithmetic3A_220 : vector<16xi32>
      %and3A_222 = arith.constant 16383 : i32
      %and3A_223 = vector.broadcast %and3A_222 : i32 to vector<16xi32>
      %and3A_224 = arith.andi %shift_right_arithmetic3A_221, %and3A_223 : vector<16xi32>
      %swap3A_225 = arith.constant 112 : index
      %swap3A_226 = tpu.vector_load %arg9[%swap3A_225] {strides = array<i32>} : memref<128xi32, #tpu.memory_space<vmem>>, vector<16xi32>,
      %swap3A_227 = vector.shape_cast %swap3A_226 : vector<16xi32> to vector<16xi32>
      %swap3A_228 = vector.shape_cast %and3A_224 : vector<16xi32> to vector<16xi32>
      tpu.vector_store %arg9[%swap3A_225], %swap3A_228 {strides = array<i32>} : memref<128xi32, #tpu.memory_space<vmem>>, vector<16xi32>,
      %dma_start3A = arith.constant 0 : i32
      %dma_start3A_229 = arith.constant 0 : i32
      %dma_start3A_230 = tpu.memref_slice %arg2[%dma_start3A, %dma_start3A_229] : memref<10000x128xf32, #tpu.memory_space<hbm>> -> memref<10000x128xf32, #tpu.memory_space<hbm>>
      tpu.enqueue_indirect_dma source(%dma_start3A_230 : memref<10000x128xf32, #tpu.memory_space<hbm>>) target(%arg7 : memref<128x128xf32, #tpu.memory_space<vmem>>) offsets(%arg9 : memref<128xi32, #tpu.memory_space<vmem>>) semaphore(%arg13 : memref<!tpu.dma_semaphore, #tpu.memory_space<semaphore_mem>>)
      %scan3A_231 = arith.constant 0 : i32
      %scan3A_232 = arith.constant 0 : i32
      %scan3A_233 = arith.constant 60 : i32
      %scan3A_234 = arith.addi %scan3A_232, %scan3A_233 : i32
      %scan3A_235 = arith.constant 1 : i32
      scf.for %scan3A_237 = %scan3A_232 to %scan3A_234 step %scan3A_235  : i32 {
        %mul3A_238 = arith.constant 2 : i32
        %mul3A_239 = arith.muli %mul3A_238, %scan3A_237 : i32
        %mul3A_240 = arith.constant 2 : i32
        %mul3A_241 = arith.muli %mul3A_240, %scan3A_237 : i32
        %add3A_242 = arith.constant 1 : i32
        %add3A_243 = arith.addi %mul3A_241, %add3A_242 : i32
        %mul3A_244 = arith.constant 128 : i32
        %mul3A_245 = arith.muli %add3A_243, %mul3A_244 : i32
        %add3A_246 = arith.constant 0 : i32
        %add3A_247 = arith.addi %mul3A_245, %add3A_246 : i32
        %get3A_248 = arith.index_cast %add3A_247 : i32 to index
        %get3A_249 = tpu.vector_load %arg6[%get3A_248] {strides = array<i32>} : memref<15360xi32, #tpu.memory_space<vmem>>, vector<16xi32>,
        %get3A_250 = vector.shape_cast %get3A_249 : vector<16xi32> to vector<16xi32>
        %shift_right_arithmetic3A_251 = arith.constant 0 : i32
        %shift_right_arithmetic3A_252 = vector.broadcast %shift_right_arithmetic3A_251 : i32 to vector<16xi32>
        %shift_right_arithmetic3A_253 = arith.shrsi %get3A_250, %shift_right_arithmetic3A_252 : vector<16xi32>
        %and3A_254 = arith.constant 16383 : i32
        %and3A_255 = vector.broadcast %and3A_254 : i32 to vector<16xi32>
        %and3A_256 = arith.andi %shift_right_arithmetic3A_253, %and3A_255 : vector<16xi32>
        %swap3A_257 = arith.constant 0 : index
        %swap3A_258 = tpu.vector_load %arg10[%swap3A_257] {strides = array<i32>} : memref<128xi32, #tpu.memory_space<vmem>>, vector<16xi32>,
        %swap3A_259 = vector.shape_cast %swap3A_258 : vector<16xi32> to vector<16xi32>
        %swap3A_260 = vector.shape_cast %and3A_256 : vector<16xi32> to vector<16xi32>
        tpu.vector_store %arg10[%swap3A_257], %swap3A_260 {strides = array<i32>} : memref<128xi32, #tpu.memory_space<vmem>>, vector<16xi32>,
        %mul3A_261 = arith.constant 128 : i32
        %mul3A_262 = arith.muli %add3A_243, %mul3A_261 : i32
        %add3A_263 = arith.constant 16 : i32
        %add3A_264 = arith.addi %mul3A_262, %add3A_263 : i32
        %get3A_265 = arith.index_cast %add3A_264 : i32 to index
        %get3A_266 = tpu.vector_load %arg6[%get3A_265] {strides = array<i32>} : memref<15360xi32, #tpu.memory_space<vmem>>, vector<16xi32>,
        %get3A_267 = vector.shape_cast %get3A_266 : vector<16xi32> to vector<16xi32>
        %shift_right_arithmetic3A_268 = arith.constant 0 : i32
        %shift_right_arithmetic3A_269 = vector.broadcast %shift_right_arithmetic3A_268 : i32 to vector<16xi32>
        %shift_right_arithmetic3A_270 = arith.shrsi %get3A_267, %shift_right_arithmetic3A_269 : vector<16xi32>
        %and3A_271 = arith.constant 16383 : i32
        %and3A_272 = vector.broadcast %and3A_271 : i32 to vector<16xi32>
        %and3A_273 = arith.andi %shift_right_arithmetic3A_270, %and3A_272 : vector<16xi32>
        %swap3A_274 = arith.constant 16 : index
        %swap3A_275 = tpu.vector_load %arg10[%swap3A_274] {strides = array<i32>} : memref<128xi32, #tpu.memory_space<vmem>>, vector<16xi32>,
        %swap3A_276 = vector.shape_cast %swap3A_275 : vector<16xi32> to vector<16xi32>
        %swap3A_277 = vector.shape_cast %and3A_273 : vector<16xi32> to vector<16xi32>
        tpu.vector_store %arg10[%swap3A_274], %swap3A_277 {strides = array<i32>} : memref<128xi32, #tpu.memory_space<vmem>>, vector<16xi32>,
        %mul3A_278 = arith.constant 128 : i32
        %mul3A_279 = arith.muli %add3A_243, %mul3A_278 : i32
        %add3A_280 = arith.constant 32 : i32
        %add3A_281 = arith.addi %mul3A_279, %add3A_280 : i32
        %get3A_282 = arith.index_cast %add3A_281 : i32 to index
        %get3A_283 = tpu.vector_load %arg6[%get3A_282] {strides = array<i32>} : memref<15360xi32, #tpu.memory_space<vmem>>, vector<16xi32>,
        %get3A_284 = vector.shape_cast %get3A_283 : vector<16xi32> to vector<16xi32>
        %shift_right_arithmetic3A_285 = arith.constant 0 : i32
        %shift_right_arithmetic3A_286 = vector.broadcast %shift_right_arithmetic3A_285 : i32 to vector<16xi32>
        %shift_right_arithmetic3A_287 = arith.shrsi %get3A_284, %shift_right_arithmetic3A_286 : vector<16xi32>
        %and3A_288 = arith.constant 16383 : i32
        %and3A_289 = vector.broadcast %and3A_288 : i32 to vector<16xi32>
        %and3A_290 = arith.andi %shift_right_arithmetic3A_287, %and3A_289 : vector<16xi32>
        %swap3A_291 = arith.constant 32 : index
        %swap3A_292 = tpu.vector_load %arg10[%swap3A_291] {strides = array<i32>} : memref<128xi32, #tpu.memory_space<vmem>>, vector<16xi32>,
        %swap3A_293 = vector.shape_cast %swap3A_292 : vector<16xi32> to vector<16xi32>
        %swap3A_294 = vector.shape_cast %and3A_290 : vector<16xi32> to vector<16xi32>
        tpu.vector_store %arg10[%swap3A_291], %swap3A_294 {strides = array<i32>} : memref<128xi32, #tpu.memory_space<vmem>>, vector<16xi32>,
        %mul3A_295 = arith.constant 128 : i32
        %mul3A_296 = arith.muli %add3A_243, %mul3A_295 : i32
        %add3A_297 = arith.constant 48 : i32
        %add3A_298 = arith.addi %mul3A_296, %add3A_297 : i32
        %get3A_299 = arith.index_cast %add3A_298 : i32 to index
        %get3A_300 = tpu.vector_load %arg6[%get3A_299] {strides = array<i32>} : memref<15360xi32, #tpu.memory_space<vmem>>, vector<16xi32>,
        %get3A_301 = vector.shape_cast %get3A_300 : vector<16xi32> to vector<16xi32>
        %shift_right_arithmetic3A_302 = arith.constant 0 : i32
        %shift_right_arithmetic3A_303 = vector.broadcast %shift_right_arithmetic3A_302 : i32 to vector<16xi32>
        %shift_right_arithmetic3A_304 = arith.shrsi %get3A_301, %shift_right_arithmetic3A_303 : vector<16xi32>
        %and3A_305 = arith.constant 16383 : i32
        %and3A_306 = vector.broadcast %and3A_305 : i32 to vector<16xi32>
        %and3A_307 = arith.andi %shift_right_arithmetic3A_304, %and3A_306 : vector<16xi32>
        %swap3A_308 = arith.constant 48 : index
        %swap3A_309 = tpu.vector_load %arg10[%swap3A_308] {strides = array<i32>} : memref<128xi32, #tpu.memory_space<vmem>>, vector<16xi32>,
        %swap3A_310 = vector.shape_cast %swap3A_309 : vector<16xi32> to vector<16xi32>
        %swap3A_311 = vector.shape_cast %and3A_307 : vector<16xi32> to vector<16xi32>
        tpu.vector_store %arg10[%swap3A_308], %swap3A_311 {strides = array<i32>} : memref<128xi32, #tpu.memory_space<vmem>>, vector<16xi32>,
        %mul3A_312 = arith.constant 128 : i32
        %mul3A_313 = arith.muli %add3A_243, %mul3A_312 : i32
        %add3A_314 = arith.constant 64 : i32
        %add3A_315 = arith.addi %mul3A_313, %add3A_314 : i32
        %get3A_316 = arith.index_cast %add3A_315 : i32 to index
        %get3A_317 = tpu.vector_load %arg6[%get3A_316] {strides = array<i32>} : memref<15360xi32, #tpu.memory_space<vmem>>, vector<16xi32>,
        %get3A_318 = vector.shape_cast %get3A_317 : vector<16xi32> to vector<16xi32>
        %shift_right_arithmetic3A_319 = arith.constant 0 : i32
        %shift_right_arithmetic3A_320 = vector.broadcast %shift_right_arithmetic3A_319 : i32 to vector<16xi32>
        %shift_right_arithmetic3A_321 = arith.shrsi %get3A_318, %shift_right_arithmetic3A_320 : vector<16xi32>
        %and3A_322 = arith.constant 16383 : i32
        %and3A_323 = vector.broadcast %and3A_322 : i32 to vector<16xi32>
        %and3A_324 = arith.andi %shift_right_arithmetic3A_321, %and3A_323 : vector<16xi32>
        %swap3A_325 = arith.constant 64 : index
        %swap3A_326 = tpu.vector_load %arg10[%swap3A_325] {strides = array<i32>} : memref<128xi32, #tpu.memory_space<vmem>>, vector<16xi32>,
        %swap3A_327 = vector.shape_cast %swap3A_326 : vector<16xi32> to vector<16xi32>
        %swap3A_328 = vector.shape_cast %and3A_324 : vector<16xi32> to vector<16xi32>
        tpu.vector_store %arg10[%swap3A_325], %swap3A_328 {strides = array<i32>} : memref<128xi32, #tpu.memory_space<vmem>>, vector<16xi32>,
        %mul3A_329 = arith.constant 128 : i32
        %mul3A_330 = arith.muli %add3A_243, %mul3A_329 : i32
        %add3A_331 = arith.constant 80 : i32
        %add3A_332 = arith.addi %mul3A_330, %add3A_331 : i32
        %get3A_333 = arith.index_cast %add3A_332 : i32 to index
        %get3A_334 = tpu.vector_load %arg6[%get3A_333] {strides = array<i32>} : memref<15360xi32, #tpu.memory_space<vmem>>, vector<16xi32>,
        %get3A_335 = vector.shape_cast %get3A_334 : vector<16xi32> to vector<16xi32>
        %shift_right_arithmetic3A_336 = arith.constant 0 : i32
        %shift_right_arithmetic3A_337 = vector.broadcast %shift_right_arithmetic3A_336 : i32 to vector<16xi32>
        %shift_right_arithmetic3A_338 = arith.shrsi %get3A_335, %shift_right_arithmetic3A_337 : vector<16xi32>
        %and3A_339 = arith.constant 16383 : i32
        %and3A_340 = vector.broadcast %and3A_339 : i32 to vector<16xi32>
        %and3A_341 = arith.andi %shift_right_arithmetic3A_338, %and3A_340 : vector<16xi32>
        %swap3A_342 = arith.constant 80 : index
        %swap3A_343 = tpu.vector_load %arg10[%swap3A_342] {strides = array<i32>} : memref<128xi32, #tpu.memory_space<vmem>>, vector<16xi32>,
        %swap3A_344 = vector.shape_cast %swap3A_343 : vector<16xi32> to vector<16xi32>
        %swap3A_345 = vector.shape_cast %and3A_341 : vector<16xi32> to vector<16xi32>
        tpu.vector_store %arg10[%swap3A_342], %swap3A_345 {strides = array<i32>} : memref<128xi32, #tpu.memory_space<vmem>>, vector<16xi32>,
        %mul3A_346 = arith.constant 128 : i32
        %mul3A_347 = arith.muli %add3A_243, %mul3A_346 : i32
        %add3A_348 = arith.constant 96 : i32
        %add3A_349 = arith.addi %mul3A_347, %add3A_348 : i32
        %get3A_350 = arith.index_cast %add3A_349 : i32 to index
        %get3A_351 = tpu.vector_load %arg6[%get3A_350] {strides = array<i32>} : memref<15360xi32, #tpu.memory_space<vmem>>, vector<16xi32>,
        %get3A_352 = vector.shape_cast %get3A_351 : vector<16xi32> to vector<16xi32>
        %shift_right_arithmetic3A_353 = arith.constant 0 : i32
        %shift_right_arithmetic3A_354 = vector.broadcast %shift_right_arithmetic3A_353 : i32 to vector<16xi32>
        %shift_right_arithmetic3A_355 = arith.shrsi %get3A_352, %shift_right_arithmetic3A_354 : vector<16xi32>
        %and3A_356 = arith.constant 16383 : i32
        %and3A_357 = vector.broadcast %and3A_356 : i32 to vector<16xi32>
        %and3A_358 = arith.andi %shift_right_arithmetic3A_355, %and3A_357 : vector<16xi32>
        %swap3A_359 = arith.constant 96 : index
        %swap3A_360 = tpu.vector_load %arg10[%swap3A_359] {strides = array<i32>} : memref<128xi32, #tpu.memory_space<vmem>>, vector<16xi32>,
        %swap3A_361 = vector.shape_cast %swap3A_360 : vector<16xi32> to vector<16xi32>
        %swap3A_362 = vector.shape_cast %and3A_358 : vector<16xi32> to vector<16xi32>
        tpu.vector_store %arg10[%swap3A_359], %swap3A_362 {strides = array<i32>} : memref<128xi32, #tpu.memory_space<vmem>>, vector<16xi32>,
        %mul3A_363 = arith.constant 128 : i32
        %mul3A_364 = arith.muli %add3A_243, %mul3A_363 : i32
        %add3A_365 = arith.constant 112 : i32
        %add3A_366 = arith.addi %mul3A_364, %add3A_365 : i32
        %get3A_367 = arith.index_cast %add3A_366 : i32 to index
        %get3A_368 = tpu.vector_load %arg6[%get3A_367] {strides = array<i32>} : memref<15360xi32, #tpu.memory_space<vmem>>, vector<16xi32>,
        %get3A_369 = vector.shape_cast %get3A_368 : vector<16xi32> to vector<16xi32>
        %shift_right_arithmetic3A_370 = arith.constant 0 : i32
        %shift_right_arithmetic3A_371 = vector.broadcast %shift_right_arithmetic3A_370 : i32 to vector<16xi32>
        %shift_right_arithmetic3A_372 = arith.shrsi %get3A_369, %shift_right_arithmetic3A_371 : vector<16xi32>
        %and3A_373 = arith.constant 16383 : i32
        %and3A_374 = vector.broadcast %and3A_373 : i32 to vector<16xi32>
        %and3A_375 = arith.andi %shift_right_arithmetic3A_372, %and3A_374 : vector<16xi32>
        %swap3A_376 = arith.constant 112 : index
        %swap3A_377 = tpu.vector_load %arg10[%swap3A_376] {strides = array<i32>} : memref<128xi32, #tpu.memory_space<vmem>>, vector<16xi32>,
        %swap3A_378 = vector.shape_cast %swap3A_377 : vector<16xi32> to vector<16xi32>
        %swap3A_379 = vector.shape_cast %and3A_375 : vector<16xi32> to vector<16xi32>
        tpu.vector_store %arg10[%swap3A_376], %swap3A_379 {strides = array<i32>} : memref<128xi32, #tpu.memory_space<vmem>>, vector<16xi32>,
        %dma_wait3A = arith.constant 0 : i32
        %dma_wait3A_380 = arith.constant 0 : i32
        %dma_wait3A_381 = tpu.memref_slice %arg2[%dma_wait3A, %dma_wait3A_380] : memref<10000x128xf32, #tpu.memory_space<hbm>> -> memref<10000x128xf32, #tpu.memory_space<hbm>>
        tpu.wait_indirect_dma semaphore(%arg13 : memref<!tpu.dma_semaphore, #tpu.memory_space<semaphore_mem>>) src(%dma_wait3A_381 : memref<10000x128xf32, #tpu.memory_space<hbm>>) dst(%arg7 : memref<128x128xf32, #tpu.memory_space<vmem>>)
        %dma_start3A_382 = arith.constant 0 : i32
        %dma_start3A_383 = arith.constant 0 : i32
        %dma_start3A_384 = tpu.memref_slice %arg2[%dma_start3A_382, %dma_start3A_383] : memref<10000x128xf32, #tpu.memory_space<hbm>> -> memref<10000x128xf32, #tpu.memory_space<hbm>>
        tpu.enqueue_indirect_dma source(%dma_start3A_384 : memref<10000x128xf32, #tpu.memory_space<hbm>>) target(%arg8 : memref<128x128xf32, #tpu.memory_space<vmem>>) offsets(%arg10 : memref<128xi32, #tpu.memory_space<vmem>>) semaphore(%arg14 : memref<!tpu.dma_semaphore, #tpu.memory_space<semaphore_mem>>)
        %mul3A_385 = arith.constant 128 : i32
        %mul3A_386 = arith.muli %mul3A_239, %mul3A_385 : i32
        %add3A_387 = arith.constant 0 : i32
        %add3A_388 = arith.addi %mul3A_386, %add3A_387 : i32
        %get3A_389 = arith.index_cast %add3A_388 : i32 to index
        %get3A_390 = tpu.vector_load %arg6[%get3A_389] {strides = array<i32>} : memref<15360xi32, #tpu.memory_space<vmem>>, vector<16xi32>,
        %get3A_391 = vector.shape_cast %get3A_390 : vector<16xi32> to vector<16xi32>
        %shift_right_arithmetic3A_392 = arith.constant 14 : i32
        %shift_right_arithmetic3A_393 = vector.broadcast %shift_right_arithmetic3A_392 : i32 to vector<16xi32>
        %shift_right_arithmetic3A_394 = arith.shrsi %get3A_391, %shift_right_arithmetic3A_393 : vector<16xi32>
        %and3A_395 = arith.constant 16383 : i32
        %and3A_396 = vector.broadcast %and3A_395 : i32 to vector<16xi32>
        %and3A_397 = arith.andi %shift_right_arithmetic3A_394, %and3A_396 : vector<16xi32>
        %swap3A_398 = arith.constant 0 : index
        %swap3A_399 = tpu.vector_load %arg11[%swap3A_398] {strides = array<i32>} : memref<128xi32, #tpu.memory_space<vmem>>, vector<16xi32>,
        %swap3A_400 = vector.shape_cast %swap3A_399 : vector<16xi32> to vector<16xi32>
        %swap3A_401 = vector.shape_cast %and3A_397 : vector<16xi32> to vector<16xi32>
        tpu.vector_store %arg11[%swap3A_398], %swap3A_401 {strides = array<i32>} : memref<128xi32, #tpu.memory_space<vmem>>, vector<16xi32>,
        %mul3A_402 = arith.constant 128 : i32
        %mul3A_403 = arith.muli %mul3A_239, %mul3A_402 : i32
        %add3A_404 = arith.constant 16 : i32
        %add3A_405 = arith.addi %mul3A_403, %add3A_404 : i32
        %get3A_406 = arith.index_cast %add3A_405 : i32 to index
        %get3A_407 = tpu.vector_load %arg6[%get3A_406] {strides = array<i32>} : memref<15360xi32, #tpu.memory_space<vmem>>, vector<16xi32>,
        %get3A_408 = vector.shape_cast %get3A_407 : vector<16xi32> to vector<16xi32>
        %shift_right_arithmetic3A_409 = arith.constant 14 : i32
        %shift_right_arithmetic3A_410 = vector.broadcast %shift_right_arithmetic3A_409 : i32 to vector<16xi32>
        %shift_right_arithmetic3A_411 = arith.shrsi %get3A_408, %shift_right_arithmetic3A_410 : vector<16xi32>
        %and3A_412 = arith.constant 16383 : i32
        %and3A_413 = vector.broadcast %and3A_412 : i32 to vector<16xi32>
        %and3A_414 = arith.andi %shift_right_arithmetic3A_411, %and3A_413 : vector<16xi32>
        %swap3A_415 = arith.constant 16 : index
        %swap3A_416 = tpu.vector_load %arg11[%swap3A_415] {strides = array<i32>} : memref<128xi32, #tpu.memory_space<vmem>>, vector<16xi32>,
        %swap3A_417 = vector.shape_cast %swap3A_416 : vector<16xi32> to vector<16xi32>
        %swap3A_418 = vector.shape_cast %and3A_414 : vector<16xi32> to vector<16xi32>
        tpu.vector_store %arg11[%swap3A_415], %swap3A_418 {strides = array<i32>} : memref<128xi32, #tpu.memory_space<vmem>>, vector<16xi32>,
        %mul3A_419 = arith.constant 128 : i32
        %mul3A_420 = arith.muli %mul3A_239, %mul3A_419 : i32
        %add3A_421 = arith.constant 32 : i32
        %add3A_422 = arith.addi %mul3A_420, %add3A_421 : i32
        %get3A_423 = arith.index_cast %add3A_422 : i32 to index
        %get3A_424 = tpu.vector_load %arg6[%get3A_423] {strides = array<i32>} : memref<15360xi32, #tpu.memory_space<vmem>>, vector<16xi32>,
        %get3A_425 = vector.shape_cast %get3A_424 : vector<16xi32> to vector<16xi32>
        %shift_right_arithmetic3A_426 = arith.constant 14 : i32
        %shift_right_arithmetic3A_427 = vector.broadcast %shift_right_arithmetic3A_426 : i32 to vector<16xi32>
        %shift_right_arithmetic3A_428 = arith.shrsi %get3A_425, %shift_right_arithmetic3A_427 : vector<16xi32>
        %and3A_429 = arith.constant 16383 : i32
        %and3A_430 = vector.broadcast %and3A_429 : i32 to vector<16xi32>
        %and3A_431 = arith.andi %shift_right_arithmetic3A_428, %and3A_430 : vector<16xi32>
        %swap3A_432 = arith.constant 32 : index
        %swap3A_433 = tpu.vector_load %arg11[%swap3A_432] {strides = array<i32>} : memref<128xi32, #tpu.memory_space<vmem>>, vector<16xi32>,
        %swap3A_434 = vector.shape_cast %swap3A_433 : vector<16xi32> to vector<16xi32>
        %swap3A_435 = vector.shape_cast %and3A_431 : vector<16xi32> to vector<16xi32>
        tpu.vector_store %arg11[%swap3A_432], %swap3A_435 {strides = array<i32>} : memref<128xi32, #tpu.memory_space<vmem>>, vector<16xi32>,
        %mul3A_436 = arith.constant 128 : i32
        %mul3A_437 = arith.muli %mul3A_239, %mul3A_436 : i32
        %add3A_438 = arith.constant 48 : i32
        %add3A_439 = arith.addi %mul3A_437, %add3A_438 : i32
        %get3A_440 = arith.index_cast %add3A_439 : i32 to index
        %get3A_441 = tpu.vector_load %arg6[%get3A_440] {strides = array<i32>} : memref<15360xi32, #tpu.memory_space<vmem>>, vector<16xi32>,
        %get3A_442 = vector.shape_cast %get3A_441 : vector<16xi32> to vector<16xi32>
        %shift_right_arithmetic3A_443 = arith.constant 14 : i32
        %shift_right_arithmetic3A_444 = vector.broadcast %shift_right_arithmetic3A_443 : i32 to vector<16xi32>
        %shift_right_arithmetic3A_445 = arith.shrsi %get3A_442, %shift_right_arithmetic3A_444 : vector<16xi32>
        %and3A_446 = arith.constant 16383 : i32
        %and3A_447 = vector.broadcast %and3A_446 : i32 to vector<16xi32>
        %and3A_448 = arith.andi %shift_right_arithmetic3A_445, %and3A_447 : vector<16xi32>
        %swap3A_449 = arith.constant 48 : index
        %swap3A_450 = tpu.vector_load %arg11[%swap3A_449] {strides = array<i32>} : memref<128xi32, #tpu.memory_space<vmem>>, vector<16xi32>,
        %swap3A_451 = vector.shape_cast %swap3A_450 : vector<16xi32> to vector<16xi32>
        %swap3A_452 = vector.shape_cast %and3A_448 : vector<16xi32> to vector<16xi32>
        tpu.vector_store %arg11[%swap3A_449], %swap3A_452 {strides = array<i32>} : memref<128xi32, #tpu.memory_space<vmem>>, vector<16xi32>,
        %mul3A_453 = arith.constant 128 : i32
        %mul3A_454 = arith.muli %mul3A_239, %mul3A_453 : i32
        %add3A_455 = arith.constant 64 : i32
        %add3A_456 = arith.addi %mul3A_454, %add3A_455 : i32
        %get3A_457 = arith.index_cast %add3A_456 : i32 to index
        %get3A_458 = tpu.vector_load %arg6[%get3A_457] {strides = array<i32>} : memref<15360xi32, #tpu.memory_space<vmem>>, vector<16xi32>,
        %get3A_459 = vector.shape_cast %get3A_458 : vector<16xi32> to vector<16xi32>
        %shift_right_arithmetic3A_460 = arith.constant 14 : i32
        %shift_right_arithmetic3A_461 = vector.broadcast %shift_right_arithmetic3A_460 : i32 to vector<16xi32>
        %shift_right_arithmetic3A_462 = arith.shrsi %get3A_459, %shift_right_arithmetic3A_461 : vector<16xi32>
        %and3A_463 = arith.constant 16383 : i32
        %and3A_464 = vector.broadcast %and3A_463 : i32 to vector<16xi32>
        %and3A_465 = arith.andi %shift_right_arithmetic3A_462, %and3A_464 : vector<16xi32>
        %swap3A_466 = arith.constant 64 : index
        %swap3A_467 = tpu.vector_load %arg11[%swap3A_466] {strides = array<i32>} : memref<128xi32, #tpu.memory_space<vmem>>, vector<16xi32>,
        %swap3A_468 = vector.shape_cast %swap3A_467 : vector<16xi32> to vector<16xi32>
        %swap3A_469 = vector.shape_cast %and3A_465 : vector<16xi32> to vector<16xi32>
        tpu.vector_store %arg11[%swap3A_466], %swap3A_469 {strides = array<i32>} : memref<128xi32, #tpu.memory_space<vmem>>, vector<16xi32>,
        %mul3A_470 = arith.constant 128 : i32
        %mul3A_471 = arith.muli %mul3A_239, %mul3A_470 : i32
        %add3A_472 = arith.constant 80 : i32
        %add3A_473 = arith.addi %mul3A_471, %add3A_472 : i32
        %get3A_474 = arith.index_cast %add3A_473 : i32 to index
        %get3A_475 = tpu.vector_load %arg6[%get3A_474] {strides = array<i32>} : memref<15360xi32, #tpu.memory_space<vmem>>, vector<16xi32>,
        %get3A_476 = vector.shape_cast %get3A_475 : vector<16xi32> to vector<16xi32>
        %shift_right_arithmetic3A_477 = arith.constant 14 : i32
        %shift_right_arithmetic3A_478 = vector.broadcast %shift_right_arithmetic3A_477 : i32 to vector<16xi32>
        %shift_right_arithmetic3A_479 = arith.shrsi %get3A_476, %shift_right_arithmetic3A_478 : vector<16xi32>
        %and3A_480 = arith.constant 16383 : i32
        %and3A_481 = vector.broadcast %and3A_480 : i32 to vector<16xi32>
        %and3A_482 = arith.andi %shift_right_arithmetic3A_479, %and3A_481 : vector<16xi32>
        %swap3A_483 = arith.constant 80 : index
        %swap3A_484 = tpu.vector_load %arg11[%swap3A_483] {strides = array<i32>} : memref<128xi32, #tpu.memory_space<vmem>>, vector<16xi32>,
        %swap3A_485 = vector.shape_cast %swap3A_484 : vector<16xi32> to vector<16xi32>
        %swap3A_486 = vector.shape_cast %and3A_482 : vector<16xi32> to vector<16xi32>
        tpu.vector_store %arg11[%swap3A_483], %swap3A_486 {strides = array<i32>} : memref<128xi32, #tpu.memory_space<vmem>>, vector<16xi32>,
        %mul3A_487 = arith.constant 128 : i32
        %mul3A_488 = arith.muli %mul3A_239, %mul3A_487 : i32
        %add3A_489 = arith.constant 96 : i32
        %add3A_490 = arith.addi %mul3A_488, %add3A_489 : i32
        %get3A_491 = arith.index_cast %add3A_490 : i32 to index
        %get3A_492 = tpu.vector_load %arg6[%get3A_491] {strides = array<i32>} : memref<15360xi32, #tpu.memory_space<vmem>>, vector<16xi32>,
        %get3A_493 = vector.shape_cast %get3A_492 : vector<16xi32> to vector<16xi32>
        %shift_right_arithmetic3A_494 = arith.constant 14 : i32
        %shift_right_arithmetic3A_495 = vector.broadcast %shift_right_arithmetic3A_494 : i32 to vector<16xi32>
        %shift_right_arithmetic3A_496 = arith.shrsi %get3A_493, %shift_right_arithmetic3A_495 : vector<16xi32>
        %and3A_497 = arith.constant 16383 : i32
        %and3A_498 = vector.broadcast %and3A_497 : i32 to vector<16xi32>
        %and3A_499 = arith.andi %shift_right_arithmetic3A_496, %and3A_498 : vector<16xi32>
        %swap3A_500 = arith.constant 96 : index
        %swap3A_501 = tpu.vector_load %arg11[%swap3A_500] {strides = array<i32>} : memref<128xi32, #tpu.memory_space<vmem>>, vector<16xi32>,
        %swap3A_502 = vector.shape_cast %swap3A_501 : vector<16xi32> to vector<16xi32>
        %swap3A_503 = vector.shape_cast %and3A_499 : vector<16xi32> to vector<16xi32>
        tpu.vector_store %arg11[%swap3A_500], %swap3A_503 {strides = array<i32>} : memref<128xi32, #tpu.memory_space<vmem>>, vector<16xi32>,
        %mul3A_504 = arith.constant 128 : i32
        %mul3A_505 = arith.muli %mul3A_239, %mul3A_504 : i32
        %add3A_506 = arith.constant 112 : i32
        %add3A_507 = arith.addi %mul3A_505, %add3A_506 : i32
        %get3A_508 = arith.index_cast %add3A_507 : i32 to index
        %get3A_509 = tpu.vector_load %arg6[%get3A_508] {strides = array<i32>} : memref<15360xi32, #tpu.memory_space<vmem>>, vector<16xi32>,
        %get3A_510 = vector.shape_cast %get3A_509 : vector<16xi32> to vector<16xi32>
        %shift_right_arithmetic3A_511 = arith.constant 14 : i32
        %shift_right_arithmetic3A_512 = vector.broadcast %shift_right_arithmetic3A_511 : i32 to vector<16xi32>
        %shift_right_arithmetic3A_513 = arith.shrsi %get3A_510, %shift_right_arithmetic3A_512 : vector<16xi32>
        %and3A_514 = arith.constant 16383 : i32
        %and3A_515 = vector.broadcast %and3A_514 : i32 to vector<16xi32>
        %and3A_516 = arith.andi %shift_right_arithmetic3A_513, %and3A_515 : vector<16xi32>
        %swap3A_517 = arith.constant 112 : index
        %swap3A_518 = tpu.vector_load %arg11[%swap3A_517] {strides = array<i32>} : memref<128xi32, #tpu.memory_space<vmem>>, vector<16xi32>,
        %swap3A_519 = vector.shape_cast %swap3A_518 : vector<16xi32> to vector<16xi32>
        %swap3A_520 = vector.shape_cast %and3A_516 : vector<16xi32> to vector<16xi32>
        tpu.vector_store %arg11[%swap3A_517], %swap3A_520 {strides = array<i32>} : memref<128xi32, #tpu.memory_space<vmem>>, vector<16xi32>,
        "tpu.region"() ({
          %run_scoped3A_669 = tpu.sem_alloc : memref<!tpu.dma_semaphore, #tpu.memory_space<semaphore_mem>>
          %dma_start3A_670 = arith.constant 0 : i32
          %dma_start3A_671 = arith.constant 0 : i32
          %dma_start3A_672 = tpu.memref_slice %arg15[%dma_start3A_670, %dma_start3A_671] : memref<10112x128xf32, #tpu.memory_space<vmem_shared>> -> memref<10112x128xf32, #tpu.memory_space<vmem_shared>>
          tpu.enqueue_indirect_dma source(%arg7 : memref<128x128xf32, #tpu.memory_space<vmem>>) target(%dma_start3A_672 : memref<10112x128xf32, #tpu.memory_space<vmem_shared>>) offsets(%arg11 : memref<128xi32, #tpu.memory_space<vmem>>) semaphore(%run_scoped3A_669 : memref<!tpu.dma_semaphore, #tpu.memory_space<semaphore_mem>>) {add = true}
          %dma_wait3A_673 = arith.constant 0 : i32
          %dma_wait3A_674 = arith.constant 0 : i32
          %dma_wait3A_675 = tpu.memref_slice %arg15[%dma_wait3A_673, %dma_wait3A_674] : memref<10112x128xf32, #tpu.memory_space<vmem_shared>> -> memref<10112x128xf32, #tpu.memory_space<vmem_shared>>
          tpu.wait_indirect_dma semaphore(%run_scoped3A_669 : memref<!tpu.dma_semaphore, #tpu.memory_space<semaphore_mem>>) src(%arg7 : memref<128x128xf32, #tpu.memory_space<vmem>>) dst(%dma_wait3A_675 : memref<10112x128xf32, #tpu.memory_space<vmem_shared>>)
          tpu.yield
        }) : () -> ()
        "tpu.region"() ({
          %run_scoped3A_669 = tpu.sem_alloc : memref<!tpu.dma_semaphore, #tpu.memory_space<semaphore_mem>>
          %dma_start3A_670 = arith.constant 0 : i32
          %dma_start3A_671 = tpu.memref_slice %arg16[%dma_start3A_670] : memref<10240xf32, #tpu.memory_space<vmem_shared>> -> memref<10240xf32, #tpu.memory_space<vmem_shared>>
          tpu.enqueue_indirect_dma source(%arg12 : memref<128xf32, #tpu.memory_space<vmem>>) target(%dma_start3A_671 : memref<10240xf32, #tpu.memory_space<vmem_shared>>) offsets(%arg11 : memref<128xi32, #tpu.memory_space<vmem>>) semaphore(%run_scoped3A_669 : memref<!tpu.dma_semaphore, #tpu.memory_space<semaphore_mem>>) {add = true}
          %dma_wait3A_672 = arith.constant 0 : i32
          %dma_wait3A_673 = tpu.memref_slice %arg16[%dma_wait3A_672] : memref<10240xf32, #tpu.memory_space<vmem_shared>> -> memref<10240xf32, #tpu.memory_space<vmem_shared>>
          tpu.wait_indirect_dma semaphore(%run_scoped3A_669 : memref<!tpu.dma_semaphore, #tpu.memory_space<semaphore_mem>>) src(%arg12 : memref<128xf32, #tpu.memory_space<vmem>>) dst(%dma_wait3A_673 : memref<10240xf32, #tpu.memory_space<vmem_shared>>)
          tpu.yield
        }) : () -> ()
        %lt3A = arith.constant 59 : i32
        %lt3A_521 = arith.cmpi slt, %scan3A_237, %lt3A : i32
        %convert_element_type3A_522 = arith.extui %lt3A_521 : i1 to i32
        %cond3A_523 = arith.constant 0 : i32
        %cond3A_524 = arith.cmpi ne, %convert_element_type3A_522, %cond3A_523 : i32
        scf.if %cond3A_524 {
          %add3A_669 = arith.constant 2 : i32
          %add3A_670 = arith.addi %mul3A_239, %add3A_669 : i32
          %mul3A_671 = arith.constant 128 : i32
          %mul3A_672 = arith.muli %add3A_670, %mul3A_671 : i32
          %add3A_673 = arith.constant 0 : i32
          %add3A_674 = arith.addi %mul3A_672, %add3A_673 : i32
          %get3A_675 = arith.index_cast %add3A_674 : i32 to index
          %get3A_676 = tpu.vector_load %arg6[%get3A_675] {strides = array<i32>} : memref<15360xi32, #tpu.memory_space<vmem>>, vector<16xi32>,
          %get3A_677 = vector.shape_cast %get3A_676 : vector<16xi32> to vector<16xi32>
          %shift_right_arithmetic3A_678 = arith.constant 0 : i32
          %shift_right_arithmetic3A_679 = vector.broadcast %shift_right_arithmetic3A_678 : i32 to vector<16xi32>
          %shift_right_arithmetic3A_680 = arith.shrsi %get3A_677, %shift_right_arithmetic3A_679 : vector<16xi32>
          %and3A_681 = arith.constant 16383 : i32
          %and3A_682 = vector.broadcast %and3A_681 : i32 to vector<16xi32>
          %and3A_683 = arith.andi %shift_right_arithmetic3A_680, %and3A_682 : vector<16xi32>
          %swap3A_684 = arith.constant 0 : index
          %swap3A_685 = tpu.vector_load %arg9[%swap3A_684] {strides = array<i32>} : memref<128xi32, #tpu.memory_space<vmem>>, vector<16xi32>,
          %swap3A_686 = vector.shape_cast %swap3A_685 : vector<16xi32> to vector<16xi32>
          %swap3A_687 = vector.shape_cast %and3A_683 : vector<16xi32> to vector<16xi32>
          tpu.vector_store %arg9[%swap3A_684], %swap3A_687 {strides = array<i32>} : memref<128xi32, #tpu.memory_space<vmem>>, vector<16xi32>,
          %mul3A_688 = arith.constant 128 : i32
          %mul3A_689 = arith.muli %add3A_670, %mul3A_688 : i32
          %add3A_690 = arith.constant 16 : i32
          %add3A_691 = arith.addi %mul3A_689, %add3A_690 : i32
          %get3A_692 = arith.index_cast %add3A_691 : i32 to index
          %get3A_693 = tpu.vector_load %arg6[%get3A_692] {strides = array<i32>} : memref<15360xi32, #tpu.memory_space<vmem>>, vector<16xi32>,
          %get3A_694 = vector.shape_cast %get3A_693 : vector<16xi32> to vector<16xi32>
          %shift_right_arithmetic3A_695 = arith.constant 0 : i32
          %shift_right_arithmetic3A_696 = vector.broadcast %shift_right_arithmetic3A_695 : i32 to vector<16xi32>
          %shift_right_arithmetic3A_697 = arith.shrsi %get3A_694, %shift_right_arithmetic3A_696 : vector<16xi32>
          %and3A_698 = arith.constant 16383 : i32
          %and3A_699 = vector.broadcast %and3A_698 : i32 to vector<16xi32>
          %and3A_700 = arith.andi %shift_right_arithmetic3A_697, %and3A_699 : vector<16xi32>
          %swap3A_701 = arith.constant 16 : index
          %swap3A_702 = tpu.vector_load %arg9[%swap3A_701] {strides = array<i32>} : memref<128xi32, #tpu.memory_space<vmem>>, vector<16xi32>,
          %swap3A_703 = vector.shape_cast %swap3A_702 : vector<16xi32> to vector<16xi32>
          %swap3A_704 = vector.shape_cast %and3A_700 : vector<16xi32> to vector<16xi32>
          tpu.vector_store %arg9[%swap3A_701], %swap3A_704 {strides = array<i32>} : memref<128xi32, #tpu.memory_space<vmem>>, vector<16xi32>,
          %mul3A_705 = arith.constant 128 : i32
          %mul3A_706 = arith.muli %add3A_670, %mul3A_705 : i32
          %add3A_707 = arith.constant 32 : i32
          %add3A_708 = arith.addi %mul3A_706, %add3A_707 : i32
          %get3A_709 = arith.index_cast %add3A_708 : i32 to index
          %get3A_710 = tpu.vector_load %arg6[%get3A_709] {strides = array<i32>} : memref<15360xi32, #tpu.memory_space<vmem>>, vector<16xi32>,
          %get3A_711 = vector.shape_cast %get3A_710 : vector<16xi32> to vector<16xi32>
          %shift_right_arithmetic3A_712 = arith.constant 0 : i32
          %shift_right_arithmetic3A_713 = vector.broadcast %shift_right_arithmetic3A_712 : i32 to vector<16xi32>
          %shift_right_arithmetic3A_714 = arith.shrsi %get3A_711, %shift_right_arithmetic3A_713 : vector<16xi32>
          %and3A_715 = arith.constant 16383 : i32
          %and3A_716 = vector.broadcast %and3A_715 : i32 to vector<16xi32>
          %and3A_717 = arith.andi %shift_right_arithmetic3A_714, %and3A_716 : vector<16xi32>
          %swap3A_718 = arith.constant 32 : index
          %swap3A_719 = tpu.vector_load %arg9[%swap3A_718] {strides = array<i32>} : memref<128xi32, #tpu.memory_space<vmem>>, vector<16xi32>,
          %swap3A_720 = vector.shape_cast %swap3A_719 : vector<16xi32> to vector<16xi32>
          %swap3A_721 = vector.shape_cast %and3A_717 : vector<16xi32> to vector<16xi32>
          tpu.vector_store %arg9[%swap3A_718], %swap3A_721 {strides = array<i32>} : memref<128xi32, #tpu.memory_space<vmem>>, vector<16xi32>,
          %mul3A_722 = arith.constant 128 : i32
          %mul3A_723 = arith.muli %add3A_670, %mul3A_722 : i32
          %add3A_724 = arith.constant 48 : i32
          %add3A_725 = arith.addi %mul3A_723, %add3A_724 : i32
          %get3A_726 = arith.index_cast %add3A_725 : i32 to index
          %get3A_727 = tpu.vector_load %arg6[%get3A_726] {strides = array<i32>} : memref<15360xi32, #tpu.memory_space<vmem>>, vector<16xi32>,
          %get3A_728 = vector.shape_cast %get3A_727 : vector<16xi32> to vector<16xi32>
          %shift_right_arithmetic3A_729 = arith.constant 0 : i32
          %shift_right_arithmetic3A_730 = vector.broadcast %shift_right_arithmetic3A_729 : i32 to vector<16xi32>
          %shift_right_arithmetic3A_731 = arith.shrsi %get3A_728, %shift_right_arithmetic3A_730 : vector<16xi32>
          %and3A_732 = arith.constant 16383 : i32
          %and3A_733 = vector.broadcast %and3A_732 : i32 to vector<16xi32>
          %and3A_734 = arith.andi %shift_right_arithmetic3A_731, %and3A_733 : vector<16xi32>
          %swap3A_735 = arith.constant 48 : index
          %swap3A_736 = tpu.vector_load %arg9[%swap3A_735] {strides = array<i32>} : memref<128xi32, #tpu.memory_space<vmem>>, vector<16xi32>,
          %swap3A_737 = vector.shape_cast %swap3A_736 : vector<16xi32> to vector<16xi32>
          %swap3A_738 = vector.shape_cast %and3A_734 : vector<16xi32> to vector<16xi32>
          tpu.vector_store %arg9[%swap3A_735], %swap3A_738 {strides = array<i32>} : memref<128xi32, #tpu.memory_space<vmem>>, vector<16xi32>,
          %mul3A_739 = arith.constant 128 : i32
          %mul3A_740 = arith.muli %add3A_670, %mul3A_739 : i32
          %add3A_741 = arith.constant 64 : i32
          %add3A_742 = arith.addi %mul3A_740, %add3A_741 : i32
          %get3A_743 = arith.index_cast %add3A_742 : i32 to index
          %get3A_744 = tpu.vector_load %arg6[%get3A_743] {strides = array<i32>} : memref<15360xi32, #tpu.memory_space<vmem>>, vector<16xi32>,
          %get3A_745 = vector.shape_cast %get3A_744 : vector<16xi32> to vector<16xi32>
          %shift_right_arithmetic3A_746 = arith.constant 0 : i32
          %shift_right_arithmetic3A_747 = vector.broadcast %shift_right_arithmetic3A_746 : i32 to vector<16xi32>
          %shift_right_arithmetic3A_748 = arith.shrsi %get3A_745, %shift_right_arithmetic3A_747 : vector<16xi32>
          %and3A_749 = arith.constant 16383 : i32
          %and3A_750 = vector.broadcast %and3A_749 : i32 to vector<16xi32>
          %and3A_751 = arith.andi %shift_right_arithmetic3A_748, %and3A_750 : vector<16xi32>
          %swap3A_752 = arith.constant 64 : index
          %swap3A_753 = tpu.vector_load %arg9[%swap3A_752] {strides = array<i32>} : memref<128xi32, #tpu.memory_space<vmem>>, vector<16xi32>,
          %swap3A_754 = vector.shape_cast %swap3A_753 : vector<16xi32> to vector<16xi32>
          %swap3A_755 = vector.shape_cast %and3A_751 : vector<16xi32> to vector<16xi32>
          tpu.vector_store %arg9[%swap3A_752], %swap3A_755 {strides = array<i32>} : memref<128xi32, #tpu.memory_space<vmem>>, vector<16xi32>,
          %mul3A_756 = arith.constant 128 : i32
          %mul3A_757 = arith.muli %add3A_670, %mul3A_756 : i32
          %add3A_758 = arith.constant 80 : i32
          %add3A_759 = arith.addi %mul3A_757, %add3A_758 : i32
          %get3A_760 = arith.index_cast %add3A_759 : i32 to index
          %get3A_761 = tpu.vector_load %arg6[%get3A_760] {strides = array<i32>} : memref<15360xi32, #tpu.memory_space<vmem>>, vector<16xi32>,
          %get3A_762 = vector.shape_cast %get3A_761 : vector<16xi32> to vector<16xi32>
          %shift_right_arithmetic3A_763 = arith.constant 0 : i32
          %shift_right_arithmetic3A_764 = vector.broadcast %shift_right_arithmetic3A_763 : i32 to vector<16xi32>
          %shift_right_arithmetic3A_765 = arith.shrsi %get3A_762, %shift_right_arithmetic3A_764 : vector<16xi32>
          %and3A_766 = arith.constant 16383 : i32
          %and3A_767 = vector.broadcast %and3A_766 : i32 to vector<16xi32>
          %and3A_768 = arith.andi %shift_right_arithmetic3A_765, %and3A_767 : vector<16xi32>
          %swap3A_769 = arith.constant 80 : index
          %swap3A_770 = tpu.vector_load %arg9[%swap3A_769] {strides = array<i32>} : memref<128xi32, #tpu.memory_space<vmem>>, vector<16xi32>,
          %swap3A_771 = vector.shape_cast %swap3A_770 : vector<16xi32> to vector<16xi32>
          %swap3A_772 = vector.shape_cast %and3A_768 : vector<16xi32> to vector<16xi32>
          tpu.vector_store %arg9[%swap3A_769], %swap3A_772 {strides = array<i32>} : memref<128xi32, #tpu.memory_space<vmem>>, vector<16xi32>,
          %mul3A_773 = arith.constant 128 : i32
          %mul3A_774 = arith.muli %add3A_670, %mul3A_773 : i32
          %add3A_775 = arith.constant 96 : i32
          %add3A_776 = arith.addi %mul3A_774, %add3A_775 : i32
          %get3A_777 = arith.index_cast %add3A_776 : i32 to index
          %get3A_778 = tpu.vector_load %arg6[%get3A_777] {strides = array<i32>} : memref<15360xi32, #tpu.memory_space<vmem>>, vector<16xi32>,
          %get3A_779 = vector.shape_cast %get3A_778 : vector<16xi32> to vector<16xi32>
          %shift_right_arithmetic3A_780 = arith.constant 0 : i32
          %shift_right_arithmetic3A_781 = vector.broadcast %shift_right_arithmetic3A_780 : i32 to vector<16xi32>
          %shift_right_arithmetic3A_782 = arith.shrsi %get3A_779, %shift_right_arithmetic3A_781 : vector<16xi32>
          %and3A_783 = arith.constant 16383 : i32
          %and3A_784 = vector.broadcast %and3A_783 : i32 to vector<16xi32>
          %and3A_785 = arith.andi %shift_right_arithmetic3A_782, %and3A_784 : vector<16xi32>
          %swap3A_786 = arith.constant 96 : index
          %swap3A_787 = tpu.vector_load %arg9[%swap3A_786] {strides = array<i32>} : memref<128xi32, #tpu.memory_space<vmem>>, vector<16xi32>,
          %swap3A_788 = vector.shape_cast %swap3A_787 : vector<16xi32> to vector<16xi32>
          %swap3A_789 = vector.shape_cast %and3A_785 : vector<16xi32> to vector<16xi32>
          tpu.vector_store %arg9[%swap3A_786], %swap3A_789 {strides = array<i32>} : memref<128xi32, #tpu.memory_space<vmem>>, vector<16xi32>,
          %mul3A_790 = arith.constant 128 : i32
          %mul3A_791 = arith.muli %add3A_670, %mul3A_790 : i32
          %add3A_792 = arith.constant 112 : i32
          %add3A_793 = arith.addi %mul3A_791, %add3A_792 : i32
          %get3A_794 = arith.index_cast %add3A_793 : i32 to index
          %get3A_795 = tpu.vector_load %arg6[%get3A_794] {strides = array<i32>} : memref<15360xi32, #tpu.memory_space<vmem>>, vector<16xi32>,
          %get3A_796 = vector.shape_cast %get3A_795 : vector<16xi32> to vector<16xi32>
          %shift_right_arithmetic3A_797 = arith.constant 0 : i32
          %shift_right_arithmetic3A_798 = vector.broadcast %shift_right_arithmetic3A_797 : i32 to vector<16xi32>
          %shift_right_arithmetic3A_799 = arith.shrsi %get3A_796, %shift_right_arithmetic3A_798 : vector<16xi32>
          %and3A_800 = arith.constant 16383 : i32
          %and3A_801 = vector.broadcast %and3A_800 : i32 to vector<16xi32>
          %and3A_802 = arith.andi %shift_right_arithmetic3A_799, %and3A_801 : vector<16xi32>
          %swap3A_803 = arith.constant 112 : index
          %swap3A_804 = tpu.vector_load %arg9[%swap3A_803] {strides = array<i32>} : memref<128xi32, #tpu.memory_space<vmem>>, vector<16xi32>,
          %swap3A_805 = vector.shape_cast %swap3A_804 : vector<16xi32> to vector<16xi32>
          %swap3A_806 = vector.shape_cast %and3A_802 : vector<16xi32> to vector<16xi32>
          tpu.vector_store %arg9[%swap3A_803], %swap3A_806 {strides = array<i32>} : memref<128xi32, #tpu.memory_space<vmem>>, vector<16xi32>,
        } else {
        }
        %dma_wait3A_525 = arith.constant 0 : i32
        %dma_wait3A_526 = arith.constant 0 : i32
        %dma_wait3A_527 = tpu.memref_slice %arg2[%dma_wait3A_525, %dma_wait3A_526] : memref<10000x128xf32, #tpu.memory_space<hbm>> -> memref<10000x128xf32, #tpu.memory_space<hbm>>
        tpu.wait_indirect_dma semaphore(%arg14 : memref<!tpu.dma_semaphore, #tpu.memory_space<semaphore_mem>>) src(%dma_wait3A_527 : memref<10000x128xf32, #tpu.memory_space<hbm>>) dst(%arg8 : memref<128x128xf32, #tpu.memory_space<vmem>>)
        %lt3A_528 = arith.constant 59 : i32
        %lt3A_529 = arith.cmpi slt, %scan3A_237, %lt3A_528 : i32
        %convert_element_type3A_530 = arith.extui %lt3A_529 : i1 to i32
        %cond3A_531 = arith.constant 0 : i32
        %cond3A_532 = arith.cmpi ne, %convert_element_type3A_530, %cond3A_531 : i32
        scf.if %cond3A_532 {
          %dma_start3A_669 = arith.constant 0 : i32
          %dma_start3A_670 = arith.constant 0 : i32
          %dma_start3A_671 = tpu.memref_slice %arg2[%dma_start3A_669, %dma_start3A_670] : memref<10000x128xf32, #tpu.memory_space<hbm>> -> memref<10000x128xf32, #tpu.memory_space<hbm>>
          tpu.enqueue_indirect_dma source(%dma_start3A_671 : memref<10000x128xf32, #tpu.memory_space<hbm>>) target(%arg7 : memref<128x128xf32, #tpu.memory_space<vmem>>) offsets(%arg9 : memref<128xi32, #tpu.memory_space<vmem>>) semaphore(%arg13 : memref<!tpu.dma_semaphore, #tpu.memory_space<semaphore_mem>>)
        } else {
        }
        %mul3A_533 = arith.constant 128 : i32
        %mul3A_534 = arith.muli %add3A_243, %mul3A_533 : i32
        %add3A_535 = arith.constant 0 : i32
        %add3A_536 = arith.addi %mul3A_534, %add3A_535 : i32
        %get3A_537 = arith.index_cast %add3A_536 : i32 to index
        %get3A_538 = tpu.vector_load %arg6[%get3A_537] {strides = array<i32>} : memref<15360xi32, #tpu.memory_space<vmem>>, vector<16xi32>,
        %get3A_539 = vector.shape_cast %get3A_538 : vector<16xi32> to vector<16xi32>
        %shift_right_arithmetic3A_540 = arith.constant 14 : i32
        %shift_right_arithmetic3A_541 = vector.broadcast %shift_right_arithmetic3A_540 : i32 to vector<16xi32>
        %shift_right_arithmetic3A_542 = arith.shrsi %get3A_539, %shift_right_arithmetic3A_541 : vector<16xi32>
        %and3A_543 = arith.constant 16383 : i32
        %and3A_544 = vector.broadcast %and3A_543 : i32 to vector<16xi32>
        %and3A_545 = arith.andi %shift_right_arithmetic3A_542, %and3A_544 : vector<16xi32>
        %swap3A_546 = arith.constant 0 : index
        %swap3A_547 = tpu.vector_load %arg11[%swap3A_546] {strides = array<i32>} : memref<128xi32, #tpu.memory_space<vmem>>, vector<16xi32>,
        %swap3A_548 = vector.shape_cast %swap3A_547 : vector<16xi32> to vector<16xi32>
        %swap3A_549 = vector.shape_cast %and3A_545 : vector<16xi32> to vector<16xi32>
        tpu.vector_store %arg11[%swap3A_546], %swap3A_549 {strides = array<i32>} : memref<128xi32, #tpu.memory_space<vmem>>, vector<16xi32>,
        %mul3A_550 = arith.constant 128 : i32
        %mul3A_551 = arith.muli %add3A_243, %mul3A_550 : i32
        %add3A_552 = arith.constant 16 : i32
        %add3A_553 = arith.addi %mul3A_551, %add3A_552 : i32
        %get3A_554 = arith.index_cast %add3A_553 : i32 to index
        %get3A_555 = tpu.vector_load %arg6[%get3A_554] {strides = array<i32>} : memref<15360xi32, #tpu.memory_space<vmem>>, vector<16xi32>,
        %get3A_556 = vector.shape_cast %get3A_555 : vector<16xi32> to vector<16xi32>
        %shift_right_arithmetic3A_557 = arith.constant 14 : i32
        %shift_right_arithmetic3A_558 = vector.broadcast %shift_right_arithmetic3A_557 : i32 to vector<16xi32>
        %shift_right_arithmetic3A_559 = arith.shrsi %get3A_556, %shift_right_arithmetic3A_558 : vector<16xi32>
        %and3A_560 = arith.constant 16383 : i32
        %and3A_561 = vector.broadcast %and3A_560 : i32 to vector<16xi32>
        %and3A_562 = arith.andi %shift_right_arithmetic3A_559, %and3A_561 : vector<16xi32>
        %swap3A_563 = arith.constant 16 : index
        %swap3A_564 = tpu.vector_load %arg11[%swap3A_563] {strides = array<i32>} : memref<128xi32, #tpu.memory_space<vmem>>, vector<16xi32>,
        %swap3A_565 = vector.shape_cast %swap3A_564 : vector<16xi32> to vector<16xi32>
        %swap3A_566 = vector.shape_cast %and3A_562 : vector<16xi32> to vector<16xi32>
        tpu.vector_store %arg11[%swap3A_563], %swap3A_566 {strides = array<i32>} : memref<128xi32, #tpu.memory_space<vmem>>, vector<16xi32>,
        %mul3A_567 = arith.constant 128 : i32
        %mul3A_568 = arith.muli %add3A_243, %mul3A_567 : i32
        %add3A_569 = arith.constant 32 : i32
        %add3A_570 = arith.addi %mul3A_568, %add3A_569 : i32
        %get3A_571 = arith.index_cast %add3A_570 : i32 to index
        %get3A_572 = tpu.vector_load %arg6[%get3A_571] {strides = array<i32>} : memref<15360xi32, #tpu.memory_space<vmem>>, vector<16xi32>,
        %get3A_573 = vector.shape_cast %get3A_572 : vector<16xi32> to vector<16xi32>
        %shift_right_arithmetic3A_574 = arith.constant 14 : i32
        %shift_right_arithmetic3A_575 = vector.broadcast %shift_right_arithmetic3A_574 : i32 to vector<16xi32>
        %shift_right_arithmetic3A_576 = arith.shrsi %get3A_573, %shift_right_arithmetic3A_575 : vector<16xi32>
        %and3A_577 = arith.constant 16383 : i32
        %and3A_578 = vector.broadcast %and3A_577 : i32 to vector<16xi32>
        %and3A_579 = arith.andi %shift_right_arithmetic3A_576, %and3A_578 : vector<16xi32>
        %swap3A_580 = arith.constant 32 : index
        %swap3A_581 = tpu.vector_load %arg11[%swap3A_580] {strides = array<i32>} : memref<128xi32, #tpu.memory_space<vmem>>, vector<16xi32>,
        %swap3A_582 = vector.shape_cast %swap3A_581 : vector<16xi32> to vector<16xi32>
        %swap3A_583 = vector.shape_cast %and3A_579 : vector<16xi32> to vector<16xi32>
        tpu.vector_store %arg11[%swap3A_580], %swap3A_583 {strides = array<i32>} : memref<128xi32, #tpu.memory_space<vmem>>, vector<16xi32>,
        %mul3A_584 = arith.constant 128 : i32
        %mul3A_585 = arith.muli %add3A_243, %mul3A_584 : i32
        %add3A_586 = arith.constant 48 : i32
        %add3A_587 = arith.addi %mul3A_585, %add3A_586 : i32
        %get3A_588 = arith.index_cast %add3A_587 : i32 to index
        %get3A_589 = tpu.vector_load %arg6[%get3A_588] {strides = array<i32>} : memref<15360xi32, #tpu.memory_space<vmem>>, vector<16xi32>,
        %get3A_590 = vector.shape_cast %get3A_589 : vector<16xi32> to vector<16xi32>
        %shift_right_arithmetic3A_591 = arith.constant 14 : i32
        %shift_right_arithmetic3A_592 = vector.broadcast %shift_right_arithmetic3A_591 : i32 to vector<16xi32>
        %shift_right_arithmetic3A_593 = arith.shrsi %get3A_590, %shift_right_arithmetic3A_592 : vector<16xi32>
        %and3A_594 = arith.constant 16383 : i32
        %and3A_595 = vector.broadcast %and3A_594 : i32 to vector<16xi32>
        %and3A_596 = arith.andi %shift_right_arithmetic3A_593, %and3A_595 : vector<16xi32>
        %swap3A_597 = arith.constant 48 : index
        %swap3A_598 = tpu.vector_load %arg11[%swap3A_597] {strides = array<i32>} : memref<128xi32, #tpu.memory_space<vmem>>, vector<16xi32>,
        %swap3A_599 = vector.shape_cast %swap3A_598 : vector<16xi32> to vector<16xi32>
        %swap3A_600 = vector.shape_cast %and3A_596 : vector<16xi32> to vector<16xi32>
        tpu.vector_store %arg11[%swap3A_597], %swap3A_600 {strides = array<i32>} : memref<128xi32, #tpu.memory_space<vmem>>, vector<16xi32>,
        %mul3A_601 = arith.constant 128 : i32
        %mul3A_602 = arith.muli %add3A_243, %mul3A_601 : i32
        %add3A_603 = arith.constant 64 : i32
        %add3A_604 = arith.addi %mul3A_602, %add3A_603 : i32
        %get3A_605 = arith.index_cast %add3A_604 : i32 to index
        %get3A_606 = tpu.vector_load %arg6[%get3A_605] {strides = array<i32>} : memref<15360xi32, #tpu.memory_space<vmem>>, vector<16xi32>,
        %get3A_607 = vector.shape_cast %get3A_606 : vector<16xi32> to vector<16xi32>
        %shift_right_arithmetic3A_608 = arith.constant 14 : i32
        %shift_right_arithmetic3A_609 = vector.broadcast %shift_right_arithmetic3A_608 : i32 to vector<16xi32>
        %shift_right_arithmetic3A_610 = arith.shrsi %get3A_607, %shift_right_arithmetic3A_609 : vector<16xi32>
        %and3A_611 = arith.constant 16383 : i32
        %and3A_612 = vector.broadcast %and3A_611 : i32 to vector<16xi32>
        %and3A_613 = arith.andi %shift_right_arithmetic3A_610, %and3A_612 : vector<16xi32>
        %swap3A_614 = arith.constant 64 : index
        %swap3A_615 = tpu.vector_load %arg11[%swap3A_614] {strides = array<i32>} : memref<128xi32, #tpu.memory_space<vmem>>, vector<16xi32>,
        %swap3A_616 = vector.shape_cast %swap3A_615 : vector<16xi32> to vector<16xi32>
        %swap3A_617 = vector.shape_cast %and3A_613 : vector<16xi32> to vector<16xi32>
        tpu.vector_store %arg11[%swap3A_614], %swap3A_617 {strides = array<i32>} : memref<128xi32, #tpu.memory_space<vmem>>, vector<16xi32>,
        %mul3A_618 = arith.constant 128 : i32
        %mul3A_619 = arith.muli %add3A_243, %mul3A_618 : i32
        %add3A_620 = arith.constant 80 : i32
        %add3A_621 = arith.addi %mul3A_619, %add3A_620 : i32
        %get3A_622 = arith.index_cast %add3A_621 : i32 to index
        %get3A_623 = tpu.vector_load %arg6[%get3A_622] {strides = array<i32>} : memref<15360xi32, #tpu.memory_space<vmem>>, vector<16xi32>,
        %get3A_624 = vector.shape_cast %get3A_623 : vector<16xi32> to vector<16xi32>
        %shift_right_arithmetic3A_625 = arith.constant 14 : i32
        %shift_right_arithmetic3A_626 = vector.broadcast %shift_right_arithmetic3A_625 : i32 to vector<16xi32>
        %shift_right_arithmetic3A_627 = arith.shrsi %get3A_624, %shift_right_arithmetic3A_626 : vector<16xi32>
        %and3A_628 = arith.constant 16383 : i32
        %and3A_629 = vector.broadcast %and3A_628 : i32 to vector<16xi32>
        %and3A_630 = arith.andi %shift_right_arithmetic3A_627, %and3A_629 : vector<16xi32>
        %swap3A_631 = arith.constant 80 : index
        %swap3A_632 = tpu.vector_load %arg11[%swap3A_631] {strides = array<i32>} : memref<128xi32, #tpu.memory_space<vmem>>, vector<16xi32>,
        %swap3A_633 = vector.shape_cast %swap3A_632 : vector<16xi32> to vector<16xi32>
        %swap3A_634 = vector.shape_cast %and3A_630 : vector<16xi32> to vector<16xi32>
        tpu.vector_store %arg11[%swap3A_631], %swap3A_634 {strides = array<i32>} : memref<128xi32, #tpu.memory_space<vmem>>, vector<16xi32>,
        %mul3A_635 = arith.constant 128 : i32
        %mul3A_636 = arith.muli %add3A_243, %mul3A_635 : i32
        %add3A_637 = arith.constant 96 : i32
        %add3A_638 = arith.addi %mul3A_636, %add3A_637 : i32
        %get3A_639 = arith.index_cast %add3A_638 : i32 to index
        %get3A_640 = tpu.vector_load %arg6[%get3A_639] {strides = array<i32>} : memref<15360xi32, #tpu.memory_space<vmem>>, vector<16xi32>,
        %get3A_641 = vector.shape_cast %get3A_640 : vector<16xi32> to vector<16xi32>
        %shift_right_arithmetic3A_642 = arith.constant 14 : i32
        %shift_right_arithmetic3A_643 = vector.broadcast %shift_right_arithmetic3A_642 : i32 to vector<16xi32>
        %shift_right_arithmetic3A_644 = arith.shrsi %get3A_641, %shift_right_arithmetic3A_643 : vector<16xi32>
        %and3A_645 = arith.constant 16383 : i32
        %and3A_646 = vector.broadcast %and3A_645 : i32 to vector<16xi32>
        %and3A_647 = arith.andi %shift_right_arithmetic3A_644, %and3A_646 : vector<16xi32>
        %swap3A_648 = arith.constant 96 : index
        %swap3A_649 = tpu.vector_load %arg11[%swap3A_648] {strides = array<i32>} : memref<128xi32, #tpu.memory_space<vmem>>, vector<16xi32>,
        %swap3A_650 = vector.shape_cast %swap3A_649 : vector<16xi32> to vector<16xi32>
        %swap3A_651 = vector.shape_cast %and3A_647 : vector<16xi32> to vector<16xi32>
        tpu.vector_store %arg11[%swap3A_648], %swap3A_651 {strides = array<i32>} : memref<128xi32, #tpu.memory_space<vmem>>, vector<16xi32>,
        %mul3A_652 = arith.constant 128 : i32
        %mul3A_653 = arith.muli %add3A_243, %mul3A_652 : i32
        %add3A_654 = arith.constant 112 : i32
        %add3A_655 = arith.addi %mul3A_653, %add3A_654 : i32
        %get3A_656 = arith.index_cast %add3A_655 : i32 to index
        %get3A_657 = tpu.vector_load %arg6[%get3A_656] {strides = array<i32>} : memref<15360xi32, #tpu.memory_space<vmem>>, vector<16xi32>,
        %get3A_658 = vector.shape_cast %get3A_657 : vector<16xi32> to vector<16xi32>
        %shift_right_arithmetic3A_659 = arith.constant 14 : i32
        %shift_right_arithmetic3A_660 = vector.broadcast %shift_right_arithmetic3A_659 : i32 to vector<16xi32>
        %shift_right_arithmetic3A_661 = arith.shrsi %get3A_658, %shift_right_arithmetic3A_660 : vector<16xi32>
        %and3A_662 = arith.constant 16383 : i32
        %and3A_663 = vector.broadcast %and3A_662 : i32 to vector<16xi32>
        %and3A_664 = arith.andi %shift_right_arithmetic3A_661, %and3A_663 : vector<16xi32>
        %swap3A_665 = arith.constant 112 : index
        %swap3A_666 = tpu.vector_load %arg11[%swap3A_665] {strides = array<i32>} : memref<128xi32, #tpu.memory_space<vmem>>, vector<16xi32>,
        %swap3A_667 = vector.shape_cast %swap3A_666 : vector<16xi32> to vector<16xi32>
        %swap3A_668 = vector.shape_cast %and3A_664 : vector<16xi32> to vector<16xi32>
        tpu.vector_store %arg11[%swap3A_665], %swap3A_668 {strides = array<i32>} : memref<128xi32, #tpu.memory_space<vmem>>, vector<16xi32>,
        "tpu.region"() ({
          %run_scoped3A_669 = tpu.sem_alloc : memref<!tpu.dma_semaphore, #tpu.memory_space<semaphore_mem>>
          %dma_start3A_670 = arith.constant 0 : i32
          %dma_start3A_671 = arith.constant 0 : i32
          %dma_start3A_672 = tpu.memref_slice %arg15[%dma_start3A_670, %dma_start3A_671] : memref<10112x128xf32, #tpu.memory_space<vmem_shared>> -> memref<10112x128xf32, #tpu.memory_space<vmem_shared>>
          tpu.enqueue_indirect_dma source(%arg8 : memref<128x128xf32, #tpu.memory_space<vmem>>) target(%dma_start3A_672 : memref<10112x128xf32, #tpu.memory_space<vmem_shared>>) offsets(%arg11 : memref<128xi32, #tpu.memory_space<vmem>>) semaphore(%run_scoped3A_669 : memref<!tpu.dma_semaphore, #tpu.memory_space<semaphore_mem>>) {add = true}
          %dma_wait3A_673 = arith.constant 0 : i32
          %dma_wait3A_674 = arith.constant 0 : i32
          %dma_wait3A_675 = tpu.memref_slice %arg15[%dma_wait3A_673, %dma_wait3A_674] : memref<10112x128xf32, #tpu.memory_space<vmem_shared>> -> memref<10112x128xf32, #tpu.memory_space<vmem_shared>>
          tpu.wait_indirect_dma semaphore(%run_scoped3A_669 : memref<!tpu.dma_semaphore, #tpu.memory_space<semaphore_mem>>) src(%arg8 : memref<128x128xf32, #tpu.memory_space<vmem>>) dst(%dma_wait3A_675 : memref<10112x128xf32, #tpu.memory_space<vmem_shared>>)
          tpu.yield
        }) : () -> ()
        "tpu.region"() ({
          %run_scoped3A_669 = tpu.sem_alloc : memref<!tpu.dma_semaphore, #tpu.memory_space<semaphore_mem>>
          %dma_start3A_670 = arith.constant 0 : i32
          %dma_start3A_671 = tpu.memref_slice %arg16[%dma_start3A_670] : memref<10240xf32, #tpu.memory_space<vmem_shared>> -> memref<10240xf32, #tpu.memory_space<vmem_shared>>
          tpu.enqueue_indirect_dma source(%arg12 : memref<128xf32, #tpu.memory_space<vmem>>) target(%dma_start3A_671 : memref<10240xf32, #tpu.memory_space<vmem_shared>>) offsets(%arg11 : memref<128xi32, #tpu.memory_space<vmem>>) semaphore(%run_scoped3A_669 : memref<!tpu.dma_semaphore, #tpu.memory_space<semaphore_mem>>) {add = true}
          %dma_wait3A_672 = arith.constant 0 : i32
          %dma_wait3A_673 = tpu.memref_slice %arg16[%dma_wait3A_672] : memref<10240xf32, #tpu.memory_space<vmem_shared>> -> memref<10240xf32, #tpu.memory_space<vmem_shared>>
          tpu.wait_indirect_dma semaphore(%run_scoped3A_669 : memref<!tpu.dma_semaphore, #tpu.memory_space<semaphore_mem>>) src(%arg12 : memref<128xf32, #tpu.memory_space<vmem>>) dst(%dma_wait3A_673 : memref<10240xf32, #tpu.memory_space<vmem_shared>>)
          tpu.yield
        }) : () -> ()
      }
      %scan3A_236 = arith.constant 60 : i32
    } else {
    }
    %eq3A_112 = arith.constant 1 : i32
    %eq3A_113 = arith.cmpi eq, %arg0, %eq3A_112 : i32
    %convert_element_type3A_114 = arith.extui %eq3A_113 : i1 to i32
    %cond3A_115 = arith.constant 0 : i32
    %cond3A_116 = arith.cmpi ne, %convert_element_type3A_114, %cond3A_115 : i32
    scf.if %cond3A_116 {
      %get3A = arith.constant 0 : index
      %get3A_128 = tpu.vector_load %arg6[%get3A] {strides = array<i32>} : memref<15360xi32, #tpu.memory_space<vmem>>, vector<16xi32>,
      %get3A_129 = vector.shape_cast %get3A_128 : vector<16xi32> to vector<16xi32>
      %shift_right_arithmetic3A = arith.constant 0 : i32
      %shift_right_arithmetic3A_130 = vector.broadcast %shift_right_arithmetic3A : i32 to vector<16xi32>
      %shift_right_arithmetic3A_131 = arith.shrsi %get3A_129, %shift_right_arithmetic3A_130 : vector<16xi32>
      %and3A = arith.constant 16383 : i32
      %and3A_132 = vector.broadcast %and3A : i32 to vector<16xi32>
      %and3A_133 = arith.andi %shift_right_arithmetic3A_131, %and3A_132 : vector<16xi32>
      %swap3A_134 = arith.constant 0 : index
      %swap3A_135 = tpu.vector_load %arg9[%swap3A_134] {strides = array<i32>} : memref<128xi32, #tpu.memory_space<vmem>>, vector<16xi32>,
      %swap3A_136 = vector.shape_cast %swap3A_135 : vector<16xi32> to vector<16xi32>
      %swap3A_137 = vector.shape_cast %and3A_133 : vector<16xi32> to vector<16xi32>
      tpu.vector_store %arg9[%swap3A_134], %swap3A_137 {strides = array<i32>} : memref<128xi32, #tpu.memory_space<vmem>>, vector<16xi32>,
      %get3A_138 = arith.constant 16 : index
      %get3A_139 = tpu.vector_load %arg6[%get3A_138] {strides = array<i32>} : memref<15360xi32, #tpu.memory_space<vmem>>, vector<16xi32>,
      %get3A_140 = vector.shape_cast %get3A_139 : vector<16xi32> to vector<16xi32>
      %shift_right_arithmetic3A_141 = arith.constant 0 : i32
      %shift_right_arithmetic3A_142 = vector.broadcast %shift_right_arithmetic3A_141 : i32 to vector<16xi32>
      %shift_right_arithmetic3A_143 = arith.shrsi %get3A_140, %shift_right_arithmetic3A_142 : vector<16xi32>
      %and3A_144 = arith.constant 16383 : i32
      %and3A_145 = vector.broadcast %and3A_144 : i32 to vector<16xi32>
      %and3A_146 = arith.andi %shift_right_arithmetic3A_143, %and3A_145 : vector<16xi32>
      %swap3A_147 = arith.constant 16 : index
      %swap3A_148 = tpu.vector_load %arg9[%swap3A_147] {strides = array<i32>} : memref<128xi32, #tpu.memory_space<vmem>>, vector<16xi32>,
      %swap3A_149 = vector.shape_cast %swap3A_148 : vector<16xi32> to vector<16xi32>
      %swap3A_150 = vector.shape_cast %and3A_146 : vector<16xi32> to vector<16xi32>
      tpu.vector_store %arg9[%swap3A_147], %swap3A_150 {strides = array<i32>} : memref<128xi32, #tpu.memory_space<vmem>>, vector<16xi32>,
      %get3A_151 = arith.constant 32 : index
      %get3A_152 = tpu.vector_load %arg6[%get3A_151] {strides = array<i32>} : memref<15360xi32, #tpu.memory_space<vmem>>, vector<16xi32>,
      %get3A_153 = vector.shape_cast %get3A_152 : vector<16xi32> to vector<16xi32>
      %shift_right_arithmetic3A_154 = arith.constant 0 : i32
      %shift_right_arithmetic3A_155 = vector.broadcast %shift_right_arithmetic3A_154 : i32 to vector<16xi32>
      %shift_right_arithmetic3A_156 = arith.shrsi %get3A_153, %shift_right_arithmetic3A_155 : vector<16xi32>
      %and3A_157 = arith.constant 16383 : i32
      %and3A_158 = vector.broadcast %and3A_157 : i32 to vector<16xi32>
      %and3A_159 = arith.andi %shift_right_arithmetic3A_156, %and3A_158 : vector<16xi32>
      %swap3A_160 = arith.constant 32 : index
      %swap3A_161 = tpu.vector_load %arg9[%swap3A_160] {strides = array<i32>} : memref<128xi32, #tpu.memory_space<vmem>>, vector<16xi32>,
      %swap3A_162 = vector.shape_cast %swap3A_161 : vector<16xi32> to vector<16xi32>
      %swap3A_163 = vector.shape_cast %and3A_159 : vector<16xi32> to vector<16xi32>
      tpu.vector_store %arg9[%swap3A_160], %swap3A_163 {strides = array<i32>} : memref<128xi32, #tpu.memory_space<vmem>>, vector<16xi32>,
      %get3A_164 = arith.constant 48 : index
      %get3A_165 = tpu.vector_load %arg6[%get3A_164] {strides = array<i32>} : memref<15360xi32, #tpu.memory_space<vmem>>, vector<16xi32>,
      %get3A_166 = vector.shape_cast %get3A_165 : vector<16xi32> to vector<16xi32>
      %shift_right_arithmetic3A_167 = arith.constant 0 : i32
      %shift_right_arithmetic3A_168 = vector.broadcast %shift_right_arithmetic3A_167 : i32 to vector<16xi32>
      %shift_right_arithmetic3A_169 = arith.shrsi %get3A_166, %shift_right_arithmetic3A_168 : vector<16xi32>
      %and3A_170 = arith.constant 16383 : i32
      %and3A_171 = vector.broadcast %and3A_170 : i32 to vector<16xi32>
      %and3A_172 = arith.andi %shift_right_arithmetic3A_169, %and3A_171 : vector<16xi32>
      %swap3A_173 = arith.constant 48 : index
      %swap3A_174 = tpu.vector_load %arg9[%swap3A_173] {strides = array<i32>} : memref<128xi32, #tpu.memory_space<vmem>>, vector<16xi32>,
      %swap3A_175 = vector.shape_cast %swap3A_174 : vector<16xi32> to vector<16xi32>
      %swap3A_176 = vector.shape_cast %and3A_172 : vector<16xi32> to vector<16xi32>
      tpu.vector_store %arg9[%swap3A_173], %swap3A_176 {strides = array<i32>} : memref<128xi32, #tpu.memory_space<vmem>>, vector<16xi32>,
      %get3A_177 = arith.constant 64 : index
      %get3A_178 = tpu.vector_load %arg6[%get3A_177] {strides = array<i32>} : memref<15360xi32, #tpu.memory_space<vmem>>, vector<16xi32>,
      %get3A_179 = vector.shape_cast %get3A_178 : vector<16xi32> to vector<16xi32>
      %shift_right_arithmetic3A_180 = arith.constant 0 : i32
      %shift_right_arithmetic3A_181 = vector.broadcast %shift_right_arithmetic3A_180 : i32 to vector<16xi32>
      %shift_right_arithmetic3A_182 = arith.shrsi %get3A_179, %shift_right_arithmetic3A_181 : vector<16xi32>
      %and3A_183 = arith.constant 16383 : i32
      %and3A_184 = vector.broadcast %and3A_183 : i32 to vector<16xi32>
      %and3A_185 = arith.andi %shift_right_arithmetic3A_182, %and3A_184 : vector<16xi32>
      %swap3A_186 = arith.constant 64 : index
      %swap3A_187 = tpu.vector_load %arg9[%swap3A_186] {strides = array<i32>} : memref<128xi32, #tpu.memory_space<vmem>>, vector<16xi32>,
      %swap3A_188 = vector.shape_cast %swap3A_187 : vector<16xi32> to vector<16xi32>
      %swap3A_189 = vector.shape_cast %and3A_185 : vector<16xi32> to vector<16xi32>
      tpu.vector_store %arg9[%swap3A_186], %swap3A_189 {strides = array<i32>} : memref<128xi32, #tpu.memory_space<vmem>>, vector<16xi32>,
      %get3A_190 = arith.constant 80 : index
      %get3A_191 = tpu.vector_load %arg6[%get3A_190] {strides = array<i32>} : memref<15360xi32, #tpu.memory_space<vmem>>, vector<16xi32>,
      %get3A_192 = vector.shape_cast %get3A_191 : vector<16xi32> to vector<16xi32>
      %shift_right_arithmetic3A_193 = arith.constant 0 : i32
      %shift_right_arithmetic3A_194 = vector.broadcast %shift_right_arithmetic3A_193 : i32 to vector<16xi32>
      %shift_right_arithmetic3A_195 = arith.shrsi %get3A_192, %shift_right_arithmetic3A_194 : vector<16xi32>
      %and3A_196 = arith.constant 16383 : i32
      %and3A_197 = vector.broadcast %and3A_196 : i32 to vector<16xi32>
      %and3A_198 = arith.andi %shift_right_arithmetic3A_195, %and3A_197 : vector<16xi32>
      %swap3A_199 = arith.constant 80 : index
      %swap3A_200 = tpu.vector_load %arg9[%swap3A_199] {strides = array<i32>} : memref<128xi32, #tpu.memory_space<vmem>>, vector<16xi32>,
      %swap3A_201 = vector.shape_cast %swap3A_200 : vector<16xi32> to vector<16xi32>
      %swap3A_202 = vector.shape_cast %and3A_198 : vector<16xi32> to vector<16xi32>
      tpu.vector_store %arg9[%swap3A_199], %swap3A_202 {strides = array<i32>} : memref<128xi32, #tpu.memory_space<vmem>>, vector<16xi32>,
      %get3A_203 = arith.constant 96 : index
      %get3A_204 = tpu.vector_load %arg6[%get3A_203] {strides = array<i32>} : memref<15360xi32, #tpu.memory_space<vmem>>, vector<16xi32>,
      %get3A_205 = vector.shape_cast %get3A_204 : vector<16xi32> to vector<16xi32>
      %shift_right_arithmetic3A_206 = arith.constant 0 : i32
      %shift_right_arithmetic3A_207 = vector.broadcast %shift_right_arithmetic3A_206 : i32 to vector<16xi32>
      %shift_right_arithmetic3A_208 = arith.shrsi %get3A_205, %shift_right_arithmetic3A_207 : vector<16xi32>
      %and3A_209 = arith.constant 16383 : i32
      %and3A_210 = vector.broadcast %and3A_209 : i32 to vector<16xi32>
      %and3A_211 = arith.andi %shift_right_arithmetic3A_208, %and3A_210 : vector<16xi32>
      %swap3A_212 = arith.constant 96 : index
      %swap3A_213 = tpu.vector_load %arg9[%swap3A_212] {strides = array<i32>} : memref<128xi32, #tpu.memory_space<vmem>>, vector<16xi32>,
      %swap3A_214 = vector.shape_cast %swap3A_213 : vector<16xi32> to vector<16xi32>
      %swap3A_215 = vector.shape_cast %and3A_211 : vector<16xi32> to vector<16xi32>
      tpu.vector_store %arg9[%swap3A_212], %swap3A_215 {strides = array<i32>} : memref<128xi32, #tpu.memory_space<vmem>>, vector<16xi32>,
      %get3A_216 = arith.constant 112 : index
      %get3A_217 = tpu.vector_load %arg6[%get3A_216] {strides = array<i32>} : memref<15360xi32, #tpu.memory_space<vmem>>, vector<16xi32>,
      %get3A_218 = vector.shape_cast %get3A_217 : vector<16xi32> to vector<16xi32>
      %shift_right_arithmetic3A_219 = arith.constant 0 : i32
      %shift_right_arithmetic3A_220 = vector.broadcast %shift_right_arithmetic3A_219 : i32 to vector<16xi32>
      %shift_right_arithmetic3A_221 = arith.shrsi %get3A_218, %shift_right_arithmetic3A_220 : vector<16xi32>
      %and3A_222 = arith.constant 16383 : i32
      %and3A_223 = vector.broadcast %and3A_222 : i32 to vector<16xi32>
      %and3A_224 = arith.andi %shift_right_arithmetic3A_221, %and3A_223 : vector<16xi32>
      %swap3A_225 = arith.constant 112 : index
      %swap3A_226 = tpu.vector_load %arg9[%swap3A_225] {strides = array<i32>} : memref<128xi32, #tpu.memory_space<vmem>>, vector<16xi32>,
      %swap3A_227 = vector.shape_cast %swap3A_226 : vector<16xi32> to vector<16xi32>
      %swap3A_228 = vector.shape_cast %and3A_224 : vector<16xi32> to vector<16xi32>
      tpu.vector_store %arg9[%swap3A_225], %swap3A_228 {strides = array<i32>} : memref<128xi32, #tpu.memory_space<vmem>>, vector<16xi32>,
      %dma_start3A = arith.constant 0 : i32
      %dma_start3A_229 = arith.constant 0 : i32
      %dma_start3A_230 = tpu.memref_slice %arg2[%dma_start3A, %dma_start3A_229] : memref<10000x128xf32, #tpu.memory_space<hbm>> -> memref<10000x128xf32, #tpu.memory_space<hbm>>
      tpu.enqueue_indirect_dma source(%dma_start3A_230 : memref<10000x128xf32, #tpu.memory_space<hbm>>) target(%arg7 : memref<128x128xf32, #tpu.memory_space<vmem>>) offsets(%arg9 : memref<128xi32, #tpu.memory_space<vmem>>) semaphore(%arg13 : memref<!tpu.dma_semaphore, #tpu.memory_space<semaphore_mem>>)
      %scan3A_231 = arith.constant 0 : i32
      %scan3A_232 = arith.constant 0 : i32
      %scan3A_233 = arith.constant 20 : i32
      %scan3A_234 = arith.addi %scan3A_232, %scan3A_233 : i32
      %scan3A_235 = arith.constant 1 : i32
      scf.for %scan3A_237 = %scan3A_232 to %scan3A_234 step %scan3A_235  : i32 {
        %mul3A_238 = arith.constant 2 : i32
        %mul3A_239 = arith.muli %mul3A_238, %scan3A_237 : i32
        %mul3A_240 = arith.constant 2 : i32
        %mul3A_241 = arith.muli %mul3A_240, %scan3A_237 : i32
        %add3A_242 = arith.constant 1 : i32
        %add3A_243 = arith.addi %mul3A_241, %add3A_242 : i32
        %mul3A_244 = arith.constant 128 : i32
        %mul3A_245 = arith.muli %add3A_243, %mul3A_244 : i32
        %add3A_246 = arith.constant 0 : i32
        %add3A_247 = arith.addi %mul3A_245, %add3A_246 : i32
        %get3A_248 = arith.index_cast %add3A_247 : i32 to index
        %get3A_249 = tpu.vector_load %arg6[%get3A_248] {strides = array<i32>} : memref<15360xi32, #tpu.memory_space<vmem>>, vector<16xi32>,
        %get3A_250 = vector.shape_cast %get3A_249 : vector<16xi32> to vector<16xi32>
        %shift_right_arithmetic3A_251 = arith.constant 0 : i32
        %shift_right_arithmetic3A_252 = vector.broadcast %shift_right_arithmetic3A_251 : i32 to vector<16xi32>
        %shift_right_arithmetic3A_253 = arith.shrsi %get3A_250, %shift_right_arithmetic3A_252 : vector<16xi32>
        %and3A_254 = arith.constant 16383 : i32
        %and3A_255 = vector.broadcast %and3A_254 : i32 to vector<16xi32>
        %and3A_256 = arith.andi %shift_right_arithmetic3A_253, %and3A_255 : vector<16xi32>
        %swap3A_257 = arith.constant 0 : index
        %swap3A_258 = tpu.vector_load %arg10[%swap3A_257] {strides = array<i32>} : memref<128xi32, #tpu.memory_space<vmem>>, vector<16xi32>,
        %swap3A_259 = vector.shape_cast %swap3A_258 : vector<16xi32> to vector<16xi32>
        %swap3A_260 = vector.shape_cast %and3A_256 : vector<16xi32> to vector<16xi32>
        tpu.vector_store %arg10[%swap3A_257], %swap3A_260 {strides = array<i32>} : memref<128xi32, #tpu.memory_space<vmem>>, vector<16xi32>,
        %mul3A_261 = arith.constant 128 : i32
        %mul3A_262 = arith.muli %add3A_243, %mul3A_261 : i32
        %add3A_263 = arith.constant 16 : i32
        %add3A_264 = arith.addi %mul3A_262, %add3A_263 : i32
        %get3A_265 = arith.index_cast %add3A_264 : i32 to index
        %get3A_266 = tpu.vector_load %arg6[%get3A_265] {strides = array<i32>} : memref<15360xi32, #tpu.memory_space<vmem>>, vector<16xi32>,
        %get3A_267 = vector.shape_cast %get3A_266 : vector<16xi32> to vector<16xi32>
        %shift_right_arithmetic3A_268 = arith.constant 0 : i32
        %shift_right_arithmetic3A_269 = vector.broadcast %shift_right_arithmetic3A_268 : i32 to vector<16xi32>
        %shift_right_arithmetic3A_270 = arith.shrsi %get3A_267, %shift_right_arithmetic3A_269 : vector<16xi32>
        %and3A_271 = arith.constant 16383 : i32
        %and3A_272 = vector.broadcast %and3A_271 : i32 to vector<16xi32>
        %and3A_273 = arith.andi %shift_right_arithmetic3A_270, %and3A_272 : vector<16xi32>
        %swap3A_274 = arith.constant 16 : index
        %swap3A_275 = tpu.vector_load %arg10[%swap3A_274] {strides = array<i32>} : memref<128xi32, #tpu.memory_space<vmem>>, vector<16xi32>,
        %swap3A_276 = vector.shape_cast %swap3A_275 : vector<16xi32> to vector<16xi32>
        %swap3A_277 = vector.shape_cast %and3A_273 : vector<16xi32> to vector<16xi32>
        tpu.vector_store %arg10[%swap3A_274], %swap3A_277 {strides = array<i32>} : memref<128xi32, #tpu.memory_space<vmem>>, vector<16xi32>,
        %mul3A_278 = arith.constant 128 : i32
        %mul3A_279 = arith.muli %add3A_243, %mul3A_278 : i32
        %add3A_280 = arith.constant 32 : i32
        %add3A_281 = arith.addi %mul3A_279, %add3A_280 : i32
        %get3A_282 = arith.index_cast %add3A_281 : i32 to index
        %get3A_283 = tpu.vector_load %arg6[%get3A_282] {strides = array<i32>} : memref<15360xi32, #tpu.memory_space<vmem>>, vector<16xi32>,
        %get3A_284 = vector.shape_cast %get3A_283 : vector<16xi32> to vector<16xi32>
        %shift_right_arithmetic3A_285 = arith.constant 0 : i32
        %shift_right_arithmetic3A_286 = vector.broadcast %shift_right_arithmetic3A_285 : i32 to vector<16xi32>
        %shift_right_arithmetic3A_287 = arith.shrsi %get3A_284, %shift_right_arithmetic3A_286 : vector<16xi32>
        %and3A_288 = arith.constant 16383 : i32
        %and3A_289 = vector.broadcast %and3A_288 : i32 to vector<16xi32>
        %and3A_290 = arith.andi %shift_right_arithmetic3A_287, %and3A_289 : vector<16xi32>
        %swap3A_291 = arith.constant 32 : index
        %swap3A_292 = tpu.vector_load %arg10[%swap3A_291] {strides = array<i32>} : memref<128xi32, #tpu.memory_space<vmem>>, vector<16xi32>,
        %swap3A_293 = vector.shape_cast %swap3A_292 : vector<16xi32> to vector<16xi32>
        %swap3A_294 = vector.shape_cast %and3A_290 : vector<16xi32> to vector<16xi32>
        tpu.vector_store %arg10[%swap3A_291], %swap3A_294 {strides = array<i32>} : memref<128xi32, #tpu.memory_space<vmem>>, vector<16xi32>,
        %mul3A_295 = arith.constant 128 : i32
        %mul3A_296 = arith.muli %add3A_243, %mul3A_295 : i32
        %add3A_297 = arith.constant 48 : i32
        %add3A_298 = arith.addi %mul3A_296, %add3A_297 : i32
        %get3A_299 = arith.index_cast %add3A_298 : i32 to index
        %get3A_300 = tpu.vector_load %arg6[%get3A_299] {strides = array<i32>} : memref<15360xi32, #tpu.memory_space<vmem>>, vector<16xi32>,
        %get3A_301 = vector.shape_cast %get3A_300 : vector<16xi32> to vector<16xi32>
        %shift_right_arithmetic3A_302 = arith.constant 0 : i32
        %shift_right_arithmetic3A_303 = vector.broadcast %shift_right_arithmetic3A_302 : i32 to vector<16xi32>
        %shift_right_arithmetic3A_304 = arith.shrsi %get3A_301, %shift_right_arithmetic3A_303 : vector<16xi32>
        %and3A_305 = arith.constant 16383 : i32
        %and3A_306 = vector.broadcast %and3A_305 : i32 to vector<16xi32>
        %and3A_307 = arith.andi %shift_right_arithmetic3A_304, %and3A_306 : vector<16xi32>
        %swap3A_308 = arith.constant 48 : index
        %swap3A_309 = tpu.vector_load %arg10[%swap3A_308] {strides = array<i32>} : memref<128xi32, #tpu.memory_space<vmem>>, vector<16xi32>,
        %swap3A_310 = vector.shape_cast %swap3A_309 : vector<16xi32> to vector<16xi32>
        %swap3A_311 = vector.shape_cast %and3A_307 : vector<16xi32> to vector<16xi32>
        tpu.vector_store %arg10[%swap3A_308], %swap3A_311 {strides = array<i32>} : memref<128xi32, #tpu.memory_space<vmem>>, vector<16xi32>,
        %mul3A_312 = arith.constant 128 : i32
        %mul3A_313 = arith.muli %add3A_243, %mul3A_312 : i32
        %add3A_314 = arith.constant 64 : i32
        %add3A_315 = arith.addi %mul3A_313, %add3A_314 : i32
        %get3A_316 = arith.index_cast %add3A_315 : i32 to index
        %get3A_317 = tpu.vector_load %arg6[%get3A_316] {strides = array<i32>} : memref<15360xi32, #tpu.memory_space<vmem>>, vector<16xi32>,
        %get3A_318 = vector.shape_cast %get3A_317 : vector<16xi32> to vector<16xi32>
        %shift_right_arithmetic3A_319 = arith.constant 0 : i32
        %shift_right_arithmetic3A_320 = vector.broadcast %shift_right_arithmetic3A_319 : i32 to vector<16xi32>
        %shift_right_arithmetic3A_321 = arith.shrsi %get3A_318, %shift_right_arithmetic3A_320 : vector<16xi32>
        %and3A_322 = arith.constant 16383 : i32
        %and3A_323 = vector.broadcast %and3A_322 : i32 to vector<16xi32>
        %and3A_324 = arith.andi %shift_right_arithmetic3A_321, %and3A_323 : vector<16xi32>
        %swap3A_325 = arith.constant 64 : index
        %swap3A_326 = tpu.vector_load %arg10[%swap3A_325] {strides = array<i32>} : memref<128xi32, #tpu.memory_space<vmem>>, vector<16xi32>,
        %swap3A_327 = vector.shape_cast %swap3A_326 : vector<16xi32> to vector<16xi32>
        %swap3A_328 = vector.shape_cast %and3A_324 : vector<16xi32> to vector<16xi32>
        tpu.vector_store %arg10[%swap3A_325], %swap3A_328 {strides = array<i32>} : memref<128xi32, #tpu.memory_space<vmem>>, vector<16xi32>,
        %mul3A_329 = arith.constant 128 : i32
        %mul3A_330 = arith.muli %add3A_243, %mul3A_329 : i32
        %add3A_331 = arith.constant 80 : i32
        %add3A_332 = arith.addi %mul3A_330, %add3A_331 : i32
        %get3A_333 = arith.index_cast %add3A_332 : i32 to index
        %get3A_334 = tpu.vector_load %arg6[%get3A_333] {strides = array<i32>} : memref<15360xi32, #tpu.memory_space<vmem>>, vector<16xi32>,
        %get3A_335 = vector.shape_cast %get3A_334 : vector<16xi32> to vector<16xi32>
        %shift_right_arithmetic3A_336 = arith.constant 0 : i32
        %shift_right_arithmetic3A_337 = vector.broadcast %shift_right_arithmetic3A_336 : i32 to vector<16xi32>
        %shift_right_arithmetic3A_338 = arith.shrsi %get3A_335, %shift_right_arithmetic3A_337 : vector<16xi32>
        %and3A_339 = arith.constant 16383 : i32
        %and3A_340 = vector.broadcast %and3A_339 : i32 to vector<16xi32>
        %and3A_341 = arith.andi %shift_right_arithmetic3A_338, %and3A_340 : vector<16xi32>
        %swap3A_342 = arith.constant 80 : index
        %swap3A_343 = tpu.vector_load %arg10[%swap3A_342] {strides = array<i32>} : memref<128xi32, #tpu.memory_space<vmem>>, vector<16xi32>,
        %swap3A_344 = vector.shape_cast %swap3A_343 : vector<16xi32> to vector<16xi32>
        %swap3A_345 = vector.shape_cast %and3A_341 : vector<16xi32> to vector<16xi32>
        tpu.vector_store %arg10[%swap3A_342], %swap3A_345 {strides = array<i32>} : memref<128xi32, #tpu.memory_space<vmem>>, vector<16xi32>,
        %mul3A_346 = arith.constant 128 : i32
        %mul3A_347 = arith.muli %add3A_243, %mul3A_346 : i32
        %add3A_348 = arith.constant 96 : i32
        %add3A_349 = arith.addi %mul3A_347, %add3A_348 : i32
        %get3A_350 = arith.index_cast %add3A_349 : i32 to index
        %get3A_351 = tpu.vector_load %arg6[%get3A_350] {strides = array<i32>} : memref<15360xi32, #tpu.memory_space<vmem>>, vector<16xi32>,
        %get3A_352 = vector.shape_cast %get3A_351 : vector<16xi32> to vector<16xi32>
        %shift_right_arithmetic3A_353 = arith.constant 0 : i32
        %shift_right_arithmetic3A_354 = vector.broadcast %shift_right_arithmetic3A_353 : i32 to vector<16xi32>
        %shift_right_arithmetic3A_355 = arith.shrsi %get3A_352, %shift_right_arithmetic3A_354 : vector<16xi32>
        %and3A_356 = arith.constant 16383 : i32
        %and3A_357 = vector.broadcast %and3A_356 : i32 to vector<16xi32>
        %and3A_358 = arith.andi %shift_right_arithmetic3A_355, %and3A_357 : vector<16xi32>
        %swap3A_359 = arith.constant 96 : index
        %swap3A_360 = tpu.vector_load %arg10[%swap3A_359] {strides = array<i32>} : memref<128xi32, #tpu.memory_space<vmem>>, vector<16xi32>,
        %swap3A_361 = vector.shape_cast %swap3A_360 : vector<16xi32> to vector<16xi32>
        %swap3A_362 = vector.shape_cast %and3A_358 : vector<16xi32> to vector<16xi32>
        tpu.vector_store %arg10[%swap3A_359], %swap3A_362 {strides = array<i32>} : memref<128xi32, #tpu.memory_space<vmem>>, vector<16xi32>,
        %mul3A_363 = arith.constant 128 : i32
        %mul3A_364 = arith.muli %add3A_243, %mul3A_363 : i32
        %add3A_365 = arith.constant 112 : i32
        %add3A_366 = arith.addi %mul3A_364, %add3A_365 : i32
        %get3A_367 = arith.index_cast %add3A_366 : i32 to index
        %get3A_368 = tpu.vector_load %arg6[%get3A_367] {strides = array<i32>} : memref<15360xi32, #tpu.memory_space<vmem>>, vector<16xi32>,
        %get3A_369 = vector.shape_cast %get3A_368 : vector<16xi32> to vector<16xi32>
        %shift_right_arithmetic3A_370 = arith.constant 0 : i32
        %shift_right_arithmetic3A_371 = vector.broadcast %shift_right_arithmetic3A_370 : i32 to vector<16xi32>
        %shift_right_arithmetic3A_372 = arith.shrsi %get3A_369, %shift_right_arithmetic3A_371 : vector<16xi32>
        %and3A_373 = arith.constant 16383 : i32
        %and3A_374 = vector.broadcast %and3A_373 : i32 to vector<16xi32>
        %and3A_375 = arith.andi %shift_right_arithmetic3A_372, %and3A_374 : vector<16xi32>
        %swap3A_376 = arith.constant 112 : index
        %swap3A_377 = tpu.vector_load %arg10[%swap3A_376] {strides = array<i32>} : memref<128xi32, #tpu.memory_space<vmem>>, vector<16xi32>,
        %swap3A_378 = vector.shape_cast %swap3A_377 : vector<16xi32> to vector<16xi32>
        %swap3A_379 = vector.shape_cast %and3A_375 : vector<16xi32> to vector<16xi32>
        tpu.vector_store %arg10[%swap3A_376], %swap3A_379 {strides = array<i32>} : memref<128xi32, #tpu.memory_space<vmem>>, vector<16xi32>,
        %dma_wait3A = arith.constant 0 : i32
        %dma_wait3A_380 = arith.constant 0 : i32
        %dma_wait3A_381 = tpu.memref_slice %arg2[%dma_wait3A, %dma_wait3A_380] : memref<10000x128xf32, #tpu.memory_space<hbm>> -> memref<10000x128xf32, #tpu.memory_space<hbm>>
        tpu.wait_indirect_dma semaphore(%arg13 : memref<!tpu.dma_semaphore, #tpu.memory_space<semaphore_mem>>) src(%dma_wait3A_381 : memref<10000x128xf32, #tpu.memory_space<hbm>>) dst(%arg7 : memref<128x128xf32, #tpu.memory_space<vmem>>)
        %dma_start3A_382 = arith.constant 0 : i32
        %dma_start3A_383 = arith.constant 0 : i32
        %dma_start3A_384 = tpu.memref_slice %arg2[%dma_start3A_382, %dma_start3A_383] : memref<10000x128xf32, #tpu.memory_space<hbm>> -> memref<10000x128xf32, #tpu.memory_space<hbm>>
        tpu.enqueue_indirect_dma source(%dma_start3A_384 : memref<10000x128xf32, #tpu.memory_space<hbm>>) target(%arg8 : memref<128x128xf32, #tpu.memory_space<vmem>>) offsets(%arg10 : memref<128xi32, #tpu.memory_space<vmem>>) semaphore(%arg14 : memref<!tpu.dma_semaphore, #tpu.memory_space<semaphore_mem>>)
        %mul3A_385 = arith.constant 128 : i32
        %mul3A_386 = arith.muli %mul3A_239, %mul3A_385 : i32
        %add3A_387 = arith.constant 0 : i32
        %add3A_388 = arith.addi %mul3A_386, %add3A_387 : i32
        %get3A_389 = arith.index_cast %add3A_388 : i32 to index
        %get3A_390 = tpu.vector_load %arg6[%get3A_389] {strides = array<i32>} : memref<15360xi32, #tpu.memory_space<vmem>>, vector<16xi32>,
        %get3A_391 = vector.shape_cast %get3A_390 : vector<16xi32> to vector<16xi32>
        %shift_right_arithmetic3A_392 = arith.constant 14 : i32
        %shift_right_arithmetic3A_393 = vector.broadcast %shift_right_arithmetic3A_392 : i32 to vector<16xi32>
        %shift_right_arithmetic3A_394 = arith.shrsi %get3A_391, %shift_right_arithmetic3A_393 : vector<16xi32>
        %and3A_395 = arith.constant 16383 : i32
        %and3A_396 = vector.broadcast %and3A_395 : i32 to vector<16xi32>
        %and3A_397 = arith.andi %shift_right_arithmetic3A_394, %and3A_396 : vector<16xi32>
        %swap3A_398 = arith.constant 0 : index
        %swap3A_399 = tpu.vector_load %arg11[%swap3A_398] {strides = array<i32>} : memref<128xi32, #tpu.memory_space<vmem>>, vector<16xi32>,
        %swap3A_400 = vector.shape_cast %swap3A_399 : vector<16xi32> to vector<16xi32>
        %swap3A_401 = vector.shape_cast %and3A_397 : vector<16xi32> to vector<16xi32>
        tpu.vector_store %arg11[%swap3A_398], %swap3A_401 {strides = array<i32>} : memref<128xi32, #tpu.memory_space<vmem>>, vector<16xi32>,
        %mul3A_402 = arith.constant 128 : i32
        %mul3A_403 = arith.muli %mul3A_239, %mul3A_402 : i32
        %add3A_404 = arith.constant 16 : i32
        %add3A_405 = arith.addi %mul3A_403, %add3A_404 : i32
        %get3A_406 = arith.index_cast %add3A_405 : i32 to index
        %get3A_407 = tpu.vector_load %arg6[%get3A_406] {strides = array<i32>} : memref<15360xi32, #tpu.memory_space<vmem>>, vector<16xi32>,
        %get3A_408 = vector.shape_cast %get3A_407 : vector<16xi32> to vector<16xi32>
        %shift_right_arithmetic3A_409 = arith.constant 14 : i32
        %shift_right_arithmetic3A_410 = vector.broadcast %shift_right_arithmetic3A_409 : i32 to vector<16xi32>
        %shift_right_arithmetic3A_411 = arith.shrsi %get3A_408, %shift_right_arithmetic3A_410 : vector<16xi32>
        %and3A_412 = arith.constant 16383 : i32
        %and3A_413 = vector.broadcast %and3A_412 : i32 to vector<16xi32>
        %and3A_414 = arith.andi %shift_right_arithmetic3A_411, %and3A_413 : vector<16xi32>
        %swap3A_415 = arith.constant 16 : index
        %swap3A_416 = tpu.vector_load %arg11[%swap3A_415] {strides = array<i32>} : memref<128xi32, #tpu.memory_space<vmem>>, vector<16xi32>,
        %swap3A_417 = vector.shape_cast %swap3A_416 : vector<16xi32> to vector<16xi32>
        %swap3A_418 = vector.shape_cast %and3A_414 : vector<16xi32> to vector<16xi32>
        tpu.vector_store %arg11[%swap3A_415], %swap3A_418 {strides = array<i32>} : memref<128xi32, #tpu.memory_space<vmem>>, vector<16xi32>,
        %mul3A_419 = arith.constant 128 : i32
        %mul3A_420 = arith.muli %mul3A_239, %mul3A_419 : i32
        %add3A_421 = arith.constant 32 : i32
        %add3A_422 = arith.addi %mul3A_420, %add3A_421 : i32
        %get3A_423 = arith.index_cast %add3A_422 : i32 to index
        %get3A_424 = tpu.vector_load %arg6[%get3A_423] {strides = array<i32>} : memref<15360xi32, #tpu.memory_space<vmem>>, vector<16xi32>,
        %get3A_425 = vector.shape_cast %get3A_424 : vector<16xi32> to vector<16xi32>
        %shift_right_arithmetic3A_426 = arith.constant 14 : i32
        %shift_right_arithmetic3A_427 = vector.broadcast %shift_right_arithmetic3A_426 : i32 to vector<16xi32>
        %shift_right_arithmetic3A_428 = arith.shrsi %get3A_425, %shift_right_arithmetic3A_427 : vector<16xi32>
        %and3A_429 = arith.constant 16383 : i32
        %and3A_430 = vector.broadcast %and3A_429 : i32 to vector<16xi32>
        %and3A_431 = arith.andi %shift_right_arithmetic3A_428, %and3A_430 : vector<16xi32>
        %swap3A_432 = arith.constant 32 : index
        %swap3A_433 = tpu.vector_load %arg11[%swap3A_432] {strides = array<i32>} : memref<128xi32, #tpu.memory_space<vmem>>, vector<16xi32>,
        %swap3A_434 = vector.shape_cast %swap3A_433 : vector<16xi32> to vector<16xi32>
        %swap3A_435 = vector.shape_cast %and3A_431 : vector<16xi32> to vector<16xi32>
        tpu.vector_store %arg11[%swap3A_432], %swap3A_435 {strides = array<i32>} : memref<128xi32, #tpu.memory_space<vmem>>, vector<16xi32>,
        %mul3A_436 = arith.constant 128 : i32
        %mul3A_437 = arith.muli %mul3A_239, %mul3A_436 : i32
        %add3A_438 = arith.constant 48 : i32
        %add3A_439 = arith.addi %mul3A_437, %add3A_438 : i32
        %get3A_440 = arith.index_cast %add3A_439 : i32 to index
        %get3A_441 = tpu.vector_load %arg6[%get3A_440] {strides = array<i32>} : memref<15360xi32, #tpu.memory_space<vmem>>, vector<16xi32>,
        %get3A_442 = vector.shape_cast %get3A_441 : vector<16xi32> to vector<16xi32>
        %shift_right_arithmetic3A_443 = arith.constant 14 : i32
        %shift_right_arithmetic3A_444 = vector.broadcast %shift_right_arithmetic3A_443 : i32 to vector<16xi32>
        %shift_right_arithmetic3A_445 = arith.shrsi %get3A_442, %shift_right_arithmetic3A_444 : vector<16xi32>
        %and3A_446 = arith.constant 16383 : i32
        %and3A_447 = vector.broadcast %and3A_446 : i32 to vector<16xi32>
        %and3A_448 = arith.andi %shift_right_arithmetic3A_445, %and3A_447 : vector<16xi32>
        %swap3A_449 = arith.constant 48 : index
        %swap3A_450 = tpu.vector_load %arg11[%swap3A_449] {strides = array<i32>} : memref<128xi32, #tpu.memory_space<vmem>>, vector<16xi32>,
        %swap3A_451 = vector.shape_cast %swap3A_450 : vector<16xi32> to vector<16xi32>
        %swap3A_452 = vector.shape_cast %and3A_448 : vector<16xi32> to vector<16xi32>
        tpu.vector_store %arg11[%swap3A_449], %swap3A_452 {strides = array<i32>} : memref<128xi32, #tpu.memory_space<vmem>>, vector<16xi32>,
        %mul3A_453 = arith.constant 128 : i32
        %mul3A_454 = arith.muli %mul3A_239, %mul3A_453 : i32
        %add3A_455 = arith.constant 64 : i32
        %add3A_456 = arith.addi %mul3A_454, %add3A_455 : i32
        %get3A_457 = arith.index_cast %add3A_456 : i32 to index
        %get3A_458 = tpu.vector_load %arg6[%get3A_457] {strides = array<i32>} : memref<15360xi32, #tpu.memory_space<vmem>>, vector<16xi32>,
        %get3A_459 = vector.shape_cast %get3A_458 : vector<16xi32> to vector<16xi32>
        %shift_right_arithmetic3A_460 = arith.constant 14 : i32
        %shift_right_arithmetic3A_461 = vector.broadcast %shift_right_arithmetic3A_460 : i32 to vector<16xi32>
        %shift_right_arithmetic3A_462 = arith.shrsi %get3A_459, %shift_right_arithmetic3A_461 : vector<16xi32>
        %and3A_463 = arith.constant 16383 : i32
        %and3A_464 = vector.broadcast %and3A_463 : i32 to vector<16xi32>
        %and3A_465 = arith.andi %shift_right_arithmetic3A_462, %and3A_464 : vector<16xi32>
        %swap3A_466 = arith.constant 64 : index
        %swap3A_467 = tpu.vector_load %arg11[%swap3A_466] {strides = array<i32>} : memref<128xi32, #tpu.memory_space<vmem>>, vector<16xi32>,
        %swap3A_468 = vector.shape_cast %swap3A_467 : vector<16xi32> to vector<16xi32>
        %swap3A_469 = vector.shape_cast %and3A_465 : vector<16xi32> to vector<16xi32>
        tpu.vector_store %arg11[%swap3A_466], %swap3A_469 {strides = array<i32>} : memref<128xi32, #tpu.memory_space<vmem>>, vector<16xi32>,
        %mul3A_470 = arith.constant 128 : i32
        %mul3A_471 = arith.muli %mul3A_239, %mul3A_470 : i32
        %add3A_472 = arith.constant 80 : i32
        %add3A_473 = arith.addi %mul3A_471, %add3A_472 : i32
        %get3A_474 = arith.index_cast %add3A_473 : i32 to index
        %get3A_475 = tpu.vector_load %arg6[%get3A_474] {strides = array<i32>} : memref<15360xi32, #tpu.memory_space<vmem>>, vector<16xi32>,
        %get3A_476 = vector.shape_cast %get3A_475 : vector<16xi32> to vector<16xi32>
        %shift_right_arithmetic3A_477 = arith.constant 14 : i32
        %shift_right_arithmetic3A_478 = vector.broadcast %shift_right_arithmetic3A_477 : i32 to vector<16xi32>
        %shift_right_arithmetic3A_479 = arith.shrsi %get3A_476, %shift_right_arithmetic3A_478 : vector<16xi32>
        %and3A_480 = arith.constant 16383 : i32
        %and3A_481 = vector.broadcast %and3A_480 : i32 to vector<16xi32>
        %and3A_482 = arith.andi %shift_right_arithmetic3A_479, %and3A_481 : vector<16xi32>
        %swap3A_483 = arith.constant 80 : index
        %swap3A_484 = tpu.vector_load %arg11[%swap3A_483] {strides = array<i32>} : memref<128xi32, #tpu.memory_space<vmem>>, vector<16xi32>,
        %swap3A_485 = vector.shape_cast %swap3A_484 : vector<16xi32> to vector<16xi32>
        %swap3A_486 = vector.shape_cast %and3A_482 : vector<16xi32> to vector<16xi32>
        tpu.vector_store %arg11[%swap3A_483], %swap3A_486 {strides = array<i32>} : memref<128xi32, #tpu.memory_space<vmem>>, vector<16xi32>,
        %mul3A_487 = arith.constant 128 : i32
        %mul3A_488 = arith.muli %mul3A_239, %mul3A_487 : i32
        %add3A_489 = arith.constant 96 : i32
        %add3A_490 = arith.addi %mul3A_488, %add3A_489 : i32
        %get3A_491 = arith.index_cast %add3A_490 : i32 to index
        %get3A_492 = tpu.vector_load %arg6[%get3A_491] {strides = array<i32>} : memref<15360xi32, #tpu.memory_space<vmem>>, vector<16xi32>,
        %get3A_493 = vector.shape_cast %get3A_492 : vector<16xi32> to vector<16xi32>
        %shift_right_arithmetic3A_494 = arith.constant 14 : i32
        %shift_right_arithmetic3A_495 = vector.broadcast %shift_right_arithmetic3A_494 : i32 to vector<16xi32>
        %shift_right_arithmetic3A_496 = arith.shrsi %get3A_493, %shift_right_arithmetic3A_495 : vector<16xi32>
        %and3A_497 = arith.constant 16383 : i32
        %and3A_498 = vector.broadcast %and3A_497 : i32 to vector<16xi32>
        %and3A_499 = arith.andi %shift_right_arithmetic3A_496, %and3A_498 : vector<16xi32>
        %swap3A_500 = arith.constant 96 : index
        %swap3A_501 = tpu.vector_load %arg11[%swap3A_500] {strides = array<i32>} : memref<128xi32, #tpu.memory_space<vmem>>, vector<16xi32>,
        %swap3A_502 = vector.shape_cast %swap3A_501 : vector<16xi32> to vector<16xi32>
        %swap3A_503 = vector.shape_cast %and3A_499 : vector<16xi32> to vector<16xi32>
        tpu.vector_store %arg11[%swap3A_500], %swap3A_503 {strides = array<i32>} : memref<128xi32, #tpu.memory_space<vmem>>, vector<16xi32>,
        %mul3A_504 = arith.constant 128 : i32
        %mul3A_505 = arith.muli %mul3A_239, %mul3A_504 : i32
        %add3A_506 = arith.constant 112 : i32
        %add3A_507 = arith.addi %mul3A_505, %add3A_506 : i32
        %get3A_508 = arith.index_cast %add3A_507 : i32 to index
        %get3A_509 = tpu.vector_load %arg6[%get3A_508] {strides = array<i32>} : memref<15360xi32, #tpu.memory_space<vmem>>, vector<16xi32>,
        %get3A_510 = vector.shape_cast %get3A_509 : vector<16xi32> to vector<16xi32>
        %shift_right_arithmetic3A_511 = arith.constant 14 : i32
        %shift_right_arithmetic3A_512 = vector.broadcast %shift_right_arithmetic3A_511 : i32 to vector<16xi32>
        %shift_right_arithmetic3A_513 = arith.shrsi %get3A_510, %shift_right_arithmetic3A_512 : vector<16xi32>
        %and3A_514 = arith.constant 16383 : i32
        %and3A_515 = vector.broadcast %and3A_514 : i32 to vector<16xi32>
        %and3A_516 = arith.andi %shift_right_arithmetic3A_513, %and3A_515 : vector<16xi32>
        %swap3A_517 = arith.constant 112 : index
        %swap3A_518 = tpu.vector_load %arg11[%swap3A_517] {strides = array<i32>} : memref<128xi32, #tpu.memory_space<vmem>>, vector<16xi32>,
        %swap3A_519 = vector.shape_cast %swap3A_518 : vector<16xi32> to vector<16xi32>
        %swap3A_520 = vector.shape_cast %and3A_516 : vector<16xi32> to vector<16xi32>
        tpu.vector_store %arg11[%swap3A_517], %swap3A_520 {strides = array<i32>} : memref<128xi32, #tpu.memory_space<vmem>>, vector<16xi32>,
        "tpu.region"() ({
          %run_scoped3A_669 = tpu.sem_alloc : memref<!tpu.dma_semaphore, #tpu.memory_space<semaphore_mem>>
          %dma_start3A_670 = arith.constant 0 : i32
          %dma_start3A_671 = arith.constant 0 : i32
          %dma_start3A_672 = tpu.memref_slice %arg15[%dma_start3A_670, %dma_start3A_671] : memref<10112x128xf32, #tpu.memory_space<vmem_shared>> -> memref<10112x128xf32, #tpu.memory_space<vmem_shared>>
          tpu.enqueue_indirect_dma source(%arg7 : memref<128x128xf32, #tpu.memory_space<vmem>>) target(%dma_start3A_672 : memref<10112x128xf32, #tpu.memory_space<vmem_shared>>) offsets(%arg11 : memref<128xi32, #tpu.memory_space<vmem>>) semaphore(%run_scoped3A_669 : memref<!tpu.dma_semaphore, #tpu.memory_space<semaphore_mem>>) {add = true}
          %dma_wait3A_673 = arith.constant 0 : i32
          %dma_wait3A_674 = arith.constant 0 : i32
          %dma_wait3A_675 = tpu.memref_slice %arg15[%dma_wait3A_673, %dma_wait3A_674] : memref<10112x128xf32, #tpu.memory_space<vmem_shared>> -> memref<10112x128xf32, #tpu.memory_space<vmem_shared>>
          tpu.wait_indirect_dma semaphore(%run_scoped3A_669 : memref<!tpu.dma_semaphore, #tpu.memory_space<semaphore_mem>>) src(%arg7 : memref<128x128xf32, #tpu.memory_space<vmem>>) dst(%dma_wait3A_675 : memref<10112x128xf32, #tpu.memory_space<vmem_shared>>)
          tpu.yield
        }) : () -> ()
        "tpu.region"() ({
          %run_scoped3A_669 = tpu.sem_alloc : memref<!tpu.dma_semaphore, #tpu.memory_space<semaphore_mem>>
          %dma_start3A_670 = arith.constant 0 : i32
          %dma_start3A_671 = tpu.memref_slice %arg16[%dma_start3A_670] : memref<10240xf32, #tpu.memory_space<vmem_shared>> -> memref<10240xf32, #tpu.memory_space<vmem_shared>>
          tpu.enqueue_indirect_dma source(%arg12 : memref<128xf32, #tpu.memory_space<vmem>>) target(%dma_start3A_671 : memref<10240xf32, #tpu.memory_space<vmem_shared>>) offsets(%arg11 : memref<128xi32, #tpu.memory_space<vmem>>) semaphore(%run_scoped3A_669 : memref<!tpu.dma_semaphore, #tpu.memory_space<semaphore_mem>>) {add = true}
          %dma_wait3A_672 = arith.constant 0 : i32
          %dma_wait3A_673 = tpu.memref_slice %arg16[%dma_wait3A_672] : memref<10240xf32, #tpu.memory_space<vmem_shared>> -> memref<10240xf32, #tpu.memory_space<vmem_shared>>
          tpu.wait_indirect_dma semaphore(%run_scoped3A_669 : memref<!tpu.dma_semaphore, #tpu.memory_space<semaphore_mem>>) src(%arg12 : memref<128xf32, #tpu.memory_space<vmem>>) dst(%dma_wait3A_673 : memref<10240xf32, #tpu.memory_space<vmem_shared>>)
          tpu.yield
        }) : () -> ()
        %lt3A = arith.constant 19 : i32
        %lt3A_521 = arith.cmpi slt, %scan3A_237, %lt3A : i32
        %convert_element_type3A_522 = arith.extui %lt3A_521 : i1 to i32
        %cond3A_523 = arith.constant 0 : i32
        %cond3A_524 = arith.cmpi ne, %convert_element_type3A_522, %cond3A_523 : i32
        scf.if %cond3A_524 {
          %add3A_669 = arith.constant 2 : i32
          %add3A_670 = arith.addi %mul3A_239, %add3A_669 : i32
          %mul3A_671 = arith.constant 128 : i32
          %mul3A_672 = arith.muli %add3A_670, %mul3A_671 : i32
          %add3A_673 = arith.constant 0 : i32
          %add3A_674 = arith.addi %mul3A_672, %add3A_673 : i32
          %get3A_675 = arith.index_cast %add3A_674 : i32 to index
          %get3A_676 = tpu.vector_load %arg6[%get3A_675] {strides = array<i32>} : memref<15360xi32, #tpu.memory_space<vmem>>, vector<16xi32>,
          %get3A_677 = vector.shape_cast %get3A_676 : vector<16xi32> to vector<16xi32>
          %shift_right_arithmetic3A_678 = arith.constant 0 : i32
          %shift_right_arithmetic3A_679 = vector.broadcast %shift_right_arithmetic3A_678 : i32 to vector<16xi32>
          %shift_right_arithmetic3A_680 = arith.shrsi %get3A_677, %shift_right_arithmetic3A_679 : vector<16xi32>
          %and3A_681 = arith.constant 16383 : i32
          %and3A_682 = vector.broadcast %and3A_681 : i32 to vector<16xi32>
          %and3A_683 = arith.andi %shift_right_arithmetic3A_680, %and3A_682 : vector<16xi32>
          %swap3A_684 = arith.constant 0 : index
          %swap3A_685 = tpu.vector_load %arg9[%swap3A_684] {strides = array<i32>} : memref<128xi32, #tpu.memory_space<vmem>>, vector<16xi32>,
          %swap3A_686 = vector.shape_cast %swap3A_685 : vector<16xi32> to vector<16xi32>
          %swap3A_687 = vector.shape_cast %and3A_683 : vector<16xi32> to vector<16xi32>
          tpu.vector_store %arg9[%swap3A_684], %swap3A_687 {strides = array<i32>} : memref<128xi32, #tpu.memory_space<vmem>>, vector<16xi32>,
          %mul3A_688 = arith.constant 128 : i32
          %mul3A_689 = arith.muli %add3A_670, %mul3A_688 : i32
          %add3A_690 = arith.constant 16 : i32
          %add3A_691 = arith.addi %mul3A_689, %add3A_690 : i32
          %get3A_692 = arith.index_cast %add3A_691 : i32 to index
          %get3A_693 = tpu.vector_load %arg6[%get3A_692] {strides = array<i32>} : memref<15360xi32, #tpu.memory_space<vmem>>, vector<16xi32>,
          %get3A_694 = vector.shape_cast %get3A_693 : vector<16xi32> to vector<16xi32>
          %shift_right_arithmetic3A_695 = arith.constant 0 : i32
          %shift_right_arithmetic3A_696 = vector.broadcast %shift_right_arithmetic3A_695 : i32 to vector<16xi32>
          %shift_right_arithmetic3A_697 = arith.shrsi %get3A_694, %shift_right_arithmetic3A_696 : vector<16xi32>
          %and3A_698 = arith.constant 16383 : i32
          %and3A_699 = vector.broadcast %and3A_698 : i32 to vector<16xi32>
          %and3A_700 = arith.andi %shift_right_arithmetic3A_697, %and3A_699 : vector<16xi32>
          %swap3A_701 = arith.constant 16 : index
          %swap3A_702 = tpu.vector_load %arg9[%swap3A_701] {strides = array<i32>} : memref<128xi32, #tpu.memory_space<vmem>>, vector<16xi32>,
          %swap3A_703 = vector.shape_cast %swap3A_702 : vector<16xi32> to vector<16xi32>
          %swap3A_704 = vector.shape_cast %and3A_700 : vector<16xi32> to vector<16xi32>
          tpu.vector_store %arg9[%swap3A_701], %swap3A_704 {strides = array<i32>} : memref<128xi32, #tpu.memory_space<vmem>>, vector<16xi32>,
          %mul3A_705 = arith.constant 128 : i32
          %mul3A_706 = arith.muli %add3A_670, %mul3A_705 : i32
          %add3A_707 = arith.constant 32 : i32
          %add3A_708 = arith.addi %mul3A_706, %add3A_707 : i32
          %get3A_709 = arith.index_cast %add3A_708 : i32 to index
          %get3A_710 = tpu.vector_load %arg6[%get3A_709] {strides = array<i32>} : memref<15360xi32, #tpu.memory_space<vmem>>, vector<16xi32>,
          %get3A_711 = vector.shape_cast %get3A_710 : vector<16xi32> to vector<16xi32>
          %shift_right_arithmetic3A_712 = arith.constant 0 : i32
          %shift_right_arithmetic3A_713 = vector.broadcast %shift_right_arithmetic3A_712 : i32 to vector<16xi32>
          %shift_right_arithmetic3A_714 = arith.shrsi %get3A_711, %shift_right_arithmetic3A_713 : vector<16xi32>
          %and3A_715 = arith.constant 16383 : i32
          %and3A_716 = vector.broadcast %and3A_715 : i32 to vector<16xi32>
          %and3A_717 = arith.andi %shift_right_arithmetic3A_714, %and3A_716 : vector<16xi32>
          %swap3A_718 = arith.constant 32 : index
          %swap3A_719 = tpu.vector_load %arg9[%swap3A_718] {strides = array<i32>} : memref<128xi32, #tpu.memory_space<vmem>>, vector<16xi32>,
          %swap3A_720 = vector.shape_cast %swap3A_719 : vector<16xi32> to vector<16xi32>
          %swap3A_721 = vector.shape_cast %and3A_717 : vector<16xi32> to vector<16xi32>
          tpu.vector_store %arg9[%swap3A_718], %swap3A_721 {strides = array<i32>} : memref<128xi32, #tpu.memory_space<vmem>>, vector<16xi32>,
          %mul3A_722 = arith.constant 128 : i32
          %mul3A_723 = arith.muli %add3A_670, %mul3A_722 : i32
          %add3A_724 = arith.constant 48 : i32
          %add3A_725 = arith.addi %mul3A_723, %add3A_724 : i32
          %get3A_726 = arith.index_cast %add3A_725 : i32 to index
          %get3A_727 = tpu.vector_load %arg6[%get3A_726] {strides = array<i32>} : memref<15360xi32, #tpu.memory_space<vmem>>, vector<16xi32>,
          %get3A_728 = vector.shape_cast %get3A_727 : vector<16xi32> to vector<16xi32>
          %shift_right_arithmetic3A_729 = arith.constant 0 : i32
          %shift_right_arithmetic3A_730 = vector.broadcast %shift_right_arithmetic3A_729 : i32 to vector<16xi32>
          %shift_right_arithmetic3A_731 = arith.shrsi %get3A_728, %shift_right_arithmetic3A_730 : vector<16xi32>
          %and3A_732 = arith.constant 16383 : i32
          %and3A_733 = vector.broadcast %and3A_732 : i32 to vector<16xi32>
          %and3A_734 = arith.andi %shift_right_arithmetic3A_731, %and3A_733 : vector<16xi32>
          %swap3A_735 = arith.constant 48 : index
          %swap3A_736 = tpu.vector_load %arg9[%swap3A_735] {strides = array<i32>} : memref<128xi32, #tpu.memory_space<vmem>>, vector<16xi32>,
          %swap3A_737 = vector.shape_cast %swap3A_736 : vector<16xi32> to vector<16xi32>
          %swap3A_738 = vector.shape_cast %and3A_734 : vector<16xi32> to vector<16xi32>
          tpu.vector_store %arg9[%swap3A_735], %swap3A_738 {strides = array<i32>} : memref<128xi32, #tpu.memory_space<vmem>>, vector<16xi32>,
          %mul3A_739 = arith.constant 128 : i32
          %mul3A_740 = arith.muli %add3A_670, %mul3A_739 : i32
          %add3A_741 = arith.constant 64 : i32
          %add3A_742 = arith.addi %mul3A_740, %add3A_741 : i32
          %get3A_743 = arith.index_cast %add3A_742 : i32 to index
          %get3A_744 = tpu.vector_load %arg6[%get3A_743] {strides = array<i32>} : memref<15360xi32, #tpu.memory_space<vmem>>, vector<16xi32>,
          %get3A_745 = vector.shape_cast %get3A_744 : vector<16xi32> to vector<16xi32>
          %shift_right_arithmetic3A_746 = arith.constant 0 : i32
          %shift_right_arithmetic3A_747 = vector.broadcast %shift_right_arithmetic3A_746 : i32 to vector<16xi32>
          %shift_right_arithmetic3A_748 = arith.shrsi %get3A_745, %shift_right_arithmetic3A_747 : vector<16xi32>
          %and3A_749 = arith.constant 16383 : i32
          %and3A_750 = vector.broadcast %and3A_749 : i32 to vector<16xi32>
          %and3A_751 = arith.andi %shift_right_arithmetic3A_748, %and3A_750 : vector<16xi32>
          %swap3A_752 = arith.constant 64 : index
          %swap3A_753 = tpu.vector_load %arg9[%swap3A_752] {strides = array<i32>} : memref<128xi32, #tpu.memory_space<vmem>>, vector<16xi32>,
          %swap3A_754 = vector.shape_cast %swap3A_753 : vector<16xi32> to vector<16xi32>
          %swap3A_755 = vector.shape_cast %and3A_751 : vector<16xi32> to vector<16xi32>
          tpu.vector_store %arg9[%swap3A_752], %swap3A_755 {strides = array<i32>} : memref<128xi32, #tpu.memory_space<vmem>>, vector<16xi32>,
          %mul3A_756 = arith.constant 128 : i32
          %mul3A_757 = arith.muli %add3A_670, %mul3A_756 : i32
          %add3A_758 = arith.constant 80 : i32
          %add3A_759 = arith.addi %mul3A_757, %add3A_758 : i32
          %get3A_760 = arith.index_cast %add3A_759 : i32 to index
          %get3A_761 = tpu.vector_load %arg6[%get3A_760] {strides = array<i32>} : memref<15360xi32, #tpu.memory_space<vmem>>, vector<16xi32>,
          %get3A_762 = vector.shape_cast %get3A_761 : vector<16xi32> to vector<16xi32>
          %shift_right_arithmetic3A_763 = arith.constant 0 : i32
          %shift_right_arithmetic3A_764 = vector.broadcast %shift_right_arithmetic3A_763 : i32 to vector<16xi32>
          %shift_right_arithmetic3A_765 = arith.shrsi %get3A_762, %shift_right_arithmetic3A_764 : vector<16xi32>
          %and3A_766 = arith.constant 16383 : i32
          %and3A_767 = vector.broadcast %and3A_766 : i32 to vector<16xi32>
          %and3A_768 = arith.andi %shift_right_arithmetic3A_765, %and3A_767 : vector<16xi32>
          %swap3A_769 = arith.constant 80 : index
          %swap3A_770 = tpu.vector_load %arg9[%swap3A_769] {strides = array<i32>} : memref<128xi32, #tpu.memory_space<vmem>>, vector<16xi32>,
          %swap3A_771 = vector.shape_cast %swap3A_770 : vector<16xi32> to vector<16xi32>
          %swap3A_772 = vector.shape_cast %and3A_768 : vector<16xi32> to vector<16xi32>
          tpu.vector_store %arg9[%swap3A_769], %swap3A_772 {strides = array<i32>} : memref<128xi32, #tpu.memory_space<vmem>>, vector<16xi32>,
          %mul3A_773 = arith.constant 128 : i32
          %mul3A_774 = arith.muli %add3A_670, %mul3A_773 : i32
          %add3A_775 = arith.constant 96 : i32
          %add3A_776 = arith.addi %mul3A_774, %add3A_775 : i32
          %get3A_777 = arith.index_cast %add3A_776 : i32 to index
          %get3A_778 = tpu.vector_load %arg6[%get3A_777] {strides = array<i32>} : memref<15360xi32, #tpu.memory_space<vmem>>, vector<16xi32>,
          %get3A_779 = vector.shape_cast %get3A_778 : vector<16xi32> to vector<16xi32>
          %shift_right_arithmetic3A_780 = arith.constant 0 : i32
          %shift_right_arithmetic3A_781 = vector.broadcast %shift_right_arithmetic3A_780 : i32 to vector<16xi32>
          %shift_right_arithmetic3A_782 = arith.shrsi %get3A_779, %shift_right_arithmetic3A_781 : vector<16xi32>
          %and3A_783 = arith.constant 16383 : i32
          %and3A_784 = vector.broadcast %and3A_783 : i32 to vector<16xi32>
          %and3A_785 = arith.andi %shift_right_arithmetic3A_782, %and3A_784 : vector<16xi32>
          %swap3A_786 = arith.constant 96 : index
          %swap3A_787 = tpu.vector_load %arg9[%swap3A_786] {strides = array<i32>} : memref<128xi32, #tpu.memory_space<vmem>>, vector<16xi32>,
          %swap3A_788 = vector.shape_cast %swap3A_787 : vector<16xi32> to vector<16xi32>
          %swap3A_789 = vector.shape_cast %and3A_785 : vector<16xi32> to vector<16xi32>
          tpu.vector_store %arg9[%swap3A_786], %swap3A_789 {strides = array<i32>} : memref<128xi32, #tpu.memory_space<vmem>>, vector<16xi32>,
          %mul3A_790 = arith.constant 128 : i32
          %mul3A_791 = arith.muli %add3A_670, %mul3A_790 : i32
          %add3A_792 = arith.constant 112 : i32
          %add3A_793 = arith.addi %mul3A_791, %add3A_792 : i32
          %get3A_794 = arith.index_cast %add3A_793 : i32 to index
          %get3A_795 = tpu.vector_load %arg6[%get3A_794] {strides = array<i32>} : memref<15360xi32, #tpu.memory_space<vmem>>, vector<16xi32>,
          %get3A_796 = vector.shape_cast %get3A_795 : vector<16xi32> to vector<16xi32>
          %shift_right_arithmetic3A_797 = arith.constant 0 : i32
          %shift_right_arithmetic3A_798 = vector.broadcast %shift_right_arithmetic3A_797 : i32 to vector<16xi32>
          %shift_right_arithmetic3A_799 = arith.shrsi %get3A_796, %shift_right_arithmetic3A_798 : vector<16xi32>
          %and3A_800 = arith.constant 16383 : i32
          %and3A_801 = vector.broadcast %and3A_800 : i32 to vector<16xi32>
          %and3A_802 = arith.andi %shift_right_arithmetic3A_799, %and3A_801 : vector<16xi32>
          %swap3A_803 = arith.constant 112 : index
          %swap3A_804 = tpu.vector_load %arg9[%swap3A_803] {strides = array<i32>} : memref<128xi32, #tpu.memory_space<vmem>>, vector<16xi32>,
          %swap3A_805 = vector.shape_cast %swap3A_804 : vector<16xi32> to vector<16xi32>
          %swap3A_806 = vector.shape_cast %and3A_802 : vector<16xi32> to vector<16xi32>
          tpu.vector_store %arg9[%swap3A_803], %swap3A_806 {strides = array<i32>} : memref<128xi32, #tpu.memory_space<vmem>>, vector<16xi32>,
        } else {
        }
        %dma_wait3A_525 = arith.constant 0 : i32
        %dma_wait3A_526 = arith.constant 0 : i32
        %dma_wait3A_527 = tpu.memref_slice %arg2[%dma_wait3A_525, %dma_wait3A_526] : memref<10000x128xf32, #tpu.memory_space<hbm>> -> memref<10000x128xf32, #tpu.memory_space<hbm>>
        tpu.wait_indirect_dma semaphore(%arg14 : memref<!tpu.dma_semaphore, #tpu.memory_space<semaphore_mem>>) src(%dma_wait3A_527 : memref<10000x128xf32, #tpu.memory_space<hbm>>) dst(%arg8 : memref<128x128xf32, #tpu.memory_space<vmem>>)
        %lt3A_528 = arith.constant 19 : i32
        %lt3A_529 = arith.cmpi slt, %scan3A_237, %lt3A_528 : i32
        %convert_element_type3A_530 = arith.extui %lt3A_529 : i1 to i32
        %cond3A_531 = arith.constant 0 : i32
        %cond3A_532 = arith.cmpi ne, %convert_element_type3A_530, %cond3A_531 : i32
        scf.if %cond3A_532 {
          %dma_start3A_669 = arith.constant 0 : i32
          %dma_start3A_670 = arith.constant 0 : i32
          %dma_start3A_671 = tpu.memref_slice %arg2[%dma_start3A_669, %dma_start3A_670] : memref<10000x128xf32, #tpu.memory_space<hbm>> -> memref<10000x128xf32, #tpu.memory_space<hbm>>
          tpu.enqueue_indirect_dma source(%dma_start3A_671 : memref<10000x128xf32, #tpu.memory_space<hbm>>) target(%arg7 : memref<128x128xf32, #tpu.memory_space<vmem>>) offsets(%arg9 : memref<128xi32, #tpu.memory_space<vmem>>) semaphore(%arg13 : memref<!tpu.dma_semaphore, #tpu.memory_space<semaphore_mem>>)
        } else {
        }
        %mul3A_533 = arith.constant 128 : i32
        %mul3A_534 = arith.muli %add3A_243, %mul3A_533 : i32
        %add3A_535 = arith.constant 0 : i32
        %add3A_536 = arith.addi %mul3A_534, %add3A_535 : i32
        %get3A_537 = arith.index_cast %add3A_536 : i32 to index
        %get3A_538 = tpu.vector_load %arg6[%get3A_537] {strides = array<i32>} : memref<15360xi32, #tpu.memory_space<vmem>>, vector<16xi32>,
        %get3A_539 = vector.shape_cast %get3A_538 : vector<16xi32> to vector<16xi32>
        %shift_right_arithmetic3A_540 = arith.constant 14 : i32
        %shift_right_arithmetic3A_541 = vector.broadcast %shift_right_arithmetic3A_540 : i32 to vector<16xi32>
        %shift_right_arithmetic3A_542 = arith.shrsi %get3A_539, %shift_right_arithmetic3A_541 : vector<16xi32>
        %and3A_543 = arith.constant 16383 : i32
        %and3A_544 = vector.broadcast %and3A_543 : i32 to vector<16xi32>
        %and3A_545 = arith.andi %shift_right_arithmetic3A_542, %and3A_544 : vector<16xi32>
        %swap3A_546 = arith.constant 0 : index
        %swap3A_547 = tpu.vector_load %arg11[%swap3A_546] {strides = array<i32>} : memref<128xi32, #tpu.memory_space<vmem>>, vector<16xi32>,
        %swap3A_548 = vector.shape_cast %swap3A_547 : vector<16xi32> to vector<16xi32>
        %swap3A_549 = vector.shape_cast %and3A_545 : vector<16xi32> to vector<16xi32>
        tpu.vector_store %arg11[%swap3A_546], %swap3A_549 {strides = array<i32>} : memref<128xi32, #tpu.memory_space<vmem>>, vector<16xi32>,
        %mul3A_550 = arith.constant 128 : i32
        %mul3A_551 = arith.muli %add3A_243, %mul3A_550 : i32
        %add3A_552 = arith.constant 16 : i32
        %add3A_553 = arith.addi %mul3A_551, %add3A_552 : i32
        %get3A_554 = arith.index_cast %add3A_553 : i32 to index
        %get3A_555 = tpu.vector_load %arg6[%get3A_554] {strides = array<i32>} : memref<15360xi32, #tpu.memory_space<vmem>>, vector<16xi32>,
        %get3A_556 = vector.shape_cast %get3A_555 : vector<16xi32> to vector<16xi32>
        %shift_right_arithmetic3A_557 = arith.constant 14 : i32
        %shift_right_arithmetic3A_558 = vector.broadcast %shift_right_arithmetic3A_557 : i32 to vector<16xi32>
        %shift_right_arithmetic3A_559 = arith.shrsi %get3A_556, %shift_right_arithmetic3A_558 : vector<16xi32>
        %and3A_560 = arith.constant 16383 : i32
        %and3A_561 = vector.broadcast %and3A_560 : i32 to vector<16xi32>
        %and3A_562 = arith.andi %shift_right_arithmetic3A_559, %and3A_561 : vector<16xi32>
        %swap3A_563 = arith.constant 16 : index
        %swap3A_564 = tpu.vector_load %arg11[%swap3A_563] {strides = array<i32>} : memref<128xi32, #tpu.memory_space<vmem>>, vector<16xi32>,
        %swap3A_565 = vector.shape_cast %swap3A_564 : vector<16xi32> to vector<16xi32>
        %swap3A_566 = vector.shape_cast %and3A_562 : vector<16xi32> to vector<16xi32>
        tpu.vector_store %arg11[%swap3A_563], %swap3A_566 {strides = array<i32>} : memref<128xi32, #tpu.memory_space<vmem>>, vector<16xi32>,
        %mul3A_567 = arith.constant 128 : i32
        %mul3A_568 = arith.muli %add3A_243, %mul3A_567 : i32
        %add3A_569 = arith.constant 32 : i32
        %add3A_570 = arith.addi %mul3A_568, %add3A_569 : i32
        %get3A_571 = arith.index_cast %add3A_570 : i32 to index
        %get3A_572 = tpu.vector_load %arg6[%get3A_571] {strides = array<i32>} : memref<15360xi32, #tpu.memory_space<vmem>>, vector<16xi32>,
        %get3A_573 = vector.shape_cast %get3A_572 : vector<16xi32> to vector<16xi32>
        %shift_right_arithmetic3A_574 = arith.constant 14 : i32
        %shift_right_arithmetic3A_575 = vector.broadcast %shift_right_arithmetic3A_574 : i32 to vector<16xi32>
        %shift_right_arithmetic3A_576 = arith.shrsi %get3A_573, %shift_right_arithmetic3A_575 : vector<16xi32>
        %and3A_577 = arith.constant 16383 : i32
        %and3A_578 = vector.broadcast %and3A_577 : i32 to vector<16xi32>
        %and3A_579 = arith.andi %shift_right_arithmetic3A_576, %and3A_578 : vector<16xi32>
        %swap3A_580 = arith.constant 32 : index
        %swap3A_581 = tpu.vector_load %arg11[%swap3A_580] {strides = array<i32>} : memref<128xi32, #tpu.memory_space<vmem>>, vector<16xi32>,
        %swap3A_582 = vector.shape_cast %swap3A_581 : vector<16xi32> to vector<16xi32>
        %swap3A_583 = vector.shape_cast %and3A_579 : vector<16xi32> to vector<16xi32>
        tpu.vector_store %arg11[%swap3A_580], %swap3A_583 {strides = array<i32>} : memref<128xi32, #tpu.memory_space<vmem>>, vector<16xi32>,
        %mul3A_584 = arith.constant 128 : i32
        %mul3A_585 = arith.muli %add3A_243, %mul3A_584 : i32
        %add3A_586 = arith.constant 48 : i32
        %add3A_587 = arith.addi %mul3A_585, %add3A_586 : i32
        %get3A_588 = arith.index_cast %add3A_587 : i32 to index
        %get3A_589 = tpu.vector_load %arg6[%get3A_588] {strides = array<i32>} : memref<15360xi32, #tpu.memory_space<vmem>>, vector<16xi32>,
        %get3A_590 = vector.shape_cast %get3A_589 : vector<16xi32> to vector<16xi32>
        %shift_right_arithmetic3A_591 = arith.constant 14 : i32
        %shift_right_arithmetic3A_592 = vector.broadcast %shift_right_arithmetic3A_591 : i32 to vector<16xi32>
        %shift_right_arithmetic3A_593 = arith.shrsi %get3A_590, %shift_right_arithmetic3A_592 : vector<16xi32>
        %and3A_594 = arith.constant 16383 : i32
        %and3A_595 = vector.broadcast %and3A_594 : i32 to vector<16xi32>
        %and3A_596 = arith.andi %shift_right_arithmetic3A_593, %and3A_595 : vector<16xi32>
        %swap3A_597 = arith.constant 48 : index
        %swap3A_598 = tpu.vector_load %arg11[%swap3A_597] {strides = array<i32>} : memref<128xi32, #tpu.memory_space<vmem>>, vector<16xi32>,
        %swap3A_599 = vector.shape_cast %swap3A_598 : vector<16xi32> to vector<16xi32>
        %swap3A_600 = vector.shape_cast %and3A_596 : vector<16xi32> to vector<16xi32>
        tpu.vector_store %arg11[%swap3A_597], %swap3A_600 {strides = array<i32>} : memref<128xi32, #tpu.memory_space<vmem>>, vector<16xi32>,
        %mul3A_601 = arith.constant 128 : i32
        %mul3A_602 = arith.muli %add3A_243, %mul3A_601 : i32
        %add3A_603 = arith.constant 64 : i32
        %add3A_604 = arith.addi %mul3A_602, %add3A_603 : i32
        %get3A_605 = arith.index_cast %add3A_604 : i32 to index
        %get3A_606 = tpu.vector_load %arg6[%get3A_605] {strides = array<i32>} : memref<15360xi32, #tpu.memory_space<vmem>>, vector<16xi32>,
        %get3A_607 = vector.shape_cast %get3A_606 : vector<16xi32> to vector<16xi32>
        %shift_right_arithmetic3A_608 = arith.constant 14 : i32
        %shift_right_arithmetic3A_609 = vector.broadcast %shift_right_arithmetic3A_608 : i32 to vector<16xi32>
        %shift_right_arithmetic3A_610 = arith.shrsi %get3A_607, %shift_right_arithmetic3A_609 : vector<16xi32>
        %and3A_611 = arith.constant 16383 : i32
        %and3A_612 = vector.broadcast %and3A_611 : i32 to vector<16xi32>
        %and3A_613 = arith.andi %shift_right_arithmetic3A_610, %and3A_612 : vector<16xi32>
        %swap3A_614 = arith.constant 64 : index
        %swap3A_615 = tpu.vector_load %arg11[%swap3A_614] {strides = array<i32>} : memref<128xi32, #tpu.memory_space<vmem>>, vector<16xi32>,
        %swap3A_616 = vector.shape_cast %swap3A_615 : vector<16xi32> to vector<16xi32>
        %swap3A_617 = vector.shape_cast %and3A_613 : vector<16xi32> to vector<16xi32>
        tpu.vector_store %arg11[%swap3A_614], %swap3A_617 {strides = array<i32>} : memref<128xi32, #tpu.memory_space<vmem>>, vector<16xi32>,
        %mul3A_618 = arith.constant 128 : i32
        %mul3A_619 = arith.muli %add3A_243, %mul3A_618 : i32
        %add3A_620 = arith.constant 80 : i32
        %add3A_621 = arith.addi %mul3A_619, %add3A_620 : i32
        %get3A_622 = arith.index_cast %add3A_621 : i32 to index
        %get3A_623 = tpu.vector_load %arg6[%get3A_622] {strides = array<i32>} : memref<15360xi32, #tpu.memory_space<vmem>>, vector<16xi32>,
        %get3A_624 = vector.shape_cast %get3A_623 : vector<16xi32> to vector<16xi32>
        %shift_right_arithmetic3A_625 = arith.constant 14 : i32
        %shift_right_arithmetic3A_626 = vector.broadcast %shift_right_arithmetic3A_625 : i32 to vector<16xi32>
        %shift_right_arithmetic3A_627 = arith.shrsi %get3A_624, %shift_right_arithmetic3A_626 : vector<16xi32>
        %and3A_628 = arith.constant 16383 : i32
        %and3A_629 = vector.broadcast %and3A_628 : i32 to vector<16xi32>
        %and3A_630 = arith.andi %shift_right_arithmetic3A_627, %and3A_629 : vector<16xi32>
        %swap3A_631 = arith.constant 80 : index
        %swap3A_632 = tpu.vector_load %arg11[%swap3A_631] {strides = array<i32>} : memref<128xi32, #tpu.memory_space<vmem>>, vector<16xi32>,
        %swap3A_633 = vector.shape_cast %swap3A_632 : vector<16xi32> to vector<16xi32>
        %swap3A_634 = vector.shape_cast %and3A_630 : vector<16xi32> to vector<16xi32>
        tpu.vector_store %arg11[%swap3A_631], %swap3A_634 {strides = array<i32>} : memref<128xi32, #tpu.memory_space<vmem>>, vector<16xi32>,
        %mul3A_635 = arith.constant 128 : i32
        %mul3A_636 = arith.muli %add3A_243, %mul3A_635 : i32
        %add3A_637 = arith.constant 96 : i32
        %add3A_638 = arith.addi %mul3A_636, %add3A_637 : i32
        %get3A_639 = arith.index_cast %add3A_638 : i32 to index
        %get3A_640 = tpu.vector_load %arg6[%get3A_639] {strides = array<i32>} : memref<15360xi32, #tpu.memory_space<vmem>>, vector<16xi32>,
        %get3A_641 = vector.shape_cast %get3A_640 : vector<16xi32> to vector<16xi32>
        %shift_right_arithmetic3A_642 = arith.constant 14 : i32
        %shift_right_arithmetic3A_643 = vector.broadcast %shift_right_arithmetic3A_642 : i32 to vector<16xi32>
        %shift_right_arithmetic3A_644 = arith.shrsi %get3A_641, %shift_right_arithmetic3A_643 : vector<16xi32>
        %and3A_645 = arith.constant 16383 : i32
        %and3A_646 = vector.broadcast %and3A_645 : i32 to vector<16xi32>
        %and3A_647 = arith.andi %shift_right_arithmetic3A_644, %and3A_646 : vector<16xi32>
        %swap3A_648 = arith.constant 96 : index
        %swap3A_649 = tpu.vector_load %arg11[%swap3A_648] {strides = array<i32>} : memref<128xi32, #tpu.memory_space<vmem>>, vector<16xi32>,
        %swap3A_650 = vector.shape_cast %swap3A_649 : vector<16xi32> to vector<16xi32>
        %swap3A_651 = vector.shape_cast %and3A_647 : vector<16xi32> to vector<16xi32>
        tpu.vector_store %arg11[%swap3A_648], %swap3A_651 {strides = array<i32>} : memref<128xi32, #tpu.memory_space<vmem>>, vector<16xi32>,
        %mul3A_652 = arith.constant 128 : i32
        %mul3A_653 = arith.muli %add3A_243, %mul3A_652 : i32
        %add3A_654 = arith.constant 112 : i32
        %add3A_655 = arith.addi %mul3A_653, %add3A_654 : i32
        %get3A_656 = arith.index_cast %add3A_655 : i32 to index
        %get3A_657 = tpu.vector_load %arg6[%get3A_656] {strides = array<i32>} : memref<15360xi32, #tpu.memory_space<vmem>>, vector<16xi32>,
        %get3A_658 = vector.shape_cast %get3A_657 : vector<16xi32> to vector<16xi32>
        %shift_right_arithmetic3A_659 = arith.constant 14 : i32
        %shift_right_arithmetic3A_660 = vector.broadcast %shift_right_arithmetic3A_659 : i32 to vector<16xi32>
        %shift_right_arithmetic3A_661 = arith.shrsi %get3A_658, %shift_right_arithmetic3A_660 : vector<16xi32>
        %and3A_662 = arith.constant 16383 : i32
        %and3A_663 = vector.broadcast %and3A_662 : i32 to vector<16xi32>
        %and3A_664 = arith.andi %shift_right_arithmetic3A_661, %and3A_663 : vector<16xi32>
        %swap3A_665 = arith.constant 112 : index
        %swap3A_666 = tpu.vector_load %arg11[%swap3A_665] {strides = array<i32>} : memref<128xi32, #tpu.memory_space<vmem>>, vector<16xi32>,
        %swap3A_667 = vector.shape_cast %swap3A_666 : vector<16xi32> to vector<16xi32>
        %swap3A_668 = vector.shape_cast %and3A_664 : vector<16xi32> to vector<16xi32>
        tpu.vector_store %arg11[%swap3A_665], %swap3A_668 {strides = array<i32>} : memref<128xi32, #tpu.memory_space<vmem>>, vector<16xi32>,
        "tpu.region"() ({
          %run_scoped3A_669 = tpu.sem_alloc : memref<!tpu.dma_semaphore, #tpu.memory_space<semaphore_mem>>
          %dma_start3A_670 = arith.constant 0 : i32
          %dma_start3A_671 = arith.constant 0 : i32
          %dma_start3A_672 = tpu.memref_slice %arg15[%dma_start3A_670, %dma_start3A_671] : memref<10112x128xf32, #tpu.memory_space<vmem_shared>> -> memref<10112x128xf32, #tpu.memory_space<vmem_shared>>
          tpu.enqueue_indirect_dma source(%arg8 : memref<128x128xf32, #tpu.memory_space<vmem>>) target(%dma_start3A_672 : memref<10112x128xf32, #tpu.memory_space<vmem_shared>>) offsets(%arg11 : memref<128xi32, #tpu.memory_space<vmem>>) semaphore(%run_scoped3A_669 : memref<!tpu.dma_semaphore, #tpu.memory_space<semaphore_mem>>) {add = true}
          %dma_wait3A_673 = arith.constant 0 : i32
          %dma_wait3A_674 = arith.constant 0 : i32
          %dma_wait3A_675 = tpu.memref_slice %arg15[%dma_wait3A_673, %dma_wait3A_674] : memref<10112x128xf32, #tpu.memory_space<vmem_shared>> -> memref<10112x128xf32, #tpu.memory_space<vmem_shared>>
          tpu.wait_indirect_dma semaphore(%run_scoped3A_669 : memref<!tpu.dma_semaphore, #tpu.memory_space<semaphore_mem>>) src(%arg8 : memref<128x128xf32, #tpu.memory_space<vmem>>) dst(%dma_wait3A_675 : memref<10112x128xf32, #tpu.memory_space<vmem_shared>>)
          tpu.yield
        }) : () -> ()
        "tpu.region"() ({
          %run_scoped3A_669 = tpu.sem_alloc : memref<!tpu.dma_semaphore, #tpu.memory_space<semaphore_mem>>
          %dma_start3A_670 = arith.constant 0 : i32
          %dma_start3A_671 = tpu.memref_slice %arg16[%dma_start3A_670] : memref<10240xf32, #tpu.memory_space<vmem_shared>> -> memref<10240xf32, #tpu.memory_space<vmem_shared>>
          tpu.enqueue_indirect_dma source(%arg12 : memref<128xf32, #tpu.memory_space<vmem>>) target(%dma_start3A_671 : memref<10240xf32, #tpu.memory_space<vmem_shared>>) offsets(%arg11 : memref<128xi32, #tpu.memory_space<vmem>>) semaphore(%run_scoped3A_669 : memref<!tpu.dma_semaphore, #tpu.memory_space<semaphore_mem>>) {add = true}
          %dma_wait3A_672 = arith.constant 0 : i32
          %dma_wait3A_673 = tpu.memref_slice %arg16[%dma_wait3A_672] : memref<10240xf32, #tpu.memory_space<vmem_shared>> -> memref<10240xf32, #tpu.memory_space<vmem_shared>>
          tpu.wait_indirect_dma semaphore(%run_scoped3A_669 : memref<!tpu.dma_semaphore, #tpu.memory_space<semaphore_mem>>) src(%arg12 : memref<128xf32, #tpu.memory_space<vmem>>) dst(%dma_wait3A_673 : memref<10240xf32, #tpu.memory_space<vmem_shared>>)
          tpu.yield
        }) : () -> ()
      }
      %scan3A_236 = arith.constant 20 : i32
    } else {
    }
    %barrier3A_117 = arith.constant 0 : index
    tpu.barrier barrier_id(%barrier3A_117)
    %mul3A_118 = arith.constant 10112 : i32
    %mul3A_119 = arith.muli %arg0, %mul3A_118 : i32
    %add3A_120 = arith.addi %mul3A_119, %mul3A_0 : i32
    "tpu.region"() ({
      %run_scoped3A_128 = tpu.sem_alloc : memref<!tpu.dma_semaphore, #tpu.memory_space<semaphore_mem>>
      %dma_start3A = arith.constant 0 : i32
      %dma_start3A_129 = tpu.memref_slice %arg4[%add3A_120, %dma_start3A] : memref<20224x128xf32, #tpu.memory_space<hbm>> -> memref<632x128xf32, #tpu.memory_space<hbm>>
      %dma_start3A_130 = arith.constant 0 : i32
      %dma_start3A_131 = tpu.memref_slice %arg15[%mul3A_0, %dma_start3A_130] : memref<10112x128xf32, #tpu.memory_space<vmem_shared>> -> memref<632x128xf32, #tpu.memory_space<vmem_shared>>
      tpu.enqueue_dma source(%dma_start3A_131 : memref<632x128xf32, #tpu.memory_space<vmem_shared>>) target(%dma_start3A_129 : memref<632x128xf32, #tpu.memory_space<hbm>>) target_semaphore(%run_scoped3A_128 : memref<!tpu.dma_semaphore, #tpu.memory_space<semaphore_mem>>)
      %dma_wait3A = arith.constant 0 : i32
      %dma_wait3A_132 = tpu.memref_slice %arg4[%add3A_120, %dma_wait3A] : memref<20224x128xf32, #tpu.memory_space<hbm>> -> memref<632x128xf32, #tpu.memory_space<hbm>>
      %dma_wait3A_133 = arith.constant 0 : i32
      %dma_wait3A_134 = tpu.memref_slice %arg15[%mul3A_0, %dma_wait3A_133] : memref<10112x128xf32, #tpu.memory_space<vmem_shared>> -> memref<632x128xf32, #tpu.memory_space<vmem_shared>>
      tpu.wait_dma2 semaphore(%run_scoped3A_128 : memref<!tpu.dma_semaphore, #tpu.memory_space<semaphore_mem>>) src(%dma_wait3A_134 : memref<632x128xf32, #tpu.memory_space<vmem_shared>>) dst(%dma_wait3A_132 : memref<632x128xf32, #tpu.memory_space<hbm>>)
      tpu.yield
    }) : () -> ()
    %mul3A_121 = arith.constant 640 : i32
    %mul3A_122 = arith.muli %arg1, %mul3A_121 : i32
    %mul3A_123 = arith.constant 10240 : i32
    %mul3A_124 = arith.muli %arg0, %mul3A_123 : i32
    %mul3A_125 = arith.constant 640 : i32
    %mul3A_126 = arith.muli %arg1, %mul3A_125 : i32
    %add3A_127 = arith.addi %mul3A_124, %mul3A_126 : i32
    "tpu.region"() ({
      %run_scoped3A_128 = tpu.sem_alloc : memref<!tpu.dma_semaphore, #tpu.memory_space<semaphore_mem>>
      %dma_start3A = tpu.memref_slice %arg5[%add3A_127] : memref<20480xf32, #tpu.memory_space<hbm>> -> memref<640xf32, #tpu.memory_space<hbm>>
      %dma_start3A_129 = tpu.memref_slice %arg16[%mul3A_122] : memref<10240xf32, #tpu.memory_space<vmem_shared>> -> memref<640xf32, #tpu.memory_space<vmem_shared>>
      tpu.enqueue_dma source(%dma_start3A_129 : memref<640xf32, #tpu.memory_space<vmem_shared>>) target(%dma_start3A : memref<640xf32, #tpu.memory_space<hbm>>) target_semaphore(%run_scoped3A_128 : memref<!tpu.dma_semaphore, #tpu.memory_space<semaphore_mem>>)
      %dma_wait3A = tpu.memref_slice %arg5[%add3A_127] : memref<20480xf32, #tpu.memory_space<hbm>> -> memref<640xf32, #tpu.memory_space<hbm>>
      %dma_wait3A_130 = tpu.memref_slice %arg16[%mul3A_122] : memref<10240xf32, #tpu.memory_space<vmem_shared>> -> memref<640xf32, #tpu.memory_space<vmem_shared>>
      tpu.wait_dma2 semaphore(%run_scoped3A_128 : memref<!tpu.dma_semaphore, #tpu.memory_space<semaphore_mem>>) src(%dma_wait3A_130 : memref<640xf32, #tpu.memory_space<vmem_shared>>) dst(%dma_wait3A : memref<640xf32, #tpu.memory_space<hbm>>)
      tpu.yield
    }) : () -> ()
    return
  }
}

#map = affine_map<(d0, d1) -> (0, 0)>
#map1 = affine_map<(d0, d1) -> (0)>
module attributes {stable_mosaic.version = 14 : i64} {
  func.func @_sc_agg_body(%arg0: i32, %arg1: i32, %arg2: memref<10000x128xf32, #tpu.memory_space<hbm>>, %arg3: memref<327680xi32, #tpu.memory_space<hbm>>, %arg4: memref<20224x128xf32, #tpu.memory_space<hbm>>, %arg5: memref<20480xf32, #tpu.memory_space<hbm>>, %arg6: memref<15360xi32, #tpu.memory_space<vmem>>, %arg7: memref<128x128xf32, #tpu.memory_space<vmem>>, %arg8: memref<128x128xf32, #tpu.memory_space<vmem>>, %arg9: memref<128xi32, #tpu.memory_space<vmem>>, %arg10: memref<128xi32, #tpu.memory_space<vmem>>, %arg11: memref<128xi32, #tpu.memory_space<vmem>>, %arg12: memref<128xf32, #tpu.memory_space<vmem>>, %arg13: memref<!tpu.dma_semaphore, #tpu.memory_space<semaphore_mem>>, %arg14: memref<!tpu.dma_semaphore, #tpu.memory_space<semaphore_mem>>, %arg15: memref<10112x128xf32, #tpu.memory_space<vmem_shared>>, %arg16: memref<10240xf32, #tpu.memory_space<vmem_shared>>) attributes {dimension_semantics = [#tpu.dimension_semantics<core_parallel>, #tpu.dimension_semantics<subcore_parallel>], iteration_bounds = array<i64: 2, 16>, scalar_prefetch = 0 : i64, scratch_operands = 11 : i64, tpu.core_type = #tpu.core_type<sc_vector_subcore>, window_params = [{transform_indices = #map}, {transform_indices = #map1}, {transform_indices = #map}, {transform_indices = #map1}]} {
    %mul3A = arith.constant 632 : i32
    %mul3A_0 = arith.muli %arg1, %mul3A : i32
    %broadcast_in_dim3A = arith.constant 0.000000e+00 : f32
    %broadcast_in_dim3A_1 = vector.broadcast %broadcast_in_dim3A : f32 to vector<16xf32>
    %add3A = arith.constant 1.000000e+00 : f32
    %add3A_2 = vector.broadcast %add3A : f32 to vector<16xf32>
    %add3A_3 = arith.addf %broadcast_in_dim3A_1, %add3A_2 : vector<16xf32>
    %swap3A = arith.constant 0 : index
    %swap3A_4 = tpu.vector_load %arg12[%swap3A] {strides = array<i32>} : memref<128xf32, #tpu.memory_space<vmem>>, vector<16xf32>,
    %swap3A_5 = vector.shape_cast %swap3A_4 : vector<16xf32> to vector<16xf32>
    %swap3A_6 = vector.shape_cast %add3A_3 : vector<16xf32> to vector<16xf32>
    tpu.vector_store %arg12[%swap3A], %swap3A_6 {strides = array<i32>} : memref<128xf32, #tpu.memory_space<vmem>>, vector<16xf32>,
    %add3A_7 = arith.constant 1.000000e+00 : f32
    %add3A_8 = vector.broadcast %add3A_7 : f32 to vector<16xf32>
    %add3A_9 = arith.addf %broadcast_in_dim3A_1, %add3A_8 : vector<16xf32>
    %swap3A_10 = arith.constant 16 : index
    %swap3A_11 = tpu.vector_load %arg12[%swap3A_10] {strides = array<i32>} : memref<128xf32, #tpu.memory_space<vmem>>, vector<16xf32>,
    %swap3A_12 = vector.shape_cast %swap3A_11 : vector<16xf32> to vector<16xf32>
    %swap3A_13 = vector.shape_cast %add3A_9 : vector<16xf32> to vector<16xf32>
    tpu.vector_store %arg12[%swap3A_10], %swap3A_13 {strides = array<i32>} : memref<128xf32, #tpu.memory_space<vmem>>, vector<16xf32>,
    %add3A_14 = arith.constant 1.000000e+00 : f32
    %add3A_15 = vector.broadcast %add3A_14 : f32 to vector<16xf32>
    %add3A_16 = arith.addf %broadcast_in_dim3A_1, %add3A_15 : vector<16xf32>
    %swap3A_17 = arith.constant 32 : index
    %swap3A_18 = tpu.vector_load %arg12[%swap3A_17] {strides = array<i32>} : memref<128xf32, #tpu.memory_space<vmem>>, vector<16xf32>,
    %swap3A_19 = vector.shape_cast %swap3A_18 : vector<16xf32> to vector<16xf32>
    %swap3A_20 = vector.shape_cast %add3A_16 : vector<16xf32> to vector<16xf32>
    tpu.vector_store %arg12[%swap3A_17], %swap3A_20 {strides = array<i32>} : memref<128xf32, #tpu.memory_space<vmem>>, vector<16xf32>,
    %add3A_21 = arith.constant 1.000000e+00 : f32
    %add3A_22 = vector.broadcast %add3A_21 : f32 to vector<16xf32>
    %add3A_23 = arith.addf %broadcast_in_dim3A_1, %add3A_22 : vector<16xf32>
    %swap3A_24 = arith.constant 48 : index
    %swap3A_25 = tpu.vector_load %arg12[%swap3A_24] {strides = array<i32>} : memref<128xf32, #tpu.memory_space<vmem>>, vector<16xf32>,
    %swap3A_26 = vector.shape_cast %swap3A_25 : vector<16xf32> to vector<16xf32>
    %swap3A_27 = vector.shape_cast %add3A_23 : vector<16xf32> to vector<16xf32>
    tpu.vector_store %arg12[%swap3A_24], %swap3A_27 {strides = array<i32>} : memref<128xf32, #tpu.memory_space<vmem>>, vector<16xf32>,
    %add3A_28 = arith.constant 1.000000e+00 : f32
    %add3A_29 = vector.broadcast %add3A_28 : f32 to vector<16xf32>
    %add3A_30 = arith.addf %broadcast_in_dim3A_1, %add3A_29 : vector<16xf32>
    %swap3A_31 = arith.constant 64 : index
    %swap3A_32 = tpu.vector_load %arg12[%swap3A_31] {strides = array<i32>} : memref<128xf32, #tpu.memory_space<vmem>>, vector<16xf32>,
    %swap3A_33 = vector.shape_cast %swap3A_32 : vector<16xf32> to vector<16xf32>
    %swap3A_34 = vector.shape_cast %add3A_30 : vector<16xf32> to vector<16xf32>
    tpu.vector_store %arg12[%swap3A_31], %swap3A_34 {strides = array<i32>} : memref<128xf32, #tpu.memory_space<vmem>>, vector<16xf32>,
    %add3A_35 = arith.constant 1.000000e+00 : f32
    %add3A_36 = vector.broadcast %add3A_35 : f32 to vector<16xf32>
    %add3A_37 = arith.addf %broadcast_in_dim3A_1, %add3A_36 : vector<16xf32>
    %swap3A_38 = arith.constant 80 : index
    %swap3A_39 = tpu.vector_load %arg12[%swap3A_38] {strides = array<i32>} : memref<128xf32, #tpu.memory_space<vmem>>, vector<16xf32>,
    %swap3A_40 = vector.shape_cast %swap3A_39 : vector<16xf32> to vector<16xf32>
    %swap3A_41 = vector.shape_cast %add3A_37 : vector<16xf32> to vector<16xf32>
    tpu.vector_store %arg12[%swap3A_38], %swap3A_41 {strides = array<i32>} : memref<128xf32, #tpu.memory_space<vmem>>, vector<16xf32>,
    %add3A_42 = arith.constant 1.000000e+00 : f32
    %add3A_43 = vector.broadcast %add3A_42 : f32 to vector<16xf32>
    %add3A_44 = arith.addf %broadcast_in_dim3A_1, %add3A_43 : vector<16xf32>
    %swap3A_45 = arith.constant 96 : index
    %swap3A_46 = tpu.vector_load %arg12[%swap3A_45] {strides = array<i32>} : memref<128xf32, #tpu.memory_space<vmem>>, vector<16xf32>,
    %swap3A_47 = vector.shape_cast %swap3A_46 : vector<16xf32> to vector<16xf32>
    %swap3A_48 = vector.shape_cast %add3A_44 : vector<16xf32> to vector<16xf32>
    tpu.vector_store %arg12[%swap3A_45], %swap3A_48 {strides = array<i32>} : memref<128xf32, #tpu.memory_space<vmem>>, vector<16xf32>,
    %add3A_49 = arith.constant 1.000000e+00 : f32
    %add3A_50 = vector.broadcast %add3A_49 : f32 to vector<16xf32>
    %add3A_51 = arith.addf %broadcast_in_dim3A_1, %add3A_50 : vector<16xf32>
    %swap3A_52 = arith.constant 112 : index
    %swap3A_53 = tpu.vector_load %arg12[%swap3A_52] {strides = array<i32>} : memref<128xf32, #tpu.memory_space<vmem>>, vector<16xf32>,
    %swap3A_54 = vector.shape_cast %swap3A_53 : vector<16xf32> to vector<16xf32>
    %swap3A_55 = vector.shape_cast %add3A_51 : vector<16xf32> to vector<16xf32>
    tpu.vector_store %arg12[%swap3A_52], %swap3A_55 {strides = array<i32>} : memref<128xf32, #tpu.memory_space<vmem>>, vector<16xf32>,
    %broadcast_in_dim3A_56 = arith.constant 0.000000e+00 : f32
    %broadcast_in_dim3A_57 = vector.broadcast %broadcast_in_dim3A_56 : f32 to vector<16xf32>
    %scan3A = arith.constant 0 : i32
    %scan3A_58 = arith.constant 0 : i32
    %scan3A_59 = arith.constant 128 : i32
    %scan3A_60 = arith.addi %scan3A_58, %scan3A_59 : i32
    %scan3A_61 = arith.constant 1 : i32
    scf.for %scan3A_128 = %scan3A_58 to %scan3A_60 step %scan3A_61  : i32 {
      %scan3A_129 = arith.constant 0 : i32
      %scan3A_130 = arith.constant 8 : i32
      %scan3A_131 = arith.addi %scan3A_129, %scan3A_130 : i32
      %scan3A_132 = arith.constant 1 : i32
      scf.for %scan3A_134 = %scan3A_129 to %scan3A_131 step %scan3A_132  : i32 {
        %mul3A_135 = arith.constant 16 : i32
        %mul3A_136 = arith.muli %scan3A_134, %mul3A_135 : i32
        %swap3A_137 = arith.index_cast %scan3A_128 : i32 to index
        %swap3A_138 = arith.index_cast %mul3A_136 : i32 to index
        %swap3A_139 = tpu.vector_load %arg7[%swap3A_137, %swap3A_138] {strides = array<i32>} : memref<128x128xf32, #tpu.memory_space<vmem>>, vector<1x16xf32>,
        %swap3A_140 = vector.shape_cast %swap3A_139 : vector<1x16xf32> to vector<16xf32>
        %swap3A_141 = vector.shape_cast %broadcast_in_dim3A_57 : vector<16xf32> to vector<1x16xf32>
        tpu.vector_store %arg7[%swap3A_137, %swap3A_138], %swap3A_141 {strides = array<i32>} : memref<128x128xf32, #tpu.memory_space<vmem>>, vector<1x16xf32>,
      }
      %scan3A_133 = arith.constant 8 : i32
    }
    %scan3A_62 = arith.constant 128 : i32
    %mul3A_63 = arith.constant 632 : i32
    %mul3A_64 = arith.muli %arg1, %mul3A_63 : i32
    %add3A_65 = arith.constant 0 : i32
    %add3A_66 = arith.addi %mul3A_64, %add3A_65 : i32
    "tpu.region"() ({
      %run_scoped3A_128 = tpu.sem_alloc : memref<!tpu.dma_semaphore, #tpu.memory_space<semaphore_mem>>
      %dma_start3A = arith.constant 0 : i32
      %dma_start3A_129 = tpu.memref_slice %arg15[%add3A_66, %dma_start3A] : memref<10112x128xf32, #tpu.memory_space<vmem_shared>> -> memref<128x128xf32, #tpu.memory_space<vmem_shared>>
      %dma_start3A_130 = arith.constant 0 : i32
      %dma_start3A_131 = tpu.memref_slice %arg15[%add3A_66, %dma_start3A_130] : memref<10112x128xf32, #tpu.memory_space<vmem_shared>> -> memref<128x128xf32, #tpu.memory_space<vmem_shared>>
      tpu.enqueue_dma source(%arg7 : memref<128x128xf32, #tpu.memory_space<vmem>>) target(%dma_start3A_131 : memref<128x128xf32, #tpu.memory_space<vmem_shared>>) target_semaphore(%run_scoped3A_128 : memref<!tpu.dma_semaphore, #tpu.memory_space<semaphore_mem>>)
      %dma_wait3A = arith.constant 0 : i32
      %dma_wait3A_132 = tpu.memref_slice %arg15[%add3A_66, %dma_wait3A] : memref<10112x128xf32, #tpu.memory_space<vmem_shared>> -> memref<128x128xf32, #tpu.memory_space<vmem_shared>>
      %dma_wait3A_133 = arith.constant 0 : i32
      %dma_wait3A_134 = tpu.memref_slice %arg15[%add3A_66, %dma_wait3A_133] : memref<10112x128xf32, #tpu.memory_space<vmem_shared>> -> memref<128x128xf32, #tpu.memory_space<vmem_shared>>
      tpu.wait_dma2 semaphore(%run_scoped3A_128 : memref<!tpu.dma_semaphore, #tpu.memory_space<semaphore_mem>>) src(%arg7 : memref<128x128xf32, #tpu.memory_space<vmem>>) dst(%dma_wait3A_134 : memref<128x128xf32, #tpu.memory_space<vmem_shared>>)
      tpu.yield
    }) : () -> ()
    %add3A_67 = arith.constant 128 : i32
    %add3A_68 = arith.addi %mul3A_64, %add3A_67 : i32
    "tpu.region"() ({
      %run_scoped3A_128 = tpu.sem_alloc : memref<!tpu.dma_semaphore, #tpu.memory_space<semaphore_mem>>
      %dma_start3A = arith.constant 0 : i32
      %dma_start3A_129 = tpu.memref_slice %arg15[%add3A_68, %dma_start3A] : memref<10112x128xf32, #tpu.memory_space<vmem_shared>> -> memref<128x128xf32, #tpu.memory_space<vmem_shared>>
      %dma_start3A_130 = arith.constant 0 : i32
      %dma_start3A_131 = tpu.memref_slice %arg15[%add3A_68, %dma_start3A_130] : memref<10112x128xf32, #tpu.memory_space<vmem_shared>> -> memref<128x128xf32, #tpu.memory_space<vmem_shared>>
      tpu.enqueue_dma source(%arg7 : memref<128x128xf32, #tpu.memory_space<vmem>>) target(%dma_start3A_131 : memref<128x128xf32, #tpu.memory_space<vmem_shared>>) target_semaphore(%run_scoped3A_128 : memref<!tpu.dma_semaphore, #tpu.memory_space<semaphore_mem>>)
      %dma_wait3A = arith.constant 0 : i32
      %dma_wait3A_132 = tpu.memref_slice %arg15[%add3A_68, %dma_wait3A] : memref<10112x128xf32, #tpu.memory_space<vmem_shared>> -> memref<128x128xf32, #tpu.memory_space<vmem_shared>>
      %dma_wait3A_133 = arith.constant 0 : i32
      %dma_wait3A_134 = tpu.memref_slice %arg15[%add3A_68, %dma_wait3A_133] : memref<10112x128xf32, #tpu.memory_space<vmem_shared>> -> memref<128x128xf32, #tpu.memory_space<vmem_shared>>
      tpu.wait_dma2 semaphore(%run_scoped3A_128 : memref<!tpu.dma_semaphore, #tpu.memory_space<semaphore_mem>>) src(%arg7 : memref<128x128xf32, #tpu.memory_space<vmem>>) dst(%dma_wait3A_134 : memref<128x128xf32, #tpu.memory_space<vmem_shared>>)
      tpu.yield
    }) : () -> ()
    %add3A_69 = arith.constant 256 : i32
    %add3A_70 = arith.addi %mul3A_64, %add3A_69 : i32
    "tpu.region"() ({
      %run_scoped3A_128 = tpu.sem_alloc : memref<!tpu.dma_semaphore, #tpu.memory_space<semaphore_mem>>
      %dma_start3A = arith.constant 0 : i32
      %dma_start3A_129 = tpu.memref_slice %arg15[%add3A_70, %dma_start3A] : memref<10112x128xf32, #tpu.memory_space<vmem_shared>> -> memref<128x128xf32, #tpu.memory_space<vmem_shared>>
      %dma_start3A_130 = arith.constant 0 : i32
      %dma_start3A_131 = tpu.memref_slice %arg15[%add3A_70, %dma_start3A_130] : memref<10112x128xf32, #tpu.memory_space<vmem_shared>> -> memref<128x128xf32, #tpu.memory_space<vmem_shared>>
      tpu.enqueue_dma source(%arg7 : memref<128x128xf32, #tpu.memory_space<vmem>>) target(%dma_start3A_131 : memref<128x128xf32, #tpu.memory_space<vmem_shared>>) target_semaphore(%run_scoped3A_128 : memref<!tpu.dma_semaphore, #tpu.memory_space<semaphore_mem>>)
      %dma_wait3A = arith.constant 0 : i32
      %dma_wait3A_132 = tpu.memref_slice %arg15[%add3A_70, %dma_wait3A] : memref<10112x128xf32, #tpu.memory_space<vmem_shared>> -> memref<128x128xf32, #tpu.memory_space<vmem_shared>>
      %dma_wait3A_133 = arith.constant 0 : i32
      %dma_wait3A_134 = tpu.memref_slice %arg15[%add3A_70, %dma_wait3A_133] : memref<10112x128xf32, #tpu.memory_space<vmem_shared>> -> memref<128x128xf32, #tpu.memory_space<vmem_shared>>
      tpu.wait_dma2 semaphore(%run_scoped3A_128 : memref<!tpu.dma_semaphore, #tpu.memory_space<semaphore_mem>>) src(%arg7 : memref<128x128xf32, #tpu.memory_space<vmem>>) dst(%dma_wait3A_134 : memref<128x128xf32, #tpu.memory_space<vmem_shared>>)
      tpu.yield
    }) : () -> ()
    %add3A_71 = arith.constant 384 : i32
    %add3A_72 = arith.addi %mul3A_64, %add3A_71 : i32
    "tpu.region"() ({
      %run_scoped3A_128 = tpu.sem_alloc : memref<!tpu.dma_semaphore, #tpu.memory_space<semaphore_mem>>
      %dma_start3A = arith.constant 0 : i32
      %dma_start3A_129 = tpu.memref_slice %arg15[%add3A_72, %dma_start3A] : memref<10112x128xf32, #tpu.memory_space<vmem_shared>> -> memref<128x128xf32, #tpu.memory_space<vmem_shared>>
      %dma_start3A_130 = arith.constant 0 : i32
      %dma_start3A_131 = tpu.memref_slice %arg15[%add3A_72, %dma_start3A_130] : memref<10112x128xf32, #tpu.memory_space<vmem_shared>> -> memref<128x128xf32, #tpu.memory_space<vmem_shared>>
      tpu.enqueue_dma source(%arg7 : memref<128x128xf32, #tpu.memory_space<vmem>>) target(%dma_start3A_131 : memref<128x128xf32, #tpu.memory_space<vmem_shared>>) target_semaphore(%run_scoped3A_128 : memref<!tpu.dma_semaphore, #tpu.memory_space<semaphore_mem>>)
      %dma_wait3A = arith.constant 0 : i32
      %dma_wait3A_132 = tpu.memref_slice %arg15[%add3A_72, %dma_wait3A] : memref<10112x128xf32, #tpu.memory_space<vmem_shared>> -> memref<128x128xf32, #tpu.memory_space<vmem_shared>>
      %dma_wait3A_133 = arith.constant 0 : i32
      %dma_wait3A_134 = tpu.memref_slice %arg15[%add3A_72, %dma_wait3A_133] : memref<10112x128xf32, #tpu.memory_space<vmem_shared>> -> memref<128x128xf32, #tpu.memory_space<vmem_shared>>
      tpu.wait_dma2 semaphore(%run_scoped3A_128 : memref<!tpu.dma_semaphore, #tpu.memory_space<semaphore_mem>>) src(%arg7 : memref<128x128xf32, #tpu.memory_space<vmem>>) dst(%dma_wait3A_134 : memref<128x128xf32, #tpu.memory_space<vmem_shared>>)
      tpu.yield
    }) : () -> ()
    %add3A_73 = arith.constant 632 : i32
    %add3A_74 = arith.addi %mul3A_64, %add3A_73 : i32
    %sub3A = arith.constant 120 : i32
    %sub3A_75 = arith.subi %add3A_74, %sub3A : i32
    "tpu.region"() ({
      %run_scoped3A_128 = tpu.sem_alloc : memref<!tpu.dma_semaphore, #tpu.memory_space<semaphore_mem>>
      %dma_start3A = arith.constant 0 : i32
      %dma_start3A_129 = arith.constant 0 : i32
      %dma_start3A_130 = tpu.memref_slice %arg7[%dma_start3A, %dma_start3A_129] : memref<128x128xf32, #tpu.memory_space<vmem>> -> memref<120x128xf32, #tpu.memory_space<vmem>>
      %dma_start3A_131 = arith.constant 0 : i32
      %dma_start3A_132 = tpu.memref_slice %arg15[%sub3A_75, %dma_start3A_131] : memref<10112x128xf32, #tpu.memory_space<vmem_shared>> -> memref<120x128xf32, #tpu.memory_space<vmem_shared>>
      %dma_start3A_133 = arith.constant 0 : i32
      %dma_start3A_134 = tpu.memref_slice %arg15[%sub3A_75, %dma_start3A_133] : memref<10112x128xf32, #tpu.memory_space<vmem_shared>> -> memref<120x128xf32, #tpu.memory_space<vmem_shared>>
      %dma_start3A_135 = arith.constant 0 : i32
      %dma_start3A_136 = arith.constant 0 : i32
      %dma_start3A_137 = tpu.memref_slice %arg7[%dma_start3A_135, %dma_start3A_136] : memref<128x128xf32, #tpu.memory_space<vmem>> -> memref<120x128xf32, #tpu.memory_space<vmem>>
      tpu.enqueue_dma source(%dma_start3A_137 : memref<120x128xf32, #tpu.memory_space<vmem>>) target(%dma_start3A_134 : memref<120x128xf32, #tpu.memory_space<vmem_shared>>) target_semaphore(%run_scoped3A_128 : memref<!tpu.dma_semaphore, #tpu.memory_space<semaphore_mem>>)
      %dma_wait3A = arith.constant 0 : i32
      %dma_wait3A_138 = arith.constant 0 : i32
      %dma_wait3A_139 = tpu.memref_slice %arg7[%dma_wait3A, %dma_wait3A_138] : memref<128x128xf32, #tpu.memory_space<vmem>> -> memref<120x128xf32, #tpu.memory_space<vmem>>
      %dma_wait3A_140 = arith.constant 0 : i32
      %dma_wait3A_141 = tpu.memref_slice %arg15[%sub3A_75, %dma_wait3A_140] : memref<10112x128xf32, #tpu.memory_space<vmem_shared>> -> memref<120x128xf32, #tpu.memory_space<vmem_shared>>
      %dma_wait3A_142 = arith.constant 0 : i32
      %dma_wait3A_143 = tpu.memref_slice %arg15[%sub3A_75, %dma_wait3A_142] : memref<10112x128xf32, #tpu.memory_space<vmem_shared>> -> memref<120x128xf32, #tpu.memory_space<vmem_shared>>
      %dma_wait3A_144 = arith.constant 0 : i32
      %dma_wait3A_145 = arith.constant 0 : i32
      %dma_wait3A_146 = tpu.memref_slice %arg7[%dma_wait3A_144, %dma_wait3A_145] : memref<128x128xf32, #tpu.memory_space<vmem>> -> memref<120x128xf32, #tpu.memory_space<vmem>>
      tpu.wait_dma2 semaphore(%run_scoped3A_128 : memref<!tpu.dma_semaphore, #tpu.memory_space<semaphore_mem>>) src(%dma_wait3A_146 : memref<120x128xf32, #tpu.memory_space<vmem>>) dst(%dma_wait3A_143 : memref<120x128xf32, #tpu.memory_space<vmem_shared>>)
      tpu.yield
    }) : () -> ()
    %mul3A_76 = arith.constant 640 : i32
    %mul3A_77 = arith.muli %arg1, %mul3A_76 : i32
    %add3A_78 = arith.constant 0 : i32
    %add3A_79 = arith.addi %mul3A_77, %add3A_78 : i32
    %run_scoped3A = arith.constant 0 : i32
    "tpu.region"() ({
      %run_scoped3A_128 = tpu.sem_alloc : memref<!tpu.dma_semaphore, #tpu.memory_space<semaphore_mem>>
      %dma_start3A = arith.constant 0 : i32
      %dma_start3A_129 = tpu.memref_slice %arg7[%run_scoped3A, %dma_start3A] : memref<128x128xf32, #tpu.memory_space<vmem>> -> memref<1x128xf32, #tpu.memory_space<vmem>>
      %dma_start3A_130 = tpu.memref_squeeze %dma_start3A_129 : memref<1x128xf32, #tpu.memory_space<vmem>> -> memref<128xf32, #tpu.memory_space<vmem>>
      %dma_start3A_131 = tpu.memref_slice %arg16[%add3A_79] : memref<10240xf32, #tpu.memory_space<vmem_shared>> -> memref<128xf32, #tpu.memory_space<vmem_shared>>
      %dma_start3A_132 = tpu.memref_slice %arg16[%add3A_79] : memref<10240xf32, #tpu.memory_space<vmem_shared>> -> memref<128xf32, #tpu.memory_space<vmem_shared>>
      %dma_start3A_133 = arith.constant 0 : i32
      %dma_start3A_134 = tpu.memref_slice %arg7[%run_scoped3A, %dma_start3A_133] : memref<128x128xf32, #tpu.memory_space<vmem>> -> memref<1x128xf32, #tpu.memory_space<vmem>>
      %dma_start3A_135 = tpu.memref_squeeze %dma_start3A_134 : memref<1x128xf32, #tpu.memory_space<vmem>> -> memref<128xf32, #tpu.memory_space<vmem>>
      tpu.enqueue_dma source(%dma_start3A_135 : memref<128xf32, #tpu.memory_space<vmem>>) target(%dma_start3A_132 : memref<128xf32, #tpu.memory_space<vmem_shared>>) target_semaphore(%run_scoped3A_128 : memref<!tpu.dma_semaphore, #tpu.memory_space<semaphore_mem>>)
      %dma_wait3A = arith.constant 0 : i32
      %dma_wait3A_136 = tpu.memref_slice %arg7[%run_scoped3A, %dma_wait3A] : memref<128x128xf32, #tpu.memory_space<vmem>> -> memref<1x128xf32, #tpu.memory_space<vmem>>
      %dma_wait3A_137 = tpu.memref_squeeze %dma_wait3A_136 : memref<1x128xf32, #tpu.memory_space<vmem>> -> memref<128xf32, #tpu.memory_space<vmem>>
      %dma_wait3A_138 = tpu.memref_slice %arg16[%add3A_79] : memref<10240xf32, #tpu.memory_space<vmem_shared>> -> memref<128xf32, #tpu.memory_space<vmem_shared>>
      %dma_wait3A_139 = tpu.memref_slice %arg16[%add3A_79] : memref<10240xf32, #tpu.memory_space<vmem_shared>> -> memref<128xf32, #tpu.memory_space<vmem_shared>>
      %dma_wait3A_140 = arith.constant 0 : i32
      %dma_wait3A_141 = tpu.memref_slice %arg7[%run_scoped3A, %dma_wait3A_140] : memref<128x128xf32, #tpu.memory_space<vmem>> -> memref<1x128xf32, #tpu.memory_space<vmem>>
      %dma_wait3A_142 = tpu.memref_squeeze %dma_wait3A_141 : memref<1x128xf32, #tpu.memory_space<vmem>> -> memref<128xf32, #tpu.memory_space<vmem>>
      tpu.wait_dma2 semaphore(%run_scoped3A_128 : memref<!tpu.dma_semaphore, #tpu.memory_space<semaphore_mem>>) src(%dma_wait3A_142 : memref<128xf32, #tpu.memory_space<vmem>>) dst(%dma_wait3A_139 : memref<128xf32, #tpu.memory_space<vmem_shared>>)
      tpu.yield
    }) : () -> ()
    %mul3A_80 = arith.constant 640 : i32
    %mul3A_81 = arith.muli %arg1, %mul3A_80 : i32
    %add3A_82 = arith.constant 128 : i32
    %add3A_83 = arith.addi %mul3A_81, %add3A_82 : i32
    %run_scoped3A_84 = arith.constant 0 : i32
    "tpu.region"() ({
      %run_scoped3A_128 = tpu.sem_alloc : memref<!tpu.dma_semaphore, #tpu.memory_space<semaphore_mem>>
      %dma_start3A = arith.constant 0 : i32
      %dma_start3A_129 = tpu.memref_slice %arg7[%run_scoped3A_84, %dma_start3A] : memref<128x128xf32, #tpu.memory_space<vmem>> -> memref<1x128xf32, #tpu.memory_space<vmem>>
      %dma_start3A_130 = tpu.memref_squeeze %dma_start3A_129 : memref<1x128xf32, #tpu.memory_space<vmem>> -> memref<128xf32, #tpu.memory_space<vmem>>
      %dma_start3A_131 = tpu.memref_slice %arg16[%add3A_83] : memref<10240xf32, #tpu.memory_space<vmem_shared>> -> memref<128xf32, #tpu.memory_space<vmem_shared>>
      %dma_start3A_132 = tpu.memref_slice %arg16[%add3A_83] : memref<10240xf32, #tpu.memory_space<vmem_shared>> -> memref<128xf32, #tpu.memory_space<vmem_shared>>
      %dma_start3A_133 = arith.constant 0 : i32
      %dma_start3A_134 = tpu.memref_slice %arg7[%run_scoped3A_84, %dma_start3A_133] : memref<128x128xf32, #tpu.memory_space<vmem>> -> memref<1x128xf32, #tpu.memory_space<vmem>>
      %dma_start3A_135 = tpu.memref_squeeze %dma_start3A_134 : memref<1x128xf32, #tpu.memory_space<vmem>> -> memref<128xf32, #tpu.memory_space<vmem>>
      tpu.enqueue_dma source(%dma_start3A_135 : memref<128xf32, #tpu.memory_space<vmem>>) target(%dma_start3A_132 : memref<128xf32, #tpu.memory_space<vmem_shared>>) target_semaphore(%run_scoped3A_128 : memref<!tpu.dma_semaphore, #tpu.memory_space<semaphore_mem>>)
      %dma_wait3A = arith.constant 0 : i32
      %dma_wait3A_136 = tpu.memref_slice %arg7[%run_scoped3A_84, %dma_wait3A] : memref<128x128xf32, #tpu.memory_space<vmem>> -> memref<1x128xf32, #tpu.memory_space<vmem>>
      %dma_wait3A_137 = tpu.memref_squeeze %dma_wait3A_136 : memref<1x128xf32, #tpu.memory_space<vmem>> -> memref<128xf32, #tpu.memory_space<vmem>>
      %dma_wait3A_138 = tpu.memref_slice %arg16[%add3A_83] : memref<10240xf32, #tpu.memory_space<vmem_shared>> -> memref<128xf32, #tpu.memory_space<vmem_shared>>
      %dma_wait3A_139 = tpu.memref_slice %arg16[%add3A_83] : memref<10240xf32, #tpu.memory_space<vmem_shared>> -> memref<128xf32, #tpu.memory_space<vmem_shared>>
      %dma_wait3A_140 = arith.constant 0 : i32
      %dma_wait3A_141 = tpu.memref_slice %arg7[%run_scoped3A_84, %dma_wait3A_140] : memref<128x128xf32, #tpu.memory_space<vmem>> -> memref<1x128xf32, #tpu.memory_space<vmem>>
      %dma_wait3A_142 = tpu.memref_squeeze %dma_wait3A_141 : memref<1x128xf32, #tpu.memory_space<vmem>> -> memref<128xf32, #tpu.memory_space<vmem>>
      tpu.wait_dma2 semaphore(%run_scoped3A_128 : memref<!tpu.dma_semaphore, #tpu.memory_space<semaphore_mem>>) src(%dma_wait3A_142 : memref<128xf32, #tpu.memory_space<vmem>>) dst(%dma_wait3A_139 : memref<128xf32, #tpu.memory_space<vmem_shared>>)
      tpu.yield
    }) : () -> ()
    %mul3A_85 = arith.constant 640 : i32
    %mul3A_86 = arith.muli %arg1, %mul3A_85 : i32
    %add3A_87 = arith.constant 256 : i32
    %add3A_88 = arith.addi %mul3A_86, %add3A_87 : i32
    %run_scoped3A_89 = arith.constant 0 : i32
    "tpu.region"() ({
      %run_scoped3A_128 = tpu.sem_alloc : memref<!tpu.dma_semaphore, #tpu.memory_space<semaphore_mem>>
      %dma_start3A = arith.constant 0 : i32
      %dma_start3A_129 = tpu.memref_slice %arg7[%run_scoped3A_89, %dma_start3A] : memref<128x128xf32, #tpu.memory_space<vmem>> -> memref<1x128xf32, #tpu.memory_space<vmem>>
      %dma_start3A_130 = tpu.memref_squeeze %dma_start3A_129 : memref<1x128xf32, #tpu.memory_space<vmem>> -> memref<128xf32, #tpu.memory_space<vmem>>
      %dma_start3A_131 = tpu.memref_slice %arg16[%add3A_88] : memref<10240xf32, #tpu.memory_space<vmem_shared>> -> memref<128xf32, #tpu.memory_space<vmem_shared>>
      %dma_start3A_132 = tpu.memref_slice %arg16[%add3A_88] : memref<10240xf32, #tpu.memory_space<vmem_shared>> -> memref<128xf32, #tpu.memory_space<vmem_shared>>
      %dma_start3A_133 = arith.constant 0 : i32
      %dma_start3A_134 = tpu.memref_slice %arg7[%run_scoped3A_89, %dma_start3A_133] : memref<128x128xf32, #tpu.memory_space<vmem>> -> memref<1x128xf32, #tpu.memory_space<vmem>>
      %dma_start3A_135 = tpu.memref_squeeze %dma_start3A_134 : memref<1x128xf32, #tpu.memory_space<vmem>> -> memref<128xf32, #tpu.memory_space<vmem>>
      tpu.enqueue_dma source(%dma_start3A_135 : memref<128xf32, #tpu.memory_space<vmem>>) target(%dma_start3A_132 : memref<128xf32, #tpu.memory_space<vmem_shared>>) target_semaphore(%run_scoped3A_128 : memref<!tpu.dma_semaphore, #tpu.memory_space<semaphore_mem>>)
      %dma_wait3A = arith.constant 0 : i32
      %dma_wait3A_136 = tpu.memref_slice %arg7[%run_scoped3A_89, %dma_wait3A] : memref<128x128xf32, #tpu.memory_space<vmem>> -> memref<1x128xf32, #tpu.memory_space<vmem>>
      %dma_wait3A_137 = tpu.memref_squeeze %dma_wait3A_136 : memref<1x128xf32, #tpu.memory_space<vmem>> -> memref<128xf32, #tpu.memory_space<vmem>>
      %dma_wait3A_138 = tpu.memref_slice %arg16[%add3A_88] : memref<10240xf32, #tpu.memory_space<vmem_shared>> -> memref<128xf32, #tpu.memory_space<vmem_shared>>
      %dma_wait3A_139 = tpu.memref_slice %arg16[%add3A_88] : memref<10240xf32, #tpu.memory_space<vmem_shared>> -> memref<128xf32, #tpu.memory_space<vmem_shared>>
      %dma_wait3A_140 = arith.constant 0 : i32
      %dma_wait3A_141 = tpu.memref_slice %arg7[%run_scoped3A_89, %dma_wait3A_140] : memref<128x128xf32, #tpu.memory_space<vmem>> -> memref<1x128xf32, #tpu.memory_space<vmem>>
      %dma_wait3A_142 = tpu.memref_squeeze %dma_wait3A_141 : memref<1x128xf32, #tpu.memory_space<vmem>> -> memref<128xf32, #tpu.memory_space<vmem>>
      tpu.wait_dma2 semaphore(%run_scoped3A_128 : memref<!tpu.dma_semaphore, #tpu.memory_space<semaphore_mem>>) src(%dma_wait3A_142 : memref<128xf32, #tpu.memory_space<vmem>>) dst(%dma_wait3A_139 : memref<128xf32, #tpu.memory_space<vmem_shared>>)
      tpu.yield
    }) : () -> ()
    %mul3A_90 = arith.constant 640 : i32
    %mul3A_91 = arith.muli %arg1, %mul3A_90 : i32
    %add3A_92 = arith.constant 384 : i32
    %add3A_93 = arith.addi %mul3A_91, %add3A_92 : i32
    %run_scoped3A_94 = arith.constant 0 : i32
    "tpu.region"() ({
      %run_scoped3A_128 = tpu.sem_alloc : memref<!tpu.dma_semaphore, #tpu.memory_space<semaphore_mem>>
      %dma_start3A = arith.constant 0 : i32
      %dma_start3A_129 = tpu.memref_slice %arg7[%run_scoped3A_94, %dma_start3A] : memref<128x128xf32, #tpu.memory_space<vmem>> -> memref<1x128xf32, #tpu.memory_space<vmem>>
      %dma_start3A_130 = tpu.memref_squeeze %dma_start3A_129 : memref<1x128xf32, #tpu.memory_space<vmem>> -> memref<128xf32, #tpu.memory_space<vmem>>
      %dma_start3A_131 = tpu.memref_slice %arg16[%add3A_93] : memref<10240xf32, #tpu.memory_space<vmem_shared>> -> memref<128xf32, #tpu.memory_space<vmem_shared>>
      %dma_start3A_132 = tpu.memref_slice %arg16[%add3A_93] : memref<10240xf32, #tpu.memory_space<vmem_shared>> -> memref<128xf32, #tpu.memory_space<vmem_shared>>
      %dma_start3A_133 = arith.constant 0 : i32
      %dma_start3A_134 = tpu.memref_slice %arg7[%run_scoped3A_94, %dma_start3A_133] : memref<128x128xf32, #tpu.memory_space<vmem>> -> memref<1x128xf32, #tpu.memory_space<vmem>>
      %dma_start3A_135 = tpu.memref_squeeze %dma_start3A_134 : memref<1x128xf32, #tpu.memory_space<vmem>> -> memref<128xf32, #tpu.memory_space<vmem>>
      tpu.enqueue_dma source(%dma_start3A_135 : memref<128xf32, #tpu.memory_space<vmem>>) target(%dma_start3A_132 : memref<128xf32, #tpu.memory_space<vmem_shared>>) target_semaphore(%run_scoped3A_128 : memref<!tpu.dma_semaphore, #tpu.memory_space<semaphore_mem>>)
      %dma_wait3A = arith.constant 0 : i32
      %dma_wait3A_136 = tpu.memref_slice %arg7[%run_scoped3A_94, %dma_wait3A] : memref<128x128xf32, #tpu.memory_space<vmem>> -> memref<1x128xf32, #tpu.memory_space<vmem>>
      %dma_wait3A_137 = tpu.memref_squeeze %dma_wait3A_136 : memref<1x128xf32, #tpu.memory_space<vmem>> -> memref<128xf32, #tpu.memory_space<vmem>>
      %dma_wait3A_138 = tpu.memref_slice %arg16[%add3A_93] : memref<10240xf32, #tpu.memory_space<vmem_shared>> -> memref<128xf32, #tpu.memory_space<vmem_shared>>
      %dma_wait3A_139 = tpu.memref_slice %arg16[%add3A_93] : memref<10240xf32, #tpu.memory_space<vmem_shared>> -> memref<128xf32, #tpu.memory_space<vmem_shared>>
      %dma_wait3A_140 = arith.constant 0 : i32
      %dma_wait3A_141 = tpu.memref_slice %arg7[%run_scoped3A_94, %dma_wait3A_140] : memref<128x128xf32, #tpu.memory_space<vmem>> -> memref<1x128xf32, #tpu.memory_space<vmem>>
      %dma_wait3A_142 = tpu.memref_squeeze %dma_wait3A_141 : memref<1x128xf32, #tpu.memory_space<vmem>> -> memref<128xf32, #tpu.memory_space<vmem>>
      tpu.wait_dma2 semaphore(%run_scoped3A_128 : memref<!tpu.dma_semaphore, #tpu.memory_space<semaphore_mem>>) src(%dma_wait3A_142 : memref<128xf32, #tpu.memory_space<vmem>>) dst(%dma_wait3A_139 : memref<128xf32, #tpu.memory_space<vmem_shared>>)
      tpu.yield
    }) : () -> ()
    %mul3A_95 = arith.constant 640 : i32
    %mul3A_96 = arith.muli %arg1, %mul3A_95 : i32
    %add3A_97 = arith.constant 512 : i32
    %add3A_98 = arith.addi %mul3A_96, %add3A_97 : i32
    %run_scoped3A_99 = arith.constant 0 : i32
    "tpu.region"() ({
      %run_scoped3A_128 = tpu.sem_alloc : memref<!tpu.dma_semaphore, #tpu.memory_space<semaphore_mem>>
      %dma_start3A = arith.constant 0 : i32
      %dma_start3A_129 = tpu.memref_slice %arg7[%run_scoped3A_99, %dma_start3A] : memref<128x128xf32, #tpu.memory_space<vmem>> -> memref<1x128xf32, #tpu.memory_space<vmem>>
      %dma_start3A_130 = tpu.memref_squeeze %dma_start3A_129 : memref<1x128xf32, #tpu.memory_space<vmem>> -> memref<128xf32, #tpu.memory_space<vmem>>
      %dma_start3A_131 = tpu.memref_slice %arg16[%add3A_98] : memref<10240xf32, #tpu.memory_space<vmem_shared>> -> memref<128xf32, #tpu.memory_space<vmem_shared>>
      %dma_start3A_132 = tpu.memref_slice %arg16[%add3A_98] : memref<10240xf32, #tpu.memory_space<vmem_shared>> -> memref<128xf32, #tpu.memory_space<vmem_shared>>
      %dma_start3A_133 = arith.constant 0 : i32
      %dma_start3A_134 = tpu.memref_slice %arg7[%run_scoped3A_99, %dma_start3A_133] : memref<128x128xf32, #tpu.memory_space<vmem>> -> memref<1x128xf32, #tpu.memory_space<vmem>>
      %dma_start3A_135 = tpu.memref_squeeze %dma_start3A_134 : memref<1x128xf32, #tpu.memory_space<vmem>> -> memref<128xf32, #tpu.memory_space<vmem>>
      tpu.enqueue_dma source(%dma_start3A_135 : memref<128xf32, #tpu.memory_space<vmem>>) target(%dma_start3A_132 : memref<128xf32, #tpu.memory_space<vmem_shared>>) target_semaphore(%run_scoped3A_128 : memref<!tpu.dma_semaphore, #tpu.memory_space<semaphore_mem>>)
      %dma_wait3A = arith.constant 0 : i32
      %dma_wait3A_136 = tpu.memref_slice %arg7[%run_scoped3A_99, %dma_wait3A] : memref<128x128xf32, #tpu.memory_space<vmem>> -> memref<1x128xf32, #tpu.memory_space<vmem>>
      %dma_wait3A_137 = tpu.memref_squeeze %dma_wait3A_136 : memref<1x128xf32, #tpu.memory_space<vmem>> -> memref<128xf32, #tpu.memory_space<vmem>>
      %dma_wait3A_138 = tpu.memref_slice %arg16[%add3A_98] : memref<10240xf32, #tpu.memory_space<vmem_shared>> -> memref<128xf32, #tpu.memory_space<vmem_shared>>
      %dma_wait3A_139 = tpu.memref_slice %arg16[%add3A_98] : memref<10240xf32, #tpu.memory_space<vmem_shared>> -> memref<128xf32, #tpu.memory_space<vmem_shared>>
      %dma_wait3A_140 = arith.constant 0 : i32
      %dma_wait3A_141 = tpu.memref_slice %arg7[%run_scoped3A_99, %dma_wait3A_140] : memref<128x128xf32, #tpu.memory_space<vmem>> -> memref<1x128xf32, #tpu.memory_space<vmem>>
      %dma_wait3A_142 = tpu.memref_squeeze %dma_wait3A_141 : memref<1x128xf32, #tpu.memory_space<vmem>> -> memref<128xf32, #tpu.memory_space<vmem>>
      tpu.wait_dma2 semaphore(%run_scoped3A_128 : memref<!tpu.dma_semaphore, #tpu.memory_space<semaphore_mem>>) src(%dma_wait3A_142 : memref<128xf32, #tpu.memory_space<vmem>>) dst(%dma_wait3A_139 : memref<128xf32, #tpu.memory_space<vmem_shared>>)
      tpu.yield
    }) : () -> ()
    %eq3A = arith.constant 0 : i32
    %eq3A_100 = arith.cmpi eq, %arg0, %eq3A : i32
    %convert_element_type3A = arith.extui %eq3A_100 : i1 to i32
    %cond3A = arith.constant 0 : i32
    %cond3A_101 = arith.cmpi ne, %convert_element_type3A, %cond3A : i32
    scf.if %cond3A_101 {
      %mul3A_128 = arith.constant 120 : i32
      %mul3A_129 = arith.muli %arg1, %mul3A_128 : i32
      %mul3A_130 = arith.constant 128 : i32
      %mul3A_131 = arith.muli %mul3A_129, %mul3A_130 : i32
      "tpu.region"() ({
        %run_scoped3A_132 = tpu.sem_alloc : memref<!tpu.dma_semaphore, #tpu.memory_space<semaphore_mem>>
        %dma_start3A = arith.constant 0 : i32
        %dma_start3A_133 = tpu.memref_slice %arg6[%dma_start3A] : memref<15360xi32, #tpu.memory_space<vmem>> -> memref<15360xi32, #tpu.memory_space<vmem>>
        %dma_start3A_134 = tpu.memref_slice %arg3[%mul3A_131] : memref<327680xi32, #tpu.memory_space<hbm>> -> memref<15360xi32, #tpu.memory_space<hbm>>
        %dma_start3A_135 = arith.constant 0 : i32
        %dma_start3A_136 = tpu.memref_slice %arg6[%dma_start3A_135] : memref<15360xi32, #tpu.memory_space<vmem>> -> memref<15360xi32, #tpu.memory_space<vmem>>
        %dma_start3A_137 = tpu.memref_slice %arg3[%mul3A_131] : memref<327680xi32, #tpu.memory_space<hbm>> -> memref<15360xi32, #tpu.memory_space<hbm>>
        tpu.enqueue_dma source(%dma_start3A_137 : memref<15360xi32, #tpu.memory_space<hbm>>) target(%dma_start3A_136 : memref<15360xi32, #tpu.memory_space<vmem>>) target_semaphore(%run_scoped3A_132 : memref<!tpu.dma_semaphore, #tpu.memory_space<semaphore_mem>>)
        %dma_wait3A = arith.constant 0 : i32
        %dma_wait3A_138 = tpu.memref_slice %arg6[%dma_wait3A] : memref<15360xi32, #tpu.memory_space<vmem>> -> memref<15360xi32, #tpu.memory_space<vmem>>
        %dma_wait3A_139 = tpu.memref_slice %arg3[%mul3A_131] : memref<327680xi32, #tpu.memory_space<hbm>> -> memref<15360xi32, #tpu.memory_space<hbm>>
        %dma_wait3A_140 = arith.constant 0 : i32
        %dma_wait3A_141 = tpu.memref_slice %arg6[%dma_wait3A_140] : memref<15360xi32, #tpu.memory_space<vmem>> -> memref<15360xi32, #tpu.memory_space<vmem>>
        %dma_wait3A_142 = tpu.memref_slice %arg3[%mul3A_131] : memref<327680xi32, #tpu.memory_space<hbm>> -> memref<15360xi32, #tpu.memory_space<hbm>>
        tpu.wait_dma2 semaphore(%run_scoped3A_132 : memref<!tpu.dma_semaphore, #tpu.memory_space<semaphore_mem>>) src(%dma_wait3A_142 : memref<15360xi32, #tpu.memory_space<hbm>>) dst(%dma_wait3A_141 : memref<15360xi32, #tpu.memory_space<vmem>>)
        tpu.yield
      }) : () -> ()
    } else {
    }
    %eq3A_102 = arith.constant 1 : i32
    %eq3A_103 = arith.cmpi eq, %arg0, %eq3A_102 : i32
    %convert_element_type3A_104 = arith.extui %eq3A_103 : i1 to i32
    %cond3A_105 = arith.constant 0 : i32
    %cond3A_106 = arith.cmpi ne, %convert_element_type3A_104, %cond3A_105 : i32
    scf.if %cond3A_106 {
      %mul3A_128 = arith.constant 40 : i32
      %mul3A_129 = arith.muli %arg1, %mul3A_128 : i32
      %add3A_130 = arith.constant 1920 : i32
      %add3A_131 = arith.addi %add3A_130, %mul3A_129 : i32
      %mul3A_132 = arith.constant 128 : i32
      %mul3A_133 = arith.muli %add3A_131, %mul3A_132 : i32
      "tpu.region"() ({
        %run_scoped3A_134 = tpu.sem_alloc : memref<!tpu.dma_semaphore, #tpu.memory_space<semaphore_mem>>
        %dma_start3A = arith.constant 0 : i32
        %dma_start3A_135 = tpu.memref_slice %arg6[%dma_start3A] : memref<15360xi32, #tpu.memory_space<vmem>> -> memref<5120xi32, #tpu.memory_space<vmem>>
        %dma_start3A_136 = tpu.memref_slice %arg3[%mul3A_133] : memref<327680xi32, #tpu.memory_space<hbm>> -> memref<5120xi32, #tpu.memory_space<hbm>>
        %dma_start3A_137 = arith.constant 0 : i32
        %dma_start3A_138 = tpu.memref_slice %arg6[%dma_start3A_137] : memref<15360xi32, #tpu.memory_space<vmem>> -> memref<5120xi32, #tpu.memory_space<vmem>>
        %dma_start3A_139 = tpu.memref_slice %arg3[%mul3A_133] : memref<327680xi32, #tpu.memory_space<hbm>> -> memref<5120xi32, #tpu.memory_space<hbm>>
        tpu.enqueue_dma source(%dma_start3A_139 : memref<5120xi32, #tpu.memory_space<hbm>>) target(%dma_start3A_138 : memref<5120xi32, #tpu.memory_space<vmem>>) target_semaphore(%run_scoped3A_134 : memref<!tpu.dma_semaphore, #tpu.memory_space<semaphore_mem>>)
        %dma_wait3A = arith.constant 0 : i32
        %dma_wait3A_140 = tpu.memref_slice %arg6[%dma_wait3A] : memref<15360xi32, #tpu.memory_space<vmem>> -> memref<5120xi32, #tpu.memory_space<vmem>>
        %dma_wait3A_141 = tpu.memref_slice %arg3[%mul3A_133] : memref<327680xi32, #tpu.memory_space<hbm>> -> memref<5120xi32, #tpu.memory_space<hbm>>
        %dma_wait3A_142 = arith.constant 0 : i32
        %dma_wait3A_143 = tpu.memref_slice %arg6[%dma_wait3A_142] : memref<15360xi32, #tpu.memory_space<vmem>> -> memref<5120xi32, #tpu.memory_space<vmem>>
        %dma_wait3A_144 = tpu.memref_slice %arg3[%mul3A_133] : memref<327680xi32, #tpu.memory_space<hbm>> -> memref<5120xi32, #tpu.memory_space<hbm>>
        tpu.wait_dma2 semaphore(%run_scoped3A_134 : memref<!tpu.dma_semaphore, #tpu.memory_space<semaphore_mem>>) src(%dma_wait3A_144 : memref<5120xi32, #tpu.memory_space<hbm>>) dst(%dma_wait3A_143 : memref<5120xi32, #tpu.memory_space<vmem>>)
        tpu.yield
      }) : () -> ()
    } else {
    }
    %barrier3A = arith.constant 0 : index
    tpu.barrier barrier_id(%barrier3A)
    %eq3A_107 = arith.constant 0 : i32
    %eq3A_108 = arith.cmpi eq, %arg0, %eq3A_107 : i32
    %convert_element_type3A_109 = arith.extui %eq3A_108 : i1 to i32
    %cond3A_110 = arith.constant 0 : i32
    %cond3A_111 = arith.cmpi ne, %convert_element_type3A_109, %cond3A_110 : i32
    scf.if %cond3A_111 {
      %get3A = arith.constant 0 : index
      %get3A_128 = tpu.vector_load %arg6[%get3A] {strides = array<i32>} : memref<15360xi32, #tpu.memory_space<vmem>>, vector<16xi32>,
      %get3A_129 = vector.shape_cast %get3A_128 : vector<16xi32> to vector<16xi32>
      %shift_right_arithmetic3A = arith.constant 0 : i32
      %shift_right_arithmetic3A_130 = vector.broadcast %shift_right_arithmetic3A : i32 to vector<16xi32>
      %shift_right_arithmetic3A_131 = arith.shrsi %get3A_129, %shift_right_arithmetic3A_130 : vector<16xi32>
      %and3A = arith.constant 16383 : i32
      %and3A_132 = vector.broadcast %and3A : i32 to vector<16xi32>
      %and3A_133 = arith.andi %shift_right_arithmetic3A_131, %and3A_132 : vector<16xi32>
      %swap3A_134 = arith.constant 0 : index
      %swap3A_135 = tpu.vector_load %arg9[%swap3A_134] {strides = array<i32>} : memref<128xi32, #tpu.memory_space<vmem>>, vector<16xi32>,
      %swap3A_136 = vector.shape_cast %swap3A_135 : vector<16xi32> to vector<16xi32>
      %swap3A_137 = vector.shape_cast %and3A_133 : vector<16xi32> to vector<16xi32>
      tpu.vector_store %arg9[%swap3A_134], %swap3A_137 {strides = array<i32>} : memref<128xi32, #tpu.memory_space<vmem>>, vector<16xi32>,
      %get3A_138 = arith.constant 16 : index
      %get3A_139 = tpu.vector_load %arg6[%get3A_138] {strides = array<i32>} : memref<15360xi32, #tpu.memory_space<vmem>>, vector<16xi32>,
      %get3A_140 = vector.shape_cast %get3A_139 : vector<16xi32> to vector<16xi32>
      %shift_right_arithmetic3A_141 = arith.constant 0 : i32
      %shift_right_arithmetic3A_142 = vector.broadcast %shift_right_arithmetic3A_141 : i32 to vector<16xi32>
      %shift_right_arithmetic3A_143 = arith.shrsi %get3A_140, %shift_right_arithmetic3A_142 : vector<16xi32>
      %and3A_144 = arith.constant 16383 : i32
      %and3A_145 = vector.broadcast %and3A_144 : i32 to vector<16xi32>
      %and3A_146 = arith.andi %shift_right_arithmetic3A_143, %and3A_145 : vector<16xi32>
      %swap3A_147 = arith.constant 16 : index
      %swap3A_148 = tpu.vector_load %arg9[%swap3A_147] {strides = array<i32>} : memref<128xi32, #tpu.memory_space<vmem>>, vector<16xi32>,
      %swap3A_149 = vector.shape_cast %swap3A_148 : vector<16xi32> to vector<16xi32>
      %swap3A_150 = vector.shape_cast %and3A_146 : vector<16xi32> to vector<16xi32>
      tpu.vector_store %arg9[%swap3A_147], %swap3A_150 {strides = array<i32>} : memref<128xi32, #tpu.memory_space<vmem>>, vector<16xi32>,
      %get3A_151 = arith.constant 32 : index
      %get3A_152 = tpu.vector_load %arg6[%get3A_151] {strides = array<i32>} : memref<15360xi32, #tpu.memory_space<vmem>>, vector<16xi32>,
      %get3A_153 = vector.shape_cast %get3A_152 : vector<16xi32> to vector<16xi32>
      %shift_right_arithmetic3A_154 = arith.constant 0 : i32
      %shift_right_arithmetic3A_155 = vector.broadcast %shift_right_arithmetic3A_154 : i32 to vector<16xi32>
      %shift_right_arithmetic3A_156 = arith.shrsi %get3A_153, %shift_right_arithmetic3A_155 : vector<16xi32>
      %and3A_157 = arith.constant 16383 : i32
      %and3A_158 = vector.broadcast %and3A_157 : i32 to vector<16xi32>
      %and3A_159 = arith.andi %shift_right_arithmetic3A_156, %and3A_158 : vector<16xi32>
      %swap3A_160 = arith.constant 32 : index
      %swap3A_161 = tpu.vector_load %arg9[%swap3A_160] {strides = array<i32>} : memref<128xi32, #tpu.memory_space<vmem>>, vector<16xi32>,
      %swap3A_162 = vector.shape_cast %swap3A_161 : vector<16xi32> to vector<16xi32>
      %swap3A_163 = vector.shape_cast %and3A_159 : vector<16xi32> to vector<16xi32>
      tpu.vector_store %arg9[%swap3A_160], %swap3A_163 {strides = array<i32>} : memref<128xi32, #tpu.memory_space<vmem>>, vector<16xi32>,
      %get3A_164 = arith.constant 48 : index
      %get3A_165 = tpu.vector_load %arg6[%get3A_164] {strides = array<i32>} : memref<15360xi32, #tpu.memory_space<vmem>>, vector<16xi32>,
      %get3A_166 = vector.shape_cast %get3A_165 : vector<16xi32> to vector<16xi32>
      %shift_right_arithmetic3A_167 = arith.constant 0 : i32
      %shift_right_arithmetic3A_168 = vector.broadcast %shift_right_arithmetic3A_167 : i32 to vector<16xi32>
      %shift_right_arithmetic3A_169 = arith.shrsi %get3A_166, %shift_right_arithmetic3A_168 : vector<16xi32>
      %and3A_170 = arith.constant 16383 : i32
      %and3A_171 = vector.broadcast %and3A_170 : i32 to vector<16xi32>
      %and3A_172 = arith.andi %shift_right_arithmetic3A_169, %and3A_171 : vector<16xi32>
      %swap3A_173 = arith.constant 48 : index
      %swap3A_174 = tpu.vector_load %arg9[%swap3A_173] {strides = array<i32>} : memref<128xi32, #tpu.memory_space<vmem>>, vector<16xi32>,
      %swap3A_175 = vector.shape_cast %swap3A_174 : vector<16xi32> to vector<16xi32>
      %swap3A_176 = vector.shape_cast %and3A_172 : vector<16xi32> to vector<16xi32>
      tpu.vector_store %arg9[%swap3A_173], %swap3A_176 {strides = array<i32>} : memref<128xi32, #tpu.memory_space<vmem>>, vector<16xi32>,
      %get3A_177 = arith.constant 64 : index
      %get3A_178 = tpu.vector_load %arg6[%get3A_177] {strides = array<i32>} : memref<15360xi32, #tpu.memory_space<vmem>>, vector<16xi32>,
      %get3A_179 = vector.shape_cast %get3A_178 : vector<16xi32> to vector<16xi32>
      %shift_right_arithmetic3A_180 = arith.constant 0 : i32
      %shift_right_arithmetic3A_181 = vector.broadcast %shift_right_arithmetic3A_180 : i32 to vector<16xi32>
      %shift_right_arithmetic3A_182 = arith.shrsi %get3A_179, %shift_right_arithmetic3A_181 : vector<16xi32>
      %and3A_183 = arith.constant 16383 : i32
      %and3A_184 = vector.broadcast %and3A_183 : i32 to vector<16xi32>
      %and3A_185 = arith.andi %shift_right_arithmetic3A_182, %and3A_184 : vector<16xi32>
      %swap3A_186 = arith.constant 64 : index
      %swap3A_187 = tpu.vector_load %arg9[%swap3A_186] {strides = array<i32>} : memref<128xi32, #tpu.memory_space<vmem>>, vector<16xi32>,
      %swap3A_188 = vector.shape_cast %swap3A_187 : vector<16xi32> to vector<16xi32>
      %swap3A_189 = vector.shape_cast %and3A_185 : vector<16xi32> to vector<16xi32>
      tpu.vector_store %arg9[%swap3A_186], %swap3A_189 {strides = array<i32>} : memref<128xi32, #tpu.memory_space<vmem>>, vector<16xi32>,
      %get3A_190 = arith.constant 80 : index
      %get3A_191 = tpu.vector_load %arg6[%get3A_190] {strides = array<i32>} : memref<15360xi32, #tpu.memory_space<vmem>>, vector<16xi32>,
      %get3A_192 = vector.shape_cast %get3A_191 : vector<16xi32> to vector<16xi32>
      %shift_right_arithmetic3A_193 = arith.constant 0 : i32
      %shift_right_arithmetic3A_194 = vector.broadcast %shift_right_arithmetic3A_193 : i32 to vector<16xi32>
      %shift_right_arithmetic3A_195 = arith.shrsi %get3A_192, %shift_right_arithmetic3A_194 : vector<16xi32>
      %and3A_196 = arith.constant 16383 : i32
      %and3A_197 = vector.broadcast %and3A_196 : i32 to vector<16xi32>
      %and3A_198 = arith.andi %shift_right_arithmetic3A_195, %and3A_197 : vector<16xi32>
      %swap3A_199 = arith.constant 80 : index
      %swap3A_200 = tpu.vector_load %arg9[%swap3A_199] {strides = array<i32>} : memref<128xi32, #tpu.memory_space<vmem>>, vector<16xi32>,
      %swap3A_201 = vector.shape_cast %swap3A_200 : vector<16xi32> to vector<16xi32>
      %swap3A_202 = vector.shape_cast %and3A_198 : vector<16xi32> to vector<16xi32>
      tpu.vector_store %arg9[%swap3A_199], %swap3A_202 {strides = array<i32>} : memref<128xi32, #tpu.memory_space<vmem>>, vector<16xi32>,
      %get3A_203 = arith.constant 96 : index
      %get3A_204 = tpu.vector_load %arg6[%get3A_203] {strides = array<i32>} : memref<15360xi32, #tpu.memory_space<vmem>>, vector<16xi32>,
      %get3A_205 = vector.shape_cast %get3A_204 : vector<16xi32> to vector<16xi32>
      %shift_right_arithmetic3A_206 = arith.constant 0 : i32
      %shift_right_arithmetic3A_207 = vector.broadcast %shift_right_arithmetic3A_206 : i32 to vector<16xi32>
      %shift_right_arithmetic3A_208 = arith.shrsi %get3A_205, %shift_right_arithmetic3A_207 : vector<16xi32>
      %and3A_209 = arith.constant 16383 : i32
      %and3A_210 = vector.broadcast %and3A_209 : i32 to vector<16xi32>
      %and3A_211 = arith.andi %shift_right_arithmetic3A_208, %and3A_210 : vector<16xi32>
      %swap3A_212 = arith.constant 96 : index
      %swap3A_213 = tpu.vector_load %arg9[%swap3A_212] {strides = array<i32>} : memref<128xi32, #tpu.memory_space<vmem>>, vector<16xi32>,
      %swap3A_214 = vector.shape_cast %swap3A_213 : vector<16xi32> to vector<16xi32>
      %swap3A_215 = vector.shape_cast %and3A_211 : vector<16xi32> to vector<16xi32>
      tpu.vector_store %arg9[%swap3A_212], %swap3A_215 {strides = array<i32>} : memref<128xi32, #tpu.memory_space<vmem>>, vector<16xi32>,
      %get3A_216 = arith.constant 112 : index
      %get3A_217 = tpu.vector_load %arg6[%get3A_216] {strides = array<i32>} : memref<15360xi32, #tpu.memory_space<vmem>>, vector<16xi32>,
      %get3A_218 = vector.shape_cast %get3A_217 : vector<16xi32> to vector<16xi32>
      %shift_right_arithmetic3A_219 = arith.constant 0 : i32
      %shift_right_arithmetic3A_220 = vector.broadcast %shift_right_arithmetic3A_219 : i32 to vector<16xi32>
      %shift_right_arithmetic3A_221 = arith.shrsi %get3A_218, %shift_right_arithmetic3A_220 : vector<16xi32>
      %and3A_222 = arith.constant 16383 : i32
      %and3A_223 = vector.broadcast %and3A_222 : i32 to vector<16xi32>
      %and3A_224 = arith.andi %shift_right_arithmetic3A_221, %and3A_223 : vector<16xi32>
      %swap3A_225 = arith.constant 112 : index
      %swap3A_226 = tpu.vector_load %arg9[%swap3A_225] {strides = array<i32>} : memref<128xi32, #tpu.memory_space<vmem>>, vector<16xi32>,
      %swap3A_227 = vector.shape_cast %swap3A_226 : vector<16xi32> to vector<16xi32>
      %swap3A_228 = vector.shape_cast %and3A_224 : vector<16xi32> to vector<16xi32>
      tpu.vector_store %arg9[%swap3A_225], %swap3A_228 {strides = array<i32>} : memref<128xi32, #tpu.memory_space<vmem>>, vector<16xi32>,
      %dma_start3A = arith.constant 0 : i32
      %dma_start3A_229 = arith.constant 0 : i32
      %dma_start3A_230 = tpu.memref_slice %arg2[%dma_start3A, %dma_start3A_229] : memref<10000x128xf32, #tpu.memory_space<hbm>> -> memref<10000x128xf32, #tpu.memory_space<hbm>>
      tpu.enqueue_indirect_dma source(%dma_start3A_230 : memref<10000x128xf32, #tpu.memory_space<hbm>>) target(%arg7 : memref<128x128xf32, #tpu.memory_space<vmem>>) offsets(%arg9 : memref<128xi32, #tpu.memory_space<vmem>>) semaphore(%arg13 : memref<!tpu.dma_semaphore, #tpu.memory_space<semaphore_mem>>)
      %scan3A_231 = arith.constant 0 : i32
      %scan3A_232 = arith.constant 0 : i32
      %scan3A_233 = arith.constant 60 : i32
      %scan3A_234 = arith.addi %scan3A_232, %scan3A_233 : i32
      %scan3A_235 = arith.constant 1 : i32
      scf.for %scan3A_237 = %scan3A_232 to %scan3A_234 step %scan3A_235  : i32 {
        %mul3A_238 = arith.constant 2 : i32
        %mul3A_239 = arith.muli %mul3A_238, %scan3A_237 : i32
        %mul3A_240 = arith.constant 2 : i32
        %mul3A_241 = arith.muli %mul3A_240, %scan3A_237 : i32
        %add3A_242 = arith.constant 1 : i32
        %add3A_243 = arith.addi %mul3A_241, %add3A_242 : i32
        %mul3A_244 = arith.constant 128 : i32
        %mul3A_245 = arith.muli %add3A_243, %mul3A_244 : i32
        %add3A_246 = arith.constant 0 : i32
        %add3A_247 = arith.addi %mul3A_245, %add3A_246 : i32
        %get3A_248 = arith.index_cast %add3A_247 : i32 to index
        %get3A_249 = tpu.vector_load %arg6[%get3A_248] {strides = array<i32>} : memref<15360xi32, #tpu.memory_space<vmem>>, vector<16xi32>,
        %get3A_250 = vector.shape_cast %get3A_249 : vector<16xi32> to vector<16xi32>
        %shift_right_arithmetic3A_251 = arith.constant 0 : i32
        %shift_right_arithmetic3A_252 = vector.broadcast %shift_right_arithmetic3A_251 : i32 to vector<16xi32>
        %shift_right_arithmetic3A_253 = arith.shrsi %get3A_250, %shift_right_arithmetic3A_252 : vector<16xi32>
        %and3A_254 = arith.constant 16383 : i32
        %and3A_255 = vector.broadcast %and3A_254 : i32 to vector<16xi32>
        %and3A_256 = arith.andi %shift_right_arithmetic3A_253, %and3A_255 : vector<16xi32>
        %swap3A_257 = arith.constant 0 : index
        %swap3A_258 = tpu.vector_load %arg10[%swap3A_257] {strides = array<i32>} : memref<128xi32, #tpu.memory_space<vmem>>, vector<16xi32>,
        %swap3A_259 = vector.shape_cast %swap3A_258 : vector<16xi32> to vector<16xi32>
        %swap3A_260 = vector.shape_cast %and3A_256 : vector<16xi32> to vector<16xi32>
        tpu.vector_store %arg10[%swap3A_257], %swap3A_260 {strides = array<i32>} : memref<128xi32, #tpu.memory_space<vmem>>, vector<16xi32>,
        %mul3A_261 = arith.constant 128 : i32
        %mul3A_262 = arith.muli %add3A_243, %mul3A_261 : i32
        %add3A_263 = arith.constant 16 : i32
        %add3A_264 = arith.addi %mul3A_262, %add3A_263 : i32
        %get3A_265 = arith.index_cast %add3A_264 : i32 to index
        %get3A_266 = tpu.vector_load %arg6[%get3A_265] {strides = array<i32>} : memref<15360xi32, #tpu.memory_space<vmem>>, vector<16xi32>,
        %get3A_267 = vector.shape_cast %get3A_266 : vector<16xi32> to vector<16xi32>
        %shift_right_arithmetic3A_268 = arith.constant 0 : i32
        %shift_right_arithmetic3A_269 = vector.broadcast %shift_right_arithmetic3A_268 : i32 to vector<16xi32>
        %shift_right_arithmetic3A_270 = arith.shrsi %get3A_267, %shift_right_arithmetic3A_269 : vector<16xi32>
        %and3A_271 = arith.constant 16383 : i32
        %and3A_272 = vector.broadcast %and3A_271 : i32 to vector<16xi32>
        %and3A_273 = arith.andi %shift_right_arithmetic3A_270, %and3A_272 : vector<16xi32>
        %swap3A_274 = arith.constant 16 : index
        %swap3A_275 = tpu.vector_load %arg10[%swap3A_274] {strides = array<i32>} : memref<128xi32, #tpu.memory_space<vmem>>, vector<16xi32>,
        %swap3A_276 = vector.shape_cast %swap3A_275 : vector<16xi32> to vector<16xi32>
        %swap3A_277 = vector.shape_cast %and3A_273 : vector<16xi32> to vector<16xi32>
        tpu.vector_store %arg10[%swap3A_274], %swap3A_277 {strides = array<i32>} : memref<128xi32, #tpu.memory_space<vmem>>, vector<16xi32>,
        %mul3A_278 = arith.constant 128 : i32
        %mul3A_279 = arith.muli %add3A_243, %mul3A_278 : i32
        %add3A_280 = arith.constant 32 : i32
        %add3A_281 = arith.addi %mul3A_279, %add3A_280 : i32
        %get3A_282 = arith.index_cast %add3A_281 : i32 to index
        %get3A_283 = tpu.vector_load %arg6[%get3A_282] {strides = array<i32>} : memref<15360xi32, #tpu.memory_space<vmem>>, vector<16xi32>,
        %get3A_284 = vector.shape_cast %get3A_283 : vector<16xi32> to vector<16xi32>
        %shift_right_arithmetic3A_285 = arith.constant 0 : i32
        %shift_right_arithmetic3A_286 = vector.broadcast %shift_right_arithmetic3A_285 : i32 to vector<16xi32>
        %shift_right_arithmetic3A_287 = arith.shrsi %get3A_284, %shift_right_arithmetic3A_286 : vector<16xi32>
        %and3A_288 = arith.constant 16383 : i32
        %and3A_289 = vector.broadcast %and3A_288 : i32 to vector<16xi32>
        %and3A_290 = arith.andi %shift_right_arithmetic3A_287, %and3A_289 : vector<16xi32>
        %swap3A_291 = arith.constant 32 : index
        %swap3A_292 = tpu.vector_load %arg10[%swap3A_291] {strides = array<i32>} : memref<128xi32, #tpu.memory_space<vmem>>, vector<16xi32>,
        %swap3A_293 = vector.shape_cast %swap3A_292 : vector<16xi32> to vector<16xi32>
        %swap3A_294 = vector.shape_cast %and3A_290 : vector<16xi32> to vector<16xi32>
        tpu.vector_store %arg10[%swap3A_291], %swap3A_294 {strides = array<i32>} : memref<128xi32, #tpu.memory_space<vmem>>, vector<16xi32>,
        %mul3A_295 = arith.constant 128 : i32
        %mul3A_296 = arith.muli %add3A_243, %mul3A_295 : i32
        %add3A_297 = arith.constant 48 : i32
        %add3A_298 = arith.addi %mul3A_296, %add3A_297 : i32
        %get3A_299 = arith.index_cast %add3A_298 : i32 to index
        %get3A_300 = tpu.vector_load %arg6[%get3A_299] {strides = array<i32>} : memref<15360xi32, #tpu.memory_space<vmem>>, vector<16xi32>,
        %get3A_301 = vector.shape_cast %get3A_300 : vector<16xi32> to vector<16xi32>
        %shift_right_arithmetic3A_302 = arith.constant 0 : i32
        %shift_right_arithmetic3A_303 = vector.broadcast %shift_right_arithmetic3A_302 : i32 to vector<16xi32>
        %shift_right_arithmetic3A_304 = arith.shrsi %get3A_301, %shift_right_arithmetic3A_303 : vector<16xi32>
        %and3A_305 = arith.constant 16383 : i32
        %and3A_306 = vector.broadcast %and3A_305 : i32 to vector<16xi32>
        %and3A_307 = arith.andi %shift_right_arithmetic3A_304, %and3A_306 : vector<16xi32>
        %swap3A_308 = arith.constant 48 : index
        %swap3A_309 = tpu.vector_load %arg10[%swap3A_308] {strides = array<i32>} : memref<128xi32, #tpu.memory_space<vmem>>, vector<16xi32>,
        %swap3A_310 = vector.shape_cast %swap3A_309 : vector<16xi32> to vector<16xi32>
        %swap3A_311 = vector.shape_cast %and3A_307 : vector<16xi32> to vector<16xi32>
        tpu.vector_store %arg10[%swap3A_308], %swap3A_311 {strides = array<i32>} : memref<128xi32, #tpu.memory_space<vmem>>, vector<16xi32>,
        %mul3A_312 = arith.constant 128 : i32
        %mul3A_313 = arith.muli %add3A_243, %mul3A_312 : i32
        %add3A_314 = arith.constant 64 : i32
        %add3A_315 = arith.addi %mul3A_313, %add3A_314 : i32
        %get3A_316 = arith.index_cast %add3A_315 : i32 to index
        %get3A_317 = tpu.vector_load %arg6[%get3A_316] {strides = array<i32>} : memref<15360xi32, #tpu.memory_space<vmem>>, vector<16xi32>,
        %get3A_318 = vector.shape_cast %get3A_317 : vector<16xi32> to vector<16xi32>
        %shift_right_arithmetic3A_319 = arith.constant 0 : i32
        %shift_right_arithmetic3A_320 = vector.broadcast %shift_right_arithmetic3A_319 : i32 to vector<16xi32>
        %shift_right_arithmetic3A_321 = arith.shrsi %get3A_318, %shift_right_arithmetic3A_320 : vector<16xi32>
        %and3A_322 = arith.constant 16383 : i32
        %and3A_323 = vector.broadcast %and3A_322 : i32 to vector<16xi32>
        %and3A_324 = arith.andi %shift_right_arithmetic3A_321, %and3A_323 : vector<16xi32>
        %swap3A_325 = arith.constant 64 : index
        %swap3A_326 = tpu.vector_load %arg10[%swap3A_325] {strides = array<i32>} : memref<128xi32, #tpu.memory_space<vmem>>, vector<16xi32>,
        %swap3A_327 = vector.shape_cast %swap3A_326 : vector<16xi32> to vector<16xi32>
        %swap3A_328 = vector.shape_cast %and3A_324 : vector<16xi32> to vector<16xi32>
        tpu.vector_store %arg10[%swap3A_325], %swap3A_328 {strides = array<i32>} : memref<128xi32, #tpu.memory_space<vmem>>, vector<16xi32>,
        %mul3A_329 = arith.constant 128 : i32
        %mul3A_330 = arith.muli %add3A_243, %mul3A_329 : i32
        %add3A_331 = arith.constant 80 : i32
        %add3A_332 = arith.addi %mul3A_330, %add3A_331 : i32
        %get3A_333 = arith.index_cast %add3A_332 : i32 to index
        %get3A_334 = tpu.vector_load %arg6[%get3A_333] {strides = array<i32>} : memref<15360xi32, #tpu.memory_space<vmem>>, vector<16xi32>,
        %get3A_335 = vector.shape_cast %get3A_334 : vector<16xi32> to vector<16xi32>
        %shift_right_arithmetic3A_336 = arith.constant 0 : i32
        %shift_right_arithmetic3A_337 = vector.broadcast %shift_right_arithmetic3A_336 : i32 to vector<16xi32>
        %shift_right_arithmetic3A_338 = arith.shrsi %get3A_335, %shift_right_arithmetic3A_337 : vector<16xi32>
        %and3A_339 = arith.constant 16383 : i32
        %and3A_340 = vector.broadcast %and3A_339 : i32 to vector<16xi32>
        %and3A_341 = arith.andi %shift_right_arithmetic3A_338, %and3A_340 : vector<16xi32>
        %swap3A_342 = arith.constant 80 : index
        %swap3A_343 = tpu.vector_load %arg10[%swap3A_342] {strides = array<i32>} : memref<128xi32, #tpu.memory_space<vmem>>, vector<16xi32>,
        %swap3A_344 = vector.shape_cast %swap3A_343 : vector<16xi32> to vector<16xi32>
        %swap3A_345 = vector.shape_cast %and3A_341 : vector<16xi32> to vector<16xi32>
        tpu.vector_store %arg10[%swap3A_342], %swap3A_345 {strides = array<i32>} : memref<128xi32, #tpu.memory_space<vmem>>, vector<16xi32>,
        %mul3A_346 = arith.constant 128 : i32
        %mul3A_347 = arith.muli %add3A_243, %mul3A_346 : i32
        %add3A_348 = arith.constant 96 : i32
        %add3A_349 = arith.addi %mul3A_347, %add3A_348 : i32
        %get3A_350 = arith.index_cast %add3A_349 : i32 to index
        %get3A_351 = tpu.vector_load %arg6[%get3A_350] {strides = array<i32>} : memref<15360xi32, #tpu.memory_space<vmem>>, vector<16xi32>,
        %get3A_352 = vector.shape_cast %get3A_351 : vector<16xi32> to vector<16xi32>
        %shift_right_arithmetic3A_353 = arith.constant 0 : i32
        %shift_right_arithmetic3A_354 = vector.broadcast %shift_right_arithmetic3A_353 : i32 to vector<16xi32>
        %shift_right_arithmetic3A_355 = arith.shrsi %get3A_352, %shift_right_arithmetic3A_354 : vector<16xi32>
        %and3A_356 = arith.constant 16383 : i32
        %and3A_357 = vector.broadcast %and3A_356 : i32 to vector<16xi32>
        %and3A_358 = arith.andi %shift_right_arithmetic3A_355, %and3A_357 : vector<16xi32>
        %swap3A_359 = arith.constant 96 : index
        %swap3A_360 = tpu.vector_load %arg10[%swap3A_359] {strides = array<i32>} : memref<128xi32, #tpu.memory_space<vmem>>, vector<16xi32>,
        %swap3A_361 = vector.shape_cast %swap3A_360 : vector<16xi32> to vector<16xi32>
        %swap3A_362 = vector.shape_cast %and3A_358 : vector<16xi32> to vector<16xi32>
        tpu.vector_store %arg10[%swap3A_359], %swap3A_362 {strides = array<i32>} : memref<128xi32, #tpu.memory_space<vmem>>, vector<16xi32>,
        %mul3A_363 = arith.constant 128 : i32
        %mul3A_364 = arith.muli %add3A_243, %mul3A_363 : i32
        %add3A_365 = arith.constant 112 : i32
        %add3A_366 = arith.addi %mul3A_364, %add3A_365 : i32
        %get3A_367 = arith.index_cast %add3A_366 : i32 to index
        %get3A_368 = tpu.vector_load %arg6[%get3A_367] {strides = array<i32>} : memref<15360xi32, #tpu.memory_space<vmem>>, vector<16xi32>,
        %get3A_369 = vector.shape_cast %get3A_368 : vector<16xi32> to vector<16xi32>
        %shift_right_arithmetic3A_370 = arith.constant 0 : i32
        %shift_right_arithmetic3A_371 = vector.broadcast %shift_right_arithmetic3A_370 : i32 to vector<16xi32>
        %shift_right_arithmetic3A_372 = arith.shrsi %get3A_369, %shift_right_arithmetic3A_371 : vector<16xi32>
        %and3A_373 = arith.constant 16383 : i32
        %and3A_374 = vector.broadcast %and3A_373 : i32 to vector<16xi32>
        %and3A_375 = arith.andi %shift_right_arithmetic3A_372, %and3A_374 : vector<16xi32>
        %swap3A_376 = arith.constant 112 : index
        %swap3A_377 = tpu.vector_load %arg10[%swap3A_376] {strides = array<i32>} : memref<128xi32, #tpu.memory_space<vmem>>, vector<16xi32>,
        %swap3A_378 = vector.shape_cast %swap3A_377 : vector<16xi32> to vector<16xi32>
        %swap3A_379 = vector.shape_cast %and3A_375 : vector<16xi32> to vector<16xi32>
        tpu.vector_store %arg10[%swap3A_376], %swap3A_379 {strides = array<i32>} : memref<128xi32, #tpu.memory_space<vmem>>, vector<16xi32>,
        %dma_wait3A = arith.constant 0 : i32
        %dma_wait3A_380 = arith.constant 0 : i32
        %dma_wait3A_381 = tpu.memref_slice %arg2[%dma_wait3A, %dma_wait3A_380] : memref<10000x128xf32, #tpu.memory_space<hbm>> -> memref<10000x128xf32, #tpu.memory_space<hbm>>
        tpu.wait_indirect_dma semaphore(%arg13 : memref<!tpu.dma_semaphore, #tpu.memory_space<semaphore_mem>>) src(%dma_wait3A_381 : memref<10000x128xf32, #tpu.memory_space<hbm>>) dst(%arg7 : memref<128x128xf32, #tpu.memory_space<vmem>>)
        %dma_start3A_382 = arith.constant 0 : i32
        %dma_start3A_383 = arith.constant 0 : i32
        %dma_start3A_384 = tpu.memref_slice %arg2[%dma_start3A_382, %dma_start3A_383] : memref<10000x128xf32, #tpu.memory_space<hbm>> -> memref<10000x128xf32, #tpu.memory_space<hbm>>
        tpu.enqueue_indirect_dma source(%dma_start3A_384 : memref<10000x128xf32, #tpu.memory_space<hbm>>) target(%arg8 : memref<128x128xf32, #tpu.memory_space<vmem>>) offsets(%arg10 : memref<128xi32, #tpu.memory_space<vmem>>) semaphore(%arg14 : memref<!tpu.dma_semaphore, #tpu.memory_space<semaphore_mem>>)
        %mul3A_385 = arith.constant 128 : i32
        %mul3A_386 = arith.muli %mul3A_239, %mul3A_385 : i32
        %add3A_387 = arith.constant 0 : i32
        %add3A_388 = arith.addi %mul3A_386, %add3A_387 : i32
        %get3A_389 = arith.index_cast %add3A_388 : i32 to index
        %get3A_390 = tpu.vector_load %arg6[%get3A_389] {strides = array<i32>} : memref<15360xi32, #tpu.memory_space<vmem>>, vector<16xi32>,
        %get3A_391 = vector.shape_cast %get3A_390 : vector<16xi32> to vector<16xi32>
        %shift_right_arithmetic3A_392 = arith.constant 14 : i32
        %shift_right_arithmetic3A_393 = vector.broadcast %shift_right_arithmetic3A_392 : i32 to vector<16xi32>
        %shift_right_arithmetic3A_394 = arith.shrsi %get3A_391, %shift_right_arithmetic3A_393 : vector<16xi32>
        %and3A_395 = arith.constant 16383 : i32
        %and3A_396 = vector.broadcast %and3A_395 : i32 to vector<16xi32>
        %and3A_397 = arith.andi %shift_right_arithmetic3A_394, %and3A_396 : vector<16xi32>
        %swap3A_398 = arith.constant 0 : index
        %swap3A_399 = tpu.vector_load %arg11[%swap3A_398] {strides = array<i32>} : memref<128xi32, #tpu.memory_space<vmem>>, vector<16xi32>,
        %swap3A_400 = vector.shape_cast %swap3A_399 : vector<16xi32> to vector<16xi32>
        %swap3A_401 = vector.shape_cast %and3A_397 : vector<16xi32> to vector<16xi32>
        tpu.vector_store %arg11[%swap3A_398], %swap3A_401 {strides = array<i32>} : memref<128xi32, #tpu.memory_space<vmem>>, vector<16xi32>,
        %mul3A_402 = arith.constant 128 : i32
        %mul3A_403 = arith.muli %mul3A_239, %mul3A_402 : i32
        %add3A_404 = arith.constant 16 : i32
        %add3A_405 = arith.addi %mul3A_403, %add3A_404 : i32
        %get3A_406 = arith.index_cast %add3A_405 : i32 to index
        %get3A_407 = tpu.vector_load %arg6[%get3A_406] {strides = array<i32>} : memref<15360xi32, #tpu.memory_space<vmem>>, vector<16xi32>,
        %get3A_408 = vector.shape_cast %get3A_407 : vector<16xi32> to vector<16xi32>
        %shift_right_arithmetic3A_409 = arith.constant 14 : i32
        %shift_right_arithmetic3A_410 = vector.broadcast %shift_right_arithmetic3A_409 : i32 to vector<16xi32>
        %shift_right_arithmetic3A_411 = arith.shrsi %get3A_408, %shift_right_arithmetic3A_410 : vector<16xi32>
        %and3A_412 = arith.constant 16383 : i32
        %and3A_413 = vector.broadcast %and3A_412 : i32 to vector<16xi32>
        %and3A_414 = arith.andi %shift_right_arithmetic3A_411, %and3A_413 : vector<16xi32>
        %swap3A_415 = arith.constant 16 : index
        %swap3A_416 = tpu.vector_load %arg11[%swap3A_415] {strides = array<i32>} : memref<128xi32, #tpu.memory_space<vmem>>, vector<16xi32>,
        %swap3A_417 = vector.shape_cast %swap3A_416 : vector<16xi32> to vector<16xi32>
        %swap3A_418 = vector.shape_cast %and3A_414 : vector<16xi32> to vector<16xi32>
        tpu.vector_store %arg11[%swap3A_415], %swap3A_418 {strides = array<i32>} : memref<128xi32, #tpu.memory_space<vmem>>, vector<16xi32>,
        %mul3A_419 = arith.constant 128 : i32
        %mul3A_420 = arith.muli %mul3A_239, %mul3A_419 : i32
        %add3A_421 = arith.constant 32 : i32
        %add3A_422 = arith.addi %mul3A_420, %add3A_421 : i32
        %get3A_423 = arith.index_cast %add3A_422 : i32 to index
        %get3A_424 = tpu.vector_load %arg6[%get3A_423] {strides = array<i32>} : memref<15360xi32, #tpu.memory_space<vmem>>, vector<16xi32>,
        %get3A_425 = vector.shape_cast %get3A_424 : vector<16xi32> to vector<16xi32>
        %shift_right_arithmetic3A_426 = arith.constant 14 : i32
        %shift_right_arithmetic3A_427 = vector.broadcast %shift_right_arithmetic3A_426 : i32 to vector<16xi32>
        %shift_right_arithmetic3A_428 = arith.shrsi %get3A_425, %shift_right_arithmetic3A_427 : vector<16xi32>
        %and3A_429 = arith.constant 16383 : i32
        %and3A_430 = vector.broadcast %and3A_429 : i32 to vector<16xi32>
        %and3A_431 = arith.andi %shift_right_arithmetic3A_428, %and3A_430 : vector<16xi32>
        %swap3A_432 = arith.constant 32 : index
        %swap3A_433 = tpu.vector_load %arg11[%swap3A_432] {strides = array<i32>} : memref<128xi32, #tpu.memory_space<vmem>>, vector<16xi32>,
        %swap3A_434 = vector.shape_cast %swap3A_433 : vector<16xi32> to vector<16xi32>
        %swap3A_435 = vector.shape_cast %and3A_431 : vector<16xi32> to vector<16xi32>
        tpu.vector_store %arg11[%swap3A_432], %swap3A_435 {strides = array<i32>} : memref<128xi32, #tpu.memory_space<vmem>>, vector<16xi32>,
        %mul3A_436 = arith.constant 128 : i32
        %mul3A_437 = arith.muli %mul3A_239, %mul3A_436 : i32
        %add3A_438 = arith.constant 48 : i32
        %add3A_439 = arith.addi %mul3A_437, %add3A_438 : i32
        %get3A_440 = arith.index_cast %add3A_439 : i32 to index
        %get3A_441 = tpu.vector_load %arg6[%get3A_440] {strides = array<i32>} : memref<15360xi32, #tpu.memory_space<vmem>>, vector<16xi32>,
        %get3A_442 = vector.shape_cast %get3A_441 : vector<16xi32> to vector<16xi32>
        %shift_right_arithmetic3A_443 = arith.constant 14 : i32
        %shift_right_arithmetic3A_444 = vector.broadcast %shift_right_arithmetic3A_443 : i32 to vector<16xi32>
        %shift_right_arithmetic3A_445 = arith.shrsi %get3A_442, %shift_right_arithmetic3A_444 : vector<16xi32>
        %and3A_446 = arith.constant 16383 : i32
        %and3A_447 = vector.broadcast %and3A_446 : i32 to vector<16xi32>
        %and3A_448 = arith.andi %shift_right_arithmetic3A_445, %and3A_447 : vector<16xi32>
        %swap3A_449 = arith.constant 48 : index
        %swap3A_450 = tpu.vector_load %arg11[%swap3A_449] {strides = array<i32>} : memref<128xi32, #tpu.memory_space<vmem>>, vector<16xi32>,
        %swap3A_451 = vector.shape_cast %swap3A_450 : vector<16xi32> to vector<16xi32>
        %swap3A_452 = vector.shape_cast %and3A_448 : vector<16xi32> to vector<16xi32>
        tpu.vector_store %arg11[%swap3A_449], %swap3A_452 {strides = array<i32>} : memref<128xi32, #tpu.memory_space<vmem>>, vector<16xi32>,
        %mul3A_453 = arith.constant 128 : i32
        %mul3A_454 = arith.muli %mul3A_239, %mul3A_453 : i32
        %add3A_455 = arith.constant 64 : i32
        %add3A_456 = arith.addi %mul3A_454, %add3A_455 : i32
        %get3A_457 = arith.index_cast %add3A_456 : i32 to index
        %get3A_458 = tpu.vector_load %arg6[%get3A_457] {strides = array<i32>} : memref<15360xi32, #tpu.memory_space<vmem>>, vector<16xi32>,
        %get3A_459 = vector.shape_cast %get3A_458 : vector<16xi32> to vector<16xi32>
        %shift_right_arithmetic3A_460 = arith.constant 14 : i32
        %shift_right_arithmetic3A_461 = vector.broadcast %shift_right_arithmetic3A_460 : i32 to vector<16xi32>
        %shift_right_arithmetic3A_462 = arith.shrsi %get3A_459, %shift_right_arithmetic3A_461 : vector<16xi32>
        %and3A_463 = arith.constant 16383 : i32
        %and3A_464 = vector.broadcast %and3A_463 : i32 to vector<16xi32>
        %and3A_465 = arith.andi %shift_right_arithmetic3A_462, %and3A_464 : vector<16xi32>
        %swap3A_466 = arith.constant 64 : index
        %swap3A_467 = tpu.vector_load %arg11[%swap3A_466] {strides = array<i32>} : memref<128xi32, #tpu.memory_space<vmem>>, vector<16xi32>,
        %swap3A_468 = vector.shape_cast %swap3A_467 : vector<16xi32> to vector<16xi32>
        %swap3A_469 = vector.shape_cast %and3A_465 : vector<16xi32> to vector<16xi32>
        tpu.vector_store %arg11[%swap3A_466], %swap3A_469 {strides = array<i32>} : memref<128xi32, #tpu.memory_space<vmem>>, vector<16xi32>,
        %mul3A_470 = arith.constant 128 : i32
        %mul3A_471 = arith.muli %mul3A_239, %mul3A_470 : i32
        %add3A_472 = arith.constant 80 : i32
        %add3A_473 = arith.addi %mul3A_471, %add3A_472 : i32
        %get3A_474 = arith.index_cast %add3A_473 : i32 to index
        %get3A_475 = tpu.vector_load %arg6[%get3A_474] {strides = array<i32>} : memref<15360xi32, #tpu.memory_space<vmem>>, vector<16xi32>,
        %get3A_476 = vector.shape_cast %get3A_475 : vector<16xi32> to vector<16xi32>
        %shift_right_arithmetic3A_477 = arith.constant 14 : i32
        %shift_right_arithmetic3A_478 = vector.broadcast %shift_right_arithmetic3A_477 : i32 to vector<16xi32>
        %shift_right_arithmetic3A_479 = arith.shrsi %get3A_476, %shift_right_arithmetic3A_478 : vector<16xi32>
        %and3A_480 = arith.constant 16383 : i32
        %and3A_481 = vector.broadcast %and3A_480 : i32 to vector<16xi32>
        %and3A_482 = arith.andi %shift_right_arithmetic3A_479, %and3A_481 : vector<16xi32>
        %swap3A_483 = arith.constant 80 : index
        %swap3A_484 = tpu.vector_load %arg11[%swap3A_483] {strides = array<i32>} : memref<128xi32, #tpu.memory_space<vmem>>, vector<16xi32>,
        %swap3A_485 = vector.shape_cast %swap3A_484 : vector<16xi32> to vector<16xi32>
        %swap3A_486 = vector.shape_cast %and3A_482 : vector<16xi32> to vector<16xi32>
        tpu.vector_store %arg11[%swap3A_483], %swap3A_486 {strides = array<i32>} : memref<128xi32, #tpu.memory_space<vmem>>, vector<16xi32>,
        %mul3A_487 = arith.constant 128 : i32
        %mul3A_488 = arith.muli %mul3A_239, %mul3A_487 : i32
        %add3A_489 = arith.constant 96 : i32
        %add3A_490 = arith.addi %mul3A_488, %add3A_489 : i32
        %get3A_491 = arith.index_cast %add3A_490 : i32 to index
        %get3A_492 = tpu.vector_load %arg6[%get3A_491] {strides = array<i32>} : memref<15360xi32, #tpu.memory_space<vmem>>, vector<16xi32>,
        %get3A_493 = vector.shape_cast %get3A_492 : vector<16xi32> to vector<16xi32>
        %shift_right_arithmetic3A_494 = arith.constant 14 : i32
        %shift_right_arithmetic3A_495 = vector.broadcast %shift_right_arithmetic3A_494 : i32 to vector<16xi32>
        %shift_right_arithmetic3A_496 = arith.shrsi %get3A_493, %shift_right_arithmetic3A_495 : vector<16xi32>
        %and3A_497 = arith.constant 16383 : i32
        %and3A_498 = vector.broadcast %and3A_497 : i32 to vector<16xi32>
        %and3A_499 = arith.andi %shift_right_arithmetic3A_496, %and3A_498 : vector<16xi32>
        %swap3A_500 = arith.constant 96 : index
        %swap3A_501 = tpu.vector_load %arg11[%swap3A_500] {strides = array<i32>} : memref<128xi32, #tpu.memory_space<vmem>>, vector<16xi32>,
        %swap3A_502 = vector.shape_cast %swap3A_501 : vector<16xi32> to vector<16xi32>
        %swap3A_503 = vector.shape_cast %and3A_499 : vector<16xi32> to vector<16xi32>
        tpu.vector_store %arg11[%swap3A_500], %swap3A_503 {strides = array<i32>} : memref<128xi32, #tpu.memory_space<vmem>>, vector<16xi32>,
        %mul3A_504 = arith.constant 128 : i32
        %mul3A_505 = arith.muli %mul3A_239, %mul3A_504 : i32
        %add3A_506 = arith.constant 112 : i32
        %add3A_507 = arith.addi %mul3A_505, %add3A_506 : i32
        %get3A_508 = arith.index_cast %add3A_507 : i32 to index
        %get3A_509 = tpu.vector_load %arg6[%get3A_508] {strides = array<i32>} : memref<15360xi32, #tpu.memory_space<vmem>>, vector<16xi32>,
        %get3A_510 = vector.shape_cast %get3A_509 : vector<16xi32> to vector<16xi32>
        %shift_right_arithmetic3A_511 = arith.constant 14 : i32
        %shift_right_arithmetic3A_512 = vector.broadcast %shift_right_arithmetic3A_511 : i32 to vector<16xi32>
        %shift_right_arithmetic3A_513 = arith.shrsi %get3A_510, %shift_right_arithmetic3A_512 : vector<16xi32>
        %and3A_514 = arith.constant 16383 : i32
        %and3A_515 = vector.broadcast %and3A_514 : i32 to vector<16xi32>
        %and3A_516 = arith.andi %shift_right_arithmetic3A_513, %and3A_515 : vector<16xi32>
        %swap3A_517 = arith.constant 112 : index
        %swap3A_518 = tpu.vector_load %arg11[%swap3A_517] {strides = array<i32>} : memref<128xi32, #tpu.memory_space<vmem>>, vector<16xi32>,
        %swap3A_519 = vector.shape_cast %swap3A_518 : vector<16xi32> to vector<16xi32>
        %swap3A_520 = vector.shape_cast %and3A_516 : vector<16xi32> to vector<16xi32>
        tpu.vector_store %arg11[%swap3A_517], %swap3A_520 {strides = array<i32>} : memref<128xi32, #tpu.memory_space<vmem>>, vector<16xi32>,
        "tpu.region"() ({
          %run_scoped3A_669 = tpu.sem_alloc : memref<!tpu.dma_semaphore, #tpu.memory_space<semaphore_mem>>
          %dma_start3A_670 = arith.constant 0 : i32
          %dma_start3A_671 = arith.constant 0 : i32
          %dma_start3A_672 = tpu.memref_slice %arg15[%dma_start3A_670, %dma_start3A_671] : memref<10112x128xf32, #tpu.memory_space<vmem_shared>> -> memref<10112x128xf32, #tpu.memory_space<vmem_shared>>
          tpu.enqueue_indirect_dma source(%arg7 : memref<128x128xf32, #tpu.memory_space<vmem>>) target(%dma_start3A_672 : memref<10112x128xf32, #tpu.memory_space<vmem_shared>>) offsets(%arg11 : memref<128xi32, #tpu.memory_space<vmem>>) semaphore(%run_scoped3A_669 : memref<!tpu.dma_semaphore, #tpu.memory_space<semaphore_mem>>) {add = true}
          %dma_wait3A_673 = arith.constant 0 : i32
          %dma_wait3A_674 = arith.constant 0 : i32
          %dma_wait3A_675 = tpu.memref_slice %arg15[%dma_wait3A_673, %dma_wait3A_674] : memref<10112x128xf32, #tpu.memory_space<vmem_shared>> -> memref<10112x128xf32, #tpu.memory_space<vmem_shared>>
          tpu.wait_indirect_dma semaphore(%run_scoped3A_669 : memref<!tpu.dma_semaphore, #tpu.memory_space<semaphore_mem>>) src(%arg7 : memref<128x128xf32, #tpu.memory_space<vmem>>) dst(%dma_wait3A_675 : memref<10112x128xf32, #tpu.memory_space<vmem_shared>>)
          tpu.yield
        }) : () -> ()
        "tpu.region"() ({
          %run_scoped3A_669 = tpu.sem_alloc : memref<!tpu.dma_semaphore, #tpu.memory_space<semaphore_mem>>
          %dma_start3A_670 = arith.constant 0 : i32
          %dma_start3A_671 = tpu.memref_slice %arg16[%dma_start3A_670] : memref<10240xf32, #tpu.memory_space<vmem_shared>> -> memref<10240xf32, #tpu.memory_space<vmem_shared>>
          tpu.enqueue_indirect_dma source(%arg12 : memref<128xf32, #tpu.memory_space<vmem>>) target(%dma_start3A_671 : memref<10240xf32, #tpu.memory_space<vmem_shared>>) offsets(%arg11 : memref<128xi32, #tpu.memory_space<vmem>>) semaphore(%run_scoped3A_669 : memref<!tpu.dma_semaphore, #tpu.memory_space<semaphore_mem>>) {add = true}
          %dma_wait3A_672 = arith.constant 0 : i32
          %dma_wait3A_673 = tpu.memref_slice %arg16[%dma_wait3A_672] : memref<10240xf32, #tpu.memory_space<vmem_shared>> -> memref<10240xf32, #tpu.memory_space<vmem_shared>>
          tpu.wait_indirect_dma semaphore(%run_scoped3A_669 : memref<!tpu.dma_semaphore, #tpu.memory_space<semaphore_mem>>) src(%arg12 : memref<128xf32, #tpu.memory_space<vmem>>) dst(%dma_wait3A_673 : memref<10240xf32, #tpu.memory_space<vmem_shared>>)
          tpu.yield
        }) : () -> ()
        %lt3A = arith.constant 59 : i32
        %lt3A_521 = arith.cmpi slt, %scan3A_237, %lt3A : i32
        %convert_element_type3A_522 = arith.extui %lt3A_521 : i1 to i32
        %cond3A_523 = arith.constant 0 : i32
        %cond3A_524 = arith.cmpi ne, %convert_element_type3A_522, %cond3A_523 : i32
        scf.if %cond3A_524 {
          %add3A_669 = arith.constant 2 : i32
          %add3A_670 = arith.addi %mul3A_239, %add3A_669 : i32
          %mul3A_671 = arith.constant 128 : i32
          %mul3A_672 = arith.muli %add3A_670, %mul3A_671 : i32
          %add3A_673 = arith.constant 0 : i32
          %add3A_674 = arith.addi %mul3A_672, %add3A_673 : i32
          %get3A_675 = arith.index_cast %add3A_674 : i32 to index
          %get3A_676 = tpu.vector_load %arg6[%get3A_675] {strides = array<i32>} : memref<15360xi32, #tpu.memory_space<vmem>>, vector<16xi32>,
          %get3A_677 = vector.shape_cast %get3A_676 : vector<16xi32> to vector<16xi32>
          %shift_right_arithmetic3A_678 = arith.constant 0 : i32
          %shift_right_arithmetic3A_679 = vector.broadcast %shift_right_arithmetic3A_678 : i32 to vector<16xi32>
          %shift_right_arithmetic3A_680 = arith.shrsi %get3A_677, %shift_right_arithmetic3A_679 : vector<16xi32>
          %and3A_681 = arith.constant 16383 : i32
          %and3A_682 = vector.broadcast %and3A_681 : i32 to vector<16xi32>
          %and3A_683 = arith.andi %shift_right_arithmetic3A_680, %and3A_682 : vector<16xi32>
          %swap3A_684 = arith.constant 0 : index
          %swap3A_685 = tpu.vector_load %arg9[%swap3A_684] {strides = array<i32>} : memref<128xi32, #tpu.memory_space<vmem>>, vector<16xi32>,
          %swap3A_686 = vector.shape_cast %swap3A_685 : vector<16xi32> to vector<16xi32>
          %swap3A_687 = vector.shape_cast %and3A_683 : vector<16xi32> to vector<16xi32>
          tpu.vector_store %arg9[%swap3A_684], %swap3A_687 {strides = array<i32>} : memref<128xi32, #tpu.memory_space<vmem>>, vector<16xi32>,
          %mul3A_688 = arith.constant 128 : i32
          %mul3A_689 = arith.muli %add3A_670, %mul3A_688 : i32
          %add3A_690 = arith.constant 16 : i32
          %add3A_691 = arith.addi %mul3A_689, %add3A_690 : i32
          %get3A_692 = arith.index_cast %add3A_691 : i32 to index
          %get3A_693 = tpu.vector_load %arg6[%get3A_692] {strides = array<i32>} : memref<15360xi32, #tpu.memory_space<vmem>>, vector<16xi32>,
          %get3A_694 = vector.shape_cast %get3A_693 : vector<16xi32> to vector<16xi32>
          %shift_right_arithmetic3A_695 = arith.constant 0 : i32
          %shift_right_arithmetic3A_696 = vector.broadcast %shift_right_arithmetic3A_695 : i32 to vector<16xi32>
          %shift_right_arithmetic3A_697 = arith.shrsi %get3A_694, %shift_right_arithmetic3A_696 : vector<16xi32>
          %and3A_698 = arith.constant 16383 : i32
          %and3A_699 = vector.broadcast %and3A_698 : i32 to vector<16xi32>
          %and3A_700 = arith.andi %shift_right_arithmetic3A_697, %and3A_699 : vector<16xi32>
          %swap3A_701 = arith.constant 16 : index
          %swap3A_702 = tpu.vector_load %arg9[%swap3A_701] {strides = array<i32>} : memref<128xi32, #tpu.memory_space<vmem>>, vector<16xi32>,
          %swap3A_703 = vector.shape_cast %swap3A_702 : vector<16xi32> to vector<16xi32>
          %swap3A_704 = vector.shape_cast %and3A_700 : vector<16xi32> to vector<16xi32>
          tpu.vector_store %arg9[%swap3A_701], %swap3A_704 {strides = array<i32>} : memref<128xi32, #tpu.memory_space<vmem>>, vector<16xi32>,
          %mul3A_705 = arith.constant 128 : i32
          %mul3A_706 = arith.muli %add3A_670, %mul3A_705 : i32
          %add3A_707 = arith.constant 32 : i32
          %add3A_708 = arith.addi %mul3A_706, %add3A_707 : i32
          %get3A_709 = arith.index_cast %add3A_708 : i32 to index
          %get3A_710 = tpu.vector_load %arg6[%get3A_709] {strides = array<i32>} : memref<15360xi32, #tpu.memory_space<vmem>>, vector<16xi32>,
          %get3A_711 = vector.shape_cast %get3A_710 : vector<16xi32> to vector<16xi32>
          %shift_right_arithmetic3A_712 = arith.constant 0 : i32
          %shift_right_arithmetic3A_713 = vector.broadcast %shift_right_arithmetic3A_712 : i32 to vector<16xi32>
          %shift_right_arithmetic3A_714 = arith.shrsi %get3A_711, %shift_right_arithmetic3A_713 : vector<16xi32>
          %and3A_715 = arith.constant 16383 : i32
          %and3A_716 = vector.broadcast %and3A_715 : i32 to vector<16xi32>
          %and3A_717 = arith.andi %shift_right_arithmetic3A_714, %and3A_716 : vector<16xi32>
          %swap3A_718 = arith.constant 32 : index
          %swap3A_719 = tpu.vector_load %arg9[%swap3A_718] {strides = array<i32>} : memref<128xi32, #tpu.memory_space<vmem>>, vector<16xi32>,
          %swap3A_720 = vector.shape_cast %swap3A_719 : vector<16xi32> to vector<16xi32>
          %swap3A_721 = vector.shape_cast %and3A_717 : vector<16xi32> to vector<16xi32>
          tpu.vector_store %arg9[%swap3A_718], %swap3A_721 {strides = array<i32>} : memref<128xi32, #tpu.memory_space<vmem>>, vector<16xi32>,
          %mul3A_722 = arith.constant 128 : i32
          %mul3A_723 = arith.muli %add3A_670, %mul3A_722 : i32
          %add3A_724 = arith.constant 48 : i32
          %add3A_725 = arith.addi %mul3A_723, %add3A_724 : i32
          %get3A_726 = arith.index_cast %add3A_725 : i32 to index
          %get3A_727 = tpu.vector_load %arg6[%get3A_726] {strides = array<i32>} : memref<15360xi32, #tpu.memory_space<vmem>>, vector<16xi32>,
          %get3A_728 = vector.shape_cast %get3A_727 : vector<16xi32> to vector<16xi32>
          %shift_right_arithmetic3A_729 = arith.constant 0 : i32
          %shift_right_arithmetic3A_730 = vector.broadcast %shift_right_arithmetic3A_729 : i32 to vector<16xi32>
          %shift_right_arithmetic3A_731 = arith.shrsi %get3A_728, %shift_right_arithmetic3A_730 : vector<16xi32>
          %and3A_732 = arith.constant 16383 : i32
          %and3A_733 = vector.broadcast %and3A_732 : i32 to vector<16xi32>
          %and3A_734 = arith.andi %shift_right_arithmetic3A_731, %and3A_733 : vector<16xi32>
          %swap3A_735 = arith.constant 48 : index
          %swap3A_736 = tpu.vector_load %arg9[%swap3A_735] {strides = array<i32>} : memref<128xi32, #tpu.memory_space<vmem>>, vector<16xi32>,
          %swap3A_737 = vector.shape_cast %swap3A_736 : vector<16xi32> to vector<16xi32>
          %swap3A_738 = vector.shape_cast %and3A_734 : vector<16xi32> to vector<16xi32>
          tpu.vector_store %arg9[%swap3A_735], %swap3A_738 {strides = array<i32>} : memref<128xi32, #tpu.memory_space<vmem>>, vector<16xi32>,
          %mul3A_739 = arith.constant 128 : i32
          %mul3A_740 = arith.muli %add3A_670, %mul3A_739 : i32
          %add3A_741 = arith.constant 64 : i32
          %add3A_742 = arith.addi %mul3A_740, %add3A_741 : i32
          %get3A_743 = arith.index_cast %add3A_742 : i32 to index
          %get3A_744 = tpu.vector_load %arg6[%get3A_743] {strides = array<i32>} : memref<15360xi32, #tpu.memory_space<vmem>>, vector<16xi32>,
          %get3A_745 = vector.shape_cast %get3A_744 : vector<16xi32> to vector<16xi32>
          %shift_right_arithmetic3A_746 = arith.constant 0 : i32
          %shift_right_arithmetic3A_747 = vector.broadcast %shift_right_arithmetic3A_746 : i32 to vector<16xi32>
          %shift_right_arithmetic3A_748 = arith.shrsi %get3A_745, %shift_right_arithmetic3A_747 : vector<16xi32>
          %and3A_749 = arith.constant 16383 : i32
          %and3A_750 = vector.broadcast %and3A_749 : i32 to vector<16xi32>
          %and3A_751 = arith.andi %shift_right_arithmetic3A_748, %and3A_750 : vector<16xi32>
          %swap3A_752 = arith.constant 64 : index
          %swap3A_753 = tpu.vector_load %arg9[%swap3A_752] {strides = array<i32>} : memref<128xi32, #tpu.memory_space<vmem>>, vector<16xi32>,
          %swap3A_754 = vector.shape_cast %swap3A_753 : vector<16xi32> to vector<16xi32>
          %swap3A_755 = vector.shape_cast %and3A_751 : vector<16xi32> to vector<16xi32>
          tpu.vector_store %arg9[%swap3A_752], %swap3A_755 {strides = array<i32>} : memref<128xi32, #tpu.memory_space<vmem>>, vector<16xi32>,
          %mul3A_756 = arith.constant 128 : i32
          %mul3A_757 = arith.muli %add3A_670, %mul3A_756 : i32
          %add3A_758 = arith.constant 80 : i32
          %add3A_759 = arith.addi %mul3A_757, %add3A_758 : i32
          %get3A_760 = arith.index_cast %add3A_759 : i32 to index
          %get3A_761 = tpu.vector_load %arg6[%get3A_760] {strides = array<i32>} : memref<15360xi32, #tpu.memory_space<vmem>>, vector<16xi32>,
          %get3A_762 = vector.shape_cast %get3A_761 : vector<16xi32> to vector<16xi32>
          %shift_right_arithmetic3A_763 = arith.constant 0 : i32
          %shift_right_arithmetic3A_764 = vector.broadcast %shift_right_arithmetic3A_763 : i32 to vector<16xi32>
          %shift_right_arithmetic3A_765 = arith.shrsi %get3A_762, %shift_right_arithmetic3A_764 : vector<16xi32>
          %and3A_766 = arith.constant 16383 : i32
          %and3A_767 = vector.broadcast %and3A_766 : i32 to vector<16xi32>
          %and3A_768 = arith.andi %shift_right_arithmetic3A_765, %and3A_767 : vector<16xi32>
          %swap3A_769 = arith.constant 80 : index
          %swap3A_770 = tpu.vector_load %arg9[%swap3A_769] {strides = array<i32>} : memref<128xi32, #tpu.memory_space<vmem>>, vector<16xi32>,
          %swap3A_771 = vector.shape_cast %swap3A_770 : vector<16xi32> to vector<16xi32>
          %swap3A_772 = vector.shape_cast %and3A_768 : vector<16xi32> to vector<16xi32>
          tpu.vector_store %arg9[%swap3A_769], %swap3A_772 {strides = array<i32>} : memref<128xi32, #tpu.memory_space<vmem>>, vector<16xi32>,
          %mul3A_773 = arith.constant 128 : i32
          %mul3A_774 = arith.muli %add3A_670, %mul3A_773 : i32
          %add3A_775 = arith.constant 96 : i32
          %add3A_776 = arith.addi %mul3A_774, %add3A_775 : i32
          %get3A_777 = arith.index_cast %add3A_776 : i32 to index
          %get3A_778 = tpu.vector_load %arg6[%get3A_777] {strides = array<i32>} : memref<15360xi32, #tpu.memory_space<vmem>>, vector<16xi32>,
          %get3A_779 = vector.shape_cast %get3A_778 : vector<16xi32> to vector<16xi32>
          %shift_right_arithmetic3A_780 = arith.constant 0 : i32
          %shift_right_arithmetic3A_781 = vector.broadcast %shift_right_arithmetic3A_780 : i32 to vector<16xi32>
          %shift_right_arithmetic3A_782 = arith.shrsi %get3A_779, %shift_right_arithmetic3A_781 : vector<16xi32>
          %and3A_783 = arith.constant 16383 : i32
          %and3A_784 = vector.broadcast %and3A_783 : i32 to vector<16xi32>
          %and3A_785 = arith.andi %shift_right_arithmetic3A_782, %and3A_784 : vector<16xi32>
          %swap3A_786 = arith.constant 96 : index
          %swap3A_787 = tpu.vector_load %arg9[%swap3A_786] {strides = array<i32>} : memref<128xi32, #tpu.memory_space<vmem>>, vector<16xi32>,
          %swap3A_788 = vector.shape_cast %swap3A_787 : vector<16xi32> to vector<16xi32>
          %swap3A_789 = vector.shape_cast %and3A_785 : vector<16xi32> to vector<16xi32>
          tpu.vector_store %arg9[%swap3A_786], %swap3A_789 {strides = array<i32>} : memref<128xi32, #tpu.memory_space<vmem>>, vector<16xi32>,
          %mul3A_790 = arith.constant 128 : i32
          %mul3A_791 = arith.muli %add3A_670, %mul3A_790 : i32
          %add3A_792 = arith.constant 112 : i32
          %add3A_793 = arith.addi %mul3A_791, %add3A_792 : i32
          %get3A_794 = arith.index_cast %add3A_793 : i32 to index
          %get3A_795 = tpu.vector_load %arg6[%get3A_794] {strides = array<i32>} : memref<15360xi32, #tpu.memory_space<vmem>>, vector<16xi32>,
          %get3A_796 = vector.shape_cast %get3A_795 : vector<16xi32> to vector<16xi32>
          %shift_right_arithmetic3A_797 = arith.constant 0 : i32
          %shift_right_arithmetic3A_798 = vector.broadcast %shift_right_arithmetic3A_797 : i32 to vector<16xi32>
          %shift_right_arithmetic3A_799 = arith.shrsi %get3A_796, %shift_right_arithmetic3A_798 : vector<16xi32>
          %and3A_800 = arith.constant 16383 : i32
          %and3A_801 = vector.broadcast %and3A_800 : i32 to vector<16xi32>
          %and3A_802 = arith.andi %shift_right_arithmetic3A_799, %and3A_801 : vector<16xi32>
          %swap3A_803 = arith.constant 112 : index
          %swap3A_804 = tpu.vector_load %arg9[%swap3A_803] {strides = array<i32>} : memref<128xi32, #tpu.memory_space<vmem>>, vector<16xi32>,
          %swap3A_805 = vector.shape_cast %swap3A_804 : vector<16xi32> to vector<16xi32>
          %swap3A_806 = vector.shape_cast %and3A_802 : vector<16xi32> to vector<16xi32>
          tpu.vector_store %arg9[%swap3A_803], %swap3A_806 {strides = array<i32>} : memref<128xi32, #tpu.memory_space<vmem>>, vector<16xi32>,
        } else {
        }
        %dma_wait3A_525 = arith.constant 0 : i32
        %dma_wait3A_526 = arith.constant 0 : i32
        %dma_wait3A_527 = tpu.memref_slice %arg2[%dma_wait3A_525, %dma_wait3A_526] : memref<10000x128xf32, #tpu.memory_space<hbm>> -> memref<10000x128xf32, #tpu.memory_space<hbm>>
        tpu.wait_indirect_dma semaphore(%arg14 : memref<!tpu.dma_semaphore, #tpu.memory_space<semaphore_mem>>) src(%dma_wait3A_527 : memref<10000x128xf32, #tpu.memory_space<hbm>>) dst(%arg8 : memref<128x128xf32, #tpu.memory_space<vmem>>)
        %lt3A_528 = arith.constant 59 : i32
        %lt3A_529 = arith.cmpi slt, %scan3A_237, %lt3A_528 : i32
        %convert_element_type3A_530 = arith.extui %lt3A_529 : i1 to i32
        %cond3A_531 = arith.constant 0 : i32
        %cond3A_532 = arith.cmpi ne, %convert_element_type3A_530, %cond3A_531 : i32
        scf.if %cond3A_532 {
          %dma_start3A_669 = arith.constant 0 : i32
          %dma_start3A_670 = arith.constant 0 : i32
          %dma_start3A_671 = tpu.memref_slice %arg2[%dma_start3A_669, %dma_start3A_670] : memref<10000x128xf32, #tpu.memory_space<hbm>> -> memref<10000x128xf32, #tpu.memory_space<hbm>>
          tpu.enqueue_indirect_dma source(%dma_start3A_671 : memref<10000x128xf32, #tpu.memory_space<hbm>>) target(%arg7 : memref<128x128xf32, #tpu.memory_space<vmem>>) offsets(%arg9 : memref<128xi32, #tpu.memory_space<vmem>>) semaphore(%arg13 : memref<!tpu.dma_semaphore, #tpu.memory_space<semaphore_mem>>)
        } else {
        }
        %mul3A_533 = arith.constant 128 : i32
        %mul3A_534 = arith.muli %add3A_243, %mul3A_533 : i32
        %add3A_535 = arith.constant 0 : i32
        %add3A_536 = arith.addi %mul3A_534, %add3A_535 : i32
        %get3A_537 = arith.index_cast %add3A_536 : i32 to index
        %get3A_538 = tpu.vector_load %arg6[%get3A_537] {strides = array<i32>} : memref<15360xi32, #tpu.memory_space<vmem>>, vector<16xi32>,
        %get3A_539 = vector.shape_cast %get3A_538 : vector<16xi32> to vector<16xi32>
        %shift_right_arithmetic3A_540 = arith.constant 14 : i32
        %shift_right_arithmetic3A_541 = vector.broadcast %shift_right_arithmetic3A_540 : i32 to vector<16xi32>
        %shift_right_arithmetic3A_542 = arith.shrsi %get3A_539, %shift_right_arithmetic3A_541 : vector<16xi32>
        %and3A_543 = arith.constant 16383 : i32
        %and3A_544 = vector.broadcast %and3A_543 : i32 to vector<16xi32>
        %and3A_545 = arith.andi %shift_right_arithmetic3A_542, %and3A_544 : vector<16xi32>
        %swap3A_546 = arith.constant 0 : index
        %swap3A_547 = tpu.vector_load %arg11[%swap3A_546] {strides = array<i32>} : memref<128xi32, #tpu.memory_space<vmem>>, vector<16xi32>,
        %swap3A_548 = vector.shape_cast %swap3A_547 : vector<16xi32> to vector<16xi32>
        %swap3A_549 = vector.shape_cast %and3A_545 : vector<16xi32> to vector<16xi32>
        tpu.vector_store %arg11[%swap3A_546], %swap3A_549 {strides = array<i32>} : memref<128xi32, #tpu.memory_space<vmem>>, vector<16xi32>,
        %mul3A_550 = arith.constant 128 : i32
        %mul3A_551 = arith.muli %add3A_243, %mul3A_550 : i32
        %add3A_552 = arith.constant 16 : i32
        %add3A_553 = arith.addi %mul3A_551, %add3A_552 : i32
        %get3A_554 = arith.index_cast %add3A_553 : i32 to index
        %get3A_555 = tpu.vector_load %arg6[%get3A_554] {strides = array<i32>} : memref<15360xi32, #tpu.memory_space<vmem>>, vector<16xi32>,
        %get3A_556 = vector.shape_cast %get3A_555 : vector<16xi32> to vector<16xi32>
        %shift_right_arithmetic3A_557 = arith.constant 14 : i32
        %shift_right_arithmetic3A_558 = vector.broadcast %shift_right_arithmetic3A_557 : i32 to vector<16xi32>
        %shift_right_arithmetic3A_559 = arith.shrsi %get3A_556, %shift_right_arithmetic3A_558 : vector<16xi32>
        %and3A_560 = arith.constant 16383 : i32
        %and3A_561 = vector.broadcast %and3A_560 : i32 to vector<16xi32>
        %and3A_562 = arith.andi %shift_right_arithmetic3A_559, %and3A_561 : vector<16xi32>
        %swap3A_563 = arith.constant 16 : index
        %swap3A_564 = tpu.vector_load %arg11[%swap3A_563] {strides = array<i32>} : memref<128xi32, #tpu.memory_space<vmem>>, vector<16xi32>,
        %swap3A_565 = vector.shape_cast %swap3A_564 : vector<16xi32> to vector<16xi32>
        %swap3A_566 = vector.shape_cast %and3A_562 : vector<16xi32> to vector<16xi32>
        tpu.vector_store %arg11[%swap3A_563], %swap3A_566 {strides = array<i32>} : memref<128xi32, #tpu.memory_space<vmem>>, vector<16xi32>,
        %mul3A_567 = arith.constant 128 : i32
        %mul3A_568 = arith.muli %add3A_243, %mul3A_567 : i32
        %add3A_569 = arith.constant 32 : i32
        %add3A_570 = arith.addi %mul3A_568, %add3A_569 : i32
        %get3A_571 = arith.index_cast %add3A_570 : i32 to index
        %get3A_572 = tpu.vector_load %arg6[%get3A_571] {strides = array<i32>} : memref<15360xi32, #tpu.memory_space<vmem>>, vector<16xi32>,
        %get3A_573 = vector.shape_cast %get3A_572 : vector<16xi32> to vector<16xi32>
        %shift_right_arithmetic3A_574 = arith.constant 14 : i32
        %shift_right_arithmetic3A_575 = vector.broadcast %shift_right_arithmetic3A_574 : i32 to vector<16xi32>
        %shift_right_arithmetic3A_576 = arith.shrsi %get3A_573, %shift_right_arithmetic3A_575 : vector<16xi32>
        %and3A_577 = arith.constant 16383 : i32
        %and3A_578 = vector.broadcast %and3A_577 : i32 to vector<16xi32>
        %and3A_579 = arith.andi %shift_right_arithmetic3A_576, %and3A_578 : vector<16xi32>
        %swap3A_580 = arith.constant 32 : index
        %swap3A_581 = tpu.vector_load %arg11[%swap3A_580] {strides = array<i32>} : memref<128xi32, #tpu.memory_space<vmem>>, vector<16xi32>,
        %swap3A_582 = vector.shape_cast %swap3A_581 : vector<16xi32> to vector<16xi32>
        %swap3A_583 = vector.shape_cast %and3A_579 : vector<16xi32> to vector<16xi32>
        tpu.vector_store %arg11[%swap3A_580], %swap3A_583 {strides = array<i32>} : memref<128xi32, #tpu.memory_space<vmem>>, vector<16xi32>,
        %mul3A_584 = arith.constant 128 : i32
        %mul3A_585 = arith.muli %add3A_243, %mul3A_584 : i32
        %add3A_586 = arith.constant 48 : i32
        %add3A_587 = arith.addi %mul3A_585, %add3A_586 : i32
        %get3A_588 = arith.index_cast %add3A_587 : i32 to index
        %get3A_589 = tpu.vector_load %arg6[%get3A_588] {strides = array<i32>} : memref<15360xi32, #tpu.memory_space<vmem>>, vector<16xi32>,
        %get3A_590 = vector.shape_cast %get3A_589 : vector<16xi32> to vector<16xi32>
        %shift_right_arithmetic3A_591 = arith.constant 14 : i32
        %shift_right_arithmetic3A_592 = vector.broadcast %shift_right_arithmetic3A_591 : i32 to vector<16xi32>
        %shift_right_arithmetic3A_593 = arith.shrsi %get3A_590, %shift_right_arithmetic3A_592 : vector<16xi32>
        %and3A_594 = arith.constant 16383 : i32
        %and3A_595 = vector.broadcast %and3A_594 : i32 to vector<16xi32>
        %and3A_596 = arith.andi %shift_right_arithmetic3A_593, %and3A_595 : vector<16xi32>
        %swap3A_597 = arith.constant 48 : index
        %swap3A_598 = tpu.vector_load %arg11[%swap3A_597] {strides = array<i32>} : memref<128xi32, #tpu.memory_space<vmem>>, vector<16xi32>,
        %swap3A_599 = vector.shape_cast %swap3A_598 : vector<16xi32> to vector<16xi32>
        %swap3A_600 = vector.shape_cast %and3A_596 : vector<16xi32> to vector<16xi32>
        tpu.vector_store %arg11[%swap3A_597], %swap3A_600 {strides = array<i32>} : memref<128xi32, #tpu.memory_space<vmem>>, vector<16xi32>,
        %mul3A_601 = arith.constant 128 : i32
        %mul3A_602 = arith.muli %add3A_243, %mul3A_601 : i32
        %add3A_603 = arith.constant 64 : i32
        %add3A_604 = arith.addi %mul3A_602, %add3A_603 : i32
        %get3A_605 = arith.index_cast %add3A_604 : i32 to index
        %get3A_606 = tpu.vector_load %arg6[%get3A_605] {strides = array<i32>} : memref<15360xi32, #tpu.memory_space<vmem>>, vector<16xi32>,
        %get3A_607 = vector.shape_cast %get3A_606 : vector<16xi32> to vector<16xi32>
        %shift_right_arithmetic3A_608 = arith.constant 14 : i32
        %shift_right_arithmetic3A_609 = vector.broadcast %shift_right_arithmetic3A_608 : i32 to vector<16xi32>
        %shift_right_arithmetic3A_610 = arith.shrsi %get3A_607, %shift_right_arithmetic3A_609 : vector<16xi32>
        %and3A_611 = arith.constant 16383 : i32
        %and3A_612 = vector.broadcast %and3A_611 : i32 to vector<16xi32>
        %and3A_613 = arith.andi %shift_right_arithmetic3A_610, %and3A_612 : vector<16xi32>
        %swap3A_614 = arith.constant 64 : index
        %swap3A_615 = tpu.vector_load %arg11[%swap3A_614] {strides = array<i32>} : memref<128xi32, #tpu.memory_space<vmem>>, vector<16xi32>,
        %swap3A_616 = vector.shape_cast %swap3A_615 : vector<16xi32> to vector<16xi32>
        %swap3A_617 = vector.shape_cast %and3A_613 : vector<16xi32> to vector<16xi32>
        tpu.vector_store %arg11[%swap3A_614], %swap3A_617 {strides = array<i32>} : memref<128xi32, #tpu.memory_space<vmem>>, vector<16xi32>,
        %mul3A_618 = arith.constant 128 : i32
        %mul3A_619 = arith.muli %add3A_243, %mul3A_618 : i32
        %add3A_620 = arith.constant 80 : i32
        %add3A_621 = arith.addi %mul3A_619, %add3A_620 : i32
        %get3A_622 = arith.index_cast %add3A_621 : i32 to index
        %get3A_623 = tpu.vector_load %arg6[%get3A_622] {strides = array<i32>} : memref<15360xi32, #tpu.memory_space<vmem>>, vector<16xi32>,
        %get3A_624 = vector.shape_cast %get3A_623 : vector<16xi32> to vector<16xi32>
        %shift_right_arithmetic3A_625 = arith.constant 14 : i32
        %shift_right_arithmetic3A_626 = vector.broadcast %shift_right_arithmetic3A_625 : i32 to vector<16xi32>
        %shift_right_arithmetic3A_627 = arith.shrsi %get3A_624, %shift_right_arithmetic3A_626 : vector<16xi32>
        %and3A_628 = arith.constant 16383 : i32
        %and3A_629 = vector.broadcast %and3A_628 : i32 to vector<16xi32>
        %and3A_630 = arith.andi %shift_right_arithmetic3A_627, %and3A_629 : vector<16xi32>
        %swap3A_631 = arith.constant 80 : index
        %swap3A_632 = tpu.vector_load %arg11[%swap3A_631] {strides = array<i32>} : memref<128xi32, #tpu.memory_space<vmem>>, vector<16xi32>,
        %swap3A_633 = vector.shape_cast %swap3A_632 : vector<16xi32> to vector<16xi32>
        %swap3A_634 = vector.shape_cast %and3A_630 : vector<16xi32> to vector<16xi32>
        tpu.vector_store %arg11[%swap3A_631], %swap3A_634 {strides = array<i32>} : memref<128xi32, #tpu.memory_space<vmem>>, vector<16xi32>,
        %mul3A_635 = arith.constant 128 : i32
        %mul3A_636 = arith.muli %add3A_243, %mul3A_635 : i32
        %add3A_637 = arith.constant 96 : i32
        %add3A_638 = arith.addi %mul3A_636, %add3A_637 : i32
        %get3A_639 = arith.index_cast %add3A_638 : i32 to index
        %get3A_640 = tpu.vector_load %arg6[%get3A_639] {strides = array<i32>} : memref<15360xi32, #tpu.memory_space<vmem>>, vector<16xi32>,
        %get3A_641 = vector.shape_cast %get3A_640 : vector<16xi32> to vector<16xi32>
        %shift_right_arithmetic3A_642 = arith.constant 14 : i32
        %shift_right_arithmetic3A_643 = vector.broadcast %shift_right_arithmetic3A_642 : i32 to vector<16xi32>
        %shift_right_arithmetic3A_644 = arith.shrsi %get3A_641, %shift_right_arithmetic3A_643 : vector<16xi32>
        %and3A_645 = arith.constant 16383 : i32
        %and3A_646 = vector.broadcast %and3A_645 : i32 to vector<16xi32>
        %and3A_647 = arith.andi %shift_right_arithmetic3A_644, %and3A_646 : vector<16xi32>
        %swap3A_648 = arith.constant 96 : index
        %swap3A_649 = tpu.vector_load %arg11[%swap3A_648] {strides = array<i32>} : memref<128xi32, #tpu.memory_space<vmem>>, vector<16xi32>,
        %swap3A_650 = vector.shape_cast %swap3A_649 : vector<16xi32> to vector<16xi32>
        %swap3A_651 = vector.shape_cast %and3A_647 : vector<16xi32> to vector<16xi32>
        tpu.vector_store %arg11[%swap3A_648], %swap3A_651 {strides = array<i32>} : memref<128xi32, #tpu.memory_space<vmem>>, vector<16xi32>,
        %mul3A_652 = arith.constant 128 : i32
        %mul3A_653 = arith.muli %add3A_243, %mul3A_652 : i32
        %add3A_654 = arith.constant 112 : i32
        %add3A_655 = arith.addi %mul3A_653, %add3A_654 : i32
        %get3A_656 = arith.index_cast %add3A_655 : i32 to index
        %get3A_657 = tpu.vector_load %arg6[%get3A_656] {strides = array<i32>} : memref<15360xi32, #tpu.memory_space<vmem>>, vector<16xi32>,
        %get3A_658 = vector.shape_cast %get3A_657 : vector<16xi32> to vector<16xi32>
        %shift_right_arithmetic3A_659 = arith.constant 14 : i32
        %shift_right_arithmetic3A_660 = vector.broadcast %shift_right_arithmetic3A_659 : i32 to vector<16xi32>
        %shift_right_arithmetic3A_661 = arith.shrsi %get3A_658, %shift_right_arithmetic3A_660 : vector<16xi32>
        %and3A_662 = arith.constant 16383 : i32
        %and3A_663 = vector.broadcast %and3A_662 : i32 to vector<16xi32>
        %and3A_664 = arith.andi %shift_right_arithmetic3A_661, %and3A_663 : vector<16xi32>
        %swap3A_665 = arith.constant 112 : index
        %swap3A_666 = tpu.vector_load %arg11[%swap3A_665] {strides = array<i32>} : memref<128xi32, #tpu.memory_space<vmem>>, vector<16xi32>,
        %swap3A_667 = vector.shape_cast %swap3A_666 : vector<16xi32> to vector<16xi32>
        %swap3A_668 = vector.shape_cast %and3A_664 : vector<16xi32> to vector<16xi32>
        tpu.vector_store %arg11[%swap3A_665], %swap3A_668 {strides = array<i32>} : memref<128xi32, #tpu.memory_space<vmem>>, vector<16xi32>,
        "tpu.region"() ({
          %run_scoped3A_669 = tpu.sem_alloc : memref<!tpu.dma_semaphore, #tpu.memory_space<semaphore_mem>>
          %dma_start3A_670 = arith.constant 0 : i32
          %dma_start3A_671 = arith.constant 0 : i32
          %dma_start3A_672 = tpu.memref_slice %arg15[%dma_start3A_670, %dma_start3A_671] : memref<10112x128xf32, #tpu.memory_space<vmem_shared>> -> memref<10112x128xf32, #tpu.memory_space<vmem_shared>>
          tpu.enqueue_indirect_dma source(%arg8 : memref<128x128xf32, #tpu.memory_space<vmem>>) target(%dma_start3A_672 : memref<10112x128xf32, #tpu.memory_space<vmem_shared>>) offsets(%arg11 : memref<128xi32, #tpu.memory_space<vmem>>) semaphore(%run_scoped3A_669 : memref<!tpu.dma_semaphore, #tpu.memory_space<semaphore_mem>>) {add = true}
          %dma_wait3A_673 = arith.constant 0 : i32
          %dma_wait3A_674 = arith.constant 0 : i32
          %dma_wait3A_675 = tpu.memref_slice %arg15[%dma_wait3A_673, %dma_wait3A_674] : memref<10112x128xf32, #tpu.memory_space<vmem_shared>> -> memref<10112x128xf32, #tpu.memory_space<vmem_shared>>
          tpu.wait_indirect_dma semaphore(%run_scoped3A_669 : memref<!tpu.dma_semaphore, #tpu.memory_space<semaphore_mem>>) src(%arg8 : memref<128x128xf32, #tpu.memory_space<vmem>>) dst(%dma_wait3A_675 : memref<10112x128xf32, #tpu.memory_space<vmem_shared>>)
          tpu.yield
        }) : () -> ()
        "tpu.region"() ({
          %run_scoped3A_669 = tpu.sem_alloc : memref<!tpu.dma_semaphore, #tpu.memory_space<semaphore_mem>>
          %dma_start3A_670 = arith.constant 0 : i32
          %dma_start3A_671 = tpu.memref_slice %arg16[%dma_start3A_670] : memref<10240xf32, #tpu.memory_space<vmem_shared>> -> memref<10240xf32, #tpu.memory_space<vmem_shared>>
          tpu.enqueue_indirect_dma source(%arg12 : memref<128xf32, #tpu.memory_space<vmem>>) target(%dma_start3A_671 : memref<10240xf32, #tpu.memory_space<vmem_shared>>) offsets(%arg11 : memref<128xi32, #tpu.memory_space<vmem>>) semaphore(%run_scoped3A_669 : memref<!tpu.dma_semaphore, #tpu.memory_space<semaphore_mem>>) {add = true}
          %dma_wait3A_672 = arith.constant 0 : i32
          %dma_wait3A_673 = tpu.memref_slice %arg16[%dma_wait3A_672] : memref<10240xf32, #tpu.memory_space<vmem_shared>> -> memref<10240xf32, #tpu.memory_space<vmem_shared>>
          tpu.wait_indirect_dma semaphore(%run_scoped3A_669 : memref<!tpu.dma_semaphore, #tpu.memory_space<semaphore_mem>>) src(%arg12 : memref<128xf32, #tpu.memory_space<vmem>>) dst(%dma_wait3A_673 : memref<10240xf32, #tpu.memory_space<vmem_shared>>)
          tpu.yield
        }) : () -> ()
      }
      %scan3A_236 = arith.constant 60 : i32
    } else {
    }
    %eq3A_112 = arith.constant 1 : i32
    %eq3A_113 = arith.cmpi eq, %arg0, %eq3A_112 : i32
    %convert_element_type3A_114 = arith.extui %eq3A_113 : i1 to i32
    %cond3A_115 = arith.constant 0 : i32
    %cond3A_116 = arith.cmpi ne, %convert_element_type3A_114, %cond3A_115 : i32
    scf.if %cond3A_116 {
      %get3A = arith.constant 0 : index
      %get3A_128 = tpu.vector_load %arg6[%get3A] {strides = array<i32>} : memref<15360xi32, #tpu.memory_space<vmem>>, vector<16xi32>,
      %get3A_129 = vector.shape_cast %get3A_128 : vector<16xi32> to vector<16xi32>
      %shift_right_arithmetic3A = arith.constant 0 : i32
      %shift_right_arithmetic3A_130 = vector.broadcast %shift_right_arithmetic3A : i32 to vector<16xi32>
      %shift_right_arithmetic3A_131 = arith.shrsi %get3A_129, %shift_right_arithmetic3A_130 : vector<16xi32>
      %and3A = arith.constant 16383 : i32
      %and3A_132 = vector.broadcast %and3A : i32 to vector<16xi32>
      %and3A_133 = arith.andi %shift_right_arithmetic3A_131, %and3A_132 : vector<16xi32>
      %swap3A_134 = arith.constant 0 : index
      %swap3A_135 = tpu.vector_load %arg9[%swap3A_134] {strides = array<i32>} : memref<128xi32, #tpu.memory_space<vmem>>, vector<16xi32>,
      %swap3A_136 = vector.shape_cast %swap3A_135 : vector<16xi32> to vector<16xi32>
      %swap3A_137 = vector.shape_cast %and3A_133 : vector<16xi32> to vector<16xi32>
      tpu.vector_store %arg9[%swap3A_134], %swap3A_137 {strides = array<i32>} : memref<128xi32, #tpu.memory_space<vmem>>, vector<16xi32>,
      %get3A_138 = arith.constant 16 : index
      %get3A_139 = tpu.vector_load %arg6[%get3A_138] {strides = array<i32>} : memref<15360xi32, #tpu.memory_space<vmem>>, vector<16xi32>,
      %get3A_140 = vector.shape_cast %get3A_139 : vector<16xi32> to vector<16xi32>
      %shift_right_arithmetic3A_141 = arith.constant 0 : i32
      %shift_right_arithmetic3A_142 = vector.broadcast %shift_right_arithmetic3A_141 : i32 to vector<16xi32>
      %shift_right_arithmetic3A_143 = arith.shrsi %get3A_140, %shift_right_arithmetic3A_142 : vector<16xi32>
      %and3A_144 = arith.constant 16383 : i32
      %and3A_145 = vector.broadcast %and3A_144 : i32 to vector<16xi32>
      %and3A_146 = arith.andi %shift_right_arithmetic3A_143, %and3A_145 : vector<16xi32>
      %swap3A_147 = arith.constant 16 : index
      %swap3A_148 = tpu.vector_load %arg9[%swap3A_147] {strides = array<i32>} : memref<128xi32, #tpu.memory_space<vmem>>, vector<16xi32>,
      %swap3A_149 = vector.shape_cast %swap3A_148 : vector<16xi32> to vector<16xi32>
      %swap3A_150 = vector.shape_cast %and3A_146 : vector<16xi32> to vector<16xi32>
      tpu.vector_store %arg9[%swap3A_147], %swap3A_150 {strides = array<i32>} : memref<128xi32, #tpu.memory_space<vmem>>, vector<16xi32>,
      %get3A_151 = arith.constant 32 : index
      %get3A_152 = tpu.vector_load %arg6[%get3A_151] {strides = array<i32>} : memref<15360xi32, #tpu.memory_space<vmem>>, vector<16xi32>,
      %get3A_153 = vector.shape_cast %get3A_152 : vector<16xi32> to vector<16xi32>
      %shift_right_arithmetic3A_154 = arith.constant 0 : i32
      %shift_right_arithmetic3A_155 = vector.broadcast %shift_right_arithmetic3A_154 : i32 to vector<16xi32>
      %shift_right_arithmetic3A_156 = arith.shrsi %get3A_153, %shift_right_arithmetic3A_155 : vector<16xi32>
      %and3A_157 = arith.constant 16383 : i32
      %and3A_158 = vector.broadcast %and3A_157 : i32 to vector<16xi32>
      %and3A_159 = arith.andi %shift_right_arithmetic3A_156, %and3A_158 : vector<16xi32>
      %swap3A_160 = arith.constant 32 : index
      %swap3A_161 = tpu.vector_load %arg9[%swap3A_160] {strides = array<i32>} : memref<128xi32, #tpu.memory_space<vmem>>, vector<16xi32>,
      %swap3A_162 = vector.shape_cast %swap3A_161 : vector<16xi32> to vector<16xi32>
      %swap3A_163 = vector.shape_cast %and3A_159 : vector<16xi32> to vector<16xi32>
      tpu.vector_store %arg9[%swap3A_160], %swap3A_163 {strides = array<i32>} : memref<128xi32, #tpu.memory_space<vmem>>, vector<16xi32>,
      %get3A_164 = arith.constant 48 : index
      %get3A_165 = tpu.vector_load %arg6[%get3A_164] {strides = array<i32>} : memref<15360xi32, #tpu.memory_space<vmem>>, vector<16xi32>,
      %get3A_166 = vector.shape_cast %get3A_165 : vector<16xi32> to vector<16xi32>
      %shift_right_arithmetic3A_167 = arith.constant 0 : i32
      %shift_right_arithmetic3A_168 = vector.broadcast %shift_right_arithmetic3A_167 : i32 to vector<16xi32>
      %shift_right_arithmetic3A_169 = arith.shrsi %get3A_166, %shift_right_arithmetic3A_168 : vector<16xi32>
      %and3A_170 = arith.constant 16383 : i32
      %and3A_171 = vector.broadcast %and3A_170 : i32 to vector<16xi32>
      %and3A_172 = arith.andi %shift_right_arithmetic3A_169, %and3A_171 : vector<16xi32>
      %swap3A_173 = arith.constant 48 : index
      %swap3A_174 = tpu.vector_load %arg9[%swap3A_173] {strides = array<i32>} : memref<128xi32, #tpu.memory_space<vmem>>, vector<16xi32>,
      %swap3A_175 = vector.shape_cast %swap3A_174 : vector<16xi32> to vector<16xi32>
      %swap3A_176 = vector.shape_cast %and3A_172 : vector<16xi32> to vector<16xi32>
      tpu.vector_store %arg9[%swap3A_173], %swap3A_176 {strides = array<i32>} : memref<128xi32, #tpu.memory_space<vmem>>, vector<16xi32>,
      %get3A_177 = arith.constant 64 : index
      %get3A_178 = tpu.vector_load %arg6[%get3A_177] {strides = array<i32>} : memref<15360xi32, #tpu.memory_space<vmem>>, vector<16xi32>,
      %get3A_179 = vector.shape_cast %get3A_178 : vector<16xi32> to vector<16xi32>
      %shift_right_arithmetic3A_180 = arith.constant 0 : i32
      %shift_right_arithmetic3A_181 = vector.broadcast %shift_right_arithmetic3A_180 : i32 to vector<16xi32>
      %shift_right_arithmetic3A_182 = arith.shrsi %get3A_179, %shift_right_arithmetic3A_181 : vector<16xi32>
      %and3A_183 = arith.constant 16383 : i32
      %and3A_184 = vector.broadcast %and3A_183 : i32 to vector<16xi32>
      %and3A_185 = arith.andi %shift_right_arithmetic3A_182, %and3A_184 : vector<16xi32>
      %swap3A_186 = arith.constant 64 : index
      %swap3A_187 = tpu.vector_load %arg9[%swap3A_186] {strides = array<i32>} : memref<128xi32, #tpu.memory_space<vmem>>, vector<16xi32>,
      %swap3A_188 = vector.shape_cast %swap3A_187 : vector<16xi32> to vector<16xi32>
      %swap3A_189 = vector.shape_cast %and3A_185 : vector<16xi32> to vector<16xi32>
      tpu.vector_store %arg9[%swap3A_186], %swap3A_189 {strides = array<i32>} : memref<128xi32, #tpu.memory_space<vmem>>, vector<16xi32>,
      %get3A_190 = arith.constant 80 : index
      %get3A_191 = tpu.vector_load %arg6[%get3A_190] {strides = array<i32>} : memref<15360xi32, #tpu.memory_space<vmem>>, vector<16xi32>,
      %get3A_192 = vector.shape_cast %get3A_191 : vector<16xi32> to vector<16xi32>
      %shift_right_arithmetic3A_193 = arith.constant 0 : i32
      %shift_right_arithmetic3A_194 = vector.broadcast %shift_right_arithmetic3A_193 : i32 to vector<16xi32>
      %shift_right_arithmetic3A_195 = arith.shrsi %get3A_192, %shift_right_arithmetic3A_194 : vector<16xi32>
      %and3A_196 = arith.constant 16383 : i32
      %and3A_197 = vector.broadcast %and3A_196 : i32 to vector<16xi32>
      %and3A_198 = arith.andi %shift_right_arithmetic3A_195, %and3A_197 : vector<16xi32>
      %swap3A_199 = arith.constant 80 : index
      %swap3A_200 = tpu.vector_load %arg9[%swap3A_199] {strides = array<i32>} : memref<128xi32, #tpu.memory_space<vmem>>, vector<16xi32>,
      %swap3A_201 = vector.shape_cast %swap3A_200 : vector<16xi32> to vector<16xi32>
      %swap3A_202 = vector.shape_cast %and3A_198 : vector<16xi32> to vector<16xi32>
      tpu.vector_store %arg9[%swap3A_199], %swap3A_202 {strides = array<i32>} : memref<128xi32, #tpu.memory_space<vmem>>, vector<16xi32>,
      %get3A_203 = arith.constant 96 : index
      %get3A_204 = tpu.vector_load %arg6[%get3A_203] {strides = array<i32>} : memref<15360xi32, #tpu.memory_space<vmem>>, vector<16xi32>,
      %get3A_205 = vector.shape_cast %get3A_204 : vector<16xi32> to vector<16xi32>
      %shift_right_arithmetic3A_206 = arith.constant 0 : i32
      %shift_right_arithmetic3A_207 = vector.broadcast %shift_right_arithmetic3A_206 : i32 to vector<16xi32>
      %shift_right_arithmetic3A_208 = arith.shrsi %get3A_205, %shift_right_arithmetic3A_207 : vector<16xi32>
      %and3A_209 = arith.constant 16383 : i32
      %and3A_210 = vector.broadcast %and3A_209 : i32 to vector<16xi32>
      %and3A_211 = arith.andi %shift_right_arithmetic3A_208, %and3A_210 : vector<16xi32>
      %swap3A_212 = arith.constant 96 : index
      %swap3A_213 = tpu.vector_load %arg9[%swap3A_212] {strides = array<i32>} : memref<128xi32, #tpu.memory_space<vmem>>, vector<16xi32>,
      %swap3A_214 = vector.shape_cast %swap3A_213 : vector<16xi32> to vector<16xi32>
      %swap3A_215 = vector.shape_cast %and3A_211 : vector<16xi32> to vector<16xi32>
      tpu.vector_store %arg9[%swap3A_212], %swap3A_215 {strides = array<i32>} : memref<128xi32, #tpu.memory_space<vmem>>, vector<16xi32>,
      %get3A_216 = arith.constant 112 : index
      %get3A_217 = tpu.vector_load %arg6[%get3A_216] {strides = array<i32>} : memref<15360xi32, #tpu.memory_space<vmem>>, vector<16xi32>,
      %get3A_218 = vector.shape_cast %get3A_217 : vector<16xi32> to vector<16xi32>
      %shift_right_arithmetic3A_219 = arith.constant 0 : i32
      %shift_right_arithmetic3A_220 = vector.broadcast %shift_right_arithmetic3A_219 : i32 to vector<16xi32>
      %shift_right_arithmetic3A_221 = arith.shrsi %get3A_218, %shift_right_arithmetic3A_220 : vector<16xi32>
      %and3A_222 = arith.constant 16383 : i32
      %and3A_223 = vector.broadcast %and3A_222 : i32 to vector<16xi32>
      %and3A_224 = arith.andi %shift_right_arithmetic3A_221, %and3A_223 : vector<16xi32>
      %swap3A_225 = arith.constant 112 : index
      %swap3A_226 = tpu.vector_load %arg9[%swap3A_225] {strides = array<i32>} : memref<128xi32, #tpu.memory_space<vmem>>, vector<16xi32>,
      %swap3A_227 = vector.shape_cast %swap3A_226 : vector<16xi32> to vector<16xi32>
      %swap3A_228 = vector.shape_cast %and3A_224 : vector<16xi32> to vector<16xi32>
      tpu.vector_store %arg9[%swap3A_225], %swap3A_228 {strides = array<i32>} : memref<128xi32, #tpu.memory_space<vmem>>, vector<16xi32>,
      %dma_start3A = arith.constant 0 : i32
      %dma_start3A_229 = arith.constant 0 : i32
      %dma_start3A_230 = tpu.memref_slice %arg2[%dma_start3A, %dma_start3A_229] : memref<10000x128xf32, #tpu.memory_space<hbm>> -> memref<10000x128xf32, #tpu.memory_space<hbm>>
      tpu.enqueue_indirect_dma source(%dma_start3A_230 : memref<10000x128xf32, #tpu.memory_space<hbm>>) target(%arg7 : memref<128x128xf32, #tpu.memory_space<vmem>>) offsets(%arg9 : memref<128xi32, #tpu.memory_space<vmem>>) semaphore(%arg13 : memref<!tpu.dma_semaphore, #tpu.memory_space<semaphore_mem>>)
      %scan3A_231 = arith.constant 0 : i32
      %scan3A_232 = arith.constant 0 : i32
      %scan3A_233 = arith.constant 20 : i32
      %scan3A_234 = arith.addi %scan3A_232, %scan3A_233 : i32
      %scan3A_235 = arith.constant 1 : i32
      scf.for %scan3A_237 = %scan3A_232 to %scan3A_234 step %scan3A_235  : i32 {
        %mul3A_238 = arith.constant 2 : i32
        %mul3A_239 = arith.muli %mul3A_238, %scan3A_237 : i32
        %mul3A_240 = arith.constant 2 : i32
        %mul3A_241 = arith.muli %mul3A_240, %scan3A_237 : i32
        %add3A_242 = arith.constant 1 : i32
        %add3A_243 = arith.addi %mul3A_241, %add3A_242 : i32
        %mul3A_244 = arith.constant 128 : i32
        %mul3A_245 = arith.muli %add3A_243, %mul3A_244 : i32
        %add3A_246 = arith.constant 0 : i32
        %add3A_247 = arith.addi %mul3A_245, %add3A_246 : i32
        %get3A_248 = arith.index_cast %add3A_247 : i32 to index
        %get3A_249 = tpu.vector_load %arg6[%get3A_248] {strides = array<i32>} : memref<15360xi32, #tpu.memory_space<vmem>>, vector<16xi32>,
        %get3A_250 = vector.shape_cast %get3A_249 : vector<16xi32> to vector<16xi32>
        %shift_right_arithmetic3A_251 = arith.constant 0 : i32
        %shift_right_arithmetic3A_252 = vector.broadcast %shift_right_arithmetic3A_251 : i32 to vector<16xi32>
        %shift_right_arithmetic3A_253 = arith.shrsi %get3A_250, %shift_right_arithmetic3A_252 : vector<16xi32>
        %and3A_254 = arith.constant 16383 : i32
        %and3A_255 = vector.broadcast %and3A_254 : i32 to vector<16xi32>
        %and3A_256 = arith.andi %shift_right_arithmetic3A_253, %and3A_255 : vector<16xi32>
        %swap3A_257 = arith.constant 0 : index
        %swap3A_258 = tpu.vector_load %arg10[%swap3A_257] {strides = array<i32>} : memref<128xi32, #tpu.memory_space<vmem>>, vector<16xi32>,
        %swap3A_259 = vector.shape_cast %swap3A_258 : vector<16xi32> to vector<16xi32>
        %swap3A_260 = vector.shape_cast %and3A_256 : vector<16xi32> to vector<16xi32>
        tpu.vector_store %arg10[%swap3A_257], %swap3A_260 {strides = array<i32>} : memref<128xi32, #tpu.memory_space<vmem>>, vector<16xi32>,
        %mul3A_261 = arith.constant 128 : i32
        %mul3A_262 = arith.muli %add3A_243, %mul3A_261 : i32
        %add3A_263 = arith.constant 16 : i32
        %add3A_264 = arith.addi %mul3A_262, %add3A_263 : i32
        %get3A_265 = arith.index_cast %add3A_264 : i32 to index
        %get3A_266 = tpu.vector_load %arg6[%get3A_265] {strides = array<i32>} : memref<15360xi32, #tpu.memory_space<vmem>>, vector<16xi32>,
        %get3A_267 = vector.shape_cast %get3A_266 : vector<16xi32> to vector<16xi32>
        %shift_right_arithmetic3A_268 = arith.constant 0 : i32
        %shift_right_arithmetic3A_269 = vector.broadcast %shift_right_arithmetic3A_268 : i32 to vector<16xi32>
        %shift_right_arithmetic3A_270 = arith.shrsi %get3A_267, %shift_right_arithmetic3A_269 : vector<16xi32>
        %and3A_271 = arith.constant 16383 : i32
        %and3A_272 = vector.broadcast %and3A_271 : i32 to vector<16xi32>
        %and3A_273 = arith.andi %shift_right_arithmetic3A_270, %and3A_272 : vector<16xi32>
        %swap3A_274 = arith.constant 16 : index
        %swap3A_275 = tpu.vector_load %arg10[%swap3A_274] {strides = array<i32>} : memref<128xi32, #tpu.memory_space<vmem>>, vector<16xi32>,
        %swap3A_276 = vector.shape_cast %swap3A_275 : vector<16xi32> to vector<16xi32>
        %swap3A_277 = vector.shape_cast %and3A_273 : vector<16xi32> to vector<16xi32>
        tpu.vector_store %arg10[%swap3A_274], %swap3A_277 {strides = array<i32>} : memref<128xi32, #tpu.memory_space<vmem>>, vector<16xi32>,
        %mul3A_278 = arith.constant 128 : i32
        %mul3A_279 = arith.muli %add3A_243, %mul3A_278 : i32
        %add3A_280 = arith.constant 32 : i32
        %add3A_281 = arith.addi %mul3A_279, %add3A_280 : i32
        %get3A_282 = arith.index_cast %add3A_281 : i32 to index
        %get3A_283 = tpu.vector_load %arg6[%get3A_282] {strides = array<i32>} : memref<15360xi32, #tpu.memory_space<vmem>>, vector<16xi32>,
        %get3A_284 = vector.shape_cast %get3A_283 : vector<16xi32> to vector<16xi32>
        %shift_right_arithmetic3A_285 = arith.constant 0 : i32
        %shift_right_arithmetic3A_286 = vector.broadcast %shift_right_arithmetic3A_285 : i32 to vector<16xi32>
        %shift_right_arithmetic3A_287 = arith.shrsi %get3A_284, %shift_right_arithmetic3A_286 : vector<16xi32>
        %and3A_288 = arith.constant 16383 : i32
        %and3A_289 = vector.broadcast %and3A_288 : i32 to vector<16xi32>
        %and3A_290 = arith.andi %shift_right_arithmetic3A_287, %and3A_289 : vector<16xi32>
        %swap3A_291 = arith.constant 32 : index
        %swap3A_292 = tpu.vector_load %arg10[%swap3A_291] {strides = array<i32>} : memref<128xi32, #tpu.memory_space<vmem>>, vector<16xi32>,
        %swap3A_293 = vector.shape_cast %swap3A_292 : vector<16xi32> to vector<16xi32>
        %swap3A_294 = vector.shape_cast %and3A_290 : vector<16xi32> to vector<16xi32>
        tpu.vector_store %arg10[%swap3A_291], %swap3A_294 {strides = array<i32>} : memref<128xi32, #tpu.memory_space<vmem>>, vector<16xi32>,
        %mul3A_295 = arith.constant 128 : i32
        %mul3A_296 = arith.muli %add3A_243, %mul3A_295 : i32
        %add3A_297 = arith.constant 48 : i32
        %add3A_298 = arith.addi %mul3A_296, %add3A_297 : i32
        %get3A_299 = arith.index_cast %add3A_298 : i32 to index
        %get3A_300 = tpu.vector_load %arg6[%get3A_299] {strides = array<i32>} : memref<15360xi32, #tpu.memory_space<vmem>>, vector<16xi32>,
        %get3A_301 = vector.shape_cast %get3A_300 : vector<16xi32> to vector<16xi32>
        %shift_right_arithmetic3A_302 = arith.constant 0 : i32
        %shift_right_arithmetic3A_303 = vector.broadcast %shift_right_arithmetic3A_302 : i32 to vector<16xi32>
        %shift_right_arithmetic3A_304 = arith.shrsi %get3A_301, %shift_right_arithmetic3A_303 : vector<16xi32>
        %and3A_305 = arith.constant 16383 : i32
        %and3A_306 = vector.broadcast %and3A_305 : i32 to vector<16xi32>
        %and3A_307 = arith.andi %shift_right_arithmetic3A_304, %and3A_306 : vector<16xi32>
        %swap3A_308 = arith.constant 48 : index
        %swap3A_309 = tpu.vector_load %arg10[%swap3A_308] {strides = array<i32>} : memref<128xi32, #tpu.memory_space<vmem>>, vector<16xi32>,
        %swap3A_310 = vector.shape_cast %swap3A_309 : vector<16xi32> to vector<16xi32>
        %swap3A_311 = vector.shape_cast %and3A_307 : vector<16xi32> to vector<16xi32>
        tpu.vector_store %arg10[%swap3A_308], %swap3A_311 {strides = array<i32>} : memref<128xi32, #tpu.memory_space<vmem>>, vector<16xi32>,
        %mul3A_312 = arith.constant 128 : i32
        %mul3A_313 = arith.muli %add3A_243, %mul3A_312 : i32
        %add3A_314 = arith.constant 64 : i32
        %add3A_315 = arith.addi %mul3A_313, %add3A_314 : i32
        %get3A_316 = arith.index_cast %add3A_315 : i32 to index
        %get3A_317 = tpu.vector_load %arg6[%get3A_316] {strides = array<i32>} : memref<15360xi32, #tpu.memory_space<vmem>>, vector<16xi32>,
        %get3A_318 = vector.shape_cast %get3A_317 : vector<16xi32> to vector<16xi32>
        %shift_right_arithmetic3A_319 = arith.constant 0 : i32
        %shift_right_arithmetic3A_320 = vector.broadcast %shift_right_arithmetic3A_319 : i32 to vector<16xi32>
        %shift_right_arithmetic3A_321 = arith.shrsi %get3A_318, %shift_right_arithmetic3A_320 : vector<16xi32>
        %and3A_322 = arith.constant 16383 : i32
        %and3A_323 = vector.broadcast %and3A_322 : i32 to vector<16xi32>
        %and3A_324 = arith.andi %shift_right_arithmetic3A_321, %and3A_323 : vector<16xi32>
        %swap3A_325 = arith.constant 64 : index
        %swap3A_326 = tpu.vector_load %arg10[%swap3A_325] {strides = array<i32>} : memref<128xi32, #tpu.memory_space<vmem>>, vector<16xi32>,
        %swap3A_327 = vector.shape_cast %swap3A_326 : vector<16xi32> to vector<16xi32>
        %swap3A_328 = vector.shape_cast %and3A_324 : vector<16xi32> to vector<16xi32>
        tpu.vector_store %arg10[%swap3A_325], %swap3A_328 {strides = array<i32>} : memref<128xi32, #tpu.memory_space<vmem>>, vector<16xi32>,
        %mul3A_329 = arith.constant 128 : i32
        %mul3A_330 = arith.muli %add3A_243, %mul3A_329 : i32
        %add3A_331 = arith.constant 80 : i32
        %add3A_332 = arith.addi %mul3A_330, %add3A_331 : i32
        %get3A_333 = arith.index_cast %add3A_332 : i32 to index
        %get3A_334 = tpu.vector_load %arg6[%get3A_333] {strides = array<i32>} : memref<15360xi32, #tpu.memory_space<vmem>>, vector<16xi32>,
        %get3A_335 = vector.shape_cast %get3A_334 : vector<16xi32> to vector<16xi32>
        %shift_right_arithmetic3A_336 = arith.constant 0 : i32
        %shift_right_arithmetic3A_337 = vector.broadcast %shift_right_arithmetic3A_336 : i32 to vector<16xi32>
        %shift_right_arithmetic3A_338 = arith.shrsi %get3A_335, %shift_right_arithmetic3A_337 : vector<16xi32>
        %and3A_339 = arith.constant 16383 : i32
        %and3A_340 = vector.broadcast %and3A_339 : i32 to vector<16xi32>
        %and3A_341 = arith.andi %shift_right_arithmetic3A_338, %and3A_340 : vector<16xi32>
        %swap3A_342 = arith.constant 80 : index
        %swap3A_343 = tpu.vector_load %arg10[%swap3A_342] {strides = array<i32>} : memref<128xi32, #tpu.memory_space<vmem>>, vector<16xi32>,
        %swap3A_344 = vector.shape_cast %swap3A_343 : vector<16xi32> to vector<16xi32>
        %swap3A_345 = vector.shape_cast %and3A_341 : vector<16xi32> to vector<16xi32>
        tpu.vector_store %arg10[%swap3A_342], %swap3A_345 {strides = array<i32>} : memref<128xi32, #tpu.memory_space<vmem>>, vector<16xi32>,
        %mul3A_346 = arith.constant 128 : i32
        %mul3A_347 = arith.muli %add3A_243, %mul3A_346 : i32
        %add3A_348 = arith.constant 96 : i32
        %add3A_349 = arith.addi %mul3A_347, %add3A_348 : i32
        %get3A_350 = arith.index_cast %add3A_349 : i32 to index
        %get3A_351 = tpu.vector_load %arg6[%get3A_350] {strides = array<i32>} : memref<15360xi32, #tpu.memory_space<vmem>>, vector<16xi32>,
        %get3A_352 = vector.shape_cast %get3A_351 : vector<16xi32> to vector<16xi32>
        %shift_right_arithmetic3A_353 = arith.constant 0 : i32
        %shift_right_arithmetic3A_354 = vector.broadcast %shift_right_arithmetic3A_353 : i32 to vector<16xi32>
        %shift_right_arithmetic3A_355 = arith.shrsi %get3A_352, %shift_right_arithmetic3A_354 : vector<16xi32>
        %and3A_356 = arith.constant 16383 : i32
        %and3A_357 = vector.broadcast %and3A_356 : i32 to vector<16xi32>
        %and3A_358 = arith.andi %shift_right_arithmetic3A_355, %and3A_357 : vector<16xi32>
        %swap3A_359 = arith.constant 96 : index
        %swap3A_360 = tpu.vector_load %arg10[%swap3A_359] {strides = array<i32>} : memref<128xi32, #tpu.memory_space<vmem>>, vector<16xi32>,
        %swap3A_361 = vector.shape_cast %swap3A_360 : vector<16xi32> to vector<16xi32>
        %swap3A_362 = vector.shape_cast %and3A_358 : vector<16xi32> to vector<16xi32>
        tpu.vector_store %arg10[%swap3A_359], %swap3A_362 {strides = array<i32>} : memref<128xi32, #tpu.memory_space<vmem>>, vector<16xi32>,
        %mul3A_363 = arith.constant 128 : i32
        %mul3A_364 = arith.muli %add3A_243, %mul3A_363 : i32
        %add3A_365 = arith.constant 112 : i32
        %add3A_366 = arith.addi %mul3A_364, %add3A_365 : i32
        %get3A_367 = arith.index_cast %add3A_366 : i32 to index
        %get3A_368 = tpu.vector_load %arg6[%get3A_367] {strides = array<i32>} : memref<15360xi32, #tpu.memory_space<vmem>>, vector<16xi32>,
        %get3A_369 = vector.shape_cast %get3A_368 : vector<16xi32> to vector<16xi32>
        %shift_right_arithmetic3A_370 = arith.constant 0 : i32
        %shift_right_arithmetic3A_371 = vector.broadcast %shift_right_arithmetic3A_370 : i32 to vector<16xi32>
        %shift_right_arithmetic3A_372 = arith.shrsi %get3A_369, %shift_right_arithmetic3A_371 : vector<16xi32>
        %and3A_373 = arith.constant 16383 : i32
        %and3A_374 = vector.broadcast %and3A_373 : i32 to vector<16xi32>
        %and3A_375 = arith.andi %shift_right_arithmetic3A_372, %and3A_374 : vector<16xi32>
        %swap3A_376 = arith.constant 112 : index
        %swap3A_377 = tpu.vector_load %arg10[%swap3A_376] {strides = array<i32>} : memref<128xi32, #tpu.memory_space<vmem>>, vector<16xi32>,
        %swap3A_378 = vector.shape_cast %swap3A_377 : vector<16xi32> to vector<16xi32>
        %swap3A_379 = vector.shape_cast %and3A_375 : vector<16xi32> to vector<16xi32>
        tpu.vector_store %arg10[%swap3A_376], %swap3A_379 {strides = array<i32>} : memref<128xi32, #tpu.memory_space<vmem>>, vector<16xi32>,
        %dma_wait3A = arith.constant 0 : i32
        %dma_wait3A_380 = arith.constant 0 : i32
        %dma_wait3A_381 = tpu.memref_slice %arg2[%dma_wait3A, %dma_wait3A_380] : memref<10000x128xf32, #tpu.memory_space<hbm>> -> memref<10000x128xf32, #tpu.memory_space<hbm>>
        tpu.wait_indirect_dma semaphore(%arg13 : memref<!tpu.dma_semaphore, #tpu.memory_space<semaphore_mem>>) src(%dma_wait3A_381 : memref<10000x128xf32, #tpu.memory_space<hbm>>) dst(%arg7 : memref<128x128xf32, #tpu.memory_space<vmem>>)
        %dma_start3A_382 = arith.constant 0 : i32
        %dma_start3A_383 = arith.constant 0 : i32
        %dma_start3A_384 = tpu.memref_slice %arg2[%dma_start3A_382, %dma_start3A_383] : memref<10000x128xf32, #tpu.memory_space<hbm>> -> memref<10000x128xf32, #tpu.memory_space<hbm>>
        tpu.enqueue_indirect_dma source(%dma_start3A_384 : memref<10000x128xf32, #tpu.memory_space<hbm>>) target(%arg8 : memref<128x128xf32, #tpu.memory_space<vmem>>) offsets(%arg10 : memref<128xi32, #tpu.memory_space<vmem>>) semaphore(%arg14 : memref<!tpu.dma_semaphore, #tpu.memory_space<semaphore_mem>>)
        %mul3A_385 = arith.constant 128 : i32
        %mul3A_386 = arith.muli %mul3A_239, %mul3A_385 : i32
        %add3A_387 = arith.constant 0 : i32
        %add3A_388 = arith.addi %mul3A_386, %add3A_387 : i32
        %get3A_389 = arith.index_cast %add3A_388 : i32 to index
        %get3A_390 = tpu.vector_load %arg6[%get3A_389] {strides = array<i32>} : memref<15360xi32, #tpu.memory_space<vmem>>, vector<16xi32>,
        %get3A_391 = vector.shape_cast %get3A_390 : vector<16xi32> to vector<16xi32>
        %shift_right_arithmetic3A_392 = arith.constant 14 : i32
        %shift_right_arithmetic3A_393 = vector.broadcast %shift_right_arithmetic3A_392 : i32 to vector<16xi32>
        %shift_right_arithmetic3A_394 = arith.shrsi %get3A_391, %shift_right_arithmetic3A_393 : vector<16xi32>
        %and3A_395 = arith.constant 16383 : i32
        %and3A_396 = vector.broadcast %and3A_395 : i32 to vector<16xi32>
        %and3A_397 = arith.andi %shift_right_arithmetic3A_394, %and3A_396 : vector<16xi32>
        %swap3A_398 = arith.constant 0 : index
        %swap3A_399 = tpu.vector_load %arg11[%swap3A_398] {strides = array<i32>} : memref<128xi32, #tpu.memory_space<vmem>>, vector<16xi32>,
        %swap3A_400 = vector.shape_cast %swap3A_399 : vector<16xi32> to vector<16xi32>
        %swap3A_401 = vector.shape_cast %and3A_397 : vector<16xi32> to vector<16xi32>
        tpu.vector_store %arg11[%swap3A_398], %swap3A_401 {strides = array<i32>} : memref<128xi32, #tpu.memory_space<vmem>>, vector<16xi32>,
        %mul3A_402 = arith.constant 128 : i32
        %mul3A_403 = arith.muli %mul3A_239, %mul3A_402 : i32
        %add3A_404 = arith.constant 16 : i32
        %add3A_405 = arith.addi %mul3A_403, %add3A_404 : i32
        %get3A_406 = arith.index_cast %add3A_405 : i32 to index
        %get3A_407 = tpu.vector_load %arg6[%get3A_406] {strides = array<i32>} : memref<15360xi32, #tpu.memory_space<vmem>>, vector<16xi32>,
        %get3A_408 = vector.shape_cast %get3A_407 : vector<16xi32> to vector<16xi32>
        %shift_right_arithmetic3A_409 = arith.constant 14 : i32
        %shift_right_arithmetic3A_410 = vector.broadcast %shift_right_arithmetic3A_409 : i32 to vector<16xi32>
        %shift_right_arithmetic3A_411 = arith.shrsi %get3A_408, %shift_right_arithmetic3A_410 : vector<16xi32>
        %and3A_412 = arith.constant 16383 : i32
        %and3A_413 = vector.broadcast %and3A_412 : i32 to vector<16xi32>
        %and3A_414 = arith.andi %shift_right_arithmetic3A_411, %and3A_413 : vector<16xi32>
        %swap3A_415 = arith.constant 16 : index
        %swap3A_416 = tpu.vector_load %arg11[%swap3A_415] {strides = array<i32>} : memref<128xi32, #tpu.memory_space<vmem>>, vector<16xi32>,
        %swap3A_417 = vector.shape_cast %swap3A_416 : vector<16xi32> to vector<16xi32>
        %swap3A_418 = vector.shape_cast %and3A_414 : vector<16xi32> to vector<16xi32>
        tpu.vector_store %arg11[%swap3A_415], %swap3A_418 {strides = array<i32>} : memref<128xi32, #tpu.memory_space<vmem>>, vector<16xi32>,
        %mul3A_419 = arith.constant 128 : i32
        %mul3A_420 = arith.muli %mul3A_239, %mul3A_419 : i32
        %add3A_421 = arith.constant 32 : i32
        %add3A_422 = arith.addi %mul3A_420, %add3A_421 : i32
        %get3A_423 = arith.index_cast %add3A_422 : i32 to index
        %get3A_424 = tpu.vector_load %arg6[%get3A_423] {strides = array<i32>} : memref<15360xi32, #tpu.memory_space<vmem>>, vector<16xi32>,
        %get3A_425 = vector.shape_cast %get3A_424 : vector<16xi32> to vector<16xi32>
        %shift_right_arithmetic3A_426 = arith.constant 14 : i32
        %shift_right_arithmetic3A_427 = vector.broadcast %shift_right_arithmetic3A_426 : i32 to vector<16xi32>
        %shift_right_arithmetic3A_428 = arith.shrsi %get3A_425, %shift_right_arithmetic3A_427 : vector<16xi32>
        %and3A_429 = arith.constant 16383 : i32
        %and3A_430 = vector.broadcast %and3A_429 : i32 to vector<16xi32>
        %and3A_431 = arith.andi %shift_right_arithmetic3A_428, %and3A_430 : vector<16xi32>
        %swap3A_432 = arith.constant 32 : index
        %swap3A_433 = tpu.vector_load %arg11[%swap3A_432] {strides = array<i32>} : memref<128xi32, #tpu.memory_space<vmem>>, vector<16xi32>,
        %swap3A_434 = vector.shape_cast %swap3A_433 : vector<16xi32> to vector<16xi32>
        %swap3A_435 = vector.shape_cast %and3A_431 : vector<16xi32> to vector<16xi32>
        tpu.vector_store %arg11[%swap3A_432], %swap3A_435 {strides = array<i32>} : memref<128xi32, #tpu.memory_space<vmem>>, vector<16xi32>,
        %mul3A_436 = arith.constant 128 : i32
        %mul3A_437 = arith.muli %mul3A_239, %mul3A_436 : i32
        %add3A_438 = arith.constant 48 : i32
        %add3A_439 = arith.addi %mul3A_437, %add3A_438 : i32
        %get3A_440 = arith.index_cast %add3A_439 : i32 to index
        %get3A_441 = tpu.vector_load %arg6[%get3A_440] {strides = array<i32>} : memref<15360xi32, #tpu.memory_space<vmem>>, vector<16xi32>,
        %get3A_442 = vector.shape_cast %get3A_441 : vector<16xi32> to vector<16xi32>
        %shift_right_arithmetic3A_443 = arith.constant 14 : i32
        %shift_right_arithmetic3A_444 = vector.broadcast %shift_right_arithmetic3A_443 : i32 to vector<16xi32>
        %shift_right_arithmetic3A_445 = arith.shrsi %get3A_442, %shift_right_arithmetic3A_444 : vector<16xi32>
        %and3A_446 = arith.constant 16383 : i32
        %and3A_447 = vector.broadcast %and3A_446 : i32 to vector<16xi32>
        %and3A_448 = arith.andi %shift_right_arithmetic3A_445, %and3A_447 : vector<16xi32>
        %swap3A_449 = arith.constant 48 : index
        %swap3A_450 = tpu.vector_load %arg11[%swap3A_449] {strides = array<i32>} : memref<128xi32, #tpu.memory_space<vmem>>, vector<16xi32>,
        %swap3A_451 = vector.shape_cast %swap3A_450 : vector<16xi32> to vector<16xi32>
        %swap3A_452 = vector.shape_cast %and3A_448 : vector<16xi32> to vector<16xi32>
        tpu.vector_store %arg11[%swap3A_449], %swap3A_452 {strides = array<i32>} : memref<128xi32, #tpu.memory_space<vmem>>, vector<16xi32>,
        %mul3A_453 = arith.constant 128 : i32
        %mul3A_454 = arith.muli %mul3A_239, %mul3A_453 : i32
        %add3A_455 = arith.constant 64 : i32
        %add3A_456 = arith.addi %mul3A_454, %add3A_455 : i32
        %get3A_457 = arith.index_cast %add3A_456 : i32 to index
        %get3A_458 = tpu.vector_load %arg6[%get3A_457] {strides = array<i32>} : memref<15360xi32, #tpu.memory_space<vmem>>, vector<16xi32>,
        %get3A_459 = vector.shape_cast %get3A_458 : vector<16xi32> to vector<16xi32>
        %shift_right_arithmetic3A_460 = arith.constant 14 : i32
        %shift_right_arithmetic3A_461 = vector.broadcast %shift_right_arithmetic3A_460 : i32 to vector<16xi32>
        %shift_right_arithmetic3A_462 = arith.shrsi %get3A_459, %shift_right_arithmetic3A_461 : vector<16xi32>
        %and3A_463 = arith.constant 16383 : i32
        %and3A_464 = vector.broadcast %and3A_463 : i32 to vector<16xi32>
        %and3A_465 = arith.andi %shift_right_arithmetic3A_462, %and3A_464 : vector<16xi32>
        %swap3A_466 = arith.constant 64 : index
        %swap3A_467 = tpu.vector_load %arg11[%swap3A_466] {strides = array<i32>} : memref<128xi32, #tpu.memory_space<vmem>>, vector<16xi32>,
        %swap3A_468 = vector.shape_cast %swap3A_467 : vector<16xi32> to vector<16xi32>
        %swap3A_469 = vector.shape_cast %and3A_465 : vector<16xi32> to vector<16xi32>
        tpu.vector_store %arg11[%swap3A_466], %swap3A_469 {strides = array<i32>} : memref<128xi32, #tpu.memory_space<vmem>>, vector<16xi32>,
        %mul3A_470 = arith.constant 128 : i32
        %mul3A_471 = arith.muli %mul3A_239, %mul3A_470 : i32
        %add3A_472 = arith.constant 80 : i32
        %add3A_473 = arith.addi %mul3A_471, %add3A_472 : i32
        %get3A_474 = arith.index_cast %add3A_473 : i32 to index
        %get3A_475 = tpu.vector_load %arg6[%get3A_474] {strides = array<i32>} : memref<15360xi32, #tpu.memory_space<vmem>>, vector<16xi32>,
        %get3A_476 = vector.shape_cast %get3A_475 : vector<16xi32> to vector<16xi32>
        %shift_right_arithmetic3A_477 = arith.constant 14 : i32
        %shift_right_arithmetic3A_478 = vector.broadcast %shift_right_arithmetic3A_477 : i32 to vector<16xi32>
        %shift_right_arithmetic3A_479 = arith.shrsi %get3A_476, %shift_right_arithmetic3A_478 : vector<16xi32>
        %and3A_480 = arith.constant 16383 : i32
        %and3A_481 = vector.broadcast %and3A_480 : i32 to vector<16xi32>
        %and3A_482 = arith.andi %shift_right_arithmetic3A_479, %and3A_481 : vector<16xi32>
        %swap3A_483 = arith.constant 80 : index
        %swap3A_484 = tpu.vector_load %arg11[%swap3A_483] {strides = array<i32>} : memref<128xi32, #tpu.memory_space<vmem>>, vector<16xi32>,
        %swap3A_485 = vector.shape_cast %swap3A_484 : vector<16xi32> to vector<16xi32>
        %swap3A_486 = vector.shape_cast %and3A_482 : vector<16xi32> to vector<16xi32>
        tpu.vector_store %arg11[%swap3A_483], %swap3A_486 {strides = array<i32>} : memref<128xi32, #tpu.memory_space<vmem>>, vector<16xi32>,
        %mul3A_487 = arith.constant 128 : i32
        %mul3A_488 = arith.muli %mul3A_239, %mul3A_487 : i32
        %add3A_489 = arith.constant 96 : i32
        %add3A_490 = arith.addi %mul3A_488, %add3A_489 : i32
        %get3A_491 = arith.index_cast %add3A_490 : i32 to index
        %get3A_492 = tpu.vector_load %arg6[%get3A_491] {strides = array<i32>} : memref<15360xi32, #tpu.memory_space<vmem>>, vector<16xi32>,
        %get3A_493 = vector.shape_cast %get3A_492 : vector<16xi32> to vector<16xi32>
        %shift_right_arithmetic3A_494 = arith.constant 14 : i32
        %shift_right_arithmetic3A_495 = vector.broadcast %shift_right_arithmetic3A_494 : i32 to vector<16xi32>
        %shift_right_arithmetic3A_496 = arith.shrsi %get3A_493, %shift_right_arithmetic3A_495 : vector<16xi32>
        %and3A_497 = arith.constant 16383 : i32
        %and3A_498 = vector.broadcast %and3A_497 : i32 to vector<16xi32>
        %and3A_499 = arith.andi %shift_right_arithmetic3A_496, %and3A_498 : vector<16xi32>
        %swap3A_500 = arith.constant 96 : index
        %swap3A_501 = tpu.vector_load %arg11[%swap3A_500] {strides = array<i32>} : memref<128xi32, #tpu.memory_space<vmem>>, vector<16xi32>,
        %swap3A_502 = vector.shape_cast %swap3A_501 : vector<16xi32> to vector<16xi32>
        %swap3A_503 = vector.shape_cast %and3A_499 : vector<16xi32> to vector<16xi32>
        tpu.vector_store %arg11[%swap3A_500], %swap3A_503 {strides = array<i32>} : memref<128xi32, #tpu.memory_space<vmem>>, vector<16xi32>,
        %mul3A_504 = arith.constant 128 : i32
        %mul3A_505 = arith.muli %mul3A_239, %mul3A_504 : i32
        %add3A_506 = arith.constant 112 : i32
        %add3A_507 = arith.addi %mul3A_505, %add3A_506 : i32
        %get3A_508 = arith.index_cast %add3A_507 : i32 to index
        %get3A_509 = tpu.vector_load %arg6[%get3A_508] {strides = array<i32>} : memref<15360xi32, #tpu.memory_space<vmem>>, vector<16xi32>,
        %get3A_510 = vector.shape_cast %get3A_509 : vector<16xi32> to vector<16xi32>
        %shift_right_arithmetic3A_511 = arith.constant 14 : i32
        %shift_right_arithmetic3A_512 = vector.broadcast %shift_right_arithmetic3A_511 : i32 to vector<16xi32>
        %shift_right_arithmetic3A_513 = arith.shrsi %get3A_510, %shift_right_arithmetic3A_512 : vector<16xi32>
        %and3A_514 = arith.constant 16383 : i32
        %and3A_515 = vector.broadcast %and3A_514 : i32 to vector<16xi32>
        %and3A_516 = arith.andi %shift_right_arithmetic3A_513, %and3A_515 : vector<16xi32>
        %swap3A_517 = arith.constant 112 : index
        %swap3A_518 = tpu.vector_load %arg11[%swap3A_517] {strides = array<i32>} : memref<128xi32, #tpu.memory_space<vmem>>, vector<16xi32>,
        %swap3A_519 = vector.shape_cast %swap3A_518 : vector<16xi32> to vector<16xi32>
        %swap3A_520 = vector.shape_cast %and3A_516 : vector<16xi32> to vector<16xi32>
        tpu.vector_store %arg11[%swap3A_517], %swap3A_520 {strides = array<i32>} : memref<128xi32, #tpu.memory_space<vmem>>, vector<16xi32>,
        "tpu.region"() ({
          %run_scoped3A_669 = tpu.sem_alloc : memref<!tpu.dma_semaphore, #tpu.memory_space<semaphore_mem>>
          %dma_start3A_670 = arith.constant 0 : i32
          %dma_start3A_671 = arith.constant 0 : i32
          %dma_start3A_672 = tpu.memref_slice %arg15[%dma_start3A_670, %dma_start3A_671] : memref<10112x128xf32, #tpu.memory_space<vmem_shared>> -> memref<10112x128xf32, #tpu.memory_space<vmem_shared>>
          tpu.enqueue_indirect_dma source(%arg7 : memref<128x128xf32, #tpu.memory_space<vmem>>) target(%dma_start3A_672 : memref<10112x128xf32, #tpu.memory_space<vmem_shared>>) offsets(%arg11 : memref<128xi32, #tpu.memory_space<vmem>>) semaphore(%run_scoped3A_669 : memref<!tpu.dma_semaphore, #tpu.memory_space<semaphore_mem>>) {add = true}
          %dma_wait3A_673 = arith.constant 0 : i32
          %dma_wait3A_674 = arith.constant 0 : i32
          %dma_wait3A_675 = tpu.memref_slice %arg15[%dma_wait3A_673, %dma_wait3A_674] : memref<10112x128xf32, #tpu.memory_space<vmem_shared>> -> memref<10112x128xf32, #tpu.memory_space<vmem_shared>>
          tpu.wait_indirect_dma semaphore(%run_scoped3A_669 : memref<!tpu.dma_semaphore, #tpu.memory_space<semaphore_mem>>) src(%arg7 : memref<128x128xf32, #tpu.memory_space<vmem>>) dst(%dma_wait3A_675 : memref<10112x128xf32, #tpu.memory_space<vmem_shared>>)
          tpu.yield
        }) : () -> ()
        "tpu.region"() ({
          %run_scoped3A_669 = tpu.sem_alloc : memref<!tpu.dma_semaphore, #tpu.memory_space<semaphore_mem>>
          %dma_start3A_670 = arith.constant 0 : i32
          %dma_start3A_671 = tpu.memref_slice %arg16[%dma_start3A_670] : memref<10240xf32, #tpu.memory_space<vmem_shared>> -> memref<10240xf32, #tpu.memory_space<vmem_shared>>
          tpu.enqueue_indirect_dma source(%arg12 : memref<128xf32, #tpu.memory_space<vmem>>) target(%dma_start3A_671 : memref<10240xf32, #tpu.memory_space<vmem_shared>>) offsets(%arg11 : memref<128xi32, #tpu.memory_space<vmem>>) semaphore(%run_scoped3A_669 : memref<!tpu.dma_semaphore, #tpu.memory_space<semaphore_mem>>) {add = true}
          %dma_wait3A_672 = arith.constant 0 : i32
          %dma_wait3A_673 = tpu.memref_slice %arg16[%dma_wait3A_672] : memref<10240xf32, #tpu.memory_space<vmem_shared>> -> memref<10240xf32, #tpu.memory_space<vmem_shared>>
          tpu.wait_indirect_dma semaphore(%run_scoped3A_669 : memref<!tpu.dma_semaphore, #tpu.memory_space<semaphore_mem>>) src(%arg12 : memref<128xf32, #tpu.memory_space<vmem>>) dst(%dma_wait3A_673 : memref<10240xf32, #tpu.memory_space<vmem_shared>>)
          tpu.yield
        }) : () -> ()
        %lt3A = arith.constant 19 : i32
        %lt3A_521 = arith.cmpi slt, %scan3A_237, %lt3A : i32
        %convert_element_type3A_522 = arith.extui %lt3A_521 : i1 to i32
        %cond3A_523 = arith.constant 0 : i32
        %cond3A_524 = arith.cmpi ne, %convert_element_type3A_522, %cond3A_523 : i32
        scf.if %cond3A_524 {
          %add3A_669 = arith.constant 2 : i32
          %add3A_670 = arith.addi %mul3A_239, %add3A_669 : i32
          %mul3A_671 = arith.constant 128 : i32
          %mul3A_672 = arith.muli %add3A_670, %mul3A_671 : i32
          %add3A_673 = arith.constant 0 : i32
          %add3A_674 = arith.addi %mul3A_672, %add3A_673 : i32
          %get3A_675 = arith.index_cast %add3A_674 : i32 to index
          %get3A_676 = tpu.vector_load %arg6[%get3A_675] {strides = array<i32>} : memref<15360xi32, #tpu.memory_space<vmem>>, vector<16xi32>,
          %get3A_677 = vector.shape_cast %get3A_676 : vector<16xi32> to vector<16xi32>
          %shift_right_arithmetic3A_678 = arith.constant 0 : i32
          %shift_right_arithmetic3A_679 = vector.broadcast %shift_right_arithmetic3A_678 : i32 to vector<16xi32>
          %shift_right_arithmetic3A_680 = arith.shrsi %get3A_677, %shift_right_arithmetic3A_679 : vector<16xi32>
          %and3A_681 = arith.constant 16383 : i32
          %and3A_682 = vector.broadcast %and3A_681 : i32 to vector<16xi32>
          %and3A_683 = arith.andi %shift_right_arithmetic3A_680, %and3A_682 : vector<16xi32>
          %swap3A_684 = arith.constant 0 : index
          %swap3A_685 = tpu.vector_load %arg9[%swap3A_684] {strides = array<i32>} : memref<128xi32, #tpu.memory_space<vmem>>, vector<16xi32>,
          %swap3A_686 = vector.shape_cast %swap3A_685 : vector<16xi32> to vector<16xi32>
          %swap3A_687 = vector.shape_cast %and3A_683 : vector<16xi32> to vector<16xi32>
          tpu.vector_store %arg9[%swap3A_684], %swap3A_687 {strides = array<i32>} : memref<128xi32, #tpu.memory_space<vmem>>, vector<16xi32>,
          %mul3A_688 = arith.constant 128 : i32
          %mul3A_689 = arith.muli %add3A_670, %mul3A_688 : i32
          %add3A_690 = arith.constant 16 : i32
          %add3A_691 = arith.addi %mul3A_689, %add3A_690 : i32
          %get3A_692 = arith.index_cast %add3A_691 : i32 to index
          %get3A_693 = tpu.vector_load %arg6[%get3A_692] {strides = array<i32>} : memref<15360xi32, #tpu.memory_space<vmem>>, vector<16xi32>,
          %get3A_694 = vector.shape_cast %get3A_693 : vector<16xi32> to vector<16xi32>
          %shift_right_arithmetic3A_695 = arith.constant 0 : i32
          %shift_right_arithmetic3A_696 = vector.broadcast %shift_right_arithmetic3A_695 : i32 to vector<16xi32>
          %shift_right_arithmetic3A_697 = arith.shrsi %get3A_694, %shift_right_arithmetic3A_696 : vector<16xi32>
          %and3A_698 = arith.constant 16383 : i32
          %and3A_699 = vector.broadcast %and3A_698 : i32 to vector<16xi32>
          %and3A_700 = arith.andi %shift_right_arithmetic3A_697, %and3A_699 : vector<16xi32>
          %swap3A_701 = arith.constant 16 : index
          %swap3A_702 = tpu.vector_load %arg9[%swap3A_701] {strides = array<i32>} : memref<128xi32, #tpu.memory_space<vmem>>, vector<16xi32>,
          %swap3A_703 = vector.shape_cast %swap3A_702 : vector<16xi32> to vector<16xi32>
          %swap3A_704 = vector.shape_cast %and3A_700 : vector<16xi32> to vector<16xi32>
          tpu.vector_store %arg9[%swap3A_701], %swap3A_704 {strides = array<i32>} : memref<128xi32, #tpu.memory_space<vmem>>, vector<16xi32>,
          %mul3A_705 = arith.constant 128 : i32
          %mul3A_706 = arith.muli %add3A_670, %mul3A_705 : i32
          %add3A_707 = arith.constant 32 : i32
          %add3A_708 = arith.addi %mul3A_706, %add3A_707 : i32
          %get3A_709 = arith.index_cast %add3A_708 : i32 to index
          %get3A_710 = tpu.vector_load %arg6[%get3A_709] {strides = array<i32>} : memref<15360xi32, #tpu.memory_space<vmem>>, vector<16xi32>,
          %get3A_711 = vector.shape_cast %get3A_710 : vector<16xi32> to vector<16xi32>
          %shift_right_arithmetic3A_712 = arith.constant 0 : i32
          %shift_right_arithmetic3A_713 = vector.broadcast %shift_right_arithmetic3A_712 : i32 to vector<16xi32>
          %shift_right_arithmetic3A_714 = arith.shrsi %get3A_711, %shift_right_arithmetic3A_713 : vector<16xi32>
          %and3A_715 = arith.constant 16383 : i32
          %and3A_716 = vector.broadcast %and3A_715 : i32 to vector<16xi32>
          %and3A_717 = arith.andi %shift_right_arithmetic3A_714, %and3A_716 : vector<16xi32>
          %swap3A_718 = arith.constant 32 : index
          %swap3A_719 = tpu.vector_load %arg9[%swap3A_718] {strides = array<i32>} : memref<128xi32, #tpu.memory_space<vmem>>, vector<16xi32>,
          %swap3A_720 = vector.shape_cast %swap3A_719 : vector<16xi32> to vector<16xi32>
          %swap3A_721 = vector.shape_cast %and3A_717 : vector<16xi32> to vector<16xi32>
          tpu.vector_store %arg9[%swap3A_718], %swap3A_721 {strides = array<i32>} : memref<128xi32, #tpu.memory_space<vmem>>, vector<16xi32>,
          %mul3A_722 = arith.constant 128 : i32
          %mul3A_723 = arith.muli %add3A_670, %mul3A_722 : i32
          %add3A_724 = arith.constant 48 : i32
          %add3A_725 = arith.addi %mul3A_723, %add3A_724 : i32
          %get3A_726 = arith.index_cast %add3A_725 : i32 to index
          %get3A_727 = tpu.vector_load %arg6[%get3A_726] {strides = array<i32>} : memref<15360xi32, #tpu.memory_space<vmem>>, vector<16xi32>,
          %get3A_728 = vector.shape_cast %get3A_727 : vector<16xi32> to vector<16xi32>
          %shift_right_arithmetic3A_729 = arith.constant 0 : i32
          %shift_right_arithmetic3A_730 = vector.broadcast %shift_right_arithmetic3A_729 : i32 to vector<16xi32>
          %shift_right_arithmetic3A_731 = arith.shrsi %get3A_728, %shift_right_arithmetic3A_730 : vector<16xi32>
          %and3A_732 = arith.constant 16383 : i32
          %and3A_733 = vector.broadcast %and3A_732 : i32 to vector<16xi32>
          %and3A_734 = arith.andi %shift_right_arithmetic3A_731, %and3A_733 : vector<16xi32>
          %swap3A_735 = arith.constant 48 : index
          %swap3A_736 = tpu.vector_load %arg9[%swap3A_735] {strides = array<i32>} : memref<128xi32, #tpu.memory_space<vmem>>, vector<16xi32>,
          %swap3A_737 = vector.shape_cast %swap3A_736 : vector<16xi32> to vector<16xi32>
          %swap3A_738 = vector.shape_cast %and3A_734 : vector<16xi32> to vector<16xi32>
          tpu.vector_store %arg9[%swap3A_735], %swap3A_738 {strides = array<i32>} : memref<128xi32, #tpu.memory_space<vmem>>, vector<16xi32>,
          %mul3A_739 = arith.constant 128 : i32
          %mul3A_740 = arith.muli %add3A_670, %mul3A_739 : i32
          %add3A_741 = arith.constant 64 : i32
          %add3A_742 = arith.addi %mul3A_740, %add3A_741 : i32
          %get3A_743 = arith.index_cast %add3A_742 : i32 to index
          %get3A_744 = tpu.vector_load %arg6[%get3A_743] {strides = array<i32>} : memref<15360xi32, #tpu.memory_space<vmem>>, vector<16xi32>,
          %get3A_745 = vector.shape_cast %get3A_744 : vector<16xi32> to vector<16xi32>
          %shift_right_arithmetic3A_746 = arith.constant 0 : i32
          %shift_right_arithmetic3A_747 = vector.broadcast %shift_right_arithmetic3A_746 : i32 to vector<16xi32>
          %shift_right_arithmetic3A_748 = arith.shrsi %get3A_745, %shift_right_arithmetic3A_747 : vector<16xi32>
          %and3A_749 = arith.constant 16383 : i32
          %and3A_750 = vector.broadcast %and3A_749 : i32 to vector<16xi32>
          %and3A_751 = arith.andi %shift_right_arithmetic3A_748, %and3A_750 : vector<16xi32>
          %swap3A_752 = arith.constant 64 : index
          %swap3A_753 = tpu.vector_load %arg9[%swap3A_752] {strides = array<i32>} : memref<128xi32, #tpu.memory_space<vmem>>, vector<16xi32>,
          %swap3A_754 = vector.shape_cast %swap3A_753 : vector<16xi32> to vector<16xi32>
          %swap3A_755 = vector.shape_cast %and3A_751 : vector<16xi32> to vector<16xi32>
          tpu.vector_store %arg9[%swap3A_752], %swap3A_755 {strides = array<i32>} : memref<128xi32, #tpu.memory_space<vmem>>, vector<16xi32>,
          %mul3A_756 = arith.constant 128 : i32
          %mul3A_757 = arith.muli %add3A_670, %mul3A_756 : i32
          %add3A_758 = arith.constant 80 : i32
          %add3A_759 = arith.addi %mul3A_757, %add3A_758 : i32
          %get3A_760 = arith.index_cast %add3A_759 : i32 to index
          %get3A_761 = tpu.vector_load %arg6[%get3A_760] {strides = array<i32>} : memref<15360xi32, #tpu.memory_space<vmem>>, vector<16xi32>,
          %get3A_762 = vector.shape_cast %get3A_761 : vector<16xi32> to vector<16xi32>
          %shift_right_arithmetic3A_763 = arith.constant 0 : i32
          %shift_right_arithmetic3A_764 = vector.broadcast %shift_right_arithmetic3A_763 : i32 to vector<16xi32>
          %shift_right_arithmetic3A_765 = arith.shrsi %get3A_762, %shift_right_arithmetic3A_764 : vector<16xi32>
          %and3A_766 = arith.constant 16383 : i32
          %and3A_767 = vector.broadcast %and3A_766 : i32 to vector<16xi32>
          %and3A_768 = arith.andi %shift_right_arithmetic3A_765, %and3A_767 : vector<16xi32>
          %swap3A_769 = arith.constant 80 : index
          %swap3A_770 = tpu.vector_load %arg9[%swap3A_769] {strides = array<i32>} : memref<128xi32, #tpu.memory_space<vmem>>, vector<16xi32>,
          %swap3A_771 = vector.shape_cast %swap3A_770 : vector<16xi32> to vector<16xi32>
          %swap3A_772 = vector.shape_cast %and3A_768 : vector<16xi32> to vector<16xi32>
          tpu.vector_store %arg9[%swap3A_769], %swap3A_772 {strides = array<i32>} : memref<128xi32, #tpu.memory_space<vmem>>, vector<16xi32>,
          %mul3A_773 = arith.constant 128 : i32
          %mul3A_774 = arith.muli %add3A_670, %mul3A_773 : i32
          %add3A_775 = arith.constant 96 : i32
          %add3A_776 = arith.addi %mul3A_774, %add3A_775 : i32
          %get3A_777 = arith.index_cast %add3A_776 : i32 to index
          %get3A_778 = tpu.vector_load %arg6[%get3A_777] {strides = array<i32>} : memref<15360xi32, #tpu.memory_space<vmem>>, vector<16xi32>,
          %get3A_779 = vector.shape_cast %get3A_778 : vector<16xi32> to vector<16xi32>
          %shift_right_arithmetic3A_780 = arith.constant 0 : i32
          %shift_right_arithmetic3A_781 = vector.broadcast %shift_right_arithmetic3A_780 : i32 to vector<16xi32>
          %shift_right_arithmetic3A_782 = arith.shrsi %get3A_779, %shift_right_arithmetic3A_781 : vector<16xi32>
          %and3A_783 = arith.constant 16383 : i32
          %and3A_784 = vector.broadcast %and3A_783 : i32 to vector<16xi32>
          %and3A_785 = arith.andi %shift_right_arithmetic3A_782, %and3A_784 : vector<16xi32>
          %swap3A_786 = arith.constant 96 : index
          %swap3A_787 = tpu.vector_load %arg9[%swap3A_786] {strides = array<i32>} : memref<128xi32, #tpu.memory_space<vmem>>, vector<16xi32>,
          %swap3A_788 = vector.shape_cast %swap3A_787 : vector<16xi32> to vector<16xi32>
          %swap3A_789 = vector.shape_cast %and3A_785 : vector<16xi32> to vector<16xi32>
          tpu.vector_store %arg9[%swap3A_786], %swap3A_789 {strides = array<i32>} : memref<128xi32, #tpu.memory_space<vmem>>, vector<16xi32>,
          %mul3A_790 = arith.constant 128 : i32
          %mul3A_791 = arith.muli %add3A_670, %mul3A_790 : i32
          %add3A_792 = arith.constant 112 : i32
          %add3A_793 = arith.addi %mul3A_791, %add3A_792 : i32
          %get3A_794 = arith.index_cast %add3A_793 : i32 to index
          %get3A_795 = tpu.vector_load %arg6[%get3A_794] {strides = array<i32>} : memref<15360xi32, #tpu.memory_space<vmem>>, vector<16xi32>,
          %get3A_796 = vector.shape_cast %get3A_795 : vector<16xi32> to vector<16xi32>
          %shift_right_arithmetic3A_797 = arith.constant 0 : i32
          %shift_right_arithmetic3A_798 = vector.broadcast %shift_right_arithmetic3A_797 : i32 to vector<16xi32>
          %shift_right_arithmetic3A_799 = arith.shrsi %get3A_796, %shift_right_arithmetic3A_798 : vector<16xi32>
          %and3A_800 = arith.constant 16383 : i32
          %and3A_801 = vector.broadcast %and3A_800 : i32 to vector<16xi32>
          %and3A_802 = arith.andi %shift_right_arithmetic3A_799, %and3A_801 : vector<16xi32>
          %swap3A_803 = arith.constant 112 : index
          %swap3A_804 = tpu.vector_load %arg9[%swap3A_803] {strides = array<i32>} : memref<128xi32, #tpu.memory_space<vmem>>, vector<16xi32>,
          %swap3A_805 = vector.shape_cast %swap3A_804 : vector<16xi32> to vector<16xi32>
          %swap3A_806 = vector.shape_cast %and3A_802 : vector<16xi32> to vector<16xi32>
          tpu.vector_store %arg9[%swap3A_803], %swap3A_806 {strides = array<i32>} : memref<128xi32, #tpu.memory_space<vmem>>, vector<16xi32>,
        } else {
        }
        %dma_wait3A_525 = arith.constant 0 : i32
        %dma_wait3A_526 = arith.constant 0 : i32
        %dma_wait3A_527 = tpu.memref_slice %arg2[%dma_wait3A_525, %dma_wait3A_526] : memref<10000x128xf32, #tpu.memory_space<hbm>> -> memref<10000x128xf32, #tpu.memory_space<hbm>>
        tpu.wait_indirect_dma semaphore(%arg14 : memref<!tpu.dma_semaphore, #tpu.memory_space<semaphore_mem>>) src(%dma_wait3A_527 : memref<10000x128xf32, #tpu.memory_space<hbm>>) dst(%arg8 : memref<128x128xf32, #tpu.memory_space<vmem>>)
        %lt3A_528 = arith.constant 19 : i32
        %lt3A_529 = arith.cmpi slt, %scan3A_237, %lt3A_528 : i32
        %convert_element_type3A_530 = arith.extui %lt3A_529 : i1 to i32
        %cond3A_531 = arith.constant 0 : i32
        %cond3A_532 = arith.cmpi ne, %convert_element_type3A_530, %cond3A_531 : i32
        scf.if %cond3A_532 {
          %dma_start3A_669 = arith.constant 0 : i32
          %dma_start3A_670 = arith.constant 0 : i32
          %dma_start3A_671 = tpu.memref_slice %arg2[%dma_start3A_669, %dma_start3A_670] : memref<10000x128xf32, #tpu.memory_space<hbm>> -> memref<10000x128xf32, #tpu.memory_space<hbm>>
          tpu.enqueue_indirect_dma source(%dma_start3A_671 : memref<10000x128xf32, #tpu.memory_space<hbm>>) target(%arg7 : memref<128x128xf32, #tpu.memory_space<vmem>>) offsets(%arg9 : memref<128xi32, #tpu.memory_space<vmem>>) semaphore(%arg13 : memref<!tpu.dma_semaphore, #tpu.memory_space<semaphore_mem>>)
        } else {
        }
        %mul3A_533 = arith.constant 128 : i32
        %mul3A_534 = arith.muli %add3A_243, %mul3A_533 : i32
        %add3A_535 = arith.constant 0 : i32
        %add3A_536 = arith.addi %mul3A_534, %add3A_535 : i32
        %get3A_537 = arith.index_cast %add3A_536 : i32 to index
        %get3A_538 = tpu.vector_load %arg6[%get3A_537] {strides = array<i32>} : memref<15360xi32, #tpu.memory_space<vmem>>, vector<16xi32>,
        %get3A_539 = vector.shape_cast %get3A_538 : vector<16xi32> to vector<16xi32>
        %shift_right_arithmetic3A_540 = arith.constant 14 : i32
        %shift_right_arithmetic3A_541 = vector.broadcast %shift_right_arithmetic3A_540 : i32 to vector<16xi32>
        %shift_right_arithmetic3A_542 = arith.shrsi %get3A_539, %shift_right_arithmetic3A_541 : vector<16xi32>
        %and3A_543 = arith.constant 16383 : i32
        %and3A_544 = vector.broadcast %and3A_543 : i32 to vector<16xi32>
        %and3A_545 = arith.andi %shift_right_arithmetic3A_542, %and3A_544 : vector<16xi32>
        %swap3A_546 = arith.constant 0 : index
        %swap3A_547 = tpu.vector_load %arg11[%swap3A_546] {strides = array<i32>} : memref<128xi32, #tpu.memory_space<vmem>>, vector<16xi32>,
        %swap3A_548 = vector.shape_cast %swap3A_547 : vector<16xi32> to vector<16xi32>
        %swap3A_549 = vector.shape_cast %and3A_545 : vector<16xi32> to vector<16xi32>
        tpu.vector_store %arg11[%swap3A_546], %swap3A_549 {strides = array<i32>} : memref<128xi32, #tpu.memory_space<vmem>>, vector<16xi32>,
        %mul3A_550 = arith.constant 128 : i32
        %mul3A_551 = arith.muli %add3A_243, %mul3A_550 : i32
        %add3A_552 = arith.constant 16 : i32
        %add3A_553 = arith.addi %mul3A_551, %add3A_552 : i32
        %get3A_554 = arith.index_cast %add3A_553 : i32 to index
        %get3A_555 = tpu.vector_load %arg6[%get3A_554] {strides = array<i32>} : memref<15360xi32, #tpu.memory_space<vmem>>, vector<16xi32>,
        %get3A_556 = vector.shape_cast %get3A_555 : vector<16xi32> to vector<16xi32>
        %shift_right_arithmetic3A_557 = arith.constant 14 : i32
        %shift_right_arithmetic3A_558 = vector.broadcast %shift_right_arithmetic3A_557 : i32 to vector<16xi32>
        %shift_right_arithmetic3A_559 = arith.shrsi %get3A_556, %shift_right_arithmetic3A_558 : vector<16xi32>
        %and3A_560 = arith.constant 16383 : i32
        %and3A_561 = vector.broadcast %and3A_560 : i32 to vector<16xi32>
        %and3A_562 = arith.andi %shift_right_arithmetic3A_559, %and3A_561 : vector<16xi32>
        %swap3A_563 = arith.constant 16 : index
        %swap3A_564 = tpu.vector_load %arg11[%swap3A_563] {strides = array<i32>} : memref<128xi32, #tpu.memory_space<vmem>>, vector<16xi32>,
        %swap3A_565 = vector.shape_cast %swap3A_564 : vector<16xi32> to vector<16xi32>
        %swap3A_566 = vector.shape_cast %and3A_562 : vector<16xi32> to vector<16xi32>
        tpu.vector_store %arg11[%swap3A_563], %swap3A_566 {strides = array<i32>} : memref<128xi32, #tpu.memory_space<vmem>>, vector<16xi32>,
        %mul3A_567 = arith.constant 128 : i32
        %mul3A_568 = arith.muli %add3A_243, %mul3A_567 : i32
        %add3A_569 = arith.constant 32 : i32
        %add3A_570 = arith.addi %mul3A_568, %add3A_569 : i32
        %get3A_571 = arith.index_cast %add3A_570 : i32 to index
        %get3A_572 = tpu.vector_load %arg6[%get3A_571] {strides = array<i32>} : memref<15360xi32, #tpu.memory_space<vmem>>, vector<16xi32>,
        %get3A_573 = vector.shape_cast %get3A_572 : vector<16xi32> to vector<16xi32>
        %shift_right_arithmetic3A_574 = arith.constant 14 : i32
        %shift_right_arithmetic3A_575 = vector.broadcast %shift_right_arithmetic3A_574 : i32 to vector<16xi32>
        %shift_right_arithmetic3A_576 = arith.shrsi %get3A_573, %shift_right_arithmetic3A_575 : vector<16xi32>
        %and3A_577 = arith.constant 16383 : i32
        %and3A_578 = vector.broadcast %and3A_577 : i32 to vector<16xi32>
        %and3A_579 = arith.andi %shift_right_arithmetic3A_576, %and3A_578 : vector<16xi32>
        %swap3A_580 = arith.constant 32 : index
        %swap3A_581 = tpu.vector_load %arg11[%swap3A_580] {strides = array<i32>} : memref<128xi32, #tpu.memory_space<vmem>>, vector<16xi32>,
        %swap3A_582 = vector.shape_cast %swap3A_581 : vector<16xi32> to vector<16xi32>
        %swap3A_583 = vector.shape_cast %and3A_579 : vector<16xi32> to vector<16xi32>
        tpu.vector_store %arg11[%swap3A_580], %swap3A_583 {strides = array<i32>} : memref<128xi32, #tpu.memory_space<vmem>>, vector<16xi32>,
        %mul3A_584 = arith.constant 128 : i32
        %mul3A_585 = arith.muli %add3A_243, %mul3A_584 : i32
        %add3A_586 = arith.constant 48 : i32
        %add3A_587 = arith.addi %mul3A_585, %add3A_586 : i32
        %get3A_588 = arith.index_cast %add3A_587 : i32 to index
        %get3A_589 = tpu.vector_load %arg6[%get3A_588] {strides = array<i32>} : memref<15360xi32, #tpu.memory_space<vmem>>, vector<16xi32>,
        %get3A_590 = vector.shape_cast %get3A_589 : vector<16xi32> to vector<16xi32>
        %shift_right_arithmetic3A_591 = arith.constant 14 : i32
        %shift_right_arithmetic3A_592 = vector.broadcast %shift_right_arithmetic3A_591 : i32 to vector<16xi32>
        %shift_right_arithmetic3A_593 = arith.shrsi %get3A_590, %shift_right_arithmetic3A_592 : vector<16xi32>
        %and3A_594 = arith.constant 16383 : i32
        %and3A_595 = vector.broadcast %and3A_594 : i32 to vector<16xi32>
        %and3A_596 = arith.andi %shift_right_arithmetic3A_593, %and3A_595 : vector<16xi32>
        %swap3A_597 = arith.constant 48 : index
        %swap3A_598 = tpu.vector_load %arg11[%swap3A_597] {strides = array<i32>} : memref<128xi32, #tpu.memory_space<vmem>>, vector<16xi32>,
        %swap3A_599 = vector.shape_cast %swap3A_598 : vector<16xi32> to vector<16xi32>
        %swap3A_600 = vector.shape_cast %and3A_596 : vector<16xi32> to vector<16xi32>
        tpu.vector_store %arg11[%swap3A_597], %swap3A_600 {strides = array<i32>} : memref<128xi32, #tpu.memory_space<vmem>>, vector<16xi32>,
        %mul3A_601 = arith.constant 128 : i32
        %mul3A_602 = arith.muli %add3A_243, %mul3A_601 : i32
        %add3A_603 = arith.constant 64 : i32
        %add3A_604 = arith.addi %mul3A_602, %add3A_603 : i32
        %get3A_605 = arith.index_cast %add3A_604 : i32 to index
        %get3A_606 = tpu.vector_load %arg6[%get3A_605] {strides = array<i32>} : memref<15360xi32, #tpu.memory_space<vmem>>, vector<16xi32>,
        %get3A_607 = vector.shape_cast %get3A_606 : vector<16xi32> to vector<16xi32>
        %shift_right_arithmetic3A_608 = arith.constant 14 : i32
        %shift_right_arithmetic3A_609 = vector.broadcast %shift_right_arithmetic3A_608 : i32 to vector<16xi32>
        %shift_right_arithmetic3A_610 = arith.shrsi %get3A_607, %shift_right_arithmetic3A_609 : vector<16xi32>
        %and3A_611 = arith.constant 16383 : i32
        %and3A_612 = vector.broadcast %and3A_611 : i32 to vector<16xi32>
        %and3A_613 = arith.andi %shift_right_arithmetic3A_610, %and3A_612 : vector<16xi32>
        %swap3A_614 = arith.constant 64 : index
        %swap3A_615 = tpu.vector_load %arg11[%swap3A_614] {strides = array<i32>} : memref<128xi32, #tpu.memory_space<vmem>>, vector<16xi32>,
        %swap3A_616 = vector.shape_cast %swap3A_615 : vector<16xi32> to vector<16xi32>
        %swap3A_617 = vector.shape_cast %and3A_613 : vector<16xi32> to vector<16xi32>
        tpu.vector_store %arg11[%swap3A_614], %swap3A_617 {strides = array<i32>} : memref<128xi32, #tpu.memory_space<vmem>>, vector<16xi32>,
        %mul3A_618 = arith.constant 128 : i32
        %mul3A_619 = arith.muli %add3A_243, %mul3A_618 : i32
        %add3A_620 = arith.constant 80 : i32
        %add3A_621 = arith.addi %mul3A_619, %add3A_620 : i32
        %get3A_622 = arith.index_cast %add3A_621 : i32 to index
        %get3A_623 = tpu.vector_load %arg6[%get3A_622] {strides = array<i32>} : memref<15360xi32, #tpu.memory_space<vmem>>, vector<16xi32>,
        %get3A_624 = vector.shape_cast %get3A_623 : vector<16xi32> to vector<16xi32>
        %shift_right_arithmetic3A_625 = arith.constant 14 : i32
        %shift_right_arithmetic3A_626 = vector.broadcast %shift_right_arithmetic3A_625 : i32 to vector<16xi32>
        %shift_right_arithmetic3A_627 = arith.shrsi %get3A_624, %shift_right_arithmetic3A_626 : vector<16xi32>
        %and3A_628 = arith.constant 16383 : i32
        %and3A_629 = vector.broadcast %and3A_628 : i32 to vector<16xi32>
        %and3A_630 = arith.andi %shift_right_arithmetic3A_627, %and3A_629 : vector<16xi32>
        %swap3A_631 = arith.constant 80 : index
        %swap3A_632 = tpu.vector_load %arg11[%swap3A_631] {strides = array<i32>} : memref<128xi32, #tpu.memory_space<vmem>>, vector<16xi32>,
        %swap3A_633 = vector.shape_cast %swap3A_632 : vector<16xi32> to vector<16xi32>
        %swap3A_634 = vector.shape_cast %and3A_630 : vector<16xi32> to vector<16xi32>
        tpu.vector_store %arg11[%swap3A_631], %swap3A_634 {strides = array<i32>} : memref<128xi32, #tpu.memory_space<vmem>>, vector<16xi32>,
        %mul3A_635 = arith.constant 128 : i32
        %mul3A_636 = arith.muli %add3A_243, %mul3A_635 : i32
        %add3A_637 = arith.constant 96 : i32
        %add3A_638 = arith.addi %mul3A_636, %add3A_637 : i32
        %get3A_639 = arith.index_cast %add3A_638 : i32 to index
        %get3A_640 = tpu.vector_load %arg6[%get3A_639] {strides = array<i32>} : memref<15360xi32, #tpu.memory_space<vmem>>, vector<16xi32>,
        %get3A_641 = vector.shape_cast %get3A_640 : vector<16xi32> to vector<16xi32>
        %shift_right_arithmetic3A_642 = arith.constant 14 : i32
        %shift_right_arithmetic3A_643 = vector.broadcast %shift_right_arithmetic3A_642 : i32 to vector<16xi32>
        %shift_right_arithmetic3A_644 = arith.shrsi %get3A_641, %shift_right_arithmetic3A_643 : vector<16xi32>
        %and3A_645 = arith.constant 16383 : i32
        %and3A_646 = vector.broadcast %and3A_645 : i32 to vector<16xi32>
        %and3A_647 = arith.andi %shift_right_arithmetic3A_644, %and3A_646 : vector<16xi32>
        %swap3A_648 = arith.constant 96 : index
        %swap3A_649 = tpu.vector_load %arg11[%swap3A_648] {strides = array<i32>} : memref<128xi32, #tpu.memory_space<vmem>>, vector<16xi32>,
        %swap3A_650 = vector.shape_cast %swap3A_649 : vector<16xi32> to vector<16xi32>
        %swap3A_651 = vector.shape_cast %and3A_647 : vector<16xi32> to vector<16xi32>
        tpu.vector_store %arg11[%swap3A_648], %swap3A_651 {strides = array<i32>} : memref<128xi32, #tpu.memory_space<vmem>>, vector<16xi32>,
        %mul3A_652 = arith.constant 128 : i32
        %mul3A_653 = arith.muli %add3A_243, %mul3A_652 : i32
        %add3A_654 = arith.constant 112 : i32
        %add3A_655 = arith.addi %mul3A_653, %add3A_654 : i32
        %get3A_656 = arith.index_cast %add3A_655 : i32 to index
        %get3A_657 = tpu.vector_load %arg6[%get3A_656] {strides = array<i32>} : memref<15360xi32, #tpu.memory_space<vmem>>, vector<16xi32>,
        %get3A_658 = vector.shape_cast %get3A_657 : vector<16xi32> to vector<16xi32>
        %shift_right_arithmetic3A_659 = arith.constant 14 : i32
        %shift_right_arithmetic3A_660 = vector.broadcast %shift_right_arithmetic3A_659 : i32 to vector<16xi32>
        %shift_right_arithmetic3A_661 = arith.shrsi %get3A_658, %shift_right_arithmetic3A_660 : vector<16xi32>
        %and3A_662 = arith.constant 16383 : i32
        %and3A_663 = vector.broadcast %and3A_662 : i32 to vector<16xi32>
        %and3A_664 = arith.andi %shift_right_arithmetic3A_661, %and3A_663 : vector<16xi32>
        %swap3A_665 = arith.constant 112 : index
        %swap3A_666 = tpu.vector_load %arg11[%swap3A_665] {strides = array<i32>} : memref<128xi32, #tpu.memory_space<vmem>>, vector<16xi32>,
        %swap3A_667 = vector.shape_cast %swap3A_666 : vector<16xi32> to vector<16xi32>
        %swap3A_668 = vector.shape_cast %and3A_664 : vector<16xi32> to vector<16xi32>
        tpu.vector_store %arg11[%swap3A_665], %swap3A_668 {strides = array<i32>} : memref<128xi32, #tpu.memory_space<vmem>>, vector<16xi32>,
        "tpu.region"() ({
          %run_scoped3A_669 = tpu.sem_alloc : memref<!tpu.dma_semaphore, #tpu.memory_space<semaphore_mem>>
          %dma_start3A_670 = arith.constant 0 : i32
          %dma_start3A_671 = arith.constant 0 : i32
          %dma_start3A_672 = tpu.memref_slice %arg15[%dma_start3A_670, %dma_start3A_671] : memref<10112x128xf32, #tpu.memory_space<vmem_shared>> -> memref<10112x128xf32, #tpu.memory_space<vmem_shared>>
          tpu.enqueue_indirect_dma source(%arg8 : memref<128x128xf32, #tpu.memory_space<vmem>>) target(%dma_start3A_672 : memref<10112x128xf32, #tpu.memory_space<vmem_shared>>) offsets(%arg11 : memref<128xi32, #tpu.memory_space<vmem>>) semaphore(%run_scoped3A_669 : memref<!tpu.dma_semaphore, #tpu.memory_space<semaphore_mem>>) {add = true}
          %dma_wait3A_673 = arith.constant 0 : i32
          %dma_wait3A_674 = arith.constant 0 : i32
          %dma_wait3A_675 = tpu.memref_slice %arg15[%dma_wait3A_673, %dma_wait3A_674] : memref<10112x128xf32, #tpu.memory_space<vmem_shared>> -> memref<10112x128xf32, #tpu.memory_space<vmem_shared>>
          tpu.wait_indirect_dma semaphore(%run_scoped3A_669 : memref<!tpu.dma_semaphore, #tpu.memory_space<semaphore_mem>>) src(%arg8 : memref<128x128xf32, #tpu.memory_space<vmem>>) dst(%dma_wait3A_675 : memref<10112x128xf32, #tpu.memory_space<vmem_shared>>)
          tpu.yield
        }) : () -> ()
        "tpu.region"() ({
          %run_scoped3A_669 = tpu.sem_alloc : memref<!tpu.dma_semaphore, #tpu.memory_space<semaphore_mem>>
          %dma_start3A_670 = arith.constant 0 : i32
          %dma_start3A_671 = tpu.memref_slice %arg16[%dma_start3A_670] : memref<10240xf32, #tpu.memory_space<vmem_shared>> -> memref<10240xf32, #tpu.memory_space<vmem_shared>>
          tpu.enqueue_indirect_dma source(%arg12 : memref<128xf32, #tpu.memory_space<vmem>>) target(%dma_start3A_671 : memref<10240xf32, #tpu.memory_space<vmem_shared>>) offsets(%arg11 : memref<128xi32, #tpu.memory_space<vmem>>) semaphore(%run_scoped3A_669 : memref<!tpu.dma_semaphore, #tpu.memory_space<semaphore_mem>>) {add = true}
          %dma_wait3A_672 = arith.constant 0 : i32
          %dma_wait3A_673 = tpu.memref_slice %arg16[%dma_wait3A_672] : memref<10240xf32, #tpu.memory_space<vmem_shared>> -> memref<10240xf32, #tpu.memory_space<vmem_shared>>
          tpu.wait_indirect_dma semaphore(%run_scoped3A_669 : memref<!tpu.dma_semaphore, #tpu.memory_space<semaphore_mem>>) src(%arg12 : memref<128xf32, #tpu.memory_space<vmem>>) dst(%dma_wait3A_673 : memref<10240xf32, #tpu.memory_space<vmem_shared>>)
          tpu.yield
        }) : () -> ()
      }
      %scan3A_236 = arith.constant 20 : i32
    } else {
    }
    %barrier3A_117 = arith.constant 0 : index
    tpu.barrier barrier_id(%barrier3A_117)
    %mul3A_118 = arith.constant 10112 : i32
    %mul3A_119 = arith.muli %arg0, %mul3A_118 : i32
    %add3A_120 = arith.addi %mul3A_119, %mul3A_0 : i32
    "tpu.region"() ({
      %run_scoped3A_128 = tpu.sem_alloc : memref<!tpu.dma_semaphore, #tpu.memory_space<semaphore_mem>>
      %dma_start3A = arith.constant 0 : i32
      %dma_start3A_129 = tpu.memref_slice %arg4[%add3A_120, %dma_start3A] : memref<20224x128xf32, #tpu.memory_space<hbm>> -> memref<632x128xf32, #tpu.memory_space<hbm>>
      %dma_start3A_130 = arith.constant 0 : i32
      %dma_start3A_131 = tpu.memref_slice %arg15[%mul3A_0, %dma_start3A_130] : memref<10112x128xf32, #tpu.memory_space<vmem_shared>> -> memref<632x128xf32, #tpu.memory_space<vmem_shared>>
      tpu.enqueue_dma source(%dma_start3A_131 : memref<632x128xf32, #tpu.memory_space<vmem_shared>>) target(%dma_start3A_129 : memref<632x128xf32, #tpu.memory_space<hbm>>) target_semaphore(%run_scoped3A_128 : memref<!tpu.dma_semaphore, #tpu.memory_space<semaphore_mem>>)
      %dma_wait3A = arith.constant 0 : i32
      %dma_wait3A_132 = tpu.memref_slice %arg4[%add3A_120, %dma_wait3A] : memref<20224x128xf32, #tpu.memory_space<hbm>> -> memref<632x128xf32, #tpu.memory_space<hbm>>
      %dma_wait3A_133 = arith.constant 0 : i32
      %dma_wait3A_134 = tpu.memref_slice %arg15[%mul3A_0, %dma_wait3A_133] : memref<10112x128xf32, #tpu.memory_space<vmem_shared>> -> memref<632x128xf32, #tpu.memory_space<vmem_shared>>
      tpu.wait_dma2 semaphore(%run_scoped3A_128 : memref<!tpu.dma_semaphore, #tpu.memory_space<semaphore_mem>>) src(%dma_wait3A_134 : memref<632x128xf32, #tpu.memory_space<vmem_shared>>) dst(%dma_wait3A_132 : memref<632x128xf32, #tpu.memory_space<hbm>>)
      tpu.yield
    }) : () -> ()
    %mul3A_121 = arith.constant 640 : i32
    %mul3A_122 = arith.muli %arg1, %mul3A_121 : i32
    %mul3A_123 = arith.constant 10240 : i32
    %mul3A_124 = arith.muli %arg0, %mul3A_123 : i32
    %mul3A_125 = arith.constant 640 : i32
    %mul3A_126 = arith.muli %arg1, %mul3A_125 : i32
    %add3A_127 = arith.addi %mul3A_124, %mul3A_126 : i32
    "tpu.region"() ({
      %run_scoped3A_128 = tpu.sem_alloc : memref<!tpu.dma_semaphore, #tpu.memory_space<semaphore_mem>>
      %dma_start3A = tpu.memref_slice %arg5[%add3A_127] : memref<20480xf32, #tpu.memory_space<hbm>> -> memref<640xf32, #tpu.memory_space<hbm>>
      %dma_start3A_129 = tpu.memref_slice %arg16[%mul3A_122] : memref<10240xf32, #tpu.memory_space<vmem_shared>> -> memref<640xf32, #tpu.memory_space<vmem_shared>>
      tpu.enqueue_dma source(%dma_start3A_129 : memref<640xf32, #tpu.memory_space<vmem_shared>>) target(%dma_start3A : memref<640xf32, #tpu.memory_space<hbm>>) target_semaphore(%run_scoped3A_128 : memref<!tpu.dma_semaphore, #tpu.memory_space<semaphore_mem>>)
      %dma_wait3A = tpu.memref_slice %arg5[%add3A_127] : memref<20480xf32, #tpu.memory_space<hbm>> -> memref<640xf32, #tpu.memory_space<hbm>>
      %dma_wait3A_130 = tpu.memref_slice %arg16[%mul3A_122] : memref<10240xf32, #tpu.memory_space<vmem_shared>> -> memref<640xf32, #tpu.memory_space<vmem_shared>>
      tpu.wait_dma2 semaphore(%run_scoped3A_128 : memref<!tpu.dma_semaphore, #tpu.memory_space<semaphore_mem>>) src(%dma_wait3A_130 : memref<640xf32, #tpu.memory_space<vmem_shared>>) dst(%dma_wait3A : memref<640xf32, #tpu.memory_space<hbm>>)
      tpu.yield
    }) : () -> ()
    return
  }
}

module attributes {stable_mosaic.version = 14 : i64} {
  func.func @_mm_body(%arg0: i32, %arg1: memref<1000x128xf32, #tpu.memory_space<vmem>>, %arg2: memref<128x128xf32, #tpu.memory_space<vmem>>, %arg3: memref<1000x128xf32, #tpu.memory_space<vmem>>) attributes {dimension_semantics = [#tpu.dimension_semantics<arbitrary>], iteration_bounds = array<i64: 10>, scalar_prefetch = 0 : i64, scratch_operands = 0 : i64, tpu.core_type = #tpu.core_type<tc>, window_params = [{transform_indices = @transform_0, window_bounds = array<i64: 1000, 128>}, {pipeline_mode = #tpu.pipeline_mode<synchronous>, transform_indices = @transform_1, window_bounds = array<i64: 128, 128>}, {transform_indices = @transform_2, window_bounds = array<i64: 1000, 128>}]} {
    %get3A = arith.constant 0 : index
    %get3A_0 = arith.constant 0 : index
    %get3A_1 = vector.load %arg1[%get3A, %get3A_0] : memref<1000x128xf32, #tpu.memory_space<vmem>>, vector<1000x128xf32>
    %get3A_2 = arith.constant 0 : index
    %get3A_3 = arith.constant 0 : index
    %get3A_4 = vector.load %arg2[%get3A_2, %get3A_3] : memref<128x128xf32, #tpu.memory_space<vmem>>, vector<128x128xf32>
    %dot_general3A = arith.constant dense<0.000000e+00> : vector<1000x128xf32>
    %dot_general3A_5 = tpu.matmul %get3A_1, %get3A_4, %dot_general3A {dimension_numbers = #tpu.dot_dimension_numbers<[1], [0], [0], [1], [0, 0, 1, 1], [], []>, transpose_lhs_hint = false} : vector<1000x128xf32>, vector<128x128xf32>, vector<1000x128xf32> -> vector<1000x128xf32>
    %swap3A = arith.constant 0 : index
    %swap3A_6 = arith.constant 0 : index
    %swap3A_7 = vector.load %arg3[%swap3A, %swap3A_6] : memref<1000x128xf32, #tpu.memory_space<vmem>>, vector<1000x128xf32>
    tpu.vector_store %arg3[%swap3A, %swap3A_6], %dot_general3A_5 {strides = array<i32>} : memref<1000x128xf32, #tpu.memory_space<vmem>>, vector<1000x128xf32>,
    return
  }
  func.func @transform_0(%arg0: i32) -> (i32, i32) {
    %c0_i32 = arith.constant 0 : i32
    %c0_i32_0 = arith.constant 0 : i32
    return %arg0, %c0_i32 : i32, i32
  }
  func.func @transform_1(%arg0: i32) -> (i32, i32) {
    %c0_i32 = arith.constant 0 : i32
    %c0_i32_0 = arith.constant 0 : i32
    %c0_i32_1 = arith.constant 0 : i32
    return %c0_i32, %c0_i32_0 : i32, i32
  }
  func.func @transform_2(%arg0: i32) -> (i32, i32) {
    %c0_i32 = arith.constant 0 : i32
    %c0_i32_0 = arith.constant 0 : i32
    return %arg0, %c0_i32 : i32, i32
  }
}

module attributes {stable_mosaic.version = 14 : i64} {
  func.func @_norm_mm_body(%arg0: i32, %arg1: memref<1000x128xf32, #tpu.memory_space<vmem>>, %arg2: memref<1000x128xf32, #tpu.memory_space<vmem>>, %arg3: memref<1000x1xf32, #tpu.memory_space<vmem>>, %arg4: memref<1000x1xf32, #tpu.memory_space<vmem>>, %arg5: memref<1x128xf32, #tpu.memory_space<vmem>>, %arg6: memref<128x128xf32, #tpu.memory_space<vmem>>, %arg7: memref<1000x128xf32, #tpu.memory_space<vmem>>, %arg8: memref<1000x1xf32, #tpu.memory_space<vmem>>) attributes {dimension_semantics = [#tpu.dimension_semantics<arbitrary>], iteration_bounds = array<i64: 10>, scalar_prefetch = 0 : i64, scratch_operands = 0 : i64, tpu.core_type = #tpu.core_type<tc>, window_params = [{transform_indices = @transform_0, window_bounds = array<i64: 1000, 128>}, {transform_indices = @transform_1, window_bounds = array<i64: 1000, 128>}, {transform_indices = @transform_2, window_bounds = array<i64: 1000, 1>}, {transform_indices = @transform_3, window_bounds = array<i64: 1000, 1>}, {pipeline_mode = #tpu.pipeline_mode<synchronous>, transform_indices = @transform_4, window_bounds = array<i64: 1, 128>}, {pipeline_mode = #tpu.pipeline_mode<synchronous>, transform_indices = @transform_5, window_bounds = array<i64: 128, 128>}, {transform_indices = @transform_6, window_bounds = array<i64: 1000, 128>}, {transform_indices = @transform_7, window_bounds = array<i64: 1000, 1>}]} {
    %get3A = arith.constant 0 : index
    %get3A_0 = arith.constant 0 : index
    %get3A_1 = vector.load %arg3[%get3A, %get3A_0] : memref<1000x1xf32, #tpu.memory_space<vmem>>, vector<1000x1xf32>
    %get3A_2 = arith.constant 0 : index
    %get3A_3 = arith.constant 0 : index
    %get3A_4 = vector.load %arg4[%get3A_2, %get3A_3] : memref<1000x1xf32, #tpu.memory_space<vmem>>, vector<1000x1xf32>
    %add3A = arith.addf %get3A_1, %get3A_4 : vector<1000x1xf32>
    %max3A = arith.constant 1.000000e+00 : f32
    %max3A_5 = vector.broadcast %max3A : f32 to vector<1000x1xf32>
    %max3A_6 = arith.maximumf %add3A, %max3A_5 : vector<1000x1xf32>
    %div3A = arith.constant 1.000000e+00 : f32
    %div3A_7 = vector.broadcast %div3A : f32 to vector<1000x1xf32>
    %div3A_8 = arith.divf %div3A_7, %max3A_6 : vector<1000x1xf32>
    %get3A_9 = arith.constant 0 : index
    %get3A_10 = arith.constant 0 : index
    %get3A_11 = vector.load %arg1[%get3A_9, %get3A_10] : memref<1000x128xf32, #tpu.memory_space<vmem>>, vector<1000x128xf32>
    %get3A_12 = arith.constant 0 : index
    %get3A_13 = arith.constant 0 : index
    %get3A_14 = vector.load %arg2[%get3A_12, %get3A_13] : memref<1000x128xf32, #tpu.memory_space<vmem>>, vector<1000x128xf32>
    %add3A_15 = arith.addf %get3A_11, %get3A_14 : vector<1000x128xf32>
    %mul3A = vector.broadcast %div3A_8 : vector<1000x1xf32> to vector<1000x128xf32>
    %mul3A_16 = arith.mulf %add3A_15, %mul3A : vector<1000x128xf32>
    %get3A_17 = arith.constant 0 : index
    %get3A_18 = arith.constant 0 : index
    %get3A_19 = vector.load %arg5[%get3A_17, %get3A_18] : memref<1x128xf32, #tpu.memory_space<vmem>>, vector<1x128xf32>
    %add3A_20 = vector.broadcast %get3A_19 : vector<1x128xf32> to vector<1000x128xf32>
    %add3A_21 = arith.addf %mul3A_16, %add3A_20 : vector<1000x128xf32>
    %get3A_22 = arith.constant 0 : index
    %get3A_23 = arith.constant 0 : index
    %get3A_24 = vector.load %arg6[%get3A_22, %get3A_23] : memref<128x128xf32, #tpu.memory_space<vmem>>, vector<128x128xf32>
    %dot_general3A = arith.constant dense<0.000000e+00> : vector<1000x128xf32>
    %dot_general3A_25 = tpu.matmul %add3A_21, %get3A_24, %dot_general3A {dimension_numbers = #tpu.dot_dimension_numbers<[1], [0], [0], [1], [0, 0, 1, 1], [], []>, transpose_lhs_hint = false} : vector<1000x128xf32>, vector<128x128xf32>, vector<1000x128xf32> -> vector<1000x128xf32>
    %swap3A = arith.constant 0 : index
    %swap3A_26 = arith.constant 0 : index
    %swap3A_27 = vector.load %arg7[%swap3A, %swap3A_26] : memref<1000x128xf32, #tpu.memory_space<vmem>>, vector<1000x128xf32>
    tpu.vector_store %arg7[%swap3A, %swap3A_26], %dot_general3A_25 {strides = array<i32>} : memref<1000x128xf32, #tpu.memory_space<vmem>>, vector<1000x128xf32>,
    %swap3A_28 = arith.constant 0 : index
    %swap3A_29 = arith.constant 0 : index
    %swap3A_30 = vector.load %arg8[%swap3A_28, %swap3A_29] : memref<1000x1xf32, #tpu.memory_space<vmem>>, vector<1000x1xf32>
    tpu.vector_store %arg8[%swap3A_28, %swap3A_29], %div3A_8 {strides = array<i32>} : memref<1000x1xf32, #tpu.memory_space<vmem>>, vector<1000x1xf32>,
    return
  }
  func.func @transform_0(%arg0: i32) -> (i32, i32) {
    %c0_i32 = arith.constant 0 : i32
    %c0_i32_0 = arith.constant 0 : i32
    return %arg0, %c0_i32 : i32, i32
  }
  func.func @transform_1(%arg0: i32) -> (i32, i32) {
    %c0_i32 = arith.constant 0 : i32
    %c0_i32_0 = arith.constant 0 : i32
    return %arg0, %c0_i32 : i32, i32
  }
  func.func @transform_2(%arg0: i32) -> (i32, i32) {
    %c0_i32 = arith.constant 0 : i32
    %c0_i32_0 = arith.constant 0 : i32
    return %arg0, %c0_i32 : i32, i32
  }
  func.func @transform_3(%arg0: i32) -> (i32, i32) {
    %c0_i32 = arith.constant 0 : i32
    %c0_i32_0 = arith.constant 0 : i32
    return %arg0, %c0_i32 : i32, i32
  }
  func.func @transform_4(%arg0: i32) -> (i32, i32) {
    %c0_i32 = arith.constant 0 : i32
    %c0_i32_0 = arith.constant 0 : i32
    %c0_i32_1 = arith.constant 0 : i32
    return %c0_i32, %c0_i32_0 : i32, i32
  }
  func.func @transform_5(%arg0: i32) -> (i32, i32) {
    %c0_i32 = arith.constant 0 : i32
    %c0_i32_0 = arith.constant 0 : i32
    %c0_i32_1 = arith.constant 0 : i32
    return %c0_i32, %c0_i32_0 : i32, i32
  }
  func.func @transform_6(%arg0: i32) -> (i32, i32) {
    %c0_i32 = arith.constant 0 : i32
    %c0_i32_0 = arith.constant 0 : i32
    return %arg0, %c0_i32 : i32, i32
  }
  func.func @transform_7(%arg0: i32) -> (i32, i32) {
    %c0_i32 = arith.constant 0 : i32
    %c0_i32_0 = arith.constant 0 : i32
    return %arg0, %c0_i32 : i32, i32
  }
}

module attributes {stable_mosaic.version = 14 : i64} {
  func.func @_final_body(%arg0: i32, %arg1: memref<1000x128xf32, #tpu.memory_space<vmem>>, %arg2: memref<1000x128xf32, #tpu.memory_space<vmem>>, %arg3: memref<1000x1xf32, #tpu.memory_space<vmem>>, %arg4: memref<1x128xf32, #tpu.memory_space<vmem>>, %arg5: memref<1000x128xf32, #tpu.memory_space<vmem>>) attributes {dimension_semantics = [#tpu.dimension_semantics<arbitrary>], iteration_bounds = array<i64: 10>, scalar_prefetch = 0 : i64, scratch_operands = 0 : i64, tpu.core_type = #tpu.core_type<tc>, window_params = [{transform_indices = @transform_0, window_bounds = array<i64: 1000, 128>}, {transform_indices = @transform_1, window_bounds = array<i64: 1000, 128>}, {transform_indices = @transform_2, window_bounds = array<i64: 1000, 1>}, {pipeline_mode = #tpu.pipeline_mode<synchronous>, transform_indices = @transform_3, window_bounds = array<i64: 1, 128>}, {transform_indices = @transform_4, window_bounds = array<i64: 1000, 128>}]} {
    %get3A = arith.constant 0 : index
    %get3A_0 = arith.constant 0 : index
    %get3A_1 = vector.load %arg1[%get3A, %get3A_0] : memref<1000x128xf32, #tpu.memory_space<vmem>>, vector<1000x128xf32>
    %get3A_2 = arith.constant 0 : index
    %get3A_3 = arith.constant 0 : index
    %get3A_4 = vector.load %arg2[%get3A_2, %get3A_3] : memref<1000x128xf32, #tpu.memory_space<vmem>>, vector<1000x128xf32>
    %add3A = arith.addf %get3A_1, %get3A_4 : vector<1000x128xf32>
    %get3A_5 = arith.constant 0 : index
    %get3A_6 = arith.constant 0 : index
    %get3A_7 = vector.load %arg3[%get3A_5, %get3A_6] : memref<1000x1xf32, #tpu.memory_space<vmem>>, vector<1000x1xf32>
    %mul3A = vector.broadcast %get3A_7 : vector<1000x1xf32> to vector<1000x128xf32>
    %mul3A_8 = arith.mulf %add3A, %mul3A : vector<1000x128xf32>
    %get3A_9 = arith.constant 0 : index
    %get3A_10 = arith.constant 0 : index
    %get3A_11 = vector.load %arg4[%get3A_9, %get3A_10] : memref<1x128xf32, #tpu.memory_space<vmem>>, vector<1x128xf32>
    %add3A_12 = vector.broadcast %get3A_11 : vector<1x128xf32> to vector<1000x128xf32>
    %add3A_13 = arith.addf %mul3A_8, %add3A_12 : vector<1000x128xf32>
    %swap3A = arith.constant 0 : index
    %swap3A_14 = arith.constant 0 : index
    %swap3A_15 = vector.load %arg5[%swap3A, %swap3A_14] : memref<1000x128xf32, #tpu.memory_space<vmem>>, vector<1000x128xf32>
    tpu.vector_store %arg5[%swap3A, %swap3A_14], %add3A_13 {strides = array<i32>} : memref<1000x128xf32, #tpu.memory_space<vmem>>, vector<1000x128xf32>,
    return
  }
  func.func @transform_0(%arg0: i32) -> (i32, i32) {
    %c0_i32 = arith.constant 0 : i32
    %c0_i32_0 = arith.constant 0 : i32
    return %arg0, %c0_i32 : i32, i32
  }
  func.func @transform_1(%arg0: i32) -> (i32, i32) {
    %c0_i32 = arith.constant 0 : i32
    %c0_i32_0 = arith.constant 0 : i32
    return %arg0, %c0_i32 : i32, i32
  }
  func.func @transform_2(%arg0: i32) -> (i32, i32) {
    %c0_i32 = arith.constant 0 : i32
    %c0_i32_0 = arith.constant 0 : i32
    return %arg0, %c0_i32 : i32, i32
  }
  func.func @transform_3(%arg0: i32) -> (i32, i32) {
    %c0_i32 = arith.constant 0 : i32
    %c0_i32_0 = arith.constant 0 : i32
    %c0_i32_1 = arith.constant 0 : i32
    return %c0_i32, %c0_i32_0 : i32, i32
  }
  func.func @transform_4(%arg0: i32) -> (i32, i32) {
    %c0_i32 = arith.constant 0 : i32
    %c0_i32_0 = arith.constant 0 : i32
    return %arg0, %c0_i32 : i32, i32
  }
}

</mosaic_0001>

<sc_bundles>
// kernel: kernel.10.cloned.1.call-start
scs
__scs_entry_jumppad:
0x0: {  	(pc) =	sbr.rel $0x88, $3  }
0x1: {  	(tag) =	ssettag $0x0;
	lr =	simm.s32 $0x1  }
0x2: {  	[smem:$0x3F9B] =	sst lr;
	_ =	strace $0xD0000000  }
0x3: {  	_ = 	snop  }
0x4: {  	_ = 	snop  }
0x5: {  	_ = 	snop  }
0x6: {  	_ = 	snop  }
0x7: {  	_ = 	snop  }
__scs_overlays_trampoline_lowered:
0x8: {  	[smem:$0x3FAA] =	sst s0  }
0x9: {  	[smem:$0x3FAB] =	sst s1  }
0xa: {  	[smem:$0x3FAC] =	sst s2  }
0xb: {  	[smem:$0x3FAD] =	sst s3  }
0xc: {  	[smem:$0x3FAE] =	sst s4  }
0xd: {  	[smem:$0x3FAF] =	sst s5  }
0xe: {  	[smem:$0x3FB0] =	sst s6  }
0xf: {  	[smem:$0x3FB1] =	sst s7  }
0x10: {  	[smem:$0x3FB2] =	sst s8  }
0x11: {  	[smem:$0x3FB3] =	sst s9;
	s0 =	simm.s32 @!p0 $0x0  }
0x12: {  	s1 =	sld [smem:$0x3F99];
	s0 =	simm.s32 @p0 $0x1  }
0x13: {  	[smem:$0x3FB4] =	sst s0;
	s0 =	simm.s32 @!p1 $0x0  }
0x14: {  	s2 =	sld [smem:$0x3F98];
	s0 =	simm.s32 @p1 $0x1  }
0x15: {  	[smem:$0x3FB5] =	sst s0;
	s0 =	simm.s32 @!p2 $0x0  }
0x16: {  	s3 =	sld [smem:$0x3FDB];
	s0 =	simm.s32 @p2 $0x1  }
0x17: {  	s4 =	simm.s32 $0x1BF5;
	[smem:$0x3FB7] =	sst s0  }
0x18: {  	s0 =	sld [smem:$0x3F9A];
	_ =	swait.ge [sflag:s4], $0x0  }
0x19: {  	s7 =	sld [smem:$0x3F9B]  }
0x1a: {  	s8 =	sadd.s32 $0xFFFFE003, lr  }
0x1b: {  	s9 =	sadd.s32 $0xFFFFFEF7, lr;
	s5 =	simm.s32 $0xFFFFFFFF;
	p2 =	slt.u32 s8, $0xFFFFF086  }
0x1c: {  	p1 =	slt.u32 s9, $0xF7A;
	s5 =	simm.s32 @!p2 $0x0  }
0x1d: {  	s5 =	simm.s32 @p1 $0x1;
	p0 =	seq.s32 s7, s2  }
0x1e: {  	s7 =	smul.u32 @!p0 $0xF7A, s2;
	p2 =	seq.s32 @!p0 s5, $0x0  }
0x1f: {  	s9 =	smul.u32 $0xF7A, s1;
	s8 =	simm.s32 @!p0 $0x1BF5;
	p2 =	por !p2, p0  }
0x20: {  	[sflag:s8] =	ssyncset.s32 @!p0 $0xFFFFF086;
	s6 =	sadd.s32 @!p0 s3, s7;
	s7 =	simm.s32 @!p0 $0x108  }
0x21: {  	s3 =	sadd.s32 s3, s9;
	s6 =	sadd.s32 @!p0 $0x88, s6;
	s7 =	simm.s32 @p2 $0x1082  }
0x22: {  	[simem:s7], [sflag:s8] =	dma.local @!p0 [hbm:s6], $0xF7A  }
0x23: {  	s9 =	sor.u32 $0xD0000000, s2;
	s6 =	simm.s32 $0x108;
	_ =	swait.ge @!p0 [sflag:s8], $0x0  }
0x24: {  	s3 =	sadd.s32 $0x88, s3;
	s6 =	simm.s32 @!p1 $0x1082;
	[sflag:s4] =	ssyncset.s32 $0xFFFFF086  }
0x25: {  	[simem:s6], [sflag:s4] =	dma.local [hbm:s3], $0xF7A  }
0x26: {  	[smem:$0x3F9B] =	sst s1;
	(tag) =	ssettag s2;
	_ =	strace s9  }
0x27: {  	s1 =	sld [smem:$0x3FAB]  }
0x28: {  	s2 =	sld [smem:$0x3FAC]  }
0x29: {  	s4 =	sld [smem:$0x3FAE]  }
0x2a: {  	p0 =	seq.s32 s5, $0x0;
	s5 =	sld [smem:$0x3FAF]  }
0x2b: {  	s6 =	sld [smem:$0x3FB0]  }
0x2c: {  	s7 =	sld [smem:$0x3FB1]  }
0x2d: {  	s3 =	simm.s32 $0x108;
	s8 =	sld [smem:$0x3FB2]  }
0x2e: {  	s3 =	simm.s32 @!p0 $0x1082;
	s9 =	sld [smem:$0x3FB3]  }
0x2f: {  	lr =	sadd.s32 s0, s3;
	s0 =	sld [smem:$0x3FAA]  }
0x30: {  	s3 =	sld [smem:$0x3FAD]  }
0x31: {  	[smem:$0x3FB6] =	sst s10  }
0x32: {  	s10 =	sld [smem:$0x3FB4];
	_ =	sdelay $0x3  }
0x33: {  	p0 =	seq.s32 s10, $0x1;
	s10 =	sld [smem:$0x3FB6];
	_ =	sdelay $0x3  }
0x34: {  	[smem:$0x3FB6] =	sst s10  }
0x35: {  	s10 =	sld [smem:$0x3FB5];
	_ =	sdelay $0x3  }
0x36: {  	p1 =	seq.s32 s10, $0x1;
	s10 =	sld [smem:$0x3FB6];
	_ =	sdelay $0x3  }
0x37: {  	[smem:$0x3FB6] =	sst s10  }
0x38: {  	s10 =	sld [smem:$0x3FB7]  }
0x39: {  	_ = 	snop;
	(pc) =	sbr.ind lr, $3  }
0x3a: {  	_ = 	snop  }
0x3b: {  	_ = 	snop  }
0x3c: {  	p2 =	seq.s32 s10, $0x1;
	s10 =	sld [smem:$0x3FB6]  }
0x3d: {  	_ =	shalt  }
0x3e: {  	_ =	shalt  }
0x3f: {  	_ =	shalt  }
0x40: {  	_ =	shalt  }
0x41: {  	_ =	shalt  }
0x42: {  	_ =	shalt  }
0x43: {  	_ =	shalt  }
0x44: {  	_ =	shalt  }
0x45: {  	_ =	shalt  }
0x46: {  	_ =	shalt  }
0x47: {  	_ =	shalt  }
0x48: {  	_ =	shalt  }
0x49: {  	_ =	shalt  }
0x4a: {  	_ =	shalt  }
0x4b: {  	_ =	shalt  }
0x4c: {  	_ =	shalt  }
0x4d: {  	_ =	shalt  }
0x4e: {  	_ =	shalt  }
0x4f: {  	_ =	shalt  }
0x50: {  	_ =	shalt  }
0x51: {  	_ =	shalt  }
0x52: {  	_ =	shalt  }
0x53: {  	_ =	shalt  }
0x54: {  	_ =	shalt  }
0x55: {  	_ =	shalt  }
0x56: {  	_ =	shalt  }
0x57: {  	_ =	shalt  }
0x58: {  	_ =	shalt  }
0x59: {  	_ =	shalt  }
0x5a: {  	_ =	shalt  }
0x5b: {  	_ =	shalt  }
0x5c: {  	_ =	shalt  }
0x5d: {  	_ =	shalt  }
0x5e: {  	_ =	shalt  }
0x5f: {  	_ =	shalt  }
0x60: {  	_ =	shalt  }
0x61: {  	_ =	shalt  }
0x62: {  	_ =	shalt  }
0x63: {  	_ =	shalt  }
0x64: {  	_ =	shalt  }
0x65: {  	_ =	shalt  }
0x66: {  	_ =	shalt  }
0x67: {  	_ =	shalt  }
0x68: {  	_ =	shalt  }
0x69: {  	_ =	shalt  }
0x6a: {  	_ =	shalt  }
0x6b: {  	_ =	shalt  }
0x6c: {  	_ =	shalt  }
0x6d: {  	_ =	shalt  }
0x6e: {  	_ =	shalt  }
0x6f: {  	_ =	shalt  }
0x70: {  	_ =	shalt  }
0x71: {  	_ =	shalt  }
0x72: {  	_ =	shalt  }
0x73: {  	_ =	shalt  }
0x74: {  	_ =	shalt  }
0x75: {  	_ =	shalt  }
0x76: {  	_ =	shalt  }
0x77: {  	_ =	shalt  }
0x78: {  	_ =	shalt  }
0x79: {  	_ =	shalt  }
0x7a: {  	_ =	shalt  }
0x7b: {  	_ =	shalt  }
0x7c: {  	_ =	shalt  }
0x7d: {  	_ =	shalt  }
0x7e: {  	_ =	shalt  }
0x7f: {  	_ =	shalt  }
0x80: {  	_ =	shalt  }
0x81: {  	_ =	shalt  }
0x82: {  	_ =	shalt  }
0x83: {  	_ =	shalt  }
0x84: {  	_ =	shalt  }
0x85: {  	_ =	shalt  }
0x86: {  	_ =	shalt  }
0x87: {  	_ =	shalt  }
.Lfunc_end0:
.L_simem_size_0:
called_computation.1_lowered:
.L_overlay_start_0:
0x88: {  	s2 =	sld [smem:$0x3FD9]  }
0x89: {  	s3 =	sld [smem:$0x3FFE];
	_ =	sdelay $0x1  }
0x8a: {  	s1 =	srdreg.scid  }
0x8b: {  	s0 =	sand.u32 $0x1, s1  }
0x8c: {  	s17 =	sshll.u32 s0, $0xA;
	s2 =	sadd.s32 s3, s2  }
0x8d: {  	s2 =	sadd.s32 s2, s17  }
0x8e: {  	[smem:$0x3FC2] =	sst s2  }
0x8f: {  	_ = 	snop  }
0x90: {  	s2 =	sld [smem:$0x3FD0];
	(tm) =	ssettm $0x1  }
0x91: {  	s18 =	sld [smem:$0x3FFB];
	_ =	sdelay $0x3  }
0x92: {  	_ =	strace s18  }
0x93: {  	s3 =	sld [smem:$0x3FFC];
	_ =	sdelay $0x3  }
0x94: {  	_ =	strace s3  }
0x95: {  	s3 =	sld [smem:$0x3FFD];
	_ =	sdelay $0x3  }
0x96: {  	_ =	strace s3  }
0x97: {  	_ =	strace $0x8FFFFFFF  }
0x98: {  	s19 =	sld [smem:$0x3FDB];
	_ =	sdelay $0x1  }
0x99: {  	s4 =	simm.s32 $_scs_section_size  }
0x9a: {  	s5 =	simm.s32 $_size__tile_overlayer_lowered;
	s6 =	simm.s32 $_tile_overlayer_lowered  }
0x9b: {  	s22 =	simm.s32 $0x1BFF;
	s21 =	sshll.u32 s6, $0x1;
	s3 =	sadd.s32 s4, s19  }
0x9c: {  	s7 =	simm.s32 $0x0;
	s20 =	sshll.u32 s5, $0x1;
	s5 =	sadd.s32 s21, s3  }
0x9d: {  	[timem:s7], [sflag:s22] =	dma.local [hbm:s5], s20  }
0x9e: {  	_ =	swait.ge [sflag:s22], s20  }
0x9f: {  	s4 =	ssub.s32 $0x0, s20;
	[sflag:s22] =	ssyncset.done $0x0  }
0xa0: {  	[sflag:s22] =	ssyncadd.s32 s4;
	_ =	sdelay $0x1  }
0xa1: {  	s23 =	simm.s32 $0x1B8B  }
0xa2: {  	_ =	swait.ge [sflag:s23], $0x1  }
0xa3: {  	[sflag:s23] =	ssyncset.done $0x0  }
0xa4: {  	s25 =	simm.s32 $0x1B8E;
	s24 =	sld [smem:$0x3FFE];
	[sflag:s23] =	ssyncadd.s32 $0xFFFFFFFF  }
0xa5: {  	s26 =	simm.s32 $execute0_lowered;
	[smem:$0x3FD2] =	sst s25  }
0xa6: {  	s5 =	sshll.u32 s26, $0x1;
	_ =	strace $0x80000049;
	[dreg:$0x1] =	wrdreg $0xFFFFFFFF  }
0xa7: {  	s28 =	simm.s32 $_size_execute0_lowered;
	s3 =	sadd.s32 s3, s5;
	[dreg:$0x0] =	wrdreg $0x0  }
0xa8: {  	s5 =	sshll.u32 s28, $0x1;
	[dreg:$0x2] =	wrdreg s3  }
0xa9: {  	[dreg:$0x3] =	wrdreg s5  }
0xaa: {  	[dreg:$0x4] =	wrdreg $0xC0  }
0xab: {  	_ =	task [dreg:s7], $0x5FFFF  }
0xac: {  	[dreg:$0x1] =	wrdreg $0xFFFFFFFF  }
0xad: {  	[dreg:$0x0] =	wrdreg $0x60  }
0xae: {  	[dreg:$0x2] =	wrdreg s2  }
0xaf: {  	[dreg:$0x3] =	wrdreg s24  }
0xb0: {  	[dreg:$0x4] =	wrdreg $0xBE000  }
0xb1: {  	[dreg:$0x5] =	wrdreg $0x1FA000  }
0xb2: {  	[dreg:$0x6] =	wrdreg $0x9  }
0xb3: {  	_ =	task.clear_ibuf [dreg:s7], $0x7FFFF;
	_ =	strace $0x90000049  }
0xb4: {  	s29 =	simm.s32 $0x9;
	_ =	strace $0x8000004B  }
0xb5: {  	_ =	swait.ge [sflag:s29], $0x1  }
0xb6: {  	[sflag:s29] =	ssyncadd.s32 $0xFFFFFFFF  }
0xb7: {  	_ =	strace $0x9000004B  }
0xb8: {  	_ =	sfence  }
0xb9: {  	s30 =	sld [smem:$0x0];
	_ =	sdelay $0x2  }
0xba: {  	s31 =	sshll.u32 s1, $0xD;
	s1 =	sshrl.u32 s1, $0x2  }
0xbb: {  	s3 =	sand.u32 $0x4000, s31;
	s1 =	sadd.s32 s1, s30  }
0xbc: {  	s0 =	sor.u32 s3, s0;
	s1 =	sshll.u32 s1, $0x11  }
0xbd: {  	s0 =	sor.u32 s1, s0  }
0xbe: {  	s0 =	sadd.s32 $0x8F2B, s0  }
0xbf: {  	[sflag:s0] =	ssyncadd.remote.s32 $0x1  }
0xc0: {  	_ =	sfence.sel $0xFFFF  }
0xc1: {  	[dreg:$0x0] =	wrdreg $0xFFFFFFFF;
	(pc) =	sbr.abs _section_cstart, $3  }
0xc2: {  	[dreg:$0x1] =	wrdreg $0xFFFFFFFF  }
0xc3: {  	_ =	task.clear_ibuf [dreg:s7], $0x2FFFF;
	_ =	strace $0x9FFFFFFF  }
0xc4: {  	(tm) =	ssettm $0x7FFFFFFF  }
0xc5: {  	_ =	shalt  }
tec
execute0_lowered:
.L_overlay_start_1:
0x0: {  	(tag) =	ssettag $0x1  }
0x1: {  	s1 =	rddreg [dreg:$0x0];
	s2 =	srdreg.scid  }
0x2: {  	s0 =	stileid.u32;
	s7 =	rddreg [dreg:$0x1]  }
0x3: {  	s3 =	rddreg [dreg:$0x2];
	s6 =	smul.u32 $0x2780, s0  }
0x4: {  	s4 =	rddreg [dreg:$0x3];
	s9 =	smul.u32 $0x280, s0  }
0x5: {  	s5 =	simm.s32 $0x0;
	s22 =	simm.s32 $0x3;
	s23 =	smul.u32 $0x4F000, s0  }
0x6: {  	s28 =	simm.s32 $0x7C00;
	s29 =	simm.s32 $0xBD00;
	s14 =	smul.u32 $0x1400, s0  }
0x7: {  	s30 =	simm.s32 $0xBD80;
	s2 =	sand.u32 $0x1, s2;
	s21 =	smul.u32 $0x780, s0  }
0x8: {  	[smem:$0x7FF] =	sst s5;
	s16 =	sadd.s32 $0x2400, s7;
	s8 =	smul.u32 $0x27800, s2  }
0x9: {  	s10 =	smul.u32 $0x2800, s2;
	_ =	strace $0x8000004A;
	s25 =	ssub.s32 $0x2, s2  }
0xa: {  	p0 =	seq.s32 s2, $0x0;
	s12 =	sshrl.u32 s25, $0x1;
	s18 =	sshrl.u32 s14, $0x3  }
0xb: {  	s31 =	sadd.s32 s16, s21;
	s21 =	simm.s32 $0x3C00;
	s6 =	sadd.s32 s6, s8  }
0xc: {  	s24 =	sadd.s32 s9, s10;
	s8 =	sshrl.u32 s23, $0x2;
	s20 =	ssub.s32 s25, s12  }
0xd: {  	s9 =	sadd.s32 s9, s4;
	s18 =	sadd.s32 s16, s18;
	[dreg:$0x6] =	wrdreg s31  }
0xe: {  	s23 =	simm.s32 $0x80;
	s25 =	simm.s32 $0x1;
	s17 =	sadd.s32 s6, s7  }
0xf: {  	s11 =	sshrl.u32 s24, $0x3;
	s6 =	sadd.s32 s8, s3;
	s12 =	sadd.s32 $0x80, s9  }
.Ltmp0:
0x10: {  	s13 =	sadd.s32 $0x100, s9;
	s14 =	sadd.s32 $0x180, s9;
	(pc) =	sbr.rel .LBB2_1-.Ltmp0, $4  }
0x11: {  	s15 =	sadd.s32 $0x200, s9;
	s26 =	sadd.s32 $0x7800, s18;
	s20 =	smax.u32 s20, $0x1  }
0x12: {  	s19 =	sadd.s32 s11, s7;
	s7 =	sadd.s32 $0x4000, s6;
	s8 =	sadd.s32 $0x8000, s6  }
0x13: {  	s10 =	sadd.s32 $0xC000, s6;
	s11 =	sadd.s32 $0x10000, s6;
	[dreg:$0x5] =	wrdreg s26  }
0x14: {  	v0 =	vimm.f32 $1.000000000e+00;
	v1 =	vimm.f32 $0.0e+00;
	s18 =	sadd.s32 $0xCE00, s17;
	s26 =	simm.s32 $0xBC80;
	s19 =	sadd.s32 $0xC400, s19  }
.LBB2_6:
0x15: {  	s2 =	sshra.s32 s31, $0x2;
	[sflag:s22] =	ssyncadd.s32 $0xFFFFFF80  }
0x16: {  	v2 =	vld [tilespmem:s2+$0x80];
	_ =	sdelay $0x4  }
0x17: {  	v2 =	vand.u32 $0x3FFF, v2  }
0x18: {  	[tilespmem:$0xBC80] =	vst v2  }
0x19: {  	v2 =	vld [tilespmem:s2+$0x90];
	_ =	sdelay $0x4  }
0x1a: {  	v2 =	vand.u32 $0x3FFF, v2  }
0x1b: {  	[tilespmem:$0xBC90] =	vst v2  }
0x1c: {  	v2 =	vld [tilespmem:s2+$0xA0];
	_ =	sdelay $0x4  }
0x1d: {  	v2 =	vand.u32 $0x3FFF, v2  }
0x1e: {  	[tilespmem:$0xBCA0] =	vst v2  }
0x1f: {  	v2 =	vld [tilespmem:s2+$0xB0];
	_ =	sdelay $0x4  }
0x20: {  	v2 =	vand.u32 $0x3FFF, v2  }
0x21: {  	[tilespmem:$0xBCB0] =	vst v2  }
0x22: {  	v2 =	vld [tilespmem:s2+$0xC0];
	_ =	sdelay $0x4  }
0x23: {  	v2 =	vand.u32 $0x3FFF, v2  }
0x24: {  	[tilespmem:$0xBCC0] =	vst v2  }
0x25: {  	v2 =	vld [tilespmem:s2+$0xD0];
	_ =	sdelay $0x4  }
0x26: {  	v2 =	vand.u32 $0x3FFF, v2  }
0x27: {  	[tilespmem:$0xBCD0] =	vst v2  }
0x28: {  	v2 =	vld [tilespmem:s2+$0xE0];
	_ =	sdelay $0x4  }
0x29: {  	v2 =	vand.u32 $0x3FFF, v2  }
0x2a: {  	[tilespmem:$0xBCE0] =	vst v2  }
0x2b: {  	v2 =	vld [tilespmem:s2+$0xF0];
	_ =	sdelay $0x4  }
0x2c: {  	v2 =	vand.u32 $0x3FFF, v2  }
0x2d: {  	[tilespmem:$0xBCF0] =	vst v2  }
0x2e: {  	_ =	swait.ge [sflag:s25], $0x4000  }
0x2f: {  	[sflag:s25] =	ssyncset.done $0x0  }
0x30: {  	[sflag:s25] =	ssyncadd.s32 $0xFFFFC000  }
0x31: {  	[tilespmem:s28], [sflag:$0x2] =	stream.indirect.gather [hbm4b:s1+s23], $0x80, s26, s23, $0xb8;
	[tilespmem:$0x1FC80] =	vst v63  }
0x32: {  	v2 =	vld [tilespmem:s2+$0x0];
	_ =	sdelay $0x4  }
0x33: {  	v2 =	vshrl.u32 v2, $0xE  }
0x34: {  	v2 =	vand.u32 $0x3FFF, v2  }
0x35: {  	[tilespmem:$0xBD00] =	vst v2  }
0x36: {  	v2 =	vld [tilespmem:s2+$0x10];
	_ =	sdelay $0x4  }
0x37: {  	v2 =	vshrl.u32 v2, $0xE  }
0x38: {  	v2 =	vand.u32 $0x3FFF, v2  }
0x39: {  	[tilespmem:$0xBD10] =	vst v2  }
0x3a: {  	v2 =	vld [tilespmem:s2+$0x20];
	_ =	sdelay $0x4  }
0x3b: {  	v2 =	vshrl.u32 v2, $0xE  }
0x3c: {  	v2 =	vand.u32 $0x3FFF, v2  }
0x3d: {  	[tilespmem:$0xBD20] =	vst v2  }
0x3e: {  	v2 =	vld [tilespmem:s2+$0x30];
	_ =	sdelay $0x4  }
0x3f: {  	v2 =	vshrl.u32 v2, $0xE  }
0x40: {  	v2 =	vand.u32 $0x3FFF, v2  }
0x41: {  	[tilespmem:$0xBD30] =	vst v2  }
0x42: {  	v2 =	vld [tilespmem:s2+$0x40];
	_ =	sdelay $0x4  }
0x43: {  	v2 =	vshrl.u32 v2, $0xE  }
0x44: {  	v2 =	vand.u32 $0x3FFF, v2  }
0x45: {  	[tilespmem:$0xBD40] =	vst v2  }
0x46: {  	v2 =	vld [tilespmem:s2+$0x50];
	_ =	sdelay $0x4  }
0x47: {  	v2 =	vshrl.u32 v2, $0xE  }
0x48: {  	v2 =	vand.u32 $0x3FFF, v2  }
0x49: {  	[tilespmem:$0xBD50] =	vst v2  }
0x4a: {  	v2 =	vld [tilespmem:s2+$0x60];
	_ =	sdelay $0x4  }
0x4b: {  	v2 =	vshrl.u32 v2, $0xE  }
0x4c: {  	v2 =	vand.u32 $0x3FFF, v2  }
0x4d: {  	[tilespmem:$0xBD60] =	vst v2  }
0x4e: {  	v2 =	vld [tilespmem:s2+$0x70];
	_ =	sdelay $0x4  }
0x4f: {  	v2 =	vshrl.u32 v2, $0xE  }
0x50: {  	v2 =	vand.u32 $0x3FFF, v2  }
0x51: {  	[tilespmem:$0xBD70] =	vst v2  }
0x52: {  	[spmem:s3] =	stream.indirect.scatter.add.f32 [tilespmem:s21], [sflag:$0x3], $0x80, s29, s23, $0xb8;
	[tilespmem:$0x1FC80] =	vst v63  }
0x53: {  	_ =	swait.ge [sflag:s22], $0x4000  }
0x54: {  	[sflag:s22] =	ssyncset.done $0x0  }
0x55: {  	[sflag:s22] =	ssyncadd.s32 $0xFFFFC000  }
0x56: {  	[spmem:s4] =	stream.indirect.scatter.add.f32 [tilespmem:s30], [sflag:$0x3], $0x1, s29, s23, $0xb8;
	[tilespmem:$0x1FC80] =	vst v63  }
0x57: {  	_ =	swait.ge [sflag:s22], $0x80  }
0x58: {  	p1 =	seq.s32 s31, $0x4C00;
	[sflag:s22] =	ssyncset.done $0x0  }
0x59: {  	s0 =	simm.s32 @p1 $0x2;
	[sflag:s22] =	ssyncadd.s32 $0xFFFFFF80  }
0x5a: {  	_ =	swait.ge @p1 [sflag:s0], $0x4000  }
0x5b: {  	[sflag:s0] =	ssyncset.done @p1 $0x0  }
0x5c: {  	[sflag:s0] =	ssyncadd.s32 @p1 $0xFFFFC000;
	s0 =	sshra.s32 @!p1 s31, $0x2  }
0x5d: {  	v2 =	vld @!p1 [tilespmem:s0+$0x100];
	_ =	sdelay $0x4  }
0x5e: {  	v2 =	vand.u32 @!p1 $0x3FFF, v2  }
0x5f: {  	[tilespmem:$0xBC00] =	vst @!p1 v2  }
0x60: {  	v2 =	vld @!p1 [tilespmem:s0+$0x110];
	_ =	sdelay $0x4  }
0x61: {  	v2 =	vand.u32 @!p1 $0x3FFF, v2  }
0x62: {  	[tilespmem:$0xBC10] =	vst @!p1 v2  }
0x63: {  	v2 =	vld @!p1 [tilespmem:s0+$0x120];
	_ =	sdelay $0x4  }
0x64: {  	v2 =	vand.u32 @!p1 $0x3FFF, v2  }
0x65: {  	[tilespmem:$0xBC20] =	vst @!p1 v2  }
0x66: {  	v2 =	vld @!p1 [tilespmem:s0+$0x130];
	_ =	sdelay $0x4  }
0x67: {  	v2 =	vand.u32 @!p1 $0x3FFF, v2  }
0x68: {  	[tilespmem:$0xBC30] =	vst @!p1 v2  }
0x69: {  	v2 =	vld @!p1 [tilespmem:s0+$0x140];
	_ =	sdelay $0x4  }
0x6a: {  	v2 =	vand.u32 @!p1 $0x3FFF, v2  }
0x6b: {  	[tilespmem:$0xBC40] =	vst @!p1 v2  }
0x6c: {  	v2 =	vld @!p1 [tilespmem:s0+$0x150];
	_ =	sdelay $0x4  }
0x6d: {  	v2 =	vand.u32 @!p1 $0x3FFF, v2  }
0x6e: {  	[tilespmem:$0xBC50] =	vst @!p1 v2  }
0x6f: {  	v2 =	vld @!p1 [tilespmem:s0+$0x160];
	_ =	sdelay $0x4  }
0x70: {  	v2 =	vand.u32 @!p1 $0x3FFF, v2  }
0x71: {  	[tilespmem:$0xBC60] =	vst @!p1 v2  }
0x72: {  	v2 =	vld @!p1 [tilespmem:s0+$0x170];
	_ =	sdelay $0x4  }
0x73: {  	v2 =	vand.u32 @!p1 $0x3FFF, v2  }
0x74: {  	s0 =	simm.s32 @!p1 $0x2;
	[tilespmem:$0xBC70] =	vst @!p1 v2  }
0x75: {  	_ =	swait.ge @!p1 [sflag:s0], $0x4000  }
0x76: {  	s16 =	simm.s32 @!p1 $0x3C00;
	[sflag:s0] =	ssyncset.done @!p1 $0x0  }
0x77: {  	s17 =	simm.s32 @!p1 $0xBC00;
	[sflag:s0] =	ssyncadd.s32 @!p1 $0xFFFFC000;
	s0 =	simm.s32 @!p1 $0x80  }
0x78: {  	[tilespmem:s16], [sflag:$0x1] =	stream.indirect.gather @!p1 [hbm4b:s1+s0], $0x80, s17, s0, $0xb8;
	[tilespmem:$0x1FC80] =	vst v63  }
0x79: {  	v2 =	vld [tilespmem:s2+$0x80];
	_ =	sdelay $0x4  }
0x7a: {  	v2 =	vshrl.u32 v2, $0xE  }
0x7b: {  	v2 =	vand.u32 $0x3FFF, v2  }
0x7c: {  	[tilespmem:$0xBD00] =	vst v2  }
0x7d: {  	v2 =	vld [tilespmem:s2+$0x90];
	_ =	sdelay $0x4  }
0x7e: {  	v2 =	vshrl.u32 v2, $0xE  }
0x7f: {  	v2 =	vand.u32 $0x3FFF, v2  }
0x80: {  	[tilespmem:$0xBD10] =	vst v2  }
0x81: {  	v2 =	vld [tilespmem:s2+$0xA0];
	_ =	sdelay $0x4  }
0x82: {  	v2 =	vshrl.u32 v2, $0xE  }
0x83: {  	v2 =	vand.u32 $0x3FFF, v2  }
0x84: {  	[tilespmem:$0xBD20] =	vst v2  }
0x85: {  	v2 =	vld [tilespmem:s2+$0xB0];
	_ =	sdelay $0x4  }
0x86: {  	v2 =	vshrl.u32 v2, $0xE  }
0x87: {  	v2 =	vand.u32 $0x3FFF, v2  }
0x88: {  	[tilespmem:$0xBD30] =	vst v2  }
0x89: {  	v2 =	vld [tilespmem:s2+$0xC0];
	_ =	sdelay $0x4  }
0x8a: {  	v2 =	vshrl.u32 v2, $0xE  }
0x8b: {  	v2 =	vand.u32 $0x3FFF, v2  }
0x8c: {  	[tilespmem:$0xBD40] =	vst v2  }
0x8d: {  	v2 =	vld [tilespmem:s2+$0xD0];
	_ =	sdelay $0x4  }
0x8e: {  	v2 =	vshrl.u32 v2, $0xE  }
0x8f: {  	v2 =	vand.u32 $0x3FFF, v2  }
0x90: {  	[tilespmem:$0xBD50] =	vst v2  }
0x91: {  	v2 =	vld [tilespmem:s2+$0xE0];
	_ =	sdelay $0x4  }
0x92: {  	v2 =	vshrl.u32 v2, $0xE  }
0x93: {  	v2 =	vand.u32 $0x3FFF, v2  }
0x94: {  	[tilespmem:$0xBD60] =	vst v2  }
0x95: {  	v2 =	vld [tilespmem:s2+$0xF0];
	_ =	sdelay $0x4  }
0x96: {  	v2 =	vshrl.u32 v2, $0xE  }
0x97: {  	v2 =	vand.u32 $0x3FFF, v2  }
0x98: {  	[tilespmem:$0xBD70] =	vst v2  }
0x99: {  	[spmem:s3] =	stream.indirect.scatter.add.f32 [tilespmem:s28], [sflag:$0x3], $0x80, s29, s23, $0xb8;
	[tilespmem:$0x1FC80] =	vst v63  }
0x9a: {  	_ =	swait.ge [sflag:s22], $0x4000  }
0x9b: {  	[sflag:s22] =	ssyncset.done $0x0  }
0x9c: {  	[sflag:s22] =	ssyncadd.s32 $0xFFFFC000  }
0x9d: {  	[spmem:s4] =	stream.indirect.scatter.add.f32 [tilespmem:s30], [sflag:$0x3], $0x1, s29, s23, $0xb8;
	[tilespmem:$0x1FC80] =	vst v63  }
0x9e: {  	_ =	swait.ge [sflag:s22], $0x80  }
0x9f: {  	[sflag:s22] =	ssyncset.done $0x0  }
0xa0: {  	[sflag:s22] =	ssyncadd.s32 $0xFFFFFF80  }
.LBB2_10:
0xa1: {  	s0 =	stileid.u32  }
0xa2: {  	s0 =	sshll.u32 s0, $0x6  }
0xa3: {  	[bflag:$0x0] =	sbarrier.arrive $0xFFFF;
	s2 =	sshrl.u32 s6, $0x3;
	s0 =	sor.u32 $0x1C03, s0  }
0xa4: {  	[hbm:s18], [sflag:s0] =	dma.local [spmem:s2], $0x2780  }
0xa5: {  	s5 =	sadd.s32 $0x1, s5;
	_ =	swait.ge [sflag:s22], $0x2780  }
0xa6: {  	p1 =	sne.s32 s5, s20;
	[sflag:s22] =	ssyncset.done $0x0  }
.Ltmp1:
0xa7: {  	s31 =	sshrl.u32 s9, $0x3;
	[sflag:s22] =	ssyncadd.s32 $0xFFFFD880;
	(pc) =	sbr.rel @!p1 .LBB2_11-.Ltmp1, $4  }
0xa8: {  	[hbm:s19], [sflag:s0] =	dma.local [spmem:s31], $0x50  }
0xa9: {  	_ =	swait.ge [sflag:s22], $0x50  }
0xaa: {  	[sflag:s22] =	ssyncset.done $0x0  }
0xab: {  	[sflag:s22] =	ssyncadd.s32 $0xFFFFFFB0  }
.LBB2_1:
0xac: {  	[tilespmem:$0xBD80] =	vst v0  }
0xad: {  	[tilespmem:$0xBD90] =	vst v0  }
0xae: {  	[tilespmem:$0xBDA0] =	vst v0  }
0xaf: {  	[tilespmem:$0xBDB0] =	vst v0  }
0xb0: {  	[tilespmem:$0xBDC0] =	vst v0  }
0xb1: {  	[tilespmem:$0xBDD0] =	vst v0  }
0xb2: {  	[tilespmem:$0xBDE0] =	vst v0  }
0xb3: {  	[tilespmem:$0xBDF0] =	vst v0;
	s2 =	simm.s32 $0x0;
	s16 =	simm.s32 $0x200  }
.LBB2_2:
0xb4: {  	p1 =	sne.s32 s16, $0xFE00;
	[tilespmem:s2+$0x3C70] =	vst v1  }
0xb5: {  	[tilespmem:s2+$0x3C00] =	vst v1  }
0xb6: {  	[tilespmem:s2+$0x3C10] =	vst v1  }
.Ltmp2:
0xb7: {  	[tilespmem:s2+$0x3C20] =	vst v1;
	(pc) =	sbr.rel @p1 .LBB2_2-.Ltmp2, $4  }
0xb8: {  	[tilespmem:s2+$0x3C30] =	vst v1  }
0xb9: {  	[tilespmem:s2+$0x3C40] =	vst v1  }
0xba: {  	[tilespmem:s2+$0x3C50] =	vst v1  }
0xbb: {  	[tilespmem:s2+$0x3C60] =	vst v1;
	s2 =	sshra.s32 s16, $0x2;
	s16 =	sadd.s32 $0x200, s16  }
0xbc: {  	[tilespmem:s2+$0x3C70] =	vst v1  }
0xbd: {  	[tilespmem:s2+$0x3C00] =	vst v1  }
0xbe: {  	[tilespmem:s2+$0x3C10] =	vst v1  }
0xbf: {  	[tilespmem:s2+$0x3C20] =	vst v1  }
0xc0: {  	[tilespmem:s2+$0x3C30] =	vst v1  }
0xc1: {  	[tilespmem:s2+$0x3C40] =	vst v1  }
0xc2: {  	[tilespmem:s2+$0x3C50] =	vst v1  }
0xc3: {  	[tilespmem:s2+$0x3C60] =	vst v1  }
0xc4: {  	[spmem:s6] =	stream.linear.scatter [tilespmem:s21], [sflag:$0x3], $0x4000, $0x38;
	[tilespmem:$0x1FC80] =	vst v63  }
0xc5: {  	_ =	swait.ge [sflag:s22], $0x4000  }
0xc6: {  	[sflag:s22] =	ssyncset.done $0x0  }
0xc7: {  	[sflag:s22] =	ssyncadd.s32 $0xFFFFC000  }
0xc8: {  	[spmem:s7] =	stream.linear.scatter [tilespmem:s21], [sflag:$0x3], $0x4000, $0x38;
	[tilespmem:$0x1FC80] =	vst v63  }
0xc9: {  	_ =	swait.ge [sflag:s22], $0x4000  }
0xca: {  	[sflag:s22] =	ssyncset.done $0x0  }
0xcb: {  	[sflag:s22] =	ssyncadd.s32 $0xFFFFC000  }
0xcc: {  	[spmem:s8] =	stream.linear.scatter [tilespmem:s21], [sflag:$0x3], $0x4000, $0x38;
	[tilespmem:$0x1FC80] =	vst v63  }
0xcd: {  	_ =	swait.ge [sflag:s22], $0x4000  }
0xce: {  	[sflag:s22] =	ssyncset.done $0x0  }
0xcf: {  	[sflag:s22] =	ssyncadd.s32 $0xFFFFC000  }
0xd0: {  	[spmem:s10] =	stream.linear.scatter [tilespmem:s21], [sflag:$0x3], $0x4000, $0x38;
	[tilespmem:$0x1FC80] =	vst v63  }
0xd1: {  	_ =	swait.ge [sflag:s22], $0x4000  }
0xd2: {  	[sflag:s22] =	ssyncset.done $0x0  }
0xd3: {  	[sflag:s22] =	ssyncadd.s32 $0xFFFFC000  }
0xd4: {  	[spmem:s11] =	stream.linear.scatter [tilespmem:s21], [sflag:$0x3], $0x3C00, $0x38;
	[tilespmem:$0x1FC80] =	vst v63  }
0xd5: {  	_ =	swait.ge [sflag:s22], $0x3C00  }
0xd6: {  	[sflag:s22] =	ssyncset.done $0x0  }
0xd7: {  	[sflag:s22] =	ssyncadd.s32 $0xFFFFC400  }
0xd8: {  	[spmem:s9] =	stream.linear.scatter [tilespmem:s21], [sflag:$0x3], $0x80, $0x38;
	[tilespmem:$0x1FC80] =	vst v63  }
0xd9: {  	_ =	swait.ge [sflag:s22], $0x80  }
0xda: {  	[sflag:s22] =	ssyncset.done $0x0  }
0xdb: {  	[sflag:s22] =	ssyncadd.s32 $0xFFFFFF80  }
0xdc: {  	[spmem:s12] =	stream.linear.scatter [tilespmem:s21], [sflag:$0x3], $0x80, $0x38;
	[tilespmem:$0x1FC80] =	vst v63  }
0xdd: {  	_ =	swait.ge [sflag:s22], $0x80  }
0xde: {  	[sflag:s22] =	ssyncset.done $0x0  }
0xdf: {  	[sflag:s22] =	ssyncadd.s32 $0xFFFFFF80  }
0xe0: {  	[spmem:s13] =	stream.linear.scatter [tilespmem:s21], [sflag:$0x3], $0x80, $0x38;
	[tilespmem:$0x1FC80] =	vst v63  }
0xe1: {  	_ =	swait.ge [sflag:s22], $0x80  }
0xe2: {  	[sflag:s22] =	ssyncset.done $0x0  }
0xe3: {  	[sflag:s22] =	ssyncadd.s32 $0xFFFFFF80  }
0xe4: {  	[spmem:s14] =	stream.linear.scatter [tilespmem:s21], [sflag:$0x3], $0x80, $0x38;
	[tilespmem:$0x1FC80] =	vst v63  }
0xe5: {  	_ =	swait.ge [sflag:s22], $0x80  }
0xe6: {  	[sflag:s22] =	ssyncset.done $0x0  }
.Ltmp3:
0xe7: {  	[sflag:s22] =	ssyncadd.s32 $0xFFFFFF80;
	(pc) =	sbr.rel @!p0 .LBB2_4-.Ltmp3, $4  }
0xe8: {  	[spmem:s15] =	stream.linear.scatter [tilespmem:s21], [sflag:$0x3], $0x80, $0x38;
	[tilespmem:$0x1FC80] =	vst v63  }
0xe9: {  	_ =	swait.ge [sflag:s22], $0x80  }
0xea: {  	[sflag:s22] =	ssyncset.done $0x0  }
0xeb: {  	s2 =	simm.s32 $0x0;
	[sflag:s22] =	ssyncadd.s32 $0xFFFFFF80  }
0xec: {  	s0 =	rddreg [dreg:$0x6]  }
0xed: {  	[tilespmem:s2], [sflag:$0x3] =	stream.linear.gather [hbm4b:s0+s2], $0x3C00, $0x38;
	[tilespmem:$0x1FC80] =	vst v63  }
0xee: {  	_ =	swait.ge [sflag:s22], $0x3C00  }
0xef: {  	[sflag:s22] =	ssyncset.done $0x0  }
0xf0: {  	[sflag:s22] =	ssyncadd.s32 $0xFFFFC400  }
0xf1: {  	[bflag:$0x0] =	sbarrier.arrive $0xFFFF  }
0xf2: {  	v2 =	vld [tilespmem:$0x0]  }
0xf3: {  	v3 =	vld [tilespmem:$0x10]  }
0xf4: {  	v4 =	vld [tilespmem:$0x20]  }
0xf5: {  	v5 =	vld [tilespmem:$0x30]  }
0xf6: {  	v6 =	vld [tilespmem:$0x40]  }
0xf7: {  	v7 =	vld [tilespmem:$0x50];
	v2 =	vand.u32 $0x3FFF, v2  }
0xf8: {  	[tilespmem:$0xBC00] =	vst v2;
	v2 =	vand.u32 $0x3FFF, v3;
	v3 =	vld [tilespmem:$0x60]  }
0xf9: {  	v63 =	vld [tilespmem:$0x70];
	[tilespmem:$0xBC10] =	vst v2;
	v2 =	vand.u32 $0x3FFF, v4  }
0xfa: {  	[tilespmem:$0xBC20] =	vst v2;
	v2 =	vand.u32 $0x3FFF, v5  }
0xfb: {  	[tilespmem:$0xBC30] =	vst v2;
	v2 =	vand.u32 $0x3FFF, v6  }
0xfc: {  	[tilespmem:$0xBC40] =	vst v2;
	v2 =	vand.u32 $0x3FFF, v7  }
0xfd: {  	[tilespmem:$0xBC50] =	vst v2;
	v2 =	vand.u32 $0x3FFF, v3  }
0xfe: {  	[tilespmem:$0xBC60] =	vst v2;
	v2 =	vand.u32 $0x3FFF, v63  }
0xff: {  	s24 =	simm.s32 $0xBC00;
	s0 =	simm.s32 $0x0;
	[tilespmem:$0xBC70] =	vst v2  }
0x100: {  	[tilespmem:s21], [sflag:$0x1] =	stream.indirect.gather [hbm4b:s1+s23], $0x80, s24, s23, $0xb8;
	[tilespmem:$0x1FC80] =	vst v63  }
0x101: {  	v2 =	vld [tilespmem:s0+$0x80];
	_ =	sdelay $0x4  }
0x102: {  	v2 =	vand.u32 $0x3FFF, v2  }
0x103: {  	[tilespmem:$0xBC80] =	vst v2  }
0x104: {  	v2 =	vld [tilespmem:s0+$0x90];
	_ =	sdelay $0x4  }
0x105: {  	v2 =	vand.u32 $0x3FFF, v2  }
0x106: {  	[tilespmem:$0xBC90] =	vst v2  }
0x107: {  	v2 =	vld [tilespmem:s0+$0xA0];
	_ =	sdelay $0x4  }
0x108: {  	v2 =	vand.u32 $0x3FFF, v2  }
0x109: {  	[tilespmem:$0xBCA0] =	vst v2  }
0x10a: {  	v2 =	vld [tilespmem:s0+$0xB0];
	_ =	sdelay $0x4  }
0x10b: {  	v2 =	vand.u32 $0x3FFF, v2  }
0x10c: {  	[tilespmem:$0xBCB0] =	vst v2  }
0x10d: {  	v2 =	vld [tilespmem:s0+$0xC0];
	_ =	sdelay $0x4  }
0x10e: {  	v2 =	vand.u32 $0x3FFF, v2  }
0x10f: {  	[tilespmem:$0xBCC0] =	vst v2  }
0x110: {  	v2 =	vld [tilespmem:s0+$0xD0];
	_ =	sdelay $0x4  }
0x111: {  	v2 =	vand.u32 $0x3FFF, v2  }
0x112: {  	[tilespmem:$0xBCD0] =	vst v2  }
0x113: {  	v2 =	vld [tilespmem:s0+$0xE0];
	_ =	sdelay $0x4  }
0x114: {  	v2 =	vand.u32 $0x3FFF, v2  }
0x115: {  	[tilespmem:$0xBCE0] =	vst v2  }
0x116: {  	v2 =	vld [tilespmem:s0+$0xF0];
	_ =	sdelay $0x4  }
0x117: {  	v2 =	vand.u32 $0x3FFF, v2  }
0x118: {  	[tilespmem:$0xBCF0] =	vst v2  }
0x119: {  	_ =	swait.ge [sflag:s25], $0x4000  }
0x11a: {  	[sflag:s25] =	ssyncset.done $0x0  }
0x11b: {  	[sflag:s25] =	ssyncadd.s32 $0xFFFFC000  }
0x11c: {  	[tilespmem:s28], [sflag:$0x2] =	stream.indirect.gather [hbm4b:s1+s23], $0x80, s26, s23, $0xb8;
	[tilespmem:$0x1FC80] =	vst v63  }
0x11d: {  	v2 =	vld [tilespmem:s0+$0x0];
	_ =	sdelay $0x4  }
0x11e: {  	v2 =	vshrl.u32 v2, $0xE  }
0x11f: {  	v2 =	vand.u32 $0x3FFF, v2  }
0x120: {  	[tilespmem:$0xBD00] =	vst v2  }
0x121: {  	v2 =	vld [tilespmem:s0+$0x10];
	_ =	sdelay $0x4  }
0x122: {  	v2 =	vshrl.u32 v2, $0xE  }
0x123: {  	v2 =	vand.u32 $0x3FFF, v2  }
0x124: {  	[tilespmem:$0xBD10] =	vst v2  }
0x125: {  	v2 =	vld [tilespmem:s0+$0x20];
	_ =	sdelay $0x4  }
0x126: {  	v2 =	vshrl.u32 v2, $0xE  }
0x127: {  	v2 =	vand.u32 $0x3FFF, v2  }
0x128: {  	[tilespmem:$0xBD20] =	vst v2  }
0x129: {  	v2 =	vld [tilespmem:s0+$0x30];
	_ =	sdelay $0x4  }
0x12a: {  	v2 =	vshrl.u32 v2, $0xE  }
0x12b: {  	v2 =	vand.u32 $0x3FFF, v2  }
0x12c: {  	[tilespmem:$0xBD30] =	vst v2  }
0x12d: {  	v2 =	vld [tilespmem:s0+$0x40];
	_ =	sdelay $0x4  }
0x12e: {  	v2 =	vshrl.u32 v2, $0xE  }
0x12f: {  	v2 =	vand.u32 $0x3FFF, v2  }
0x130: {  	[tilespmem:$0xBD40] =	vst v2  }
0x131: {  	v2 =	vld [tilespmem:s0+$0x50];
	_ =	sdelay $0x4  }
0x132: {  	v2 =	vshrl.u32 v2, $0xE  }
0x133: {  	v2 =	vand.u32 $0x3FFF, v2  }
0x134: {  	[tilespmem:$0xBD50] =	vst v2  }
0x135: {  	v2 =	vld [tilespmem:s0+$0x60];
	_ =	sdelay $0x4  }
0x136: {  	v2 =	vshrl.u32 v2, $0xE  }
0x137: {  	v2 =	vand.u32 $0x3FFF, v2  }
0x138: {  	[tilespmem:$0xBD60] =	vst v2  }
0x139: {  	v2 =	vld [tilespmem:s0+$0x70];
	_ =	sdelay $0x4  }
0x13a: {  	v2 =	vshrl.u32 v2, $0xE  }
0x13b: {  	v2 =	vand.u32 $0x3FFF, v2  }
0x13c: {  	[tilespmem:$0xBD70] =	vst v2  }
0x13d: {  	[spmem:s3] =	stream.indirect.scatter.add.f32 [tilespmem:s21], [sflag:$0x3], $0x80, s29, s23, $0xb8;
	[tilespmem:$0x1FC80] =	vst v63  }
0x13e: {  	_ =	swait.ge [sflag:s22], $0x4000  }
0x13f: {  	[sflag:s22] =	ssyncset.done $0x0  }
0x140: {  	[sflag:s22] =	ssyncadd.s32 $0xFFFFC000  }
0x141: {  	[spmem:s4] =	stream.indirect.scatter.add.f32 [tilespmem:s30], [sflag:$0x3], $0x1, s29, s23, $0xb8;
	[tilespmem:$0x1FC80] =	vst v63  }
0x142: {  	_ =	swait.ge [sflag:s22], $0x80  }
0x143: {  	p1 =	por $0x0, $0x0;
	[sflag:s22] =	ssyncset.done $0x0  }
0x144: {  	s16 =	simm.s32 @p1 $0x2;
	[sflag:s22] =	ssyncadd.s32 $0xFFFFFF80  }
0x145: {  	_ =	swait.ge @p1 [sflag:s16], $0x4000  }
0x146: {  	[sflag:s16] =	ssyncset.done @p1 $0x0  }
0x147: {  	[sflag:s16] =	ssyncadd.s32 @p1 $0xFFFFC000;
	s16 =	simm.s32 @!p1 $0x0  }
0x148: {  	v2 =	vld @!p1 [tilespmem:s16+$0x100];
	_ =	sdelay $0x4  }
0x149: {  	v2 =	vand.u32 @!p1 $0x3FFF, v2  }
0x14a: {  	[tilespmem:$0xBC00] =	vst @!p1 v2  }
0x14b: {  	v2 =	vld @!p1 [tilespmem:s16+$0x110];
	_ =	sdelay $0x4  }
0x14c: {  	v2 =	vand.u32 @!p1 $0x3FFF, v2  }
0x14d: {  	[tilespmem:$0xBC10] =	vst @!p1 v2  }
0x14e: {  	v2 =	vld @!p1 [tilespmem:s16+$0x120];
	_ =	sdelay $0x4  }
0x14f: {  	v2 =	vand.u32 @!p1 $0x3FFF, v2  }
0x150: {  	[tilespmem:$0xBC20] =	vst @!p1 v2  }
0x151: {  	v2 =	vld @!p1 [tilespmem:s16+$0x130];
	_ =	sdelay $0x4  }
0x152: {  	v2 =	vand.u32 @!p1 $0x3FFF, v2  }
0x153: {  	[tilespmem:$0xBC30] =	vst @!p1 v2  }
0x154: {  	v2 =	vld @!p1 [tilespmem:s16+$0x140];
	_ =	sdelay $0x4  }
0x155: {  	v2 =	vand.u32 @!p1 $0x3FFF, v2  }
0x156: {  	[tilespmem:$0xBC40] =	vst @!p1 v2  }
0x157: {  	v2 =	vld @!p1 [tilespmem:s16+$0x150];
	_ =	sdelay $0x4  }
0x158: {  	v2 =	vand.u32 @!p1 $0x3FFF, v2  }
0x159: {  	[tilespmem:$0xBC50] =	vst @!p1 v2  }
0x15a: {  	v2 =	vld @!p1 [tilespmem:s16+$0x160];
	_ =	sdelay $0x4  }
0x15b: {  	v2 =	vand.u32 @!p1 $0x3FFF, v2  }
0x15c: {  	[tilespmem:$0xBC60] =	vst @!p1 v2  }
0x15d: {  	v2 =	vld @!p1 [tilespmem:s16+$0x170];
	_ =	sdelay $0x4  }
0x15e: {  	v2 =	vand.u32 @!p1 $0x3FFF, v2  }
0x15f: {  	s16 =	simm.s32 @!p1 $0x2;
	[tilespmem:$0xBC70] =	vst @!p1 v2  }
0x160: {  	_ =	swait.ge @!p1 [sflag:s16], $0x4000  }
0x161: {  	s17 =	simm.s32 @!p1 $0x3C00;
	[sflag:s16] =	ssyncset.done @!p1 $0x0  }
0x162: {  	s24 =	simm.s32 @!p1 $0xBC00;
	[sflag:s16] =	ssyncadd.s32 @!p1 $0xFFFFC000;
	s16 =	simm.s32 @!p1 $0x80  }
0x163: {  	[tilespmem:s17], [sflag:$0x1] =	stream.indirect.gather @!p1 [hbm4b:s1+s16], $0x80, s24, s16, $0xb8;
	[tilespmem:$0x1FC80] =	vst v63  }
0x164: {  	v2 =	vld [tilespmem:s0+$0x80];
	_ =	sdelay $0x4  }
0x165: {  	v2 =	vshrl.u32 v2, $0xE  }
0x166: {  	v2 =	vand.u32 $0x3FFF, v2  }
0x167: {  	[tilespmem:$0xBD00] =	vst v2  }
0x168: {  	v2 =	vld [tilespmem:s0+$0x90];
	_ =	sdelay $0x4  }
0x169: {  	v2 =	vshrl.u32 v2, $0xE  }
0x16a: {  	v2 =	vand.u32 $0x3FFF, v2  }
0x16b: {  	[tilespmem:$0xBD10] =	vst v2  }
0x16c: {  	v2 =	vld [tilespmem:s0+$0xA0];
	_ =	sdelay $0x4  }
0x16d: {  	v2 =	vshrl.u32 v2, $0xE  }
0x16e: {  	v2 =	vand.u32 $0x3FFF, v2  }
0x16f: {  	[tilespmem:$0xBD20] =	vst v2  }
0x170: {  	v2 =	vld [tilespmem:s0+$0xB0];
	_ =	sdelay $0x4  }
0x171: {  	v2 =	vshrl.u32 v2, $0xE  }
0x172: {  	v2 =	vand.u32 $0x3FFF, v2  }
0x173: {  	[tilespmem:$0xBD30] =	vst v2  }
0x174: {  	v2 =	vld [tilespmem:s0+$0xC0];
	_ =	sdelay $0x4  }
0x175: {  	v2 =	vshrl.u32 v2, $0xE  }
0x176: {  	v2 =	vand.u32 $0x3FFF, v2  }
0x177: {  	[tilespmem:$0xBD40] =	vst v2  }
0x178: {  	v2 =	vld [tilespmem:s0+$0xD0];
	_ =	sdelay $0x4  }
0x179: {  	v2 =	vshrl.u32 v2, $0xE  }
0x17a: {  	v2 =	vand.u32 $0x3FFF, v2  }
0x17b: {  	[tilespmem:$0xBD50] =	vst v2  }
0x17c: {  	v2 =	vld [tilespmem:s0+$0xE0];
	_ =	sdelay $0x4  }
0x17d: {  	v2 =	vshrl.u32 v2, $0xE  }
0x17e: {  	v2 =	vand.u32 $0x3FFF, v2  }
0x17f: {  	[tilespmem:$0xBD60] =	vst v2  }
0x180: {  	v2 =	vld [tilespmem:s0+$0xF0];
	_ =	sdelay $0x4  }
0x181: {  	v2 =	vshrl.u32 v2, $0xE  }
0x182: {  	v2 =	vand.u32 $0x3FFF, v2  }
0x183: {  	[tilespmem:$0xBD70] =	vst v2  }
0x184: {  	[spmem:s3] =	stream.indirect.scatter.add.f32 [tilespmem:s28], [sflag:$0x3], $0x80, s29, s23, $0xb8;
	[tilespmem:$0x1FC80] =	vst v63  }
0x185: {  	_ =	swait.ge [sflag:s22], $0x4000  }
0x186: {  	[sflag:s22] =	ssyncset.done $0x0  }
0x187: {  	[sflag:s22] =	ssyncadd.s32 $0xFFFFC000  }
0x188: {  	[spmem:s4] =	stream.indirect.scatter.add.f32 [tilespmem:s30], [sflag:$0x3], $0x1, s29, s23, $0xb8;
	[tilespmem:$0x1FC80] =	vst v63  }
0x189: {  	_ =	swait.ge [sflag:s22], $0x80  }
0x18a: {  	s31 =	simm.s32 $0x400;
	s2 =	simm.s32 $0x800;
	[sflag:s22] =	ssyncset.done $0x0  }
.LBB2_8:
0x18b: {  	s24 =	sshra.s32 s31, $0x2  }
0x18c: {  	[sflag:s22] =	ssyncadd.s32 $0xFFFFFF80;
	s16 =	smov.u32 s2;
	s2 =	sadd.s32 $0x400, s2  }
0x18d: {  	p1 =	seq.s32 s2, $0xF000;
	v2 =	vld [tilespmem:s24+$0x80];
	_ =	sdelay $0x4  }
0x18e: {  	v2 =	vand.u32 $0x3FFF, v2  }
0x18f: {  	[tilespmem:$0xBC80] =	vst v2  }
0x190: {  	v2 =	vld [tilespmem:s24+$0x90];
	_ =	sdelay $0x4  }
0x191: {  	v2 =	vand.u32 $0x3FFF, v2  }
0x192: {  	[tilespmem:$0xBC90] =	vst v2  }
0x193: {  	v2 =	vld [tilespmem:s24+$0xA0];
	_ =	sdelay $0x4  }
0x194: {  	v2 =	vand.u32 $0x3FFF, v2  }
0x195: {  	[tilespmem:$0xBCA0] =	vst v2  }
0x196: {  	v2 =	vld [tilespmem:s24+$0xB0];
	_ =	sdelay $0x4  }
0x197: {  	v2 =	vand.u32 $0x3FFF, v2  }
0x198: {  	[tilespmem:$0xBCB0] =	vst v2  }
0x199: {  	v2 =	vld [tilespmem:s24+$0xC0];
	_ =	sdelay $0x4  }
0x19a: {  	v2 =	vand.u32 $0x3FFF, v2  }
0x19b: {  	[tilespmem:$0xBCC0] =	vst v2  }
0x19c: {  	v2 =	vld [tilespmem:s24+$0xD0];
	_ =	sdelay $0x4  }
0x19d: {  	v2 =	vand.u32 $0x3FFF, v2  }
0x19e: {  	[tilespmem:$0xBCD0] =	vst v2  }
0x19f: {  	v2 =	vld [tilespmem:s24+$0xE0];
	_ =	sdelay $0x4  }
0x1a0: {  	v2 =	vand.u32 $0x3FFF, v2  }
0x1a1: {  	[tilespmem:$0xBCE0] =	vst v2  }
0x1a2: {  	v2 =	vld [tilespmem:s24+$0xF0];
	_ =	sdelay $0x4  }
0x1a3: {  	v2 =	vand.u32 $0x3FFF, v2  }
0x1a4: {  	[tilespmem:$0xBCF0] =	vst v2  }
0x1a5: {  	_ =	swait.ge [sflag:s25], $0x4000  }
0x1a6: {  	[sflag:s25] =	ssyncset.done $0x0  }
0x1a7: {  	[sflag:s25] =	ssyncadd.s32 $0xFFFFC000  }
0x1a8: {  	[tilespmem:s28], [sflag:$0x2] =	stream.indirect.gather [hbm4b:s1+s23], $0x80, s26, s23, $0xb8;
	[tilespmem:$0x1FC80] =	vst v63  }
0x1a9: {  	v2 =	vld [tilespmem:s24+$0x0];
	_ =	sdelay $0x4  }
0x1aa: {  	v2 =	vshrl.u32 v2, $0xE  }
0x1ab: {  	v2 =	vand.u32 $0x3FFF, v2  }
0x1ac: {  	[tilespmem:$0xBD00] =	vst v2  }
0x1ad: {  	v2 =	vld [tilespmem:s24+$0x10];
	_ =	sdelay $0x4  }
0x1ae: {  	v2 =	vshrl.u32 v2, $0xE  }
0x1af: {  	v2 =	vand.u32 $0x3FFF, v2  }
0x1b0: {  	[tilespmem:$0xBD10] =	vst v2  }
0x1b1: {  	v2 =	vld [tilespmem:s24+$0x20];
	_ =	sdelay $0x4  }
0x1b2: {  	v2 =	vshrl.u32 v2, $0xE  }
0x1b3: {  	v2 =	vand.u32 $0x3FFF, v2  }
0x1b4: {  	[tilespmem:$0xBD20] =	vst v2  }
0x1b5: {  	v2 =	vld [tilespmem:s24+$0x30];
	_ =	sdelay $0x4  }
0x1b6: {  	v2 =	vshrl.u32 v2, $0xE  }
0x1b7: {  	v2 =	vand.u32 $0x3FFF, v2  }
0x1b8: {  	[tilespmem:$0xBD30] =	vst v2  }
0x1b9: {  	v2 =	vld [tilespmem:s24+$0x40];
	_ =	sdelay $0x4  }
0x1ba: {  	v2 =	vshrl.u32 v2, $0xE  }
0x1bb: {  	v2 =	vand.u32 $0x3FFF, v2  }
0x1bc: {  	[tilespmem:$0xBD40] =	vst v2  }
0x1bd: {  	v2 =	vld [tilespmem:s24+$0x50];
	_ =	sdelay $0x4  }
0x1be: {  	v2 =	vshrl.u32 v2, $0xE  }
0x1bf: {  	v2 =	vand.u32 $0x3FFF, v2  }
0x1c0: {  	[tilespmem:$0xBD50] =	vst v2  }
0x1c1: {  	v2 =	vld [tilespmem:s24+$0x60];
	_ =	sdelay $0x4  }
0x1c2: {  	v2 =	vshrl.u32 v2, $0xE  }
0x1c3: {  	v2 =	vand.u32 $0x3FFF, v2  }
0x1c4: {  	[tilespmem:$0xBD60] =	vst v2  }
0x1c5: {  	v2 =	vld [tilespmem:s24+$0x70];
	_ =	sdelay $0x4  }
0x1c6: {  	v2 =	vshrl.u32 v2, $0xE  }
0x1c7: {  	v2 =	vand.u32 $0x3FFF, v2  }
0x1c8: {  	[tilespmem:$0xBD70] =	vst v2  }
0x1c9: {  	[spmem:s3] =	stream.indirect.scatter.add.f32 [tilespmem:s21], [sflag:$0x3], $0x80, s29, s23, $0xb8;
	[tilespmem:$0x1FC80] =	vst v63  }
0x1ca: {  	_ =	swait.ge [sflag:s22], $0x4000  }
0x1cb: {  	[sflag:s22] =	ssyncset.done $0x0  }
0x1cc: {  	[sflag:s22] =	ssyncadd.s32 $0xFFFFC000  }
0x1cd: {  	[spmem:s4] =	stream.indirect.scatter.add.f32 [tilespmem:s30], [sflag:$0x3], $0x1, s29, s23, $0xb8;
	[tilespmem:$0x1FC80] =	vst v63  }
0x1ce: {  	_ =	swait.ge [sflag:s22], $0x80  }
0x1cf: {  	p2 =	seq.s32 s31, $0xEC00;
	[sflag:s22] =	ssyncset.done $0x0  }
0x1d0: {  	s17 =	simm.s32 @p2 $0x2;
	[sflag:s22] =	ssyncadd.s32 $0xFFFFFF80  }
0x1d1: {  	_ =	swait.ge @p2 [sflag:s17], $0x4000  }
0x1d2: {  	[sflag:s17] =	ssyncset.done @p2 $0x0  }
0x1d3: {  	[sflag:s17] =	ssyncadd.s32 @p2 $0xFFFFC000;
	s17 =	sshra.s32 @!p2 s31, $0x2;
	s31 =	smov.u32 s16  }
0x1d4: {  	v2 =	vld @!p2 [tilespmem:s17+$0x100];
	_ =	sdelay $0x4  }
0x1d5: {  	v2 =	vand.u32 @!p2 $0x3FFF, v2  }
0x1d6: {  	[tilespmem:$0xBC00] =	vst @!p2 v2  }
0x1d7: {  	v2 =	vld @!p2 [tilespmem:s17+$0x110];
	_ =	sdelay $0x4  }
0x1d8: {  	v2 =	vand.u32 @!p2 $0x3FFF, v2  }
0x1d9: {  	[tilespmem:$0xBC10] =	vst @!p2 v2  }
0x1da: {  	v2 =	vld @!p2 [tilespmem:s17+$0x120];
	_ =	sdelay $0x4  }
0x1db: {  	v2 =	vand.u32 @!p2 $0x3FFF, v2  }
0x1dc: {  	[tilespmem:$0xBC20] =	vst @!p2 v2  }
0x1dd: {  	v2 =	vld @!p2 [tilespmem:s17+$0x130];
	_ =	sdelay $0x4  }
0x1de: {  	v2 =	vand.u32 @!p2 $0x3FFF, v2  }
0x1df: {  	[tilespmem:$0xBC30] =	vst @!p2 v2  }
0x1e0: {  	v2 =	vld @!p2 [tilespmem:s17+$0x140];
	_ =	sdelay $0x4  }
0x1e1: {  	v2 =	vand.u32 @!p2 $0x3FFF, v2  }
0x1e2: {  	[tilespmem:$0xBC40] =	vst @!p2 v2  }
0x1e3: {  	v2 =	vld @!p2 [tilespmem:s17+$0x150];
	_ =	sdelay $0x4  }
0x1e4: {  	v2 =	vand.u32 @!p2 $0x3FFF, v2  }
0x1e5: {  	[tilespmem:$0xBC50] =	vst @!p2 v2  }
0x1e6: {  	v2 =	vld @!p2 [tilespmem:s17+$0x160];
	_ =	sdelay $0x4  }
0x1e7: {  	v2 =	vand.u32 @!p2 $0x3FFF, v2  }
0x1e8: {  	[tilespmem:$0xBC60] =	vst @!p2 v2  }
0x1e9: {  	v2 =	vld @!p2 [tilespmem:s17+$0x170];
	_ =	sdelay $0x4  }
0x1ea: {  	v2 =	vand.u32 @!p2 $0x3FFF, v2  }
0x1eb: {  	s16 =	simm.s32 @!p2 $0x2;
	[tilespmem:$0xBC70] =	vst @!p2 v2  }
0x1ec: {  	_ =	swait.ge @!p2 [sflag:s16], $0x4000  }
0x1ed: {  	s17 =	simm.s32 @!p2 $0x3C00;
	[sflag:s16] =	ssyncset.done @!p2 $0x0  }
0x1ee: {  	s0 =	simm.s32 @!p2 $0xBC00;
	[sflag:s16] =	ssyncadd.s32 @!p2 $0xFFFFC000;
	s16 =	simm.s32 @!p2 $0x80  }
0x1ef: {  	[tilespmem:s17], [sflag:$0x1] =	stream.indirect.gather @!p2 [hbm4b:s1+s16], $0x80, s0, s16, $0xb8;
	[tilespmem:$0x1FC80] =	vst v63  }
0x1f0: {  	v2 =	vld [tilespmem:s24+$0x80];
	_ =	sdelay $0x4  }
0x1f1: {  	v2 =	vshrl.u32 v2, $0xE  }
0x1f2: {  	v2 =	vand.u32 $0x3FFF, v2  }
0x1f3: {  	[tilespmem:$0xBD00] =	vst v2  }
0x1f4: {  	v2 =	vld [tilespmem:s24+$0x90];
	_ =	sdelay $0x4  }
0x1f5: {  	v2 =	vshrl.u32 v2, $0xE  }
0x1f6: {  	v2 =	vand.u32 $0x3FFF, v2  }
0x1f7: {  	[tilespmem:$0xBD10] =	vst v2  }
0x1f8: {  	v2 =	vld [tilespmem:s24+$0xA0];
	_ =	sdelay $0x4  }
0x1f9: {  	v2 =	vshrl.u32 v2, $0xE  }
0x1fa: {  	v2 =	vand.u32 $0x3FFF, v2  }
0x1fb: {  	[tilespmem:$0xBD20] =	vst v2  }
0x1fc: {  	v2 =	vld [tilespmem:s24+$0xB0];
	_ =	sdelay $0x4  }
0x1fd: {  	v2 =	vshrl.u32 v2, $0xE  }
0x1fe: {  	v2 =	vand.u32 $0x3FFF, v2  }
0x1ff: {  	[tilespmem:$0xBD30] =	vst v2  }
0x200: {  	v2 =	vld [tilespmem:s24+$0xC0];
	_ =	sdelay $0x4  }
0x201: {  	v2 =	vshrl.u32 v2, $0xE  }
0x202: {  	v2 =	vand.u32 $0x3FFF, v2  }
0x203: {  	[tilespmem:$0xBD40] =	vst v2  }
0x204: {  	v2 =	vld [tilespmem:s24+$0xD0];
	_ =	sdelay $0x4  }
0x205: {  	v2 =	vshrl.u32 v2, $0xE  }
0x206: {  	v2 =	vand.u32 $0x3FFF, v2  }
0x207: {  	[tilespmem:$0xBD50] =	vst v2  }
0x208: {  	v2 =	vld [tilespmem:s24+$0xE0];
	_ =	sdelay $0x4  }
0x209: {  	v2 =	vshrl.u32 v2, $0xE  }
0x20a: {  	v2 =	vand.u32 $0x3FFF, v2  }
0x20b: {  	[tilespmem:$0xBD60] =	vst v2  }
0x20c: {  	v2 =	vld [tilespmem:s24+$0xF0];
	_ =	sdelay $0x4  }
0x20d: {  	v2 =	vshrl.u32 v2, $0xE  }
0x20e: {  	v2 =	vand.u32 $0x3FFF, v2  }
0x20f: {  	[tilespmem:$0xBD70] =	vst v2  }
0x210: {  	[spmem:s3] =	stream.indirect.scatter.add.f32 [tilespmem:s28], [sflag:$0x3], $0x80, s29, s23, $0xb8;
	[tilespmem:$0x1FC80] =	vst v63  }
0x211: {  	_ =	swait.ge [sflag:s22], $0x4000  }
.Ltmp4:
0x212: {  	[sflag:s22] =	ssyncset.done $0x0;
	(pc) =	sbr.rel @!p1 .LBB2_8-.Ltmp4, $4  }
0x213: {  	[sflag:s22] =	ssyncadd.s32 $0xFFFFC000  }
0x214: {  	[spmem:s4] =	stream.indirect.scatter.add.f32 [tilespmem:s30], [sflag:$0x3], $0x1, s29, s23, $0xb8;
	[tilespmem:$0x1FC80] =	vst v63  }
0x215: {  	_ =	swait.ge [sflag:s22], $0x80  }
0x216: {  	[sflag:s22] =	ssyncset.done $0x0  }
0x217: {  	s2 =	sshra.s32 s31, $0x2;
	[sflag:s22] =	ssyncadd.s32 $0xFFFFFF80  }
0x218: {  	v2 =	vld [tilespmem:s2+$0x80];
	_ =	sdelay $0x4  }
0x219: {  	v2 =	vand.u32 $0x3FFF, v2  }
0x21a: {  	[tilespmem:$0xBC80] =	vst v2  }
0x21b: {  	v2 =	vld [tilespmem:s2+$0x90];
	_ =	sdelay $0x4  }
0x21c: {  	v2 =	vand.u32 $0x3FFF, v2  }
0x21d: {  	[tilespmem:$0xBC90] =	vst v2  }
0x21e: {  	v2 =	vld [tilespmem:s2+$0xA0];
	_ =	sdelay $0x4  }
0x21f: {  	v2 =	vand.u32 $0x3FFF, v2  }
0x220: {  	[tilespmem:$0xBCA0] =	vst v2  }
0x221: {  	v2 =	vld [tilespmem:s2+$0xB0];
	_ =	sdelay $0x4  }
0x222: {  	v2 =	vand.u32 $0x3FFF, v2  }
0x223: {  	[tilespmem:$0xBCB0] =	vst v2  }
0x224: {  	v2 =	vld [tilespmem:s2+$0xC0];
	_ =	sdelay $0x4  }
0x225: {  	v2 =	vand.u32 $0x3FFF, v2  }
0x226: {  	[tilespmem:$0xBCC0] =	vst v2  }
0x227: {  	v2 =	vld [tilespmem:s2+$0xD0];
	_ =	sdelay $0x4  }
0x228: {  	v2 =	vand.u32 $0x3FFF, v2  }
0x229: {  	[tilespmem:$0xBCD0] =	vst v2  }
0x22a: {  	v2 =	vld [tilespmem:s2+$0xE0];
	_ =	sdelay $0x4  }
0x22b: {  	v2 =	vand.u32 $0x3FFF, v2  }
0x22c: {  	[tilespmem:$0xBCE0] =	vst v2  }
0x22d: {  	v2 =	vld [tilespmem:s2+$0xF0];
	_ =	sdelay $0x4  }
0x22e: {  	v2 =	vand.u32 $0x3FFF, v2  }
0x22f: {  	[tilespmem:$0xBCF0] =	vst v2  }
0x230: {  	_ =	swait.ge [sflag:s25], $0x4000  }
0x231: {  	[sflag:s25] =	ssyncset.done $0x0  }
0x232: {  	[sflag:s25] =	ssyncadd.s32 $0xFFFFC000  }
0x233: {  	[tilespmem:s28], [sflag:$0x2] =	stream.indirect.gather [hbm4b:s1+s23], $0x80, s26, s23, $0xb8;
	[tilespmem:$0x1FC80] =	vst v63  }
0x234: {  	v2 =	vld [tilespmem:s2+$0x0];
	_ =	sdelay $0x4  }
0x235: {  	v2 =	vshrl.u32 v2, $0xE  }
0x236: {  	v2 =	vand.u32 $0x3FFF, v2  }
0x237: {  	[tilespmem:$0xBD00] =	vst v2  }
0x238: {  	v2 =	vld [tilespmem:s2+$0x10];
	_ =	sdelay $0x4  }
0x239: {  	v2 =	vshrl.u32 v2, $0xE  }
0x23a: {  	v2 =	vand.u32 $0x3FFF, v2  }
0x23b: {  	[tilespmem:$0xBD10] =	vst v2  }
0x23c: {  	v2 =	vld [tilespmem:s2+$0x20];
	_ =	sdelay $0x4  }
0x23d: {  	v2 =	vshrl.u32 v2, $0xE  }
0x23e: {  	v2 =	vand.u32 $0x3FFF, v2  }
0x23f: {  	[tilespmem:$0xBD20] =	vst v2  }
0x240: {  	v2 =	vld [tilespmem:s2+$0x30];
	_ =	sdelay $0x4  }
0x241: {  	v2 =	vshrl.u32 v2, $0xE  }
0x242: {  	v2 =	vand.u32 $0x3FFF, v2  }
0x243: {  	[tilespmem:$0xBD30] =	vst v2  }
0x244: {  	v2 =	vld [tilespmem:s2+$0x40];
	_ =	sdelay $0x4  }
0x245: {  	v2 =	vshrl.u32 v2, $0xE  }
0x246: {  	v2 =	vand.u32 $0x3FFF, v2  }
0x247: {  	[tilespmem:$0xBD40] =	vst v2  }
0x248: {  	v2 =	vld [tilespmem:s2+$0x50];
	_ =	sdelay $0x4  }
0x249: {  	v2 =	vshrl.u32 v2, $0xE  }
0x24a: {  	v2 =	vand.u32 $0x3FFF, v2  }
0x24b: {  	[tilespmem:$0xBD50] =	vst v2  }
0x24c: {  	v2 =	vld [tilespmem:s2+$0x60];
	_ =	sdelay $0x4  }
0x24d: {  	v2 =	vshrl.u32 v2, $0xE  }
0x24e: {  	v2 =	vand.u32 $0x3FFF, v2  }
0x24f: {  	[tilespmem:$0xBD60] =	vst v2  }
0x250: {  	v2 =	vld [tilespmem:s2+$0x70];
	_ =	sdelay $0x4  }
0x251: {  	v2 =	vshrl.u32 v2, $0xE  }
0x252: {  	v2 =	vand.u32 $0x3FFF, v2  }
0x253: {  	[tilespmem:$0xBD70] =	vst v2  }
0x254: {  	[spmem:s3] =	stream.indirect.scatter.add.f32 [tilespmem:s21], [sflag:$0x3], $0x80, s29, s23, $0xb8;
	[tilespmem:$0x1FC80] =	vst v63  }
0x255: {  	_ =	swait.ge [sflag:s22], $0x4000  }
0x256: {  	[sflag:s22] =	ssyncset.done $0x0  }
0x257: {  	[sflag:s22] =	ssyncadd.s32 $0xFFFFC000  }
0x258: {  	[spmem:s4] =	stream.indirect.scatter.add.f32 [tilespmem:s30], [sflag:$0x3], $0x1, s29, s23, $0xb8;
	[tilespmem:$0x1FC80] =	vst v63  }
0x259: {  	_ =	swait.ge [sflag:s22], $0x80  }
0x25a: {  	p1 =	seq.s32 s31, $0xEC00;
	[sflag:s22] =	ssyncset.done $0x0  }
0x25b: {  	s0 =	simm.s32 @p1 $0x2;
	[sflag:s22] =	ssyncadd.s32 $0xFFFFFF80  }
0x25c: {  	_ =	swait.ge @p1 [sflag:s0], $0x4000  }
0x25d: {  	[sflag:s0] =	ssyncset.done @p1 $0x0  }
0x25e: {  	[sflag:s0] =	ssyncadd.s32 @p1 $0xFFFFC000;
	s0 =	sshra.s32 @!p1 s31, $0x2  }
0x25f: {  	v2 =	vld @!p1 [tilespmem:s0+$0x100];
	_ =	sdelay $0x4  }
0x260: {  	v2 =	vand.u32 @!p1 $0x3FFF, v2  }
0x261: {  	[tilespmem:$0xBC00] =	vst @!p1 v2  }
0x262: {  	v2 =	vld @!p1 [tilespmem:s0+$0x110];
	_ =	sdelay $0x4  }
0x263: {  	v2 =	vand.u32 @!p1 $0x3FFF, v2  }
0x264: {  	[tilespmem:$0xBC10] =	vst @!p1 v2  }
0x265: {  	v2 =	vld @!p1 [tilespmem:s0+$0x120];
	_ =	sdelay $0x4  }
0x266: {  	v2 =	vand.u32 @!p1 $0x3FFF, v2  }
0x267: {  	[tilespmem:$0xBC20] =	vst @!p1 v2  }
0x268: {  	v2 =	vld @!p1 [tilespmem:s0+$0x130];
	_ =	sdelay $0x4  }
0x269: {  	v2 =	vand.u32 @!p1 $0x3FFF, v2  }
0x26a: {  	[tilespmem:$0xBC30] =	vst @!p1 v2  }
0x26b: {  	v2 =	vld @!p1 [tilespmem:s0+$0x140];
	_ =	sdelay $0x4  }
0x26c: {  	v2 =	vand.u32 @!p1 $0x3FFF, v2  }
0x26d: {  	[tilespmem:$0xBC40] =	vst @!p1 v2  }
0x26e: {  	v2 =	vld @!p1 [tilespmem:s0+$0x150];
	_ =	sdelay $0x4  }
0x26f: {  	v2 =	vand.u32 @!p1 $0x3FFF, v2  }
0x270: {  	[tilespmem:$0xBC50] =	vst @!p1 v2  }
0x271: {  	v2 =	vld @!p1 [tilespmem:s0+$0x160];
	_ =	sdelay $0x4  }
0x272: {  	v2 =	vand.u32 @!p1 $0x3FFF, v2  }
0x273: {  	[tilespmem:$0xBC60] =	vst @!p1 v2  }
0x274: {  	v2 =	vld @!p1 [tilespmem:s0+$0x170];
	_ =	sdelay $0x4  }
0x275: {  	v2 =	vand.u32 @!p1 $0x3FFF, v2  }
0x276: {  	s0 =	simm.s32 @!p1 $0x2;
	[tilespmem:$0xBC70] =	vst @!p1 v2  }
0x277: {  	_ =	swait.ge @!p1 [sflag:s0], $0x4000  }
0x278: {  	s16 =	simm.s32 @!p1 $0x3C00;
	[sflag:s0] =	ssyncset.done @!p1 $0x0  }
0x279: {  	s17 =	simm.s32 @!p1 $0xBC00;
	[sflag:s0] =	ssyncadd.s32 @!p1 $0xFFFFC000;
	s0 =	simm.s32 @!p1 $0x80  }
0x27a: {  	[tilespmem:s16], [sflag:$0x1] =	stream.indirect.gather @!p1 [hbm4b:s1+s0], $0x80, s17, s0, $0xb8;
	[tilespmem:$0x1FC80] =	vst v63  }
0x27b: {  	v2 =	vld [tilespmem:s2+$0x80];
	_ =	sdelay $0x4  }
0x27c: {  	v2 =	vshrl.u32 v2, $0xE  }
0x27d: {  	v2 =	vand.u32 $0x3FFF, v2  }
0x27e: {  	[tilespmem:$0xBD00] =	vst v2  }
0x27f: {  	v2 =	vld [tilespmem:s2+$0x90];
	_ =	sdelay $0x4  }
0x280: {  	v2 =	vshrl.u32 v2, $0xE  }
0x281: {  	v2 =	vand.u32 $0x3FFF, v2  }
0x282: {  	[tilespmem:$0xBD10] =	vst v2  }
0x283: {  	v2 =	vld [tilespmem:s2+$0xA0];
	_ =	sdelay $0x4  }
0x284: {  	v2 =	vshrl.u32 v2, $0xE  }
0x285: {  	v2 =	vand.u32 $0x3FFF, v2  }
0x286: {  	[tilespmem:$0xBD20] =	vst v2  }
0x287: {  	v2 =	vld [tilespmem:s2+$0xB0];
	_ =	sdelay $0x4  }
0x288: {  	v2 =	vshrl.u32 v2, $0xE  }
0x289: {  	v2 =	vand.u32 $0x3FFF, v2  }
0x28a: {  	[tilespmem:$0xBD30] =	vst v2  }
0x28b: {  	v2 =	vld [tilespmem:s2+$0xC0];
	_ =	sdelay $0x4  }
0x28c: {  	v2 =	vshrl.u32 v2, $0xE  }
0x28d: {  	v2 =	vand.u32 $0x3FFF, v2  }
0x28e: {  	[tilespmem:$0xBD40] =	vst v2  }
0x28f: {  	v2 =	vld [tilespmem:s2+$0xD0];
	_ =	sdelay $0x4  }
0x290: {  	v2 =	vshrl.u32 v2, $0xE  }
0x291: {  	v2 =	vand.u32 $0x3FFF, v2  }
0x292: {  	[tilespmem:$0xBD50] =	vst v2  }
0x293: {  	v2 =	vld [tilespmem:s2+$0xE0];
	_ =	sdelay $0x4  }
0x294: {  	v2 =	vshrl.u32 v2, $0xE  }
0x295: {  	v2 =	vand.u32 $0x3FFF, v2  }
0x296: {  	[tilespmem:$0xBD60] =	vst v2  }
0x297: {  	v2 =	vld [tilespmem:s2+$0xF0];
	_ =	sdelay $0x4  }
0x298: {  	v2 =	vshrl.u32 v2, $0xE  }
0x299: {  	v2 =	vand.u32 $0x3FFF, v2  }
0x29a: {  	[tilespmem:$0xBD70] =	vst v2  }
0x29b: {  	[spmem:s3] =	stream.indirect.scatter.add.f32 [tilespmem:s28], [sflag:$0x3], $0x80, s29, s23, $0xb8;
	[tilespmem:$0x1FC80] =	vst v63  }
0x29c: {  	_ =	swait.ge [sflag:s22], $0x4000  }
0x29d: {  	[sflag:s22] =	ssyncset.done $0x0  }
.Ltmp5:
0x29e: {  	[sflag:s22] =	ssyncadd.s32 $0xFFFFC000;
	(pc) =	sbr.rel .LBB2_10-.Ltmp5, $4  }
0x29f: {  	[spmem:s4] =	stream.indirect.scatter.add.f32 [tilespmem:s30], [sflag:$0x3], $0x1, s29, s23, $0xb8;
	[tilespmem:$0x1FC80] =	vst v63  }
0x2a0: {  	_ =	swait.ge [sflag:s22], $0x80  }
0x2a1: {  	[sflag:s22] =	ssyncset.done $0x0  }
0x2a2: {  	[sflag:s22] =	ssyncadd.s32 $0xFFFFFF80  }
.LBB2_4:
0x2a3: {  	s0 =	rddreg [dreg:$0x5]  }
0x2a4: {  	[tilespmem:s2], [sflag:$0x3] =	stream.linear.gather [hbm4b:s0+s2], $0x1400, $0x38;
	[tilespmem:$0x1FC80] =	vst v63  }
0x2a5: {  	_ =	swait.ge [sflag:s22], $0x1400  }
0x2a6: {  	[sflag:s22] =	ssyncset.done $0x0  }
0x2a7: {  	[sflag:s22] =	ssyncadd.s32 $0xFFFFEC00  }
0x2a8: {  	[bflag:$0x0] =	sbarrier.arrive $0xFFFF  }
0x2a9: {  	v2 =	vld [tilespmem:$0x0]  }
0x2aa: {  	v3 =	vld [tilespmem:$0x10]  }
0x2ab: {  	v4 =	vld [tilespmem:$0x20]  }
0x2ac: {  	v5 =	vld [tilespmem:$0x30]  }
0x2ad: {  	v6 =	vld [tilespmem:$0x40]  }
0x2ae: {  	v7 =	vld [tilespmem:$0x50];
	v2 =	vand.u32 $0x3FFF, v2  }
0x2af: {  	[tilespmem:$0xBC00] =	vst v2;
	v2 =	vand.u32 $0x3FFF, v3;
	v3 =	vld [tilespmem:$0x60]  }
0x2b0: {  	v63 =	vld [tilespmem:$0x70];
	[tilespmem:$0xBC10] =	vst v2;
	v2 =	vand.u32 $0x3FFF, v4  }
0x2b1: {  	[tilespmem:$0xBC20] =	vst v2;
	v2 =	vand.u32 $0x3FFF, v5  }
0x2b2: {  	[tilespmem:$0xBC30] =	vst v2;
	v2 =	vand.u32 $0x3FFF, v6  }
0x2b3: {  	[tilespmem:$0xBC40] =	vst v2;
	v2 =	vand.u32 $0x3FFF, v7  }
0x2b4: {  	[tilespmem:$0xBC50] =	vst v2;
	v2 =	vand.u32 $0x3FFF, v3  }
0x2b5: {  	[tilespmem:$0xBC60] =	vst v2;
	v2 =	vand.u32 $0x3FFF, v63  }
0x2b6: {  	s17 =	simm.s32 $0xBC00;
	s24 =	simm.s32 $0x0;
	[tilespmem:$0xBC70] =	vst v2  }
0x2b7: {  	[tilespmem:s21], [sflag:$0x1] =	stream.indirect.gather [hbm4b:s1+s23], $0x80, s17, s23, $0xb8;
	[tilespmem:$0x1FC80] =	vst v63  }
0x2b8: {  	v2 =	vld [tilespmem:s24+$0x80];
	_ =	sdelay $0x4  }
0x2b9: {  	v2 =	vand.u32 $0x3FFF, v2  }
0x2ba: {  	[tilespmem:$0xBC80] =	vst v2  }
0x2bb: {  	v2 =	vld [tilespmem:s24+$0x90];
	_ =	sdelay $0x4  }
0x2bc: {  	v2 =	vand.u32 $0x3FFF, v2  }
0x2bd: {  	[tilespmem:$0xBC90] =	vst v2  }
0x2be: {  	v2 =	vld [tilespmem:s24+$0xA0];
	_ =	sdelay $0x4  }
0x2bf: {  	v2 =	vand.u32 $0x3FFF, v2  }
0x2c0: {  	[tilespmem:$0xBCA0] =	vst v2  }
0x2c1: {  	v2 =	vld [tilespmem:s24+$0xB0];
	_ =	sdelay $0x4  }
0x2c2: {  	v2 =	vand.u32 $0x3FFF, v2  }
0x2c3: {  	[tilespmem:$0xBCB0] =	vst v2  }
0x2c4: {  	v2 =	vld [tilespmem:s24+$0xC0];
	_ =	sdelay $0x4  }
0x2c5: {  	v2 =	vand.u32 $0x3FFF, v2  }
0x2c6: {  	[tilespmem:$0xBCC0] =	vst v2  }
0x2c7: {  	v2 =	vld [tilespmem:s24+$0xD0];
	_ =	sdelay $0x4  }
0x2c8: {  	v2 =	vand.u32 $0x3FFF, v2  }
0x2c9: {  	[tilespmem:$0xBCD0] =	vst v2  }
0x2ca: {  	v2 =	vld [tilespmem:s24+$0xE0];
	_ =	sdelay $0x4  }
0x2cb: {  	v2 =	vand.u32 $0x3FFF, v2  }
0x2cc: {  	[tilespmem:$0xBCE0] =	vst v2  }
0x2cd: {  	v2 =	vld [tilespmem:s24+$0xF0];
	_ =	sdelay $0x4  }
0x2ce: {  	v2 =	vand.u32 $0x3FFF, v2  }
0x2cf: {  	[tilespmem:$0xBCF0] =	vst v2  }
0x2d0: {  	_ =	swait.ge [sflag:s25], $0x4000  }
0x2d1: {  	[sflag:s25] =	ssyncset.done $0x0  }
0x2d2: {  	[sflag:s25] =	ssyncadd.s32 $0xFFFFC000  }
0x2d3: {  	[tilespmem:s28], [sflag:$0x2] =	stream.indirect.gather [hbm4b:s1+s23], $0x80, s26, s23, $0xb8;
	[tilespmem:$0x1FC80] =	vst v63  }
0x2d4: {  	v2 =	vld [tilespmem:s24+$0x0];
	_ =	sdelay $0x4  }
0x2d5: {  	v2 =	vshrl.u32 v2, $0xE  }
0x2d6: {  	v2 =	vand.u32 $0x3FFF, v2  }
0x2d7: {  	[tilespmem:$0xBD00] =	vst v2  }
0x2d8: {  	v2 =	vld [tilespmem:s24+$0x10];
	_ =	sdelay $0x4  }
0x2d9: {  	v2 =	vshrl.u32 v2, $0xE  }
0x2da: {  	v2 =	vand.u32 $0x3FFF, v2  }
0x2db: {  	[tilespmem:$0xBD10] =	vst v2  }
0x2dc: {  	v2 =	vld [tilespmem:s24+$0x20];
	_ =	sdelay $0x4  }
0x2dd: {  	v2 =	vshrl.u32 v2, $0xE  }
0x2de: {  	v2 =	vand.u32 $0x3FFF, v2  }
0x2df: {  	[tilespmem:$0xBD20] =	vst v2  }
0x2e0: {  	v2 =	vld [tilespmem:s24+$0x30];
	_ =	sdelay $0x4  }
0x2e1: {  	v2 =	vshrl.u32 v2, $0xE  }
0x2e2: {  	v2 =	vand.u32 $0x3FFF, v2  }
0x2e3: {  	[tilespmem:$0xBD30] =	vst v2  }
0x2e4: {  	v2 =	vld [tilespmem:s24+$0x40];
	_ =	sdelay $0x4  }
0x2e5: {  	v2 =	vshrl.u32 v2, $0xE  }
0x2e6: {  	v2 =	vand.u32 $0x3FFF, v2  }
0x2e7: {  	[tilespmem:$0xBD40] =	vst v2  }
0x2e8: {  	v2 =	vld [tilespmem:s24+$0x50];
	_ =	sdelay $0x4  }
0x2e9: {  	v2 =	vshrl.u32 v2, $0xE  }
0x2ea: {  	v2 =	vand.u32 $0x3FFF, v2  }
0x2eb: {  	[tilespmem:$0xBD50] =	vst v2  }
0x2ec: {  	v2 =	vld [tilespmem:s24+$0x60];
	_ =	sdelay $0x4  }
0x2ed: {  	v2 =	vshrl.u32 v2, $0xE  }
0x2ee: {  	v2 =	vand.u32 $0x3FFF, v2  }
0x2ef: {  	[tilespmem:$0xBD60] =	vst v2  }
0x2f0: {  	v2 =	vld [tilespmem:s24+$0x70];
	_ =	sdelay $0x4  }
0x2f1: {  	v2 =	vshrl.u32 v2, $0xE  }
0x2f2: {  	v2 =	vand.u32 $0x3FFF, v2  }
0x2f3: {  	[tilespmem:$0xBD70] =	vst v2  }
0x2f4: {  	[spmem:s3] =	stream.indirect.scatter.add.f32 [tilespmem:s21], [sflag:$0x3], $0x80, s29, s23, $0xb8;
	[tilespmem:$0x1FC80] =	vst v63  }
0x2f5: {  	_ =	swait.ge [sflag:s22], $0x4000  }
0x2f6: {  	[sflag:s22] =	ssyncset.done $0x0  }
0x2f7: {  	[sflag:s22] =	ssyncadd.s32 $0xFFFFC000  }
0x2f8: {  	[spmem:s4] =	stream.indirect.scatter.add.f32 [tilespmem:s30], [sflag:$0x3], $0x1, s29, s23, $0xb8;
	[tilespmem:$0x1FC80] =	vst v63  }
0x2f9: {  	_ =	swait.ge [sflag:s22], $0x80  }
0x2fa: {  	p1 =	por $0x0, $0x0;
	[sflag:s22] =	ssyncset.done $0x0  }
0x2fb: {  	s0 =	simm.s32 @p1 $0x2;
	[sflag:s22] =	ssyncadd.s32 $0xFFFFFF80  }
0x2fc: {  	_ =	swait.ge @p1 [sflag:s0], $0x4000  }
0x2fd: {  	[sflag:s0] =	ssyncset.done @p1 $0x0  }
0x2fe: {  	[sflag:s0] =	ssyncadd.s32 @p1 $0xFFFFC000;
	s0 =	simm.s32 @!p1 $0x0  }
0x2ff: {  	v2 =	vld @!p1 [tilespmem:s0+$0x100];
	_ =	sdelay $0x4  }
0x300: {  	v2 =	vand.u32 @!p1 $0x3FFF, v2  }
0x301: {  	[tilespmem:$0xBC00] =	vst @!p1 v2  }
0x302: {  	v2 =	vld @!p1 [tilespmem:s0+$0x110];
	_ =	sdelay $0x4  }
0x303: {  	v2 =	vand.u32 @!p1 $0x3FFF, v2  }
0x304: {  	[tilespmem:$0xBC10] =	vst @!p1 v2  }
0x305: {  	v2 =	vld @!p1 [tilespmem:s0+$0x120];
	_ =	sdelay $0x4  }
0x306: {  	v2 =	vand.u32 @!p1 $0x3FFF, v2  }
0x307: {  	[tilespmem:$0xBC20] =	vst @!p1 v2  }
0x308: {  	v2 =	vld @!p1 [tilespmem:s0+$0x130];
	_ =	sdelay $0x4  }
0x309: {  	v2 =	vand.u32 @!p1 $0x3FFF, v2  }
0x30a: {  	[tilespmem:$0xBC30] =	vst @!p1 v2  }
0x30b: {  	v2 =	vld @!p1 [tilespmem:s0+$0x140];
	_ =	sdelay $0x4  }
0x30c: {  	v2 =	vand.u32 @!p1 $0x3FFF, v2  }
0x30d: {  	[tilespmem:$0xBC40] =	vst @!p1 v2  }
0x30e: {  	v2 =	vld @!p1 [tilespmem:s0+$0x150];
	_ =	sdelay $0x4  }
0x30f: {  	v2 =	vand.u32 @!p1 $0x3FFF, v2  }
0x310: {  	[tilespmem:$0xBC50] =	vst @!p1 v2  }
0x311: {  	v2 =	vld @!p1 [tilespmem:s0+$0x160];
	_ =	sdelay $0x4  }
0x312: {  	v2 =	vand.u32 @!p1 $0x3FFF, v2  }
0x313: {  	[tilespmem:$0xBC60] =	vst @!p1 v2  }
0x314: {  	v2 =	vld @!p1 [tilespmem:s0+$0x170];
	_ =	sdelay $0x4  }
0x315: {  	v2 =	vand.u32 @!p1 $0x3FFF, v2  }
0x316: {  	s0 =	simm.s32 @!p1 $0x2;
	[tilespmem:$0xBC70] =	vst @!p1 v2  }
0x317: {  	_ =	swait.ge @!p1 [sflag:s0], $0x4000  }
0x318: {  	s16 =	simm.s32 @!p1 $0x3C00;
	[sflag:s0] =	ssyncset.done @!p1 $0x0  }
0x319: {  	s17 =	simm.s32 @!p1 $0xBC00;
	[sflag:s0] =	ssyncadd.s32 @!p1 $0xFFFFC000;
	s0 =	simm.s32 @!p1 $0x80  }
0x31a: {  	[tilespmem:s16], [sflag:$0x1] =	stream.indirect.gather @!p1 [hbm4b:s1+s0], $0x80, s17, s0, $0xb8;
	[tilespmem:$0x1FC80] =	vst v63  }
0x31b: {  	v2 =	vld [tilespmem:s24+$0x80];
	_ =	sdelay $0x4  }
0x31c: {  	v2 =	vshrl.u32 v2, $0xE  }
0x31d: {  	v2 =	vand.u32 $0x3FFF, v2  }
0x31e: {  	[tilespmem:$0xBD00] =	vst v2  }
0x31f: {  	v2 =	vld [tilespmem:s24+$0x90];
	_ =	sdelay $0x4  }
0x320: {  	v2 =	vshrl.u32 v2, $0xE  }
0x321: {  	v2 =	vand.u32 $0x3FFF, v2  }
0x322: {  	[tilespmem:$0xBD10] =	vst v2  }
0x323: {  	v2 =	vld [tilespmem:s24+$0xA0];
	_ =	sdelay $0x4  }
0x324: {  	v2 =	vshrl.u32 v2, $0xE  }
0x325: {  	v2 =	vand.u32 $0x3FFF, v2  }
0x326: {  	[tilespmem:$0xBD20] =	vst v2  }
0x327: {  	v2 =	vld [tilespmem:s24+$0xB0];
	_ =	sdelay $0x4  }
0x328: {  	v2 =	vshrl.u32 v2, $0xE  }
0x329: {  	v2 =	vand.u32 $0x3FFF, v2  }
0x32a: {  	[tilespmem:$0xBD30] =	vst v2  }
0x32b: {  	v2 =	vld [tilespmem:s24+$0xC0];
	_ =	sdelay $0x4  }
0x32c: {  	v2 =	vshrl.u32 v2, $0xE  }
0x32d: {  	v2 =	vand.u32 $0x3FFF, v2  }
0x32e: {  	[tilespmem:$0xBD40] =	vst v2  }
0x32f: {  	v2 =	vld [tilespmem:s24+$0xD0];
	_ =	sdelay $0x4  }
0x330: {  	v2 =	vshrl.u32 v2, $0xE  }
0x331: {  	v2 =	vand.u32 $0x3FFF, v2  }
0x332: {  	[tilespmem:$0xBD50] =	vst v2  }
0x333: {  	v2 =	vld [tilespmem:s24+$0xE0];
	_ =	sdelay $0x4  }
0x334: {  	v2 =	vshrl.u32 v2, $0xE  }
0x335: {  	v2 =	vand.u32 $0x3FFF, v2  }
0x336: {  	[tilespmem:$0xBD60] =	vst v2  }
0x337: {  	v2 =	vld [tilespmem:s24+$0xF0];
	_ =	sdelay $0x4  }
0x338: {  	v2 =	vshrl.u32 v2, $0xE  }
0x339: {  	v2 =	vand.u32 $0x3FFF, v2  }
0x33a: {  	[tilespmem:$0xBD70] =	vst v2  }
0x33b: {  	[spmem:s3] =	stream.indirect.scatter.add.f32 [tilespmem:s28], [sflag:$0x3], $0x80, s29, s23, $0xb8;
	[tilespmem:$0x1FC80] =	vst v63  }
0x33c: {  	_ =	swait.ge [sflag:s22], $0x4000  }
0x33d: {  	[sflag:s22] =	ssyncset.done $0x0  }
0x33e: {  	[sflag:s22] =	ssyncadd.s32 $0xFFFFC000  }
0x33f: {  	[spmem:s4] =	stream.indirect.scatter.add.f32 [tilespmem:s30], [sflag:$0x3], $0x1, s29, s23, $0xb8;
	[tilespmem:$0x1FC80] =	vst v63  }
0x340: {  	_ =	swait.ge [sflag:s22], $0x80  }
0x341: {  	s31 =	simm.s32 $0x400;
	s2 =	simm.s32 $0x800;
	[sflag:s22] =	ssyncset.done $0x0  }
.LBB2_5:
0x342: {  	s24 =	sshra.s32 s31, $0x2  }
0x343: {  	[sflag:s22] =	ssyncadd.s32 $0xFFFFFF80;
	s16 =	smov.u32 s2;
	s2 =	sadd.s32 $0x400, s2  }
0x344: {  	p1 =	sne.s32 s2, $0x5000;
	v2 =	vld [tilespmem:s24+$0x80];
	_ =	sdelay $0x4  }
0x345: {  	v2 =	vand.u32 $0x3FFF, v2  }
0x346: {  	[tilespmem:$0xBC80] =	vst v2  }
0x347: {  	v2 =	vld [tilespmem:s24+$0x90];
	_ =	sdelay $0x4  }
0x348: {  	v2 =	vand.u32 $0x3FFF, v2  }
0x349: {  	[tilespmem:$0xBC90] =	vst v2  }
0x34a: {  	v2 =	vld [tilespmem:s24+$0xA0];
	_ =	sdelay $0x4  }
0x34b: {  	v2 =	vand.u32 $0x3FFF, v2  }
0x34c: {  	[tilespmem:$0xBCA0] =	vst v2  }
0x34d: {  	v2 =	vld [tilespmem:s24+$0xB0];
	_ =	sdelay $0x4  }
0x34e: {  	v2 =	vand.u32 $0x3FFF, v2  }
0x34f: {  	[tilespmem:$0xBCB0] =	vst v2  }
0x350: {  	v2 =	vld [tilespmem:s24+$0xC0];
	_ =	sdelay $0x4  }
0x351: {  	v2 =	vand.u32 $0x3FFF, v2  }
0x352: {  	[tilespmem:$0xBCC0] =	vst v2  }
0x353: {  	v2 =	vld [tilespmem:s24+$0xD0];
	_ =	sdelay $0x4  }
0x354: {  	v2 =	vand.u32 $0x3FFF, v2  }
0x355: {  	[tilespmem:$0xBCD0] =	vst v2  }
0x356: {  	v2 =	vld [tilespmem:s24+$0xE0];
	_ =	sdelay $0x4  }
0x357: {  	v2 =	vand.u32 $0x3FFF, v2  }
0x358: {  	[tilespmem:$0xBCE0] =	vst v2  }
0x359: {  	v2 =	vld [tilespmem:s24+$0xF0];
	_ =	sdelay $0x4  }
0x35a: {  	v2 =	vand.u32 $0x3FFF, v2  }
0x35b: {  	[tilespmem:$0xBCF0] =	vst v2  }
0x35c: {  	_ =	swait.ge [sflag:s25], $0x4000  }
0x35d: {  	[sflag:s25] =	ssyncset.done $0x0  }
0x35e: {  	[sflag:s25] =	ssyncadd.s32 $0xFFFFC000  }
0x35f: {  	[tilespmem:s28], [sflag:$0x2] =	stream.indirect.gather [hbm4b:s1+s23], $0x80, s26, s23, $0xb8;
	[tilespmem:$0x1FC80] =	vst v63  }
0x360: {  	v2 =	vld [tilespmem:s24+$0x0];
	_ =	sdelay $0x4  }
0x361: {  	v2 =	vshrl.u32 v2, $0xE  }
0x362: {  	v2 =	vand.u32 $0x3FFF, v2  }
0x363: {  	[tilespmem:$0xBD00] =	vst v2  }
0x364: {  	v2 =	vld [tilespmem:s24+$0x10];
	_ =	sdelay $0x4  }
0x365: {  	v2 =	vshrl.u32 v2, $0xE  }
0x366: {  	v2 =	vand.u32 $0x3FFF, v2  }
0x367: {  	[tilespmem:$0xBD10] =	vst v2  }
0x368: {  	v2 =	vld [tilespmem:s24+$0x20];
	_ =	sdelay $0x4  }
0x369: {  	v2 =	vshrl.u32 v2, $0xE  }
0x36a: {  	v2 =	vand.u32 $0x3FFF, v2  }
0x36b: {  	[tilespmem:$0xBD20] =	vst v2  }
0x36c: {  	v2 =	vld [tilespmem:s24+$0x30];
	_ =	sdelay $0x4  }
0x36d: {  	v2 =	vshrl.u32 v2, $0xE  }
0x36e: {  	v2 =	vand.u32 $0x3FFF, v2  }
0x36f: {  	[tilespmem:$0xBD30] =	vst v2  }
0x370: {  	v2 =	vld [tilespmem:s24+$0x40];
	_ =	sdelay $0x4  }
0x371: {  	v2 =	vshrl.u32 v2, $0xE  }
0x372: {  	v2 =	vand.u32 $0x3FFF, v2  }
0x373: {  	[tilespmem:$0xBD40] =	vst v2  }
0x374: {  	v2 =	vld [tilespmem:s24+$0x50];
	_ =	sdelay $0x4  }
0x375: {  	v2 =	vshrl.u32 v2, $0xE  }
0x376: {  	v2 =	vand.u32 $0x3FFF, v2  }
0x377: {  	[tilespmem:$0xBD50] =	vst v2  }
0x378: {  	v2 =	vld [tilespmem:s24+$0x60];
	_ =	sdelay $0x4  }
0x379: {  	v2 =	vshrl.u32 v2, $0xE  }
0x37a: {  	v2 =	vand.u32 $0x3FFF, v2  }
0x37b: {  	[tilespmem:$0xBD60] =	vst v2  }
0x37c: {  	v2 =	vld [tilespmem:s24+$0x70];
	_ =	sdelay $0x4  }
0x37d: {  	v2 =	vshrl.u32 v2, $0xE  }
0x37e: {  	v2 =	vand.u32 $0x3FFF, v2  }
0x37f: {  	[tilespmem:$0xBD70] =	vst v2  }
0x380: {  	[spmem:s3] =	stream.indirect.scatter.add.f32 [tilespmem:s21], [sflag:$0x3], $0x80, s29, s23, $0xb8;
	[tilespmem:$0x1FC80] =	vst v63  }
0x381: {  	_ =	swait.ge [sflag:s22], $0x4000  }
0x382: {  	[sflag:s22] =	ssyncset.done $0x0  }
0x383: {  	[sflag:s22] =	ssyncadd.s32 $0xFFFFC000  }
0x384: {  	[spmem:s4] =	stream.indirect.scatter.add.f32 [tilespmem:s30], [sflag:$0x3], $0x1, s29, s23, $0xb8;
	[tilespmem:$0x1FC80] =	vst v63  }
0x385: {  	_ =	swait.ge [sflag:s22], $0x80  }
0x386: {  	p2 =	seq.s32 s31, $0x4C00;
	[sflag:s22] =	ssyncset.done $0x0  }
0x387: {  	s0 =	simm.s32 @p2 $0x2;
	[sflag:s22] =	ssyncadd.s32 $0xFFFFFF80  }
0x388: {  	_ =	swait.ge @p2 [sflag:s0], $0x4000  }
0x389: {  	[sflag:s0] =	ssyncset.done @p2 $0x0  }
0x38a: {  	s17 =	sshra.s32 @!p2 s31, $0x2;
	s31 =	smov.u32 s16;
	[sflag:s0] =	ssyncadd.s32 @p2 $0xFFFFC000  }
0x38b: {  	v2 =	vld @!p2 [tilespmem:s17+$0x100];
	_ =	sdelay $0x4  }
0x38c: {  	v2 =	vand.u32 @!p2 $0x3FFF, v2  }
0x38d: {  	[tilespmem:$0xBC00] =	vst @!p2 v2  }
0x38e: {  	v2 =	vld @!p2 [tilespmem:s17+$0x110];
	_ =	sdelay $0x4  }
0x38f: {  	v2 =	vand.u32 @!p2 $0x3FFF, v2  }
0x390: {  	[tilespmem:$0xBC10] =	vst @!p2 v2  }
0x391: {  	v2 =	vld @!p2 [tilespmem:s17+$0x120];
	_ =	sdelay $0x4  }
0x392: {  	v2 =	vand.u32 @!p2 $0x3FFF, v2  }
0x393: {  	[tilespmem:$0xBC20] =	vst @!p2 v2  }
0x394: {  	v2 =	vld @!p2 [tilespmem:s17+$0x130];
	_ =	sdelay $0x4  }
0x395: {  	v2 =	vand.u32 @!p2 $0x3FFF, v2  }
0x396: {  	[tilespmem:$0xBC30] =	vst @!p2 v2  }
0x397: {  	v2 =	vld @!p2 [tilespmem:s17+$0x140];
	_ =	sdelay $0x4  }
0x398: {  	v2 =	vand.u32 @!p2 $0x3FFF, v2  }
0x399: {  	[tilespmem:$0xBC40] =	vst @!p2 v2  }
0x39a: {  	v2 =	vld @!p2 [tilespmem:s17+$0x150];
	_ =	sdelay $0x4  }
0x39b: {  	v2 =	vand.u32 @!p2 $0x3FFF, v2  }
0x39c: {  	[tilespmem:$0xBC50] =	vst @!p2 v2  }
0x39d: {  	v2 =	vld @!p2 [tilespmem:s17+$0x160];
	_ =	sdelay $0x4  }
0x39e: {  	v2 =	vand.u32 @!p2 $0x3FFF, v2  }
0x39f: {  	[tilespmem:$0xBC60] =	vst @!p2 v2  }
0x3a0: {  	v2 =	vld @!p2 [tilespmem:s17+$0x170];
	_ =	sdelay $0x4  }
0x3a1: {  	v2 =	vand.u32 @!p2 $0x3FFF, v2  }
0x3a2: {  	s0 =	simm.s32 @!p2 $0x2;
	[tilespmem:$0xBC70] =	vst @!p2 v2  }
0x3a3: {  	_ =	swait.ge @!p2 [sflag:s0], $0x4000  }
0x3a4: {  	s16 =	simm.s32 @!p2 $0x3C00;
	[sflag:s0] =	ssyncset.done @!p2 $0x0  }
0x3a5: {  	s17 =	simm.s32 @!p2 $0xBC00;
	[sflag:s0] =	ssyncadd.s32 @!p2 $0xFFFFC000;
	s0 =	simm.s32 @!p2 $0x80  }
0x3a6: {  	[tilespmem:s16], [sflag:$0x1] =	stream.indirect.gather @!p2 [hbm4b:s1+s0], $0x80, s17, s0, $0xb8;
	[tilespmem:$0x1FC80] =	vst v63  }
0x3a7: {  	v2 =	vld [tilespmem:s24+$0x80];
	_ =	sdelay $0x4  }
0x3a8: {  	v2 =	vshrl.u32 v2, $0xE  }
0x3a9: {  	v2 =	vand.u32 $0x3FFF, v2  }
0x3aa: {  	[tilespmem:$0xBD00] =	vst v2  }
0x3ab: {  	v2 =	vld [tilespmem:s24+$0x90];
	_ =	sdelay $0x4  }
0x3ac: {  	v2 =	vshrl.u32 v2, $0xE  }
0x3ad: {  	v2 =	vand.u32 $0x3FFF, v2  }
0x3ae: {  	[tilespmem:$0xBD10] =	vst v2  }
0x3af: {  	v2 =	vld [tilespmem:s24+$0xA0];
	_ =	sdelay $0x4  }
0x3b0: {  	v2 =	vshrl.u32 v2, $0xE  }
0x3b1: {  	v2 =	vand.u32 $0x3FFF, v2  }
0x3b2: {  	[tilespmem:$0xBD20] =	vst v2  }
0x3b3: {  	v2 =	vld [tilespmem:s24+$0xB0];
	_ =	sdelay $0x4  }
0x3b4: {  	v2 =	vshrl.u32 v2, $0xE  }
0x3b5: {  	v2 =	vand.u32 $0x3FFF, v2  }
0x3b6: {  	[tilespmem:$0xBD30] =	vst v2  }
0x3b7: {  	v2 =	vld [tilespmem:s24+$0xC0];
	_ =	sdelay $0x4  }
0x3b8: {  	v2 =	vshrl.u32 v2, $0xE  }
0x3b9: {  	v2 =	vand.u32 $0x3FFF, v2  }
0x3ba: {  	[tilespmem:$0xBD40] =	vst v2  }
0x3bb: {  	v2 =	vld [tilespmem:s24+$0xD0];
	_ =	sdelay $0x4  }
0x3bc: {  	v2 =	vshrl.u32 v2, $0xE  }
0x3bd: {  	v2 =	vand.u32 $0x3FFF, v2  }
0x3be: {  	[tilespmem:$0xBD50] =	vst v2  }
0x3bf: {  	v2 =	vld [tilespmem:s24+$0xE0];
	_ =	sdelay $0x4  }
0x3c0: {  	v2 =	vshrl.u32 v2, $0xE  }
0x3c1: {  	v2 =	vand.u32 $0x3FFF, v2  }
0x3c2: {  	[tilespmem:$0xBD60] =	vst v2  }
0x3c3: {  	v2 =	vld [tilespmem:s24+$0xF0];
	_ =	sdelay $0x4  }
0x3c4: {  	v2 =	vshrl.u32 v2, $0xE  }
0x3c5: {  	v2 =	vand.u32 $0x3FFF, v2  }
0x3c6: {  	[tilespmem:$0xBD70] =	vst v2  }
0x3c7: {  	[spmem:s3] =	stream.indirect.scatter.add.f32 [tilespmem:s28], [sflag:$0x3], $0x80, s29, s23, $0xb8;
	[tilespmem:$0x1FC80] =	vst v63  }
0x3c8: {  	_ =	swait.ge [sflag:s22], $0x4000  }
.Ltmp6:
0x3c9: {  	[sflag:s22] =	ssyncset.done $0x0;
	(pc) =	sbr.rel @p1 .LBB2_5-.Ltmp6, $4  }
0x3ca: {  	[sflag:s22] =	ssyncadd.s32 $0xFFFFC000  }
0x3cb: {  	[spmem:s4] =	stream.indirect.scatter.add.f32 [tilespmem:s30], [sflag:$0x3], $0x1, s29, s23, $0xb8;
	[tilespmem:$0x1FC80] =	vst v63  }
0x3cc: {  	_ =	swait.ge [sflag:s22], $0x80  }
0x3cd: {  	[sflag:s22] =	ssyncset.done $0x0  }
.Ltmp7:
0x3ce: {  	_ = 	snop;
	(pc) =	sbr.rel .LBB2_6-.Ltmp7, $1  }
0x3cf: {  	_ =	sdelay $0x3  }
.LBB2_11:
0x3d0: {  	_ =	sfence.sel $0x180000  }
0x3d1: {  	[bflag:$0x0] =	sbarrier.arrive $0xFFFF  }
0x3d2: {  	_ =	strace $0x9000004A  }
0x3d3: {  	s0 =	stileid.u32;
	[bflag:$0x2] =	sbarrier.arrive $0xFFFF  }
0x3d4: {  	p0 =	sne.s32 s0, $0x0;
	s0 =	rddreg [dreg:$0x4]  }
0x3d5: {  	s0 =	sadd.s32 @!p0 $0x100000, s0  }
0x3d6: {  	[sflag:s0] =	ssyncadd.tile.s32 @!p0 $0x1;
	_ =	shalt  }
.Lfunc_end2:
_tile_overlayer_lowered:
.L_overlay_start_2:
0x3d7: {  	(tag) =	ssettag $0x2  }
0x3d8: {  	s0 =	rddreg [dreg:$0x0];
	s2 =	stileid.u32  }
0x3d9: {  	s1 =	rddreg [dreg:$0x1];
	p0 =	sne.s32 s2, $0x0  }
0x3da: {  	s3 =	rddreg [dreg:$0x2];
	[bflag:$0x3] =	sbarrier.arrive $0xFFFF;
	s2 =	simm.s32 @!p0 $0x1C03  }
0x3db: {  	[timem:s3], [sflag:s2] =	dma.local @!p0 [hbm:s0], s1  }
0x3dc: {  	s0 =	simm.s32 @!p0 $0x3  }
0x3dd: {  	_ =	swait.ge @!p0 [sflag:s0], s1  }
0x3de: {  	s1 =	ssub.s32 @!p0 $0x0, s1;
	[sflag:s0] =	ssyncset.done @!p0 $0x0  }
0x3df: {  	[sflag:s0] =	ssyncadd.s32 @!p0 s1  }
0x3e0: {  	[bflag:$0x3] =	sbarrier.arrive $0xFFFF  }
0x3e1: {  	_ =	shalt  }

// kernel: kernel.7.cloned.1.call-start
scs
__scs_entry_jumppad:
0x0: {  	(pc) =	sbr.rel $0x88, $3  }
0x1: {  	(tag) =	ssettag $0x0;
	lr =	simm.s32 $0x1  }
0x2: {  	[smem:$0x3F9B] =	sst lr;
	_ =	strace $0xD0000000  }
0x3: {  	_ = 	snop  }
0x4: {  	_ = 	snop  }
0x5: {  	_ = 	snop  }
0x6: {  	_ = 	snop  }
0x7: {  	_ = 	snop  }
__scs_overlays_trampoline_lowered:
0x8: {  	[smem:$0x3FAA] =	sst s0  }
0x9: {  	[smem:$0x3FAB] =	sst s1  }
0xa: {  	[smem:$0x3FAC] =	sst s2  }
0xb: {  	[smem:$0x3FAD] =	sst s3  }
0xc: {  	[smem:$0x3FAE] =	sst s4  }
0xd: {  	[smem:$0x3FAF] =	sst s5  }
0xe: {  	[smem:$0x3FB0] =	sst s6  }
0xf: {  	[smem:$0x3FB1] =	sst s7  }
0x10: {  	[smem:$0x3FB2] =	sst s8  }
0x11: {  	[smem:$0x3FB3] =	sst s9;
	s0 =	simm.s32 @!p0 $0x0  }
0x12: {  	s1 =	sld [smem:$0x3F99];
	s0 =	simm.s32 @p0 $0x1  }
0x13: {  	[smem:$0x3FB4] =	sst s0;
	s0 =	simm.s32 @!p1 $0x0  }
0x14: {  	s2 =	sld [smem:$0x3F98];
	s0 =	simm.s32 @p1 $0x1  }
0x15: {  	[smem:$0x3FB5] =	sst s0;
	s0 =	simm.s32 @!p2 $0x0  }
0x16: {  	s3 =	sld [smem:$0x3FDB];
	s0 =	simm.s32 @p2 $0x1  }
0x17: {  	s4 =	simm.s32 $0x1BF5;
	[smem:$0x3FB7] =	sst s0  }
0x18: {  	s0 =	sld [smem:$0x3F9A];
	_ =	swait.ge [sflag:s4], $0x0  }
0x19: {  	s7 =	sld [smem:$0x3F9B]  }
0x1a: {  	s8 =	sadd.s32 $0xFFFFE003, lr  }
0x1b: {  	s9 =	sadd.s32 $0xFFFFFEF7, lr;
	s5 =	simm.s32 $0xFFFFFFFF;
	p2 =	slt.u32 s8, $0xFFFFF086  }
0x1c: {  	p1 =	slt.u32 s9, $0xF7A;
	s5 =	simm.s32 @!p2 $0x0  }
0x1d: {  	s5 =	simm.s32 @p1 $0x1;
	p0 =	seq.s32 s7, s2  }
0x1e: {  	s7 =	smul.u32 @!p0 $0xF7A, s2;
	p2 =	seq.s32 @!p0 s5, $0x0  }
0x1f: {  	s9 =	smul.u32 $0xF7A, s1;
	s8 =	simm.s32 @!p0 $0x1BF5;
	p2 =	por !p2, p0  }
0x20: {  	[sflag:s8] =	ssyncset.s32 @!p0 $0xFFFFF086;
	s6 =	sadd.s32 @!p0 s3, s7;
	s7 =	simm.s32 @!p0 $0x108  }
0x21: {  	s3 =	sadd.s32 s3, s9;
	s6 =	sadd.s32 @!p0 $0x88, s6;
	s7 =	simm.s32 @p2 $0x1082  }
0x22: {  	[simem:s7], [sflag:s8] =	dma.local @!p0 [hbm:s6], $0xF7A  }
0x23: {  	s9 =	sor.u32 $0xD0000000, s2;
	s6 =	simm.s32 $0x108;
	_ =	swait.ge @!p0 [sflag:s8], $0x0  }
0x24: {  	s3 =	sadd.s32 $0x88, s3;
	s6 =	simm.s32 @!p1 $0x1082;
	[sflag:s4] =	ssyncset.s32 $0xFFFFF086  }
0x25: {  	[simem:s6], [sflag:s4] =	dma.local [hbm:s3], $0xF7A  }
0x26: {  	[smem:$0x3F9B] =	sst s1;
	(tag) =	ssettag s2;
	_ =	strace s9  }
0x27: {  	s1 =	sld [smem:$0x3FAB]  }
0x28: {  	s2 =	sld [smem:$0x3FAC]  }
0x29: {  	s4 =	sld [smem:$0x3FAE]  }
0x2a: {  	p0 =	seq.s32 s5, $0x0;
	s5 =	sld [smem:$0x3FAF]  }
0x2b: {  	s6 =	sld [smem:$0x3FB0]  }
0x2c: {  	s7 =	sld [smem:$0x3FB1]  }
0x2d: {  	s3 =	simm.s32 $0x108;
	s8 =	sld [smem:$0x3FB2]  }
0x2e: {  	s3 =	simm.s32 @!p0 $0x1082;
	s9 =	sld [smem:$0x3FB3]  }
0x2f: {  	lr =	sadd.s32 s0, s3;
	s0 =	sld [smem:$0x3FAA]  }
0x30: {  	s3 =	sld [smem:$0x3FAD]  }
0x31: {  	[smem:$0x3FB6] =	sst s10  }
0x32: {  	s10 =	sld [smem:$0x3FB4];
	_ =	sdelay $0x3  }
0x33: {  	p0 =	seq.s32 s10, $0x1;
	s10 =	sld [smem:$0x3FB6];
	_ =	sdelay $0x3  }
0x34: {  	[smem:$0x3FB6] =	sst s10  }
0x35: {  	s10 =	sld [smem:$0x3FB5];
	_ =	sdelay $0x3  }
0x36: {  	p1 =	seq.s32 s10, $0x1;
	s10 =	sld [smem:$0x3FB6];
	_ =	sdelay $0x3  }
0x37: {  	[smem:$0x3FB6] =	sst s10  }
0x38: {  	s10 =	sld [smem:$0x3FB7]  }
0x39: {  	_ = 	snop;
	(pc) =	sbr.ind lr, $3  }
0x3a: {  	_ = 	snop  }
0x3b: {  	_ = 	snop  }
0x3c: {  	p2 =	seq.s32 s10, $0x1;
	s10 =	sld [smem:$0x3FB6]  }
0x3d: {  	_ =	shalt  }
0x3e: {  	_ =	shalt  }
0x3f: {  	_ =	shalt  }
0x40: {  	_ =	shalt  }
0x41: {  	_ =	shalt  }
0x42: {  	_ =	shalt  }
0x43: {  	_ =	shalt  }
0x44: {  	_ =	shalt  }
0x45: {  	_ =	shalt  }
0x46: {  	_ =	shalt  }
0x47: {  	_ =	shalt  }
0x48: {  	_ =	shalt  }
0x49: {  	_ =	shalt  }
0x4a: {  	_ =	shalt  }
0x4b: {  	_ =	shalt  }
0x4c: {  	_ =	shalt  }
0x4d: {  	_ =	shalt  }
0x4e: {  	_ =	shalt  }
0x4f: {  	_ =	shalt  }
0x50: {  	_ =	shalt  }
0x51: {  	_ =	shalt  }
0x52: {  	_ =	shalt  }
0x53: {  	_ =	shalt  }
0x54: {  	_ =	shalt  }
0x55: {  	_ =	shalt  }
0x56: {  	_ =	shalt  }
0x57: {  	_ =	shalt  }
0x58: {  	_ =	shalt  }
0x59: {  	_ =	shalt  }
0x5a: {  	_ =	shalt  }
0x5b: {  	_ =	shalt  }
0x5c: {  	_ =	shalt  }
0x5d: {  	_ =	shalt  }
0x5e: {  	_ =	shalt  }
0x5f: {  	_ =	shalt  }
0x60: {  	_ =	shalt  }
0x61: {  	_ =	shalt  }
0x62: {  	_ =	shalt  }
0x63: {  	_ =	shalt  }
0x64: {  	_ =	shalt  }
0x65: {  	_ =	shalt  }
0x66: {  	_ =	shalt  }
0x67: {  	_ =	shalt  }
0x68: {  	_ =	shalt  }
0x69: {  	_ =	shalt  }
0x6a: {  	_ =	shalt  }
0x6b: {  	_ =	shalt  }
0x6c: {  	_ =	shalt  }
0x6d: {  	_ =	shalt  }
0x6e: {  	_ =	shalt  }
0x6f: {  	_ =	shalt  }
0x70: {  	_ =	shalt  }
0x71: {  	_ =	shalt  }
0x72: {  	_ =	shalt  }
0x73: {  	_ =	shalt  }
0x74: {  	_ =	shalt  }
0x75: {  	_ =	shalt  }
0x76: {  	_ =	shalt  }
0x77: {  	_ =	shalt  }
0x78: {  	_ =	shalt  }
0x79: {  	_ =	shalt  }
0x7a: {  	_ =	shalt  }
0x7b: {  	_ =	shalt  }
0x7c: {  	_ =	shalt  }
0x7d: {  	_ =	shalt  }
0x7e: {  	_ =	shalt  }
0x7f: {  	_ =	shalt  }
0x80: {  	_ =	shalt  }
0x81: {  	_ =	shalt  }
0x82: {  	_ =	shalt  }
0x83: {  	_ =	shalt  }
0x84: {  	_ =	shalt  }
0x85: {  	_ =	shalt  }
0x86: {  	_ =	shalt  }
0x87: {  	_ =	shalt  }
.Lfunc_end0:
.L_simem_size_0:
called_computation_lowered:
.L_overlay_start_0:
0x88: {  	s2 =	sld [smem:$0x3FD9]  }
0x89: {  	s3 =	sld [smem:$0x3FFE];
	_ =	sdelay $0x1  }
0x8a: {  	s1 =	srdreg.scid  }
0x8b: {  	s0 =	sand.u32 $0x1, s1  }
0x8c: {  	s17 =	sshll.u32 s0, $0xA;
	s2 =	sadd.s32 s3, s2  }
0x8d: {  	s2 =	sadd.s32 s2, s17  }
0x8e: {  	[smem:$0x3FC2] =	sst s2  }
0x8f: {  	_ = 	snop  }
0x90: {  	s2 =	sld [smem:$0x3FD0];
	(tm) =	ssettm $0x1  }
0x91: {  	s18 =	sld [smem:$0x3FFB];
	_ =	sdelay $0x3  }
0x92: {  	_ =	strace s18  }
0x93: {  	s3 =	sld [smem:$0x3FFC];
	_ =	sdelay $0x3  }
0x94: {  	_ =	strace s3  }
0x95: {  	s3 =	sld [smem:$0x3FFD];
	_ =	sdelay $0x3  }
0x96: {  	_ =	strace s3  }
0x97: {  	_ =	strace $0x8FFFFFFF  }
0x98: {  	s19 =	sld [smem:$0x3FDB];
	_ =	sdelay $0x1  }
0x99: {  	s4 =	simm.s32 $_scs_section_size  }
0x9a: {  	s5 =	simm.s32 $_size__tile_overlayer_lowered;
	s6 =	simm.s32 $_tile_overlayer_lowered  }
0x9b: {  	s22 =	simm.s32 $0x1BFF;
	s21 =	sshll.u32 s6, $0x1;
	s3 =	sadd.s32 s4, s19  }
0x9c: {  	s7 =	simm.s32 $0x0;
	s20 =	sshll.u32 s5, $0x1;
	s5 =	sadd.s32 s21, s3  }
0x9d: {  	[timem:s7], [sflag:s22] =	dma.local [hbm:s5], s20  }
0x9e: {  	_ =	swait.ge [sflag:s22], s20  }
0x9f: {  	s4 =	ssub.s32 $0x0, s20;
	[sflag:s22] =	ssyncset.done $0x0  }
0xa0: {  	[sflag:s22] =	ssyncadd.s32 s4;
	_ =	sdelay $0x1  }
0xa1: {  	s23 =	simm.s32 $0x1B8B  }
0xa2: {  	_ =	swait.ge [sflag:s23], $0x1  }
0xa3: {  	[sflag:s23] =	ssyncset.done $0x0  }
0xa4: {  	s25 =	simm.s32 $0x1B8E;
	s24 =	sld [smem:$0x3FFE];
	[sflag:s23] =	ssyncadd.s32 $0xFFFFFFFF  }
0xa5: {  	s26 =	simm.s32 $execute0_lowered;
	[smem:$0x3FD2] =	sst s25  }
0xa6: {  	s5 =	sshll.u32 s26, $0x1;
	_ =	strace $0x80000046;
	[dreg:$0x1] =	wrdreg $0xFFFFFFFF  }
0xa7: {  	s28 =	simm.s32 $_size_execute0_lowered;
	s3 =	sadd.s32 s3, s5;
	[dreg:$0x0] =	wrdreg $0x0  }
0xa8: {  	s5 =	sshll.u32 s28, $0x1;
	[dreg:$0x2] =	wrdreg s3  }
0xa9: {  	[dreg:$0x3] =	wrdreg s5  }
0xaa: {  	[dreg:$0x4] =	wrdreg $0xC0  }
0xab: {  	_ =	task [dreg:s7], $0x5FFFF  }
0xac: {  	[dreg:$0x1] =	wrdreg $0xFFFFFFFF  }
0xad: {  	[dreg:$0x0] =	wrdreg $0x60  }
0xae: {  	[dreg:$0x2] =	wrdreg s2  }
0xaf: {  	[dreg:$0x3] =	wrdreg s24  }
0xb0: {  	[dreg:$0x4] =	wrdreg $0xBE000  }
0xb1: {  	[dreg:$0x5] =	wrdreg $0x1FA000  }
0xb2: {  	[dreg:$0x6] =	wrdreg $0x9  }
0xb3: {  	_ =	task.clear_ibuf [dreg:s7], $0x7FFFF;
	_ =	strace $0x90000046  }
0xb4: {  	s29 =	simm.s32 $0x9;
	_ =	strace $0x80000048  }
0xb5: {  	_ =	swait.ge [sflag:s29], $0x1  }
0xb6: {  	[sflag:s29] =	ssyncadd.s32 $0xFFFFFFFF  }
0xb7: {  	_ =	strace $0x90000048  }
0xb8: {  	_ =	sfence  }
0xb9: {  	s30 =	sld [smem:$0x0];
	_ =	sdelay $0x2  }
0xba: {  	s31 =	sshll.u32 s1, $0xD;
	s1 =	sshrl.u32 s1, $0x2  }
0xbb: {  	s3 =	sand.u32 $0x4000, s31;
	s1 =	sadd.s32 s1, s30  }
0xbc: {  	s0 =	sor.u32 s3, s0;
	s1 =	sshll.u32 s1, $0x11  }
0xbd: {  	s0 =	sor.u32 s1, s0  }
0xbe: {  	s0 =	sadd.s32 $0x8F2B, s0  }
0xbf: {  	[sflag:s0] =	ssyncadd.remote.s32 $0x1  }
0xc0: {  	_ =	sfence.sel $0xFFFF  }
0xc1: {  	[dreg:$0x0] =	wrdreg $0xFFFFFFFF;
	(pc) =	sbr.abs _section_cstart, $3  }
0xc2: {  	[dreg:$0x1] =	wrdreg $0xFFFFFFFF  }
0xc3: {  	_ =	task.clear_ibuf [dreg:s7], $0x2FFFF;
	_ =	strace $0x9FFFFFFF  }
0xc4: {  	(tm) =	ssettm $0x7FFFFFFF  }
0xc5: {  	_ =	shalt  }
tec
execute0_lowered:
.L_overlay_start_1:
0x0: {  	(tag) =	ssettag $0x1  }
0x1: {  	s1 =	rddreg [dreg:$0x0];
	s2 =	srdreg.scid  }
0x2: {  	s0 =	stileid.u32;
	s7 =	rddreg [dreg:$0x1]  }
0x3: {  	s3 =	rddreg [dreg:$0x2];
	s6 =	smul.u32 $0x2780, s0  }
0x4: {  	s4 =	rddreg [dreg:$0x3];
	s9 =	smul.u32 $0x280, s0  }
0x5: {  	s5 =	simm.s32 $0x0;
	s22 =	simm.s32 $0x3;
	s23 =	smul.u32 $0x4F000, s0  }
0x6: {  	s28 =	simm.s32 $0x7C00;
	s29 =	simm.s32 $0xBD00;
	s14 =	smul.u32 $0x1400, s0  }
0x7: {  	s30 =	simm.s32 $0xBD80;
	s2 =	sand.u32 $0x1, s2;
	s21 =	smul.u32 $0x780, s0  }
0x8: {  	[smem:$0x7FF] =	sst s5;
	s16 =	sadd.s32 $0x2400, s7;
	s8 =	smul.u32 $0x27800, s2  }
0x9: {  	s10 =	smul.u32 $0x2800, s2;
	_ =	strace $0x80000047;
	s25 =	ssub.s32 $0x2, s2  }
0xa: {  	p0 =	seq.s32 s2, $0x0;
	s12 =	sshrl.u32 s25, $0x1;
	s18 =	sshrl.u32 s14, $0x3  }
0xb: {  	s31 =	sadd.s32 s16, s21;
	s21 =	simm.s32 $0x3C00;
	s6 =	sadd.s32 s6, s8  }
0xc: {  	s24 =	sadd.s32 s9, s10;
	s8 =	sshrl.u32 s23, $0x2;
	s20 =	ssub.s32 s25, s12  }
0xd: {  	s9 =	sadd.s32 s9, s4;
	s18 =	sadd.s32 s16, s18;
	[dreg:$0x6] =	wrdreg s31  }
0xe: {  	s23 =	simm.s32 $0x80;
	s25 =	simm.s32 $0x1;
	s17 =	sadd.s32 s6, s7  }
0xf: {  	s11 =	sshrl.u32 s24, $0x3;
	s6 =	sadd.s32 s8, s3;
	s12 =	sadd.s32 $0x80, s9  }
.Ltmp0:
0x10: {  	s13 =	sadd.s32 $0x100, s9;
	s14 =	sadd.s32 $0x180, s9;
	(pc) =	sbr.rel .LBB2_1-.Ltmp0, $4  }
0x11: {  	s15 =	sadd.s32 $0x200, s9;
	s26 =	sadd.s32 $0x7800, s18;
	s20 =	smax.u32 s20, $0x1  }
0x12: {  	s19 =	sadd.s32 s11, s7;
	s7 =	sadd.s32 $0x4000, s6;
	s8 =	sadd.s32 $0x8000, s6  }
0x13: {  	s10 =	sadd.s32 $0xC000, s6;
	s11 =	sadd.s32 $0x10000, s6;
	[dreg:$0x5] =	wrdreg s26  }
0x14: {  	v0 =	vimm.f32 $1.000000000e+00;
	v1 =	vimm.f32 $0.0e+00;
	s18 =	sadd.s32 $0xC400, s17;
	s26 =	simm.s32 $0xBC80;
	s19 =	sadd.s32 $0x5B400, s19  }
.LBB2_6:
0x15: {  	s2 =	sshra.s32 s31, $0x2;
	[sflag:s22] =	ssyncadd.s32 $0xFFFFFF80  }
0x16: {  	v2 =	vld [tilespmem:s2+$0x80];
	_ =	sdelay $0x4  }
0x17: {  	v2 =	vand.u32 $0x3FFF, v2  }
0x18: {  	[tilespmem:$0xBC80] =	vst v2  }
0x19: {  	v2 =	vld [tilespmem:s2+$0x90];
	_ =	sdelay $0x4  }
0x1a: {  	v2 =	vand.u32 $0x3FFF, v2  }
0x1b: {  	[tilespmem:$0xBC90] =	vst v2  }
0x1c: {  	v2 =	vld [tilespmem:s2+$0xA0];
	_ =	sdelay $0x4  }
0x1d: {  	v2 =	vand.u32 $0x3FFF, v2  }
0x1e: {  	[tilespmem:$0xBCA0] =	vst v2  }
0x1f: {  	v2 =	vld [tilespmem:s2+$0xB0];
	_ =	sdelay $0x4  }
0x20: {  	v2 =	vand.u32 $0x3FFF, v2  }
0x21: {  	[tilespmem:$0xBCB0] =	vst v2  }
0x22: {  	v2 =	vld [tilespmem:s2+$0xC0];
	_ =	sdelay $0x4  }
0x23: {  	v2 =	vand.u32 $0x3FFF, v2  }
0x24: {  	[tilespmem:$0xBCC0] =	vst v2  }
0x25: {  	v2 =	vld [tilespmem:s2+$0xD0];
	_ =	sdelay $0x4  }
0x26: {  	v2 =	vand.u32 $0x3FFF, v2  }
0x27: {  	[tilespmem:$0xBCD0] =	vst v2  }
0x28: {  	v2 =	vld [tilespmem:s2+$0xE0];
	_ =	sdelay $0x4  }
0x29: {  	v2 =	vand.u32 $0x3FFF, v2  }
0x2a: {  	[tilespmem:$0xBCE0] =	vst v2  }
0x2b: {  	v2 =	vld [tilespmem:s2+$0xF0];
	_ =	sdelay $0x4  }
0x2c: {  	v2 =	vand.u32 $0x3FFF, v2  }
0x2d: {  	[tilespmem:$0xBCF0] =	vst v2  }
0x2e: {  	_ =	swait.ge [sflag:s25], $0x4000  }
0x2f: {  	[sflag:s25] =	ssyncset.done $0x0  }
0x30: {  	[sflag:s25] =	ssyncadd.s32 $0xFFFFC000  }
0x31: {  	[tilespmem:s28], [sflag:$0x2] =	stream.indirect.gather [hbm4b:s1+s23], $0x80, s26, s23, $0xb8;
	[tilespmem:$0x1FC80] =	vst v63  }
0x32: {  	v2 =	vld [tilespmem:s2+$0x0];
	_ =	sdelay $0x4  }
0x33: {  	v2 =	vshrl.u32 v2, $0xE  }
0x34: {  	v2 =	vand.u32 $0x3FFF, v2  }
0x35: {  	[tilespmem:$0xBD00] =	vst v2  }
0x36: {  	v2 =	vld [tilespmem:s2+$0x10];
	_ =	sdelay $0x4  }
0x37: {  	v2 =	vshrl.u32 v2, $0xE  }
0x38: {  	v2 =	vand.u32 $0x3FFF, v2  }
0x39: {  	[tilespmem:$0xBD10] =	vst v2  }
0x3a: {  	v2 =	vld [tilespmem:s2+$0x20];
	_ =	sdelay $0x4  }
0x3b: {  	v2 =	vshrl.u32 v2, $0xE  }
0x3c: {  	v2 =	vand.u32 $0x3FFF, v2  }
0x3d: {  	[tilespmem:$0xBD20] =	vst v2  }
0x3e: {  	v2 =	vld [tilespmem:s2+$0x30];
	_ =	sdelay $0x4  }
0x3f: {  	v2 =	vshrl.u32 v2, $0xE  }
0x40: {  	v2 =	vand.u32 $0x3FFF, v2  }
0x41: {  	[tilespmem:$0xBD30] =	vst v2  }
0x42: {  	v2 =	vld [tilespmem:s2+$0x40];
	_ =	sdelay $0x4  }
0x43: {  	v2 =	vshrl.u32 v2, $0xE  }
0x44: {  	v2 =	vand.u32 $0x3FFF, v2  }
0x45: {  	[tilespmem:$0xBD40] =	vst v2  }
0x46: {  	v2 =	vld [tilespmem:s2+$0x50];
	_ =	sdelay $0x4  }
0x47: {  	v2 =	vshrl.u32 v2, $0xE  }
0x48: {  	v2 =	vand.u32 $0x3FFF, v2  }
0x49: {  	[tilespmem:$0xBD50] =	vst v2  }
0x4a: {  	v2 =	vld [tilespmem:s2+$0x60];
	_ =	sdelay $0x4  }
0x4b: {  	v2 =	vshrl.u32 v2, $0xE  }
0x4c: {  	v2 =	vand.u32 $0x3FFF, v2  }
0x4d: {  	[tilespmem:$0xBD60] =	vst v2  }
0x4e: {  	v2 =	vld [tilespmem:s2+$0x70];
	_ =	sdelay $0x4  }
0x4f: {  	v2 =	vshrl.u32 v2, $0xE  }
0x50: {  	v2 =	vand.u32 $0x3FFF, v2  }
0x51: {  	[tilespmem:$0xBD70] =	vst v2  }
0x52: {  	[spmem:s3] =	stream.indirect.scatter.add.f32 [tilespmem:s21], [sflag:$0x3], $0x80, s29, s23, $0xb8;
	[tilespmem:$0x1FC80] =	vst v63  }
0x53: {  	_ =	swait.ge [sflag:s22], $0x4000  }
0x54: {  	[sflag:s22] =	ssyncset.done $0x0  }
0x55: {  	[sflag:s22] =	ssyncadd.s32 $0xFFFFC000  }
0x56: {  	[spmem:s4] =	stream.indirect.scatter.add.f32 [tilespmem:s30], [sflag:$0x3], $0x1, s29, s23, $0xb8;
	[tilespmem:$0x1FC80] =	vst v63  }
0x57: {  	_ =	swait.ge [sflag:s22], $0x80  }
0x58: {  	p1 =	seq.s32 s31, $0x4C00;
	[sflag:s22] =	ssyncset.done $0x0  }
0x59: {  	s0 =	simm.s32 @p1 $0x2;
	[sflag:s22] =	ssyncadd.s32 $0xFFFFFF80  }
0x5a: {  	_ =	swait.ge @p1 [sflag:s0], $0x4000  }
0x5b: {  	[sflag:s0] =	ssyncset.done @p1 $0x0  }
0x5c: {  	[sflag:s0] =	ssyncadd.s32 @p1 $0xFFFFC000;
	s0 =	sshra.s32 @!p1 s31, $0x2  }
0x5d: {  	v2 =	vld @!p1 [tilespmem:s0+$0x100];
	_ =	sdelay $0x4  }
0x5e: {  	v2 =	vand.u32 @!p1 $0x3FFF, v2  }
0x5f: {  	[tilespmem:$0xBC00] =	vst @!p1 v2  }
0x60: {  	v2 =	vld @!p1 [tilespmem:s0+$0x110];
	_ =	sdelay $0x4  }
0x61: {  	v2 =	vand.u32 @!p1 $0x3FFF, v2  }
0x62: {  	[tilespmem:$0xBC10] =	vst @!p1 v2  }
0x63: {  	v2 =	vld @!p1 [tilespmem:s0+$0x120];
	_ =	sdelay $0x4  }
0x64: {  	v2 =	vand.u32 @!p1 $0x3FFF, v2  }
0x65: {  	[tilespmem:$0xBC20] =	vst @!p1 v2  }
0x66: {  	v2 =	vld @!p1 [tilespmem:s0+$0x130];
	_ =	sdelay $0x4  }
0x67: {  	v2 =	vand.u32 @!p1 $0x3FFF, v2  }
0x68: {  	[tilespmem:$0xBC30] =	vst @!p1 v2  }
0x69: {  	v2 =	vld @!p1 [tilespmem:s0+$0x140];
	_ =	sdelay $0x4  }
0x6a: {  	v2 =	vand.u32 @!p1 $0x3FFF, v2  }
0x6b: {  	[tilespmem:$0xBC40] =	vst @!p1 v2  }
0x6c: {  	v2 =	vld @!p1 [tilespmem:s0+$0x150];
	_ =	sdelay $0x4  }
0x6d: {  	v2 =	vand.u32 @!p1 $0x3FFF, v2  }
0x6e: {  	[tilespmem:$0xBC50] =	vst @!p1 v2  }
0x6f: {  	v2 =	vld @!p1 [tilespmem:s0+$0x160];
	_ =	sdelay $0x4  }
0x70: {  	v2 =	vand.u32 @!p1 $0x3FFF, v2  }
0x71: {  	[tilespmem:$0xBC60] =	vst @!p1 v2  }
0x72: {  	v2 =	vld @!p1 [tilespmem:s0+$0x170];
	_ =	sdelay $0x4  }
0x73: {  	v2 =	vand.u32 @!p1 $0x3FFF, v2  }
0x74: {  	s0 =	simm.s32 @!p1 $0x2;
	[tilespmem:$0xBC70] =	vst @!p1 v2  }
0x75: {  	_ =	swait.ge @!p1 [sflag:s0], $0x4000  }
0x76: {  	s16 =	simm.s32 @!p1 $0x3C00;
	[sflag:s0] =	ssyncset.done @!p1 $0x0  }
0x77: {  	s17 =	simm.s32 @!p1 $0xBC00;
	[sflag:s0] =	ssyncadd.s32 @!p1 $0xFFFFC000;
	s0 =	simm.s32 @!p1 $0x80  }
0x78: {  	[tilespmem:s16], [sflag:$0x1] =	stream.indirect.gather @!p1 [hbm4b:s1+s0], $0x80, s17, s0, $0xb8;
	[tilespmem:$0x1FC80] =	vst v63  }
0x79: {  	v2 =	vld [tilespmem:s2+$0x80];
	_ =	sdelay $0x4  }
0x7a: {  	v2 =	vshrl.u32 v2, $0xE  }
0x7b: {  	v2 =	vand.u32 $0x3FFF, v2  }
0x7c: {  	[tilespmem:$0xBD00] =	vst v2  }
0x7d: {  	v2 =	vld [tilespmem:s2+$0x90];
	_ =	sdelay $0x4  }
0x7e: {  	v2 =	vshrl.u32 v2, $0xE  }
0x7f: {  	v2 =	vand.u32 $0x3FFF, v2  }
0x80: {  	[tilespmem:$0xBD10] =	vst v2  }
0x81: {  	v2 =	vld [tilespmem:s2+$0xA0];
	_ =	sdelay $0x4  }
0x82: {  	v2 =	vshrl.u32 v2, $0xE  }
0x83: {  	v2 =	vand.u32 $0x3FFF, v2  }
0x84: {  	[tilespmem:$0xBD20] =	vst v2  }
0x85: {  	v2 =	vld [tilespmem:s2+$0xB0];
	_ =	sdelay $0x4  }
0x86: {  	v2 =	vshrl.u32 v2, $0xE  }
0x87: {  	v2 =	vand.u32 $0x3FFF, v2  }
0x88: {  	[tilespmem:$0xBD30] =	vst v2  }
0x89: {  	v2 =	vld [tilespmem:s2+$0xC0];
	_ =	sdelay $0x4  }
0x8a: {  	v2 =	vshrl.u32 v2, $0xE  }
0x8b: {  	v2 =	vand.u32 $0x3FFF, v2  }
0x8c: {  	[tilespmem:$0xBD40] =	vst v2  }
0x8d: {  	v2 =	vld [tilespmem:s2+$0xD0];
	_ =	sdelay $0x4  }
0x8e: {  	v2 =	vshrl.u32 v2, $0xE  }
0x8f: {  	v2 =	vand.u32 $0x3FFF, v2  }
0x90: {  	[tilespmem:$0xBD50] =	vst v2  }
0x91: {  	v2 =	vld [tilespmem:s2+$0xE0];
	_ =	sdelay $0x4  }
0x92: {  	v2 =	vshrl.u32 v2, $0xE  }
0x93: {  	v2 =	vand.u32 $0x3FFF, v2  }
0x94: {  	[tilespmem:$0xBD60] =	vst v2  }
0x95: {  	v2 =	vld [tilespmem:s2+$0xF0];
	_ =	sdelay $0x4  }
0x96: {  	v2 =	vshrl.u32 v2, $0xE  }
0x97: {  	v2 =	vand.u32 $0x3FFF, v2  }
0x98: {  	[tilespmem:$0xBD70] =	vst v2  }
0x99: {  	[spmem:s3] =	stream.indirect.scatter.add.f32 [tilespmem:s28], [sflag:$0x3], $0x80, s29, s23, $0xb8;
	[tilespmem:$0x1FC80] =	vst v63  }
0x9a: {  	_ =	swait.ge [sflag:s22], $0x4000  }
0x9b: {  	[sflag:s22] =	ssyncset.done $0x0  }
0x9c: {  	[sflag:s22] =	ssyncadd.s32 $0xFFFFC000  }
0x9d: {  	[spmem:s4] =	stream.indirect.scatter.add.f32 [tilespmem:s30], [sflag:$0x3], $0x1, s29, s23, $0xb8;
	[tilespmem:$0x1FC80] =	vst v63  }
0x9e: {  	_ =	swait.ge [sflag:s22], $0x80  }
0x9f: {  	[sflag:s22] =	ssyncset.done $0x0  }
0xa0: {  	[sflag:s22] =	ssyncadd.s32 $0xFFFFFF80  }
.LBB2_10:
0xa1: {  	s0 =	stileid.u32  }
0xa2: {  	s0 =	sshll.u32 s0, $0x6  }
0xa3: {  	[bflag:$0x0] =	sbarrier.arrive $0xFFFF;
	s2 =	sshrl.u32 s6, $0x3;
	s0 =	sor.u32 $0x1C03, s0  }
0xa4: {  	[hbm:s18], [sflag:s0] =	dma.local [spmem:s2], $0x2780  }
0xa5: {  	s5 =	sadd.s32 $0x1, s5;
	_ =	swait.ge [sflag:s22], $0x2780  }
0xa6: {  	p1 =	sne.s32 s5, s20;
	[sflag:s22] =	ssyncset.done $0x0  }
.Ltmp1:
0xa7: {  	s31 =	sshrl.u32 s9, $0x3;
	[sflag:s22] =	ssyncadd.s32 $0xFFFFD880;
	(pc) =	sbr.rel @!p1 .LBB2_11-.Ltmp1, $4  }
0xa8: {  	[hbm:s19], [sflag:s0] =	dma.local [spmem:s31], $0x50  }
0xa9: {  	_ =	swait.ge [sflag:s22], $0x50  }
0xaa: {  	[sflag:s22] =	ssyncset.done $0x0  }
0xab: {  	[sflag:s22] =	ssyncadd.s32 $0xFFFFFFB0  }
.LBB2_1:
0xac: {  	[tilespmem:$0xBD80] =	vst v0  }
0xad: {  	[tilespmem:$0xBD90] =	vst v0  }
0xae: {  	[tilespmem:$0xBDA0] =	vst v0  }
0xaf: {  	[tilespmem:$0xBDB0] =	vst v0  }
0xb0: {  	[tilespmem:$0xBDC0] =	vst v0  }
0xb1: {  	[tilespmem:$0xBDD0] =	vst v0  }
0xb2: {  	[tilespmem:$0xBDE0] =	vst v0  }
0xb3: {  	[tilespmem:$0xBDF0] =	vst v0;
	s2 =	simm.s32 $0x0;
	s16 =	simm.s32 $0x200  }
.LBB2_2:
0xb4: {  	p1 =	sne.s32 s16, $0xFE00;
	[tilespmem:s2+$0x3C70] =	vst v1  }
0xb5: {  	[tilespmem:s2+$0x3C00] =	vst v1  }
0xb6: {  	[tilespmem:s2+$0x3C10] =	vst v1  }
.Ltmp2:
0xb7: {  	[tilespmem:s2+$0x3C20] =	vst v1;
	(pc) =	sbr.rel @p1 .LBB2_2-.Ltmp2, $4  }
0xb8: {  	[tilespmem:s2+$0x3C30] =	vst v1  }
0xb9: {  	[tilespmem:s2+$0x3C40] =	vst v1  }
0xba: {  	[tilespmem:s2+$0x3C50] =	vst v1  }
0xbb: {  	[tilespmem:s2+$0x3C60] =	vst v1;
	s2 =	sshra.s32 s16, $0x2;
	s16 =	sadd.s32 $0x200, s16  }
0xbc: {  	[tilespmem:s2+$0x3C70] =	vst v1  }
0xbd: {  	[tilespmem:s2+$0x3C00] =	vst v1  }
0xbe: {  	[tilespmem:s2+$0x3C10] =	vst v1  }
0xbf: {  	[tilespmem:s2+$0x3C20] =	vst v1  }
0xc0: {  	[tilespmem:s2+$0x3C30] =	vst v1  }
0xc1: {  	[tilespmem:s2+$0x3C40] =	vst v1  }
0xc2: {  	[tilespmem:s2+$0x3C50] =	vst v1  }
0xc3: {  	[tilespmem:s2+$0x3C60] =	vst v1  }
0xc4: {  	[spmem:s6] =	stream.linear.scatter [tilespmem:s21], [sflag:$0x3], $0x4000, $0x38;
	[tilespmem:$0x1FC80] =	vst v63  }
0xc5: {  	_ =	swait.ge [sflag:s22], $0x4000  }
0xc6: {  	[sflag:s22] =	ssyncset.done $0x0  }
0xc7: {  	[sflag:s22] =	ssyncadd.s32 $0xFFFFC000  }
0xc8: {  	[spmem:s7] =	stream.linear.scatter [tilespmem:s21], [sflag:$0x3], $0x4000, $0x38;
	[tilespmem:$0x1FC80] =	vst v63  }
0xc9: {  	_ =	swait.ge [sflag:s22], $0x4000  }
0xca: {  	[sflag:s22] =	ssyncset.done $0x0  }
0xcb: {  	[sflag:s22] =	ssyncadd.s32 $0xFFFFC000  }
0xcc: {  	[spmem:s8] =	stream.linear.scatter [tilespmem:s21], [sflag:$0x3], $0x4000, $0x38;
	[tilespmem:$0x1FC80] =	vst v63  }
0xcd: {  	_ =	swait.ge [sflag:s22], $0x4000  }
0xce: {  	[sflag:s22] =	ssyncset.done $0x0  }
0xcf: {  	[sflag:s22] =	ssyncadd.s32 $0xFFFFC000  }
0xd0: {  	[spmem:s10] =	stream.linear.scatter [tilespmem:s21], [sflag:$0x3], $0x4000, $0x38;
	[tilespmem:$0x1FC80] =	vst v63  }
0xd1: {  	_ =	swait.ge [sflag:s22], $0x4000  }
0xd2: {  	[sflag:s22] =	ssyncset.done $0x0  }
0xd3: {  	[sflag:s22] =	ssyncadd.s32 $0xFFFFC000  }
0xd4: {  	[spmem:s11] =	stream.linear.scatter [tilespmem:s21], [sflag:$0x3], $0x3C00, $0x38;
	[tilespmem:$0x1FC80] =	vst v63  }
0xd5: {  	_ =	swait.ge [sflag:s22], $0x3C00  }
0xd6: {  	[sflag:s22] =	ssyncset.done $0x0  }
0xd7: {  	[sflag:s22] =	ssyncadd.s32 $0xFFFFC400  }
0xd8: {  	[spmem:s9] =	stream.linear.scatter [tilespmem:s21], [sflag:$0x3], $0x80, $0x38;
	[tilespmem:$0x1FC80] =	vst v63  }
0xd9: {  	_ =	swait.ge [sflag:s22], $0x80  }
0xda: {  	[sflag:s22] =	ssyncset.done $0x0  }
0xdb: {  	[sflag:s22] =	ssyncadd.s32 $0xFFFFFF80  }
0xdc: {  	[spmem:s12] =	stream.linear.scatter [tilespmem:s21], [sflag:$0x3], $0x80, $0x38;
	[tilespmem:$0x1FC80] =	vst v63  }
0xdd: {  	_ =	swait.ge [sflag:s22], $0x80  }
0xde: {  	[sflag:s22] =	ssyncset.done $0x0  }
0xdf: {  	[sflag:s22] =	ssyncadd.s32 $0xFFFFFF80  }
0xe0: {  	[spmem:s13] =	stream.linear.scatter [tilespmem:s21], [sflag:$0x3], $0x80, $0x38;
	[tilespmem:$0x1FC80] =	vst v63  }
0xe1: {  	_ =	swait.ge [sflag:s22], $0x80  }
0xe2: {  	[sflag:s22] =	ssyncset.done $0x0  }
0xe3: {  	[sflag:s22] =	ssyncadd.s32 $0xFFFFFF80  }
0xe4: {  	[spmem:s14] =	stream.linear.scatter [tilespmem:s21], [sflag:$0x3], $0x80, $0x38;
	[tilespmem:$0x1FC80] =	vst v63  }
0xe5: {  	_ =	swait.ge [sflag:s22], $0x80  }
0xe6: {  	[sflag:s22] =	ssyncset.done $0x0  }
.Ltmp3:
0xe7: {  	[sflag:s22] =	ssyncadd.s32 $0xFFFFFF80;
	(pc) =	sbr.rel @!p0 .LBB2_4-.Ltmp3, $4  }
0xe8: {  	[spmem:s15] =	stream.linear.scatter [tilespmem:s21], [sflag:$0x3], $0x80, $0x38;
	[tilespmem:$0x1FC80] =	vst v63  }
0xe9: {  	_ =	swait.ge [sflag:s22], $0x80  }
0xea: {  	[sflag:s22] =	ssyncset.done $0x0  }
0xeb: {  	s2 =	simm.s32 $0x0;
	[sflag:s22] =	ssyncadd.s32 $0xFFFFFF80  }
0xec: {  	s0 =	rddreg [dreg:$0x6]  }
0xed: {  	[tilespmem:s2], [sflag:$0x3] =	stream.linear.gather [hbm4b:s0+s2], $0x3C00, $0x38;
	[tilespmem:$0x1FC80] =	vst v63  }
0xee: {  	_ =	swait.ge [sflag:s22], $0x3C00  }
0xef: {  	[sflag:s22] =	ssyncset.done $0x0  }
0xf0: {  	[sflag:s22] =	ssyncadd.s32 $0xFFFFC400  }
0xf1: {  	[bflag:$0x0] =	sbarrier.arrive $0xFFFF  }
0xf2: {  	v2 =	vld [tilespmem:$0x0]  }
0xf3: {  	v3 =	vld [tilespmem:$0x10]  }
0xf4: {  	v4 =	vld [tilespmem:$0x20]  }
0xf5: {  	v5 =	vld [tilespmem:$0x30]  }
0xf6: {  	v6 =	vld [tilespmem:$0x40]  }
0xf7: {  	v7 =	vld [tilespmem:$0x50];
	v2 =	vand.u32 $0x3FFF, v2  }
0xf8: {  	[tilespmem:$0xBC00] =	vst v2;
	v2 =	vand.u32 $0x3FFF, v3;
	v3 =	vld [tilespmem:$0x60]  }
0xf9: {  	v63 =	vld [tilespmem:$0x70];
	[tilespmem:$0xBC10] =	vst v2;
	v2 =	vand.u32 $0x3FFF, v4  }
0xfa: {  	[tilespmem:$0xBC20] =	vst v2;
	v2 =	vand.u32 $0x3FFF, v5  }
0xfb: {  	[tilespmem:$0xBC30] =	vst v2;
	v2 =	vand.u32 $0x3FFF, v6  }
0xfc: {  	[tilespmem:$0xBC40] =	vst v2;
	v2 =	vand.u32 $0x3FFF, v7  }
0xfd: {  	[tilespmem:$0xBC50] =	vst v2;
	v2 =	vand.u32 $0x3FFF, v3  }
0xfe: {  	[tilespmem:$0xBC60] =	vst v2;
	v2 =	vand.u32 $0x3FFF, v63  }
0xff: {  	s24 =	simm.s32 $0xBC00;
	s0 =	simm.s32 $0x0;
	[tilespmem:$0xBC70] =	vst v2  }
0x100: {  	[tilespmem:s21], [sflag:$0x1] =	stream.indirect.gather [hbm4b:s1+s23], $0x80, s24, s23, $0xb8;
	[tilespmem:$0x1FC80] =	vst v63  }
0x101: {  	v2 =	vld [tilespmem:s0+$0x80];
	_ =	sdelay $0x4  }
0x102: {  	v2 =	vand.u32 $0x3FFF, v2  }
0x103: {  	[tilespmem:$0xBC80] =	vst v2  }
0x104: {  	v2 =	vld [tilespmem:s0+$0x90];
	_ =	sdelay $0x4  }
0x105: {  	v2 =	vand.u32 $0x3FFF, v2  }
0x106: {  	[tilespmem:$0xBC90] =	vst v2  }
0x107: {  	v2 =	vld [tilespmem:s0+$0xA0];
	_ =	sdelay $0x4  }
0x108: {  	v2 =	vand.u32 $0x3FFF, v2  }
0x109: {  	[tilespmem:$0xBCA0] =	vst v2  }
0x10a: {  	v2 =	vld [tilespmem:s0+$0xB0];
	_ =	sdelay $0x4  }
0x10b: {  	v2 =	vand.u32 $0x3FFF, v2  }
0x10c: {  	[tilespmem:$0xBCB0] =	vst v2  }
0x10d: {  	v2 =	vld [tilespmem:s0+$0xC0];
	_ =	sdelay $0x4  }
0x10e: {  	v2 =	vand.u32 $0x3FFF, v2  }
0x10f: {  	[tilespmem:$0xBCC0] =	vst v2  }
0x110: {  	v2 =	vld [tilespmem:s0+$0xD0];
	_ =	sdelay $0x4  }
0x111: {  	v2 =	vand.u32 $0x3FFF, v2  }
0x112: {  	[tilespmem:$0xBCD0] =	vst v2  }
0x113: {  	v2 =	vld [tilespmem:s0+$0xE0];
	_ =	sdelay $0x4  }
0x114: {  	v2 =	vand.u32 $0x3FFF, v2  }
0x115: {  	[tilespmem:$0xBCE0] =	vst v2  }
0x116: {  	v2 =	vld [tilespmem:s0+$0xF0];
	_ =	sdelay $0x4  }
0x117: {  	v2 =	vand.u32 $0x3FFF, v2  }
0x118: {  	[tilespmem:$0xBCF0] =	vst v2  }
0x119: {  	_ =	swait.ge [sflag:s25], $0x4000  }
0x11a: {  	[sflag:s25] =	ssyncset.done $0x0  }
0x11b: {  	[sflag:s25] =	ssyncadd.s32 $0xFFFFC000  }
0x11c: {  	[tilespmem:s28], [sflag:$0x2] =	stream.indirect.gather [hbm4b:s1+s23], $0x80, s26, s23, $0xb8;
	[tilespmem:$0x1FC80] =	vst v63  }
0x11d: {  	v2 =	vld [tilespmem:s0+$0x0];
	_ =	sdelay $0x4  }
0x11e: {  	v2 =	vshrl.u32 v2, $0xE  }
0x11f: {  	v2 =	vand.u32 $0x3FFF, v2  }
0x120: {  	[tilespmem:$0xBD00] =	vst v2  }
0x121: {  	v2 =	vld [tilespmem:s0+$0x10];
	_ =	sdelay $0x4  }
0x122: {  	v2 =	vshrl.u32 v2, $0xE  }
0x123: {  	v2 =	vand.u32 $0x3FFF, v2  }
0x124: {  	[tilespmem:$0xBD10] =	vst v2  }
0x125: {  	v2 =	vld [tilespmem:s0+$0x20];
	_ =	sdelay $0x4  }
0x126: {  	v2 =	vshrl.u32 v2, $0xE  }
0x127: {  	v2 =	vand.u32 $0x3FFF, v2  }
0x128: {  	[tilespmem:$0xBD20] =	vst v2  }
0x129: {  	v2 =	vld [tilespmem:s0+$0x30];
	_ =	sdelay $0x4  }
0x12a: {  	v2 =	vshrl.u32 v2, $0xE  }
0x12b: {  	v2 =	vand.u32 $0x3FFF, v2  }
0x12c: {  	[tilespmem:$0xBD30] =	vst v2  }
0x12d: {  	v2 =	vld [tilespmem:s0+$0x40];
	_ =	sdelay $0x4  }
0x12e: {  	v2 =	vshrl.u32 v2, $0xE  }
0x12f: {  	v2 =	vand.u32 $0x3FFF, v2  }
0x130: {  	[tilespmem:$0xBD40] =	vst v2  }
0x131: {  	v2 =	vld [tilespmem:s0+$0x50];
	_ =	sdelay $0x4  }
0x132: {  	v2 =	vshrl.u32 v2, $0xE  }
0x133: {  	v2 =	vand.u32 $0x3FFF, v2  }
0x134: {  	[tilespmem:$0xBD50] =	vst v2  }
0x135: {  	v2 =	vld [tilespmem:s0+$0x60];
	_ =	sdelay $0x4  }
0x136: {  	v2 =	vshrl.u32 v2, $0xE  }
0x137: {  	v2 =	vand.u32 $0x3FFF, v2  }
0x138: {  	[tilespmem:$0xBD60] =	vst v2  }
0x139: {  	v2 =	vld [tilespmem:s0+$0x70];
	_ =	sdelay $0x4  }
0x13a: {  	v2 =	vshrl.u32 v2, $0xE  }
0x13b: {  	v2 =	vand.u32 $0x3FFF, v2  }
0x13c: {  	[tilespmem:$0xBD70] =	vst v2  }
0x13d: {  	[spmem:s3] =	stream.indirect.scatter.add.f32 [tilespmem:s21], [sflag:$0x3], $0x80, s29, s23, $0xb8;
	[tilespmem:$0x1FC80] =	vst v63  }
0x13e: {  	_ =	swait.ge [sflag:s22], $0x4000  }
0x13f: {  	[sflag:s22] =	ssyncset.done $0x0  }
0x140: {  	[sflag:s22] =	ssyncadd.s32 $0xFFFFC000  }
0x141: {  	[spmem:s4] =	stream.indirect.scatter.add.f32 [tilespmem:s30], [sflag:$0x3], $0x1, s29, s23, $0xb8;
	[tilespmem:$0x1FC80] =	vst v63  }
0x142: {  	_ =	swait.ge [sflag:s22], $0x80  }
0x143: {  	p1 =	por $0x0, $0x0;
	[sflag:s22] =	ssyncset.done $0x0  }
0x144: {  	s16 =	simm.s32 @p1 $0x2;
	[sflag:s22] =	ssyncadd.s32 $0xFFFFFF80  }
0x145: {  	_ =	swait.ge @p1 [sflag:s16], $0x4000  }
0x146: {  	[sflag:s16] =	ssyncset.done @p1 $0x0  }
0x147: {  	[sflag:s16] =	ssyncadd.s32 @p1 $0xFFFFC000;
	s16 =	simm.s32 @!p1 $0x0  }
0x148: {  	v2 =	vld @!p1 [tilespmem:s16+$0x100];
	_ =	sdelay $0x4  }
0x149: {  	v2 =	vand.u32 @!p1 $0x3FFF, v2  }
0x14a: {  	[tilespmem:$0xBC00] =	vst @!p1 v2  }
0x14b: {  	v2 =	vld @!p1 [tilespmem:s16+$0x110];
	_ =	sdelay $0x4  }
0x14c: {  	v2 =	vand.u32 @!p1 $0x3FFF, v2  }
0x14d: {  	[tilespmem:$0xBC10] =	vst @!p1 v2  }
0x14e: {  	v2 =	vld @!p1 [tilespmem:s16+$0x120];
	_ =	sdelay $0x4  }
0x14f: {  	v2 =	vand.u32 @!p1 $0x3FFF, v2  }
0x150: {  	[tilespmem:$0xBC20] =	vst @!p1 v2  }
0x151: {  	v2 =	vld @!p1 [tilespmem:s16+$0x130];
	_ =	sdelay $0x4  }
0x152: {  	v2 =	vand.u32 @!p1 $0x3FFF, v2  }
0x153: {  	[tilespmem:$0xBC30] =	vst @!p1 v2  }
0x154: {  	v2 =	vld @!p1 [tilespmem:s16+$0x140];
	_ =	sdelay $0x4  }
0x155: {  	v2 =	vand.u32 @!p1 $0x3FFF, v2  }
0x156: {  	[tilespmem:$0xBC40] =	vst @!p1 v2  }
0x157: {  	v2 =	vld @!p1 [tilespmem:s16+$0x150];
	_ =	sdelay $0x4  }
0x158: {  	v2 =	vand.u32 @!p1 $0x3FFF, v2  }
0x159: {  	[tilespmem:$0xBC50] =	vst @!p1 v2  }
0x15a: {  	v2 =	vld @!p1 [tilespmem:s16+$0x160];
	_ =	sdelay $0x4  }
0x15b: {  	v2 =	vand.u32 @!p1 $0x3FFF, v2  }
0x15c: {  	[tilespmem:$0xBC60] =	vst @!p1 v2  }
0x15d: {  	v2 =	vld @!p1 [tilespmem:s16+$0x170];
	_ =	sdelay $0x4  }
0x15e: {  	v2 =	vand.u32 @!p1 $0x3FFF, v2  }
0x15f: {  	s16 =	simm.s32 @!p1 $0x2;
	[tilespmem:$0xBC70] =	vst @!p1 v2  }
0x160: {  	_ =	swait.ge @!p1 [sflag:s16], $0x4000  }
0x161: {  	s17 =	simm.s32 @!p1 $0x3C00;
	[sflag:s16] =	ssyncset.done @!p1 $0x0  }
0x162: {  	s24 =	simm.s32 @!p1 $0xBC00;
	[sflag:s16] =	ssyncadd.s32 @!p1 $0xFFFFC000;
	s16 =	simm.s32 @!p1 $0x80  }
0x163: {  	[tilespmem:s17], [sflag:$0x1] =	stream.indirect.gather @!p1 [hbm4b:s1+s16], $0x80, s24, s16, $0xb8;
	[tilespmem:$0x1FC80] =	vst v63  }
0x164: {  	v2 =	vld [tilespmem:s0+$0x80];
	_ =	sdelay $0x4  }
0x165: {  	v2 =	vshrl.u32 v2, $0xE  }
0x166: {  	v2 =	vand.u32 $0x3FFF, v2  }
0x167: {  	[tilespmem:$0xBD00] =	vst v2  }
0x168: {  	v2 =	vld [tilespmem:s0+$0x90];
	_ =	sdelay $0x4  }
0x169: {  	v2 =	vshrl.u32 v2, $0xE  }
0x16a: {  	v2 =	vand.u32 $0x3FFF, v2  }
0x16b: {  	[tilespmem:$0xBD10] =	vst v2  }
0x16c: {  	v2 =	vld [tilespmem:s0+$0xA0];
	_ =	sdelay $0x4  }
0x16d: {  	v2 =	vshrl.u32 v2, $0xE  }
0x16e: {  	v2 =	vand.u32 $0x3FFF, v2  }
0x16f: {  	[tilespmem:$0xBD20] =	vst v2  }
0x170: {  	v2 =	vld [tilespmem:s0+$0xB0];
	_ =	sdelay $0x4  }
0x171: {  	v2 =	vshrl.u32 v2, $0xE  }
0x172: {  	v2 =	vand.u32 $0x3FFF, v2  }
0x173: {  	[tilespmem:$0xBD30] =	vst v2  }
0x174: {  	v2 =	vld [tilespmem:s0+$0xC0];
	_ =	sdelay $0x4  }
0x175: {  	v2 =	vshrl.u32 v2, $0xE  }
0x176: {  	v2 =	vand.u32 $0x3FFF, v2  }
0x177: {  	[tilespmem:$0xBD40] =	vst v2  }
0x178: {  	v2 =	vld [tilespmem:s0+$0xD0];
	_ =	sdelay $0x4  }
0x179: {  	v2 =	vshrl.u32 v2, $0xE  }
0x17a: {  	v2 =	vand.u32 $0x3FFF, v2  }
0x17b: {  	[tilespmem:$0xBD50] =	vst v2  }
0x17c: {  	v2 =	vld [tilespmem:s0+$0xE0];
	_ =	sdelay $0x4  }
0x17d: {  	v2 =	vshrl.u32 v2, $0xE  }
0x17e: {  	v2 =	vand.u32 $0x3FFF, v2  }
0x17f: {  	[tilespmem:$0xBD60] =	vst v2  }
0x180: {  	v2 =	vld [tilespmem:s0+$0xF0];
	_ =	sdelay $0x4  }
0x181: {  	v2 =	vshrl.u32 v2, $0xE  }
0x182: {  	v2 =	vand.u32 $0x3FFF, v2  }
0x183: {  	[tilespmem:$0xBD70] =	vst v2  }
0x184: {  	[spmem:s3] =	stream.indirect.scatter.add.f32 [tilespmem:s28], [sflag:$0x3], $0x80, s29, s23, $0xb8;
	[tilespmem:$0x1FC80] =	vst v63  }
0x185: {  	_ =	swait.ge [sflag:s22], $0x4000  }
0x186: {  	[sflag:s22] =	ssyncset.done $0x0  }
0x187: {  	[sflag:s22] =	ssyncadd.s32 $0xFFFFC000  }
0x188: {  	[spmem:s4] =	stream.indirect.scatter.add.f32 [tilespmem:s30], [sflag:$0x3], $0x1, s29, s23, $0xb8;
	[tilespmem:$0x1FC80] =	vst v63  }
0x189: {  	_ =	swait.ge [sflag:s22], $0x80  }
0x18a: {  	s31 =	simm.s32 $0x400;
	s2 =	simm.s32 $0x800;
	[sflag:s22] =	ssyncset.done $0x0  }
.LBB2_8:
0x18b: {  	s24 =	sshra.s32 s31, $0x2  }
0x18c: {  	[sflag:s22] =	ssyncadd.s32 $0xFFFFFF80;
	s16 =	smov.u32 s2;
	s2 =	sadd.s32 $0x400, s2  }
0x18d: {  	p1 =	seq.s32 s2, $0xF000;
	v2 =	vld [tilespmem:s24+$0x80];
	_ =	sdelay $0x4  }
0x18e: {  	v2 =	vand.u32 $0x3FFF, v2  }
0x18f: {  	[tilespmem:$0xBC80] =	vst v2  }
0x190: {  	v2 =	vld [tilespmem:s24+$0x90];
	_ =	sdelay $0x4  }
0x191: {  	v2 =	vand.u32 $0x3FFF, v2  }
0x192: {  	[tilespmem:$0xBC90] =	vst v2  }
0x193: {  	v2 =	vld [tilespmem:s24+$0xA0];
	_ =	sdelay $0x4  }
0x194: {  	v2 =	vand.u32 $0x3FFF, v2  }
0x195: {  	[tilespmem:$0xBCA0] =	vst v2  }
0x196: {  	v2 =	vld [tilespmem:s24+$0xB0];
	_ =	sdelay $0x4  }
0x197: {  	v2 =	vand.u32 $0x3FFF, v2  }
0x198: {  	[tilespmem:$0xBCB0] =	vst v2  }
0x199: {  	v2 =	vld [tilespmem:s24+$0xC0];
	_ =	sdelay $0x4  }
0x19a: {  	v2 =	vand.u32 $0x3FFF, v2  }
0x19b: {  	[tilespmem:$0xBCC0] =	vst v2  }
0x19c: {  	v2 =	vld [tilespmem:s24+$0xD0];
	_ =	sdelay $0x4  }
0x19d: {  	v2 =	vand.u32 $0x3FFF, v2  }
0x19e: {  	[tilespmem:$0xBCD0] =	vst v2  }
0x19f: {  	v2 =	vld [tilespmem:s24+$0xE0];
	_ =	sdelay $0x4  }
0x1a0: {  	v2 =	vand.u32 $0x3FFF, v2  }
0x1a1: {  	[tilespmem:$0xBCE0] =	vst v2  }
0x1a2: {  	v2 =	vld [tilespmem:s24+$0xF0];
	_ =	sdelay $0x4  }
0x1a3: {  	v2 =	vand.u32 $0x3FFF, v2  }
0x1a4: {  	[tilespmem:$0xBCF0] =	vst v2  }
0x1a5: {  	_ =	swait.ge [sflag:s25], $0x4000  }
0x1a6: {  	[sflag:s25] =	ssyncset.done $0x0  }
0x1a7: {  	[sflag:s25] =	ssyncadd.s32 $0xFFFFC000  }
0x1a8: {  	[tilespmem:s28], [sflag:$0x2] =	stream.indirect.gather [hbm4b:s1+s23], $0x80, s26, s23, $0xb8;
	[tilespmem:$0x1FC80] =	vst v63  }
0x1a9: {  	v2 =	vld [tilespmem:s24+$0x0];
	_ =	sdelay $0x4  }
0x1aa: {  	v2 =	vshrl.u32 v2, $0xE  }
0x1ab: {  	v2 =	vand.u32 $0x3FFF, v2  }
0x1ac: {  	[tilespmem:$0xBD00] =	vst v2  }
0x1ad: {  	v2 =	vld [tilespmem:s24+$0x10];
	_ =	sdelay $0x4  }
0x1ae: {  	v2 =	vshrl.u32 v2, $0xE  }
0x1af: {  	v2 =	vand.u32 $0x3FFF, v2  }
0x1b0: {  	[tilespmem:$0xBD10] =	vst v2  }
0x1b1: {  	v2 =	vld [tilespmem:s24+$0x20];
	_ =	sdelay $0x4  }
0x1b2: {  	v2 =	vshrl.u32 v2, $0xE  }
0x1b3: {  	v2 =	vand.u32 $0x3FFF, v2  }
0x1b4: {  	[tilespmem:$0xBD20] =	vst v2  }
0x1b5: {  	v2 =	vld [tilespmem:s24+$0x30];
	_ =	sdelay $0x4  }
0x1b6: {  	v2 =	vshrl.u32 v2, $0xE  }
0x1b7: {  	v2 =	vand.u32 $0x3FFF, v2  }
0x1b8: {  	[tilespmem:$0xBD30] =	vst v2  }
0x1b9: {  	v2 =	vld [tilespmem:s24+$0x40];
	_ =	sdelay $0x4  }
0x1ba: {  	v2 =	vshrl.u32 v2, $0xE  }
0x1bb: {  	v2 =	vand.u32 $0x3FFF, v2  }
0x1bc: {  	[tilespmem:$0xBD40] =	vst v2  }
0x1bd: {  	v2 =	vld [tilespmem:s24+$0x50];
	_ =	sdelay $0x4  }
0x1be: {  	v2 =	vshrl.u32 v2, $0xE  }
0x1bf: {  	v2 =	vand.u32 $0x3FFF, v2  }
0x1c0: {  	[tilespmem:$0xBD50] =	vst v2  }
0x1c1: {  	v2 =	vld [tilespmem:s24+$0x60];
	_ =	sdelay $0x4  }
0x1c2: {  	v2 =	vshrl.u32 v2, $0xE  }
0x1c3: {  	v2 =	vand.u32 $0x3FFF, v2  }
0x1c4: {  	[tilespmem:$0xBD60] =	vst v2  }
0x1c5: {  	v2 =	vld [tilespmem:s24+$0x70];
	_ =	sdelay $0x4  }
0x1c6: {  	v2 =	vshrl.u32 v2, $0xE  }
0x1c7: {  	v2 =	vand.u32 $0x3FFF, v2  }
0x1c8: {  	[tilespmem:$0xBD70] =	vst v2  }
0x1c9: {  	[spmem:s3] =	stream.indirect.scatter.add.f32 [tilespmem:s21], [sflag:$0x3], $0x80, s29, s23, $0xb8;
	[tilespmem:$0x1FC80] =	vst v63  }
0x1ca: {  	_ =	swait.ge [sflag:s22], $0x4000  }
0x1cb: {  	[sflag:s22] =	ssyncset.done $0x0  }
0x1cc: {  	[sflag:s22] =	ssyncadd.s32 $0xFFFFC000  }
0x1cd: {  	[spmem:s4] =	stream.indirect.scatter.add.f32 [tilespmem:s30], [sflag:$0x3], $0x1, s29, s23, $0xb8;
	[tilespmem:$0x1FC80] =	vst v63  }
0x1ce: {  	_ =	swait.ge [sflag:s22], $0x80  }
0x1cf: {  	p2 =	seq.s32 s31, $0xEC00;
	[sflag:s22] =	ssyncset.done $0x0  }
0x1d0: {  	s17 =	simm.s32 @p2 $0x2;
	[sflag:s22] =	ssyncadd.s32 $0xFFFFFF80  }
0x1d1: {  	_ =	swait.ge @p2 [sflag:s17], $0x4000  }
0x1d2: {  	[sflag:s17] =	ssyncset.done @p2 $0x0  }
0x1d3: {  	[sflag:s17] =	ssyncadd.s32 @p2 $0xFFFFC000;
	s17 =	sshra.s32 @!p2 s31, $0x2;
	s31 =	smov.u32 s16  }
0x1d4: {  	v2 =	vld @!p2 [tilespmem:s17+$0x100];
	_ =	sdelay $0x4  }
0x1d5: {  	v2 =	vand.u32 @!p2 $0x3FFF, v2  }
0x1d6: {  	[tilespmem:$0xBC00] =	vst @!p2 v2  }
0x1d7: {  	v2 =	vld @!p2 [tilespmem:s17+$0x110];
	_ =	sdelay $0x4  }
0x1d8: {  	v2 =	vand.u32 @!p2 $0x3FFF, v2  }
0x1d9: {  	[tilespmem:$0xBC10] =	vst @!p2 v2  }
0x1da: {  	v2 =	vld @!p2 [tilespmem:s17+$0x120];
	_ =	sdelay $0x4  }
0x1db: {  	v2 =	vand.u32 @!p2 $0x3FFF, v2  }
0x1dc: {  	[tilespmem:$0xBC20] =	vst @!p2 v2  }
0x1dd: {  	v2 =	vld @!p2 [tilespmem:s17+$0x130];
	_ =	sdelay $0x4  }
0x1de: {  	v2 =	vand.u32 @!p2 $0x3FFF, v2  }
0x1df: {  	[tilespmem:$0xBC30] =	vst @!p2 v2  }
0x1e0: {  	v2 =	vld @!p2 [tilespmem:s17+$0x140];
	_ =	sdelay $0x4  }
0x1e1: {  	v2 =	vand.u32 @!p2 $0x3FFF, v2  }
0x1e2: {  	[tilespmem:$0xBC40] =	vst @!p2 v2  }
0x1e3: {  	v2 =	vld @!p2 [tilespmem:s17+$0x150];
	_ =	sdelay $0x4  }
0x1e4: {  	v2 =	vand.u32 @!p2 $0x3FFF, v2  }
0x1e5: {  	[tilespmem:$0xBC50] =	vst @!p2 v2  }
0x1e6: {  	v2 =	vld @!p2 [tilespmem:s17+$0x160];
	_ =	sdelay $0x4  }
0x1e7: {  	v2 =	vand.u32 @!p2 $0x3FFF, v2  }
0x1e8: {  	[tilespmem:$0xBC60] =	vst @!p2 v2  }
0x1e9: {  	v2 =	vld @!p2 [tilespmem:s17+$0x170];
	_ =	sdelay $0x4  }
0x1ea: {  	v2 =	vand.u32 @!p2 $0x3FFF, v2  }
0x1eb: {  	s16 =	simm.s32 @!p2 $0x2;
	[tilespmem:$0xBC70] =	vst @!p2 v2  }
0x1ec: {  	_ =	swait.ge @!p2 [sflag:s16], $0x4000  }
0x1ed: {  	s17 =	simm.s32 @!p2 $0x3C00;
	[sflag:s16] =	ssyncset.done @!p2 $0x0  }
0x1ee: {  	s0 =	simm.s32 @!p2 $0xBC00;
	[sflag:s16] =	ssyncadd.s32 @!p2 $0xFFFFC000;
	s16 =	simm.s32 @!p2 $0x80  }
0x1ef: {  	[tilespmem:s17], [sflag:$0x1] =	stream.indirect.gather @!p2 [hbm4b:s1+s16], $0x80, s0, s16, $0xb8;
	[tilespmem:$0x1FC80] =	vst v63  }
0x1f0: {  	v2 =	vld [tilespmem:s24+$0x80];
	_ =	sdelay $0x4  }
0x1f1: {  	v2 =	vshrl.u32 v2, $0xE  }
0x1f2: {  	v2 =	vand.u32 $0x3FFF, v2  }
0x1f3: {  	[tilespmem:$0xBD00] =	vst v2  }
0x1f4: {  	v2 =	vld [tilespmem:s24+$0x90];
	_ =	sdelay $0x4  }
0x1f5: {  	v2 =	vshrl.u32 v2, $0xE  }
0x1f6: {  	v2 =	vand.u32 $0x3FFF, v2  }
0x1f7: {  	[tilespmem:$0xBD10] =	vst v2  }
0x1f8: {  	v2 =	vld [tilespmem:s24+$0xA0];
	_ =	sdelay $0x4  }
0x1f9: {  	v2 =	vshrl.u32 v2, $0xE  }
0x1fa: {  	v2 =	vand.u32 $0x3FFF, v2  }
0x1fb: {  	[tilespmem:$0xBD20] =	vst v2  }
0x1fc: {  	v2 =	vld [tilespmem:s24+$0xB0];
	_ =	sdelay $0x4  }
0x1fd: {  	v2 =	vshrl.u32 v2, $0xE  }
0x1fe: {  	v2 =	vand.u32 $0x3FFF, v2  }
0x1ff: {  	[tilespmem:$0xBD30] =	vst v2  }
0x200: {  	v2 =	vld [tilespmem:s24+$0xC0];
	_ =	sdelay $0x4  }
0x201: {  	v2 =	vshrl.u32 v2, $0xE  }
0x202: {  	v2 =	vand.u32 $0x3FFF, v2  }
0x203: {  	[tilespmem:$0xBD40] =	vst v2  }
0x204: {  	v2 =	vld [tilespmem:s24+$0xD0];
	_ =	sdelay $0x4  }
0x205: {  	v2 =	vshrl.u32 v2, $0xE  }
0x206: {  	v2 =	vand.u32 $0x3FFF, v2  }
0x207: {  	[tilespmem:$0xBD50] =	vst v2  }
0x208: {  	v2 =	vld [tilespmem:s24+$0xE0];
	_ =	sdelay $0x4  }
0x209: {  	v2 =	vshrl.u32 v2, $0xE  }
0x20a: {  	v2 =	vand.u32 $0x3FFF, v2  }
0x20b: {  	[tilespmem:$0xBD60] =	vst v2  }
0x20c: {  	v2 =	vld [tilespmem:s24+$0xF0];
	_ =	sdelay $0x4  }
0x20d: {  	v2 =	vshrl.u32 v2, $0xE  }
0x20e: {  	v2 =	vand.u32 $0x3FFF, v2  }
0x20f: {  	[tilespmem:$0xBD70] =	vst v2  }
0x210: {  	[spmem:s3] =	stream.indirect.scatter.add.f32 [tilespmem:s28], [sflag:$0x3], $0x80, s29, s23, $0xb8;
	[tilespmem:$0x1FC80] =	vst v63  }
0x211: {  	_ =	swait.ge [sflag:s22], $0x4000  }
.Ltmp4:
0x212: {  	[sflag:s22] =	ssyncset.done $0x0;
	(pc) =	sbr.rel @!p1 .LBB2_8-.Ltmp4, $4  }
0x213: {  	[sflag:s22] =	ssyncadd.s32 $0xFFFFC000  }
0x214: {  	[spmem:s4] =	stream.indirect.scatter.add.f32 [tilespmem:s30], [sflag:$0x3], $0x1, s29, s23, $0xb8;
	[tilespmem:$0x1FC80] =	vst v63  }
0x215: {  	_ =	swait.ge [sflag:s22], $0x80  }
0x216: {  	[sflag:s22] =	ssyncset.done $0x0  }
0x217: {  	s2 =	sshra.s32 s31, $0x2;
	[sflag:s22] =	ssyncadd.s32 $0xFFFFFF80  }
0x218: {  	v2 =	vld [tilespmem:s2+$0x80];
	_ =	sdelay $0x4  }
0x219: {  	v2 =	vand.u32 $0x3FFF, v2  }
0x21a: {  	[tilespmem:$0xBC80] =	vst v2  }
0x21b: {  	v2 =	vld [tilespmem:s2+$0x90];
	_ =	sdelay $0x4  }
0x21c: {  	v2 =	vand.u32 $0x3FFF, v2  }
0x21d: {  	[tilespmem:$0xBC90] =	vst v2  }
0x21e: {  	v2 =	vld [tilespmem:s2+$0xA0];
	_ =	sdelay $0x4  }
0x21f: {  	v2 =	vand.u32 $0x3FFF, v2  }
0x220: {  	[tilespmem:$0xBCA0] =	vst v2  }
0x221: {  	v2 =	vld [tilespmem:s2+$0xB0];
	_ =	sdelay $0x4  }
0x222: {  	v2 =	vand.u32 $0x3FFF, v2  }
0x223: {  	[tilespmem:$0xBCB0] =	vst v2  }
0x224: {  	v2 =	vld [tilespmem:s2+$0xC0];
	_ =	sdelay $0x4  }
0x225: {  	v2 =	vand.u32 $0x3FFF, v2  }
0x226: {  	[tilespmem:$0xBCC0] =	vst v2  }
0x227: {  	v2 =	vld [tilespmem:s2+$0xD0];
	_ =	sdelay $0x4  }
0x228: {  	v2 =	vand.u32 $0x3FFF, v2  }
0x229: {  	[tilespmem:$0xBCD0] =	vst v2  }
0x22a: {  	v2 =	vld [tilespmem:s2+$0xE0];
	_ =	sdelay $0x4  }
0x22b: {  	v2 =	vand.u32 $0x3FFF, v2  }
0x22c: {  	[tilespmem:$0xBCE0] =	vst v2  }
0x22d: {  	v2 =	vld [tilespmem:s2+$0xF0];
	_ =	sdelay $0x4  }
0x22e: {  	v2 =	vand.u32 $0x3FFF, v2  }
0x22f: {  	[tilespmem:$0xBCF0] =	vst v2  }
0x230: {  	_ =	swait.ge [sflag:s25], $0x4000  }
0x231: {  	[sflag:s25] =	ssyncset.done $0x0  }
0x232: {  	[sflag:s25] =	ssyncadd.s32 $0xFFFFC000  }
0x233: {  	[tilespmem:s28], [sflag:$0x2] =	stream.indirect.gather [hbm4b:s1+s23], $0x80, s26, s23, $0xb8;
	[tilespmem:$0x1FC80] =	vst v63  }
0x234: {  	v2 =	vld [tilespmem:s2+$0x0];
	_ =	sdelay $0x4  }
0x235: {  	v2 =	vshrl.u32 v2, $0xE  }
0x236: {  	v2 =	vand.u32 $0x3FFF, v2  }
0x237: {  	[tilespmem:$0xBD00] =	vst v2  }
0x238: {  	v2 =	vld [tilespmem:s2+$0x10];
	_ =	sdelay $0x4  }
0x239: {  	v2 =	vshrl.u32 v2, $0xE  }
0x23a: {  	v2 =	vand.u32 $0x3FFF, v2  }
0x23b: {  	[tilespmem:$0xBD10] =	vst v2  }
0x23c: {  	v2 =	vld [tilespmem:s2+$0x20];
	_ =	sdelay $0x4  }
0x23d: {  	v2 =	vshrl.u32 v2, $0xE  }
0x23e: {  	v2 =	vand.u32 $0x3FFF, v2  }
0x23f: {  	[tilespmem:$0xBD20] =	vst v2  }
0x240: {  	v2 =	vld [tilespmem:s2+$0x30];
	_ =	sdelay $0x4  }
0x241: {  	v2 =	vshrl.u32 v2, $0xE  }
0x242: {  	v2 =	vand.u32 $0x3FFF, v2  }
0x243: {  	[tilespmem:$0xBD30] =	vst v2  }
0x244: {  	v2 =	vld [tilespmem:s2+$0x40];
	_ =	sdelay $0x4  }
0x245: {  	v2 =	vshrl.u32 v2, $0xE  }
0x246: {  	v2 =	vand.u32 $0x3FFF, v2  }
0x247: {  	[tilespmem:$0xBD40] =	vst v2  }
0x248: {  	v2 =	vld [tilespmem:s2+$0x50];
	_ =	sdelay $0x4  }
0x249: {  	v2 =	vshrl.u32 v2, $0xE  }
0x24a: {  	v2 =	vand.u32 $0x3FFF, v2  }
0x24b: {  	[tilespmem:$0xBD50] =	vst v2  }
0x24c: {  	v2 =	vld [tilespmem:s2+$0x60];
	_ =	sdelay $0x4  }
0x24d: {  	v2 =	vshrl.u32 v2, $0xE  }
0x24e: {  	v2 =	vand.u32 $0x3FFF, v2  }
0x24f: {  	[tilespmem:$0xBD60] =	vst v2  }
0x250: {  	v2 =	vld [tilespmem:s2+$0x70];
	_ =	sdelay $0x4  }
0x251: {  	v2 =	vshrl.u32 v2, $0xE  }
0x252: {  	v2 =	vand.u32 $0x3FFF, v2  }
0x253: {  	[tilespmem:$0xBD70] =	vst v2  }
0x254: {  	[spmem:s3] =	stream.indirect.scatter.add.f32 [tilespmem:s21], [sflag:$0x3], $0x80, s29, s23, $0xb8;
	[tilespmem:$0x1FC80] =	vst v63  }
0x255: {  	_ =	swait.ge [sflag:s22], $0x4000  }
0x256: {  	[sflag:s22] =	ssyncset.done $0x0  }
0x257: {  	[sflag:s22] =	ssyncadd.s32 $0xFFFFC000  }
0x258: {  	[spmem:s4] =	stream.indirect.scatter.add.f32 [tilespmem:s30], [sflag:$0x3], $0x1, s29, s23, $0xb8;
	[tilespmem:$0x1FC80] =	vst v63  }
0x259: {  	_ =	swait.ge [sflag:s22], $0x80  }
0x25a: {  	p1 =	seq.s32 s31, $0xEC00;
	[sflag:s22] =	ssyncset.done $0x0  }
0x25b: {  	s0 =	simm.s32 @p1 $0x2;
	[sflag:s22] =	ssyncadd.s32 $0xFFFFFF80  }
0x25c: {  	_ =	swait.ge @p1 [sflag:s0], $0x4000  }
0x25d: {  	[sflag:s0] =	ssyncset.done @p1 $0x0  }
0x25e: {  	[sflag:s0] =	ssyncadd.s32 @p1 $0xFFFFC000;
	s0 =	sshra.s32 @!p1 s31, $0x2  }
0x25f: {  	v2 =	vld @!p1 [tilespmem:s0+$0x100];
	_ =	sdelay $0x4  }
0x260: {  	v2 =	vand.u32 @!p1 $0x3FFF, v2  }
0x261: {  	[tilespmem:$0xBC00] =	vst @!p1 v2  }
0x262: {  	v2 =	vld @!p1 [tilespmem:s0+$0x110];
	_ =	sdelay $0x4  }
0x263: {  	v2 =	vand.u32 @!p1 $0x3FFF, v2  }
0x264: {  	[tilespmem:$0xBC10] =	vst @!p1 v2  }
0x265: {  	v2 =	vld @!p1 [tilespmem:s0+$0x120];
	_ =	sdelay $0x4  }
0x266: {  	v2 =	vand.u32 @!p1 $0x3FFF, v2  }
0x267: {  	[tilespmem:$0xBC20] =	vst @!p1 v2  }
0x268: {  	v2 =	vld @!p1 [tilespmem:s0+$0x130];
	_ =	sdelay $0x4  }
0x269: {  	v2 =	vand.u32 @!p1 $0x3FFF, v2  }
0x26a: {  	[tilespmem:$0xBC30] =	vst @!p1 v2  }
0x26b: {  	v2 =	vld @!p1 [tilespmem:s0+$0x140];
	_ =	sdelay $0x4  }
0x26c: {  	v2 =	vand.u32 @!p1 $0x3FFF, v2  }
0x26d: {  	[tilespmem:$0xBC40] =	vst @!p1 v2  }
0x26e: {  	v2 =	vld @!p1 [tilespmem:s0+$0x150];
	_ =	sdelay $0x4  }
0x26f: {  	v2 =	vand.u32 @!p1 $0x3FFF, v2  }
0x270: {  	[tilespmem:$0xBC50] =	vst @!p1 v2  }
0x271: {  	v2 =	vld @!p1 [tilespmem:s0+$0x160];
	_ =	sdelay $0x4  }
0x272: {  	v2 =	vand.u32 @!p1 $0x3FFF, v2  }
0x273: {  	[tilespmem:$0xBC60] =	vst @!p1 v2  }
0x274: {  	v2 =	vld @!p1 [tilespmem:s0+$0x170];
	_ =	sdelay $0x4  }
0x275: {  	v2 =	vand.u32 @!p1 $0x3FFF, v2  }
0x276: {  	s0 =	simm.s32 @!p1 $0x2;
	[tilespmem:$0xBC70] =	vst @!p1 v2  }
0x277: {  	_ =	swait.ge @!p1 [sflag:s0], $0x4000  }
0x278: {  	s16 =	simm.s32 @!p1 $0x3C00;
	[sflag:s0] =	ssyncset.done @!p1 $0x0  }
0x279: {  	s17 =	simm.s32 @!p1 $0xBC00;
	[sflag:s0] =	ssyncadd.s32 @!p1 $0xFFFFC000;
	s0 =	simm.s32 @!p1 $0x80  }
0x27a: {  	[tilespmem:s16], [sflag:$0x1] =	stream.indirect.gather @!p1 [hbm4b:s1+s0], $0x80, s17, s0, $0xb8;
	[tilespmem:$0x1FC80] =	vst v63  }
0x27b: {  	v2 =	vld [tilespmem:s2+$0x80];
	_ =	sdelay $0x4  }
0x27c: {  	v2 =	vshrl.u32 v2, $0xE  }
0x27d: {  	v2 =	vand.u32 $0x3FFF, v2  }
0x27e: {  	[tilespmem:$0xBD00] =	vst v2  }
0x27f: {  	v2 =	vld [tilespmem:s2+$0x90];
	_ =	sdelay $0x4  }
0x280: {  	v2 =	vshrl.u32 v2, $0xE  }
0x281: {  	v2 =	vand.u32 $0x3FFF, v2  }
0x282: {  	[tilespmem:$0xBD10] =	vst v2  }
0x283: {  	v2 =	vld [tilespmem:s2+$0xA0];
	_ =	sdelay $0x4  }
0x284: {  	v2 =	vshrl.u32 v2, $0xE  }
0x285: {  	v2 =	vand.u32 $0x3FFF, v2  }
0x286: {  	[tilespmem:$0xBD20] =	vst v2  }
0x287: {  	v2 =	vld [tilespmem:s2+$0xB0];
	_ =	sdelay $0x4  }
0x288: {  	v2 =	vshrl.u32 v2, $0xE  }
0x289: {  	v2 =	vand.u32 $0x3FFF, v2  }
0x28a: {  	[tilespmem:$0xBD30] =	vst v2  }
0x28b: {  	v2 =	vld [tilespmem:s2+$0xC0];
	_ =	sdelay $0x4  }
0x28c: {  	v2 =	vshrl.u32 v2, $0xE  }
0x28d: {  	v2 =	vand.u32 $0x3FFF, v2  }
0x28e: {  	[tilespmem:$0xBD40] =	vst v2  }
0x28f: {  	v2 =	vld [tilespmem:s2+$0xD0];
	_ =	sdelay $0x4  }
0x290: {  	v2 =	vshrl.u32 v2, $0xE  }
0x291: {  	v2 =	vand.u32 $0x3FFF, v2  }
0x292: {  	[tilespmem:$0xBD50] =	vst v2  }
0x293: {  	v2 =	vld [tilespmem:s2+$0xE0];
	_ =	sdelay $0x4  }
0x294: {  	v2 =	vshrl.u32 v2, $0xE  }
0x295: {  	v2 =	vand.u32 $0x3FFF, v2  }
0x296: {  	[tilespmem:$0xBD60] =	vst v2  }
0x297: {  	v2 =	vld [tilespmem:s2+$0xF0];
	_ =	sdelay $0x4  }
0x298: {  	v2 =	vshrl.u32 v2, $0xE  }
0x299: {  	v2 =	vand.u32 $0x3FFF, v2  }
0x29a: {  	[tilespmem:$0xBD70] =	vst v2  }
0x29b: {  	[spmem:s3] =	stream.indirect.scatter.add.f32 [tilespmem:s28], [sflag:$0x3], $0x80, s29, s23, $0xb8;
	[tilespmem:$0x1FC80] =	vst v63  }
0x29c: {  	_ =	swait.ge [sflag:s22], $0x4000  }
0x29d: {  	[sflag:s22] =	ssyncset.done $0x0  }
.Ltmp5:
0x29e: {  	[sflag:s22] =	ssyncadd.s32 $0xFFFFC000;
	(pc) =	sbr.rel .LBB2_10-.Ltmp5, $4  }
0x29f: {  	[spmem:s4] =	stream.indirect.scatter.add.f32 [tilespmem:s30], [sflag:$0x3], $0x1, s29, s23, $0xb8;
	[tilespmem:$0x1FC80] =	vst v63  }
0x2a0: {  	_ =	swait.ge [sflag:s22], $0x80  }
0x2a1: {  	[sflag:s22] =	ssyncset.done $0x0  }
0x2a2: {  	[sflag:s22] =	ssyncadd.s32 $0xFFFFFF80  }
.LBB2_4:
0x2a3: {  	s0 =	rddreg [dreg:$0x5]  }
0x2a4: {  	[tilespmem:s2], [sflag:$0x3] =	stream.linear.gather [hbm4b:s0+s2], $0x1400, $0x38;
	[tilespmem:$0x1FC80] =	vst v63  }
0x2a5: {  	_ =	swait.ge [sflag:s22], $0x1400  }
0x2a6: {  	[sflag:s22] =	ssyncset.done $0x0  }
0x2a7: {  	[sflag:s22] =	ssyncadd.s32 $0xFFFFEC00  }
0x2a8: {  	[bflag:$0x0] =	sbarrier.arrive $0xFFFF  }
0x2a9: {  	v2 =	vld [tilespmem:$0x0]  }
0x2aa: {  	v3 =	vld [tilespmem:$0x10]  }
0x2ab: {  	v4 =	vld [tilespmem:$0x20]  }
0x2ac: {  	v5 =	vld [tilespmem:$0x30]  }
0x2ad: {  	v6 =	vld [tilespmem:$0x40]  }
0x2ae: {  	v7 =	vld [tilespmem:$0x50];
	v2 =	vand.u32 $0x3FFF, v2  }
0x2af: {  	[tilespmem:$0xBC00] =	vst v2;
	v2 =	vand.u32 $0x3FFF, v3;
	v3 =	vld [tilespmem:$0x60]  }
0x2b0: {  	v63 =	vld [tilespmem:$0x70];
	[tilespmem:$0xBC10] =	vst v2;
	v2 =	vand.u32 $0x3FFF, v4  }
0x2b1: {  	[tilespmem:$0xBC20] =	vst v2;
	v2 =	vand.u32 $0x3FFF, v5  }
0x2b2: {  	[tilespmem:$0xBC30] =	vst v2;
	v2 =	vand.u32 $0x3FFF, v6  }
0x2b3: {  	[tilespmem:$0xBC40] =	vst v2;
	v2 =	vand.u32 $0x3FFF, v7  }
0x2b4: {  	[tilespmem:$0xBC50] =	vst v2;
	v2 =	vand.u32 $0x3FFF, v3  }
0x2b5: {  	[tilespmem:$0xBC60] =	vst v2;
	v2 =	vand.u32 $0x3FFF, v63  }
0x2b6: {  	s17 =	simm.s32 $0xBC00;
	s24 =	simm.s32 $0x0;
	[tilespmem:$0xBC70] =	vst v2  }
0x2b7: {  	[tilespmem:s21], [sflag:$0x1] =	stream.indirect.gather [hbm4b:s1+s23], $0x80, s17, s23, $0xb8;
	[tilespmem:$0x1FC80] =	vst v63  }
0x2b8: {  	v2 =	vld [tilespmem:s24+$0x80];
	_ =	sdelay $0x4  }
0x2b9: {  	v2 =	vand.u32 $0x3FFF, v2  }
0x2ba: {  	[tilespmem:$0xBC80] =	vst v2  }
0x2bb: {  	v2 =	vld [tilespmem:s24+$0x90];
	_ =	sdelay $0x4  }
0x2bc: {  	v2 =	vand.u32 $0x3FFF, v2  }
0x2bd: {  	[tilespmem:$0xBC90] =	vst v2  }
0x2be: {  	v2 =	vld [tilespmem:s24+$0xA0];
	_ =	sdelay $0x4  }
0x2bf: {  	v2 =	vand.u32 $0x3FFF, v2  }
0x2c0: {  	[tilespmem:$0xBCA0] =	vst v2  }
0x2c1: {  	v2 =	vld [tilespmem:s24+$0xB0];
	_ =	sdelay $0x4  }
0x2c2: {  	v2 =	vand.u32 $0x3FFF, v2  }
0x2c3: {  	[tilespmem:$0xBCB0] =	vst v2  }
0x2c4: {  	v2 =	vld [tilespmem:s24+$0xC0];
	_ =	sdelay $0x4  }
0x2c5: {  	v2 =	vand.u32 $0x3FFF, v2  }
0x2c6: {  	[tilespmem:$0xBCC0] =	vst v2  }
0x2c7: {  	v2 =	vld [tilespmem:s24+$0xD0];
	_ =	sdelay $0x4  }
0x2c8: {  	v2 =	vand.u32 $0x3FFF, v2  }
0x2c9: {  	[tilespmem:$0xBCD0] =	vst v2  }
0x2ca: {  	v2 =	vld [tilespmem:s24+$0xE0];
	_ =	sdelay $0x4  }
0x2cb: {  	v2 =	vand.u32 $0x3FFF, v2  }
0x2cc: {  	[tilespmem:$0xBCE0] =	vst v2  }
0x2cd: {  	v2 =	vld [tilespmem:s24+$0xF0];
	_ =	sdelay $0x4  }
0x2ce: {  	v2 =	vand.u32 $0x3FFF, v2  }
0x2cf: {  	[tilespmem:$0xBCF0] =	vst v2  }
0x2d0: {  	_ =	swait.ge [sflag:s25], $0x4000  }
0x2d1: {  	[sflag:s25] =	ssyncset.done $0x0  }
0x2d2: {  	[sflag:s25] =	ssyncadd.s32 $0xFFFFC000  }
0x2d3: {  	[tilespmem:s28], [sflag:$0x2] =	stream.indirect.gather [hbm4b:s1+s23], $0x80, s26, s23, $0xb8;
	[tilespmem:$0x1FC80] =	vst v63  }
0x2d4: {  	v2 =	vld [tilespmem:s24+$0x0];
	_ =	sdelay $0x4  }
0x2d5: {  	v2 =	vshrl.u32 v2, $0xE  }
0x2d6: {  	v2 =	vand.u32 $0x3FFF, v2  }
0x2d7: {  	[tilespmem:$0xBD00] =	vst v2  }
0x2d8: {  	v2 =	vld [tilespmem:s24+$0x10];
	_ =	sdelay $0x4  }
0x2d9: {  	v2 =	vshrl.u32 v2, $0xE  }
0x2da: {  	v2 =	vand.u32 $0x3FFF, v2  }
0x2db: {  	[tilespmem:$0xBD10] =	vst v2  }
0x2dc: {  	v2 =	vld [tilespmem:s24+$0x20];
	_ =	sdelay $0x4  }
0x2dd: {  	v2 =	vshrl.u32 v2, $0xE  }
0x2de: {  	v2 =	vand.u32 $0x3FFF, v2  }
0x2df: {  	[tilespmem:$0xBD20] =	vst v2  }
0x2e0: {  	v2 =	vld [tilespmem:s24+$0x30];
	_ =	sdelay $0x4  }
0x2e1: {  	v2 =	vshrl.u32 v2, $0xE  }
0x2e2: {  	v2 =	vand.u32 $0x3FFF, v2  }
0x2e3: {  	[tilespmem:$0xBD30] =	vst v2  }
0x2e4: {  	v2 =	vld [tilespmem:s24+$0x40];
	_ =	sdelay $0x4  }
0x2e5: {  	v2 =	vshrl.u32 v2, $0xE  }
0x2e6: {  	v2 =	vand.u32 $0x3FFF, v2  }
0x2e7: {  	[tilespmem:$0xBD40] =	vst v2  }
0x2e8: {  	v2 =	vld [tilespmem:s24+$0x50];
	_ =	sdelay $0x4  }
0x2e9: {  	v2 =	vshrl.u32 v2, $0xE  }
0x2ea: {  	v2 =	vand.u32 $0x3FFF, v2  }
0x2eb: {  	[tilespmem:$0xBD50] =	vst v2  }
0x2ec: {  	v2 =	vld [tilespmem:s24+$0x60];
	_ =	sdelay $0x4  }
0x2ed: {  	v2 =	vshrl.u32 v2, $0xE  }
0x2ee: {  	v2 =	vand.u32 $0x3FFF, v2  }
0x2ef: {  	[tilespmem:$0xBD60] =	vst v2  }
0x2f0: {  	v2 =	vld [tilespmem:s24+$0x70];
	_ =	sdelay $0x4  }
0x2f1: {  	v2 =	vshrl.u32 v2, $0xE  }
0x2f2: {  	v2 =	vand.u32 $0x3FFF, v2  }
0x2f3: {  	[tilespmem:$0xBD70] =	vst v2  }
0x2f4: {  	[spmem:s3] =	stream.indirect.scatter.add.f32 [tilespmem:s21], [sflag:$0x3], $0x80, s29, s23, $0xb8;
	[tilespmem:$0x1FC80] =	vst v63  }
0x2f5: {  	_ =	swait.ge [sflag:s22], $0x4000  }
0x2f6: {  	[sflag:s22] =	ssyncset.done $0x0  }
0x2f7: {  	[sflag:s22] =	ssyncadd.s32 $0xFFFFC000  }
0x2f8: {  	[spmem:s4] =	stream.indirect.scatter.add.f32 [tilespmem:s30], [sflag:$0x3], $0x1, s29, s23, $0xb8;
	[tilespmem:$0x1FC80] =	vst v63  }
0x2f9: {  	_ =	swait.ge [sflag:s22], $0x80  }
0x2fa: {  	p1 =	por $0x0, $0x0;
	[sflag:s22] =	ssyncset.done $0x0  }
0x2fb: {  	s0 =	simm.s32 @p1 $0x2;
	[sflag:s22] =	ssyncadd.s32 $0xFFFFFF80  }
0x2fc: {  	_ =	swait.ge @p1 [sflag:s0], $0x4000  }
0x2fd: {  	[sflag:s0] =	ssyncset.done @p1 $0x0  }
0x2fe: {  	[sflag:s0] =	ssyncadd.s32 @p1 $0xFFFFC000;
	s0 =	simm.s32 @!p1 $0x0  }
0x2ff: {  	v2 =	vld @!p1 [tilespmem:s0+$0x100];
	_ =	sdelay $0x4  }
0x300: {  	v2 =	vand.u32 @!p1 $0x3FFF, v2  }
0x301: {  	[tilespmem:$0xBC00] =	vst @!p1 v2  }
0x302: {  	v2 =	vld @!p1 [tilespmem:s0+$0x110];
	_ =	sdelay $0x4  }
0x303: {  	v2 =	vand.u32 @!p1 $0x3FFF, v2  }
0x304: {  	[tilespmem:$0xBC10] =	vst @!p1 v2  }
0x305: {  	v2 =	vld @!p1 [tilespmem:s0+$0x120];
	_ =	sdelay $0x4  }
0x306: {  	v2 =	vand.u32 @!p1 $0x3FFF, v2  }
0x307: {  	[tilespmem:$0xBC20] =	vst @!p1 v2  }
0x308: {  	v2 =	vld @!p1 [tilespmem:s0+$0x130];
	_ =	sdelay $0x4  }
0x309: {  	v2 =	vand.u32 @!p1 $0x3FFF, v2  }
0x30a: {  	[tilespmem:$0xBC30] =	vst @!p1 v2  }
0x30b: {  	v2 =	vld @!p1 [tilespmem:s0+$0x140];
	_ =	sdelay $0x4  }
0x30c: {  	v2 =	vand.u32 @!p1 $0x3FFF, v2  }
0x30d: {  	[tilespmem:$0xBC40] =	vst @!p1 v2  }
0x30e: {  	v2 =	vld @!p1 [tilespmem:s0+$0x150];
	_ =	sdelay $0x4  }
0x30f: {  	v2 =	vand.u32 @!p1 $0x3FFF, v2  }
0x310: {  	[tilespmem:$0xBC50] =	vst @!p1 v2  }
0x311: {  	v2 =	vld @!p1 [tilespmem:s0+$0x160];
	_ =	sdelay $0x4  }
0x312: {  	v2 =	vand.u32 @!p1 $0x3FFF, v2  }
0x313: {  	[tilespmem:$0xBC60] =	vst @!p1 v2  }
0x314: {  	v2 =	vld @!p1 [tilespmem:s0+$0x170];
	_ =	sdelay $0x4  }
0x315: {  	v2 =	vand.u32 @!p1 $0x3FFF, v2  }
0x316: {  	s0 =	simm.s32 @!p1 $0x2;
	[tilespmem:$0xBC70] =	vst @!p1 v2  }
0x317: {  	_ =	swait.ge @!p1 [sflag:s0], $0x4000  }
0x318: {  	s16 =	simm.s32 @!p1 $0x3C00;
	[sflag:s0] =	ssyncset.done @!p1 $0x0  }
0x319: {  	s17 =	simm.s32 @!p1 $0xBC00;
	[sflag:s0] =	ssyncadd.s32 @!p1 $0xFFFFC000;
	s0 =	simm.s32 @!p1 $0x80  }
0x31a: {  	[tilespmem:s16], [sflag:$0x1] =	stream.indirect.gather @!p1 [hbm4b:s1+s0], $0x80, s17, s0, $0xb8;
	[tilespmem:$0x1FC80] =	vst v63  }
0x31b: {  	v2 =	vld [tilespmem:s24+$0x80];
	_ =	sdelay $0x4  }
0x31c: {  	v2 =	vshrl.u32 v2, $0xE  }
0x31d: {  	v2 =	vand.u32 $0x3FFF, v2  }
0x31e: {  	[tilespmem:$0xBD00] =	vst v2  }
0x31f: {  	v2 =	vld [tilespmem:s24+$0x90];
	_ =	sdelay $0x4  }
0x320: {  	v2 =	vshrl.u32 v2, $0xE  }
0x321: {  	v2 =	vand.u32 $0x3FFF, v2  }
0x322: {  	[tilespmem:$0xBD10] =	vst v2  }
0x323: {  	v2 =	vld [tilespmem:s24+$0xA0];
	_ =	sdelay $0x4  }
0x324: {  	v2 =	vshrl.u32 v2, $0xE  }
0x325: {  	v2 =	vand.u32 $0x3FFF, v2  }
0x326: {  	[tilespmem:$0xBD20] =	vst v2  }
0x327: {  	v2 =	vld [tilespmem:s24+$0xB0];
	_ =	sdelay $0x4  }
0x328: {  	v2 =	vshrl.u32 v2, $0xE  }
0x329: {  	v2 =	vand.u32 $0x3FFF, v2  }
0x32a: {  	[tilespmem:$0xBD30] =	vst v2  }
0x32b: {  	v2 =	vld [tilespmem:s24+$0xC0];
	_ =	sdelay $0x4  }
0x32c: {  	v2 =	vshrl.u32 v2, $0xE  }
0x32d: {  	v2 =	vand.u32 $0x3FFF, v2  }
0x32e: {  	[tilespmem:$0xBD40] =	vst v2  }
0x32f: {  	v2 =	vld [tilespmem:s24+$0xD0];
	_ =	sdelay $0x4  }
0x330: {  	v2 =	vshrl.u32 v2, $0xE  }
0x331: {  	v2 =	vand.u32 $0x3FFF, v2  }
0x332: {  	[tilespmem:$0xBD50] =	vst v2  }
0x333: {  	v2 =	vld [tilespmem:s24+$0xE0];
	_ =	sdelay $0x4  }
0x334: {  	v2 =	vshrl.u32 v2, $0xE  }
0x335: {  	v2 =	vand.u32 $0x3FFF, v2  }
0x336: {  	[tilespmem:$0xBD60] =	vst v2  }
0x337: {  	v2 =	vld [tilespmem:s24+$0xF0];
	_ =	sdelay $0x4  }
0x338: {  	v2 =	vshrl.u32 v2, $0xE  }
0x339: {  	v2 =	vand.u32 $0x3FFF, v2  }
0x33a: {  	[tilespmem:$0xBD70] =	vst v2  }
0x33b: {  	[spmem:s3] =	stream.indirect.scatter.add.f32 [tilespmem:s28], [sflag:$0x3], $0x80, s29, s23, $0xb8;
	[tilespmem:$0x1FC80] =	vst v63  }
0x33c: {  	_ =	swait.ge [sflag:s22], $0x4000  }
0x33d: {  	[sflag:s22] =	ssyncset.done $0x0  }
0x33e: {  	[sflag:s22] =	ssyncadd.s32 $0xFFFFC000  }
0x33f: {  	[spmem:s4] =	stream.indirect.scatter.add.f32 [tilespmem:s30], [sflag:$0x3], $0x1, s29, s23, $0xb8;
	[tilespmem:$0x1FC80] =	vst v63  }
0x340: {  	_ =	swait.ge [sflag:s22], $0x80  }
0x341: {  	s31 =	simm.s32 $0x400;
	s2 =	simm.s32 $0x800;
	[sflag:s22] =	ssyncset.done $0x0  }
.LBB2_5:
0x342: {  	s24 =	sshra.s32 s31, $0x2  }
0x343: {  	[sflag:s22] =	ssyncadd.s32 $0xFFFFFF80;
	s16 =	smov.u32 s2;
	s2 =	sadd.s32 $0x400, s2  }
0x344: {  	p1 =	sne.s32 s2, $0x5000;
	v2 =	vld [tilespmem:s24+$0x80];
	_ =	sdelay $0x4  }
0x345: {  	v2 =	vand.u32 $0x3FFF, v2  }
0x346: {  	[tilespmem:$0xBC80] =	vst v2  }
0x347: {  	v2 =	vld [tilespmem:s24+$0x90];
	_ =	sdelay $0x4  }
0x348: {  	v2 =	vand.u32 $0x3FFF, v2  }
0x349: {  	[tilespmem:$0xBC90] =	vst v2  }
0x34a: {  	v2 =	vld [tilespmem:s24+$0xA0];
	_ =	sdelay $0x4  }
0x34b: {  	v2 =	vand.u32 $0x3FFF, v2  }
0x34c: {  	[tilespmem:$0xBCA0] =	vst v2  }
0x34d: {  	v2 =	vld [tilespmem:s24+$0xB0];
	_ =	sdelay $0x4  }
0x34e: {  	v2 =	vand.u32 $0x3FFF, v2  }
0x34f: {  	[tilespmem:$0xBCB0] =	vst v2  }
0x350: {  	v2 =	vld [tilespmem:s24+$0xC0];
	_ =	sdelay $0x4  }
0x351: {  	v2 =	vand.u32 $0x3FFF, v2  }
0x352: {  	[tilespmem:$0xBCC0] =	vst v2  }
0x353: {  	v2 =	vld [tilespmem:s24+$0xD0];
	_ =	sdelay $0x4  }
0x354: {  	v2 =	vand.u32 $0x3FFF, v2  }
0x355: {  	[tilespmem:$0xBCD0] =	vst v2  }
0x356: {  	v2 =	vld [tilespmem:s24+$0xE0];
	_ =	sdelay $0x4  }
0x357: {  	v2 =	vand.u32 $0x3FFF, v2  }
0x358: {  	[tilespmem:$0xBCE0] =	vst v2  }
0x359: {  	v2 =	vld [tilespmem:s24+$0xF0];
	_ =	sdelay $0x4  }
0x35a: {  	v2 =	vand.u32 $0x3FFF, v2  }
0x35b: {  	[tilespmem:$0xBCF0] =	vst v2  }
0x35c: {  	_ =	swait.ge [sflag:s25], $0x4000  }
0x35d: {  	[sflag:s25] =	ssyncset.done $0x0  }
0x35e: {  	[sflag:s25] =	ssyncadd.s32 $0xFFFFC000  }
0x35f: {  	[tilespmem:s28], [sflag:$0x2] =	stream.indirect.gather [hbm4b:s1+s23], $0x80, s26, s23, $0xb8;
	[tilespmem:$0x1FC80] =	vst v63  }
0x360: {  	v2 =	vld [tilespmem:s24+$0x0];
	_ =	sdelay $0x4  }
0x361: {  	v2 =	vshrl.u32 v2, $0xE  }
0x362: {  	v2 =	vand.u32 $0x3FFF, v2  }
0x363: {  	[tilespmem:$0xBD00] =	vst v2  }
0x364: {  	v2 =	vld [tilespmem:s24+$0x10];
	_ =	sdelay $0x4  }
0x365: {  	v2 =	vshrl.u32 v2, $0xE  }
0x366: {  	v2 =	vand.u32 $0x3FFF, v2  }
0x367: {  	[tilespmem:$0xBD10] =	vst v2  }
0x368: {  	v2 =	vld [tilespmem:s24+$0x20];
	_ =	sdelay $0x4  }
0x369: {  	v2 =	vshrl.u32 v2, $0xE  }
0x36a: {  	v2 =	vand.u32 $0x3FFF, v2  }
0x36b: {  	[tilespmem:$0xBD20] =	vst v2  }
0x36c: {  	v2 =	vld [tilespmem:s24+$0x30];
	_ =	sdelay $0x4  }
0x36d: {  	v2 =	vshrl.u32 v2, $0xE  }
0x36e: {  	v2 =	vand.u32 $0x3FFF, v2  }
0x36f: {  	[tilespmem:$0xBD30] =	vst v2  }
0x370: {  	v2 =	vld [tilespmem:s24+$0x40];
	_ =	sdelay $0x4  }
0x371: {  	v2 =	vshrl.u32 v2, $0xE  }
0x372: {  	v2 =	vand.u32 $0x3FFF, v2  }
0x373: {  	[tilespmem:$0xBD40] =	vst v2  }
0x374: {  	v2 =	vld [tilespmem:s24+$0x50];
	_ =	sdelay $0x4  }
0x375: {  	v2 =	vshrl.u32 v2, $0xE  }
0x376: {  	v2 =	vand.u32 $0x3FFF, v2  }
0x377: {  	[tilespmem:$0xBD50] =	vst v2  }
0x378: {  	v2 =	vld [tilespmem:s24+$0x60];
	_ =	sdelay $0x4  }
0x379: {  	v2 =	vshrl.u32 v2, $0xE  }
0x37a: {  	v2 =	vand.u32 $0x3FFF, v2  }
0x37b: {  	[tilespmem:$0xBD60] =	vst v2  }
0x37c: {  	v2 =	vld [tilespmem:s24+$0x70];
	_ =	sdelay $0x4  }
0x37d: {  	v2 =	vshrl.u32 v2, $0xE  }
0x37e: {  	v2 =	vand.u32 $0x3FFF, v2  }
0x37f: {  	[tilespmem:$0xBD70] =	vst v2  }
0x380: {  	[spmem:s3] =	stream.indirect.scatter.add.f32 [tilespmem:s21], [sflag:$0x3], $0x80, s29, s23, $0xb8;
	[tilespmem:$0x1FC80] =	vst v63  }
0x381: {  	_ =	swait.ge [sflag:s22], $0x4000  }
0x382: {  	[sflag:s22] =	ssyncset.done $0x0  }
0x383: {  	[sflag:s22] =	ssyncadd.s32 $0xFFFFC000  }
0x384: {  	[spmem:s4] =	stream.indirect.scatter.add.f32 [tilespmem:s30], [sflag:$0x3], $0x1, s29, s23, $0xb8;
	[tilespmem:$0x1FC80] =	vst v63  }
0x385: {  	_ =	swait.ge [sflag:s22], $0x80  }
0x386: {  	p2 =	seq.s32 s31, $0x4C00;
	[sflag:s22] =	ssyncset.done $0x0  }
0x387: {  	s0 =	simm.s32 @p2 $0x2;
	[sflag:s22] =	ssyncadd.s32 $0xFFFFFF80  }
0x388: {  	_ =	swait.ge @p2 [sflag:s0], $0x4000  }
0x389: {  	[sflag:s0] =	ssyncset.done @p2 $0x0  }
0x38a: {  	s17 =	sshra.s32 @!p2 s31, $0x2;
	s31 =	smov.u32 s16;
	[sflag:s0] =	ssyncadd.s32 @p2 $0xFFFFC000  }
0x38b: {  	v2 =	vld @!p2 [tilespmem:s17+$0x100];
	_ =	sdelay $0x4  }
0x38c: {  	v2 =	vand.u32 @!p2 $0x3FFF, v2  }
0x38d: {  	[tilespmem:$0xBC00] =	vst @!p2 v2  }
0x38e: {  	v2 =	vld @!p2 [tilespmem:s17+$0x110];
	_ =	sdelay $0x4  }
0x38f: {  	v2 =	vand.u32 @!p2 $0x3FFF, v2  }
0x390: {  	[tilespmem:$0xBC10] =	vst @!p2 v2  }
0x391: {  	v2 =	vld @!p2 [tilespmem:s17+$0x120];
	_ =	sdelay $0x4  }
0x392: {  	v2 =	vand.u32 @!p2 $0x3FFF, v2  }
0x393: {  	[tilespmem:$0xBC20] =	vst @!p2 v2  }
0x394: {  	v2 =	vld @!p2 [tilespmem:s17+$0x130];
	_ =	sdelay $0x4  }
0x395: {  	v2 =	vand.u32 @!p2 $0x3FFF, v2  }
0x396: {  	[tilespmem:$0xBC30] =	vst @!p2 v2  }
0x397: {  	v2 =	vld @!p2 [tilespmem:s17+$0x140];
	_ =	sdelay $0x4  }
0x398: {  	v2 =	vand.u32 @!p2 $0x3FFF, v2  }
0x399: {  	[tilespmem:$0xBC40] =	vst @!p2 v2  }
0x39a: {  	v2 =	vld @!p2 [tilespmem:s17+$0x150];
	_ =	sdelay $0x4  }
0x39b: {  	v2 =	vand.u32 @!p2 $0x3FFF, v2  }
0x39c: {  	[tilespmem:$0xBC50] =	vst @!p2 v2  }
0x39d: {  	v2 =	vld @!p2 [tilespmem:s17+$0x160];
	_ =	sdelay $0x4  }
0x39e: {  	v2 =	vand.u32 @!p2 $0x3FFF, v2  }
0x39f: {  	[tilespmem:$0xBC60] =	vst @!p2 v2  }
0x3a0: {  	v2 =	vld @!p2 [tilespmem:s17+$0x170];
	_ =	sdelay $0x4  }
0x3a1: {  	v2 =	vand.u32 @!p2 $0x3FFF, v2  }
0x3a2: {  	s0 =	simm.s32 @!p2 $0x2;
	[tilespmem:$0xBC70] =	vst @!p2 v2  }
0x3a3: {  	_ =	swait.ge @!p2 [sflag:s0], $0x4000  }
0x3a4: {  	s16 =	simm.s32 @!p2 $0x3C00;
	[sflag:s0] =	ssyncset.done @!p2 $0x0  }
0x3a5: {  	s17 =	simm.s32 @!p2 $0xBC00;
	[sflag:s0] =	ssyncadd.s32 @!p2 $0xFFFFC000;
	s0 =	simm.s32 @!p2 $0x80  }
0x3a6: {  	[tilespmem:s16], [sflag:$0x1] =	stream.indirect.gather @!p2 [hbm4b:s1+s0], $0x80, s17, s0, $0xb8;
	[tilespmem:$0x1FC80] =	vst v63  }
0x3a7: {  	v2 =	vld [tilespmem:s24+$0x80];
	_ =	sdelay $0x4  }
0x3a8: {  	v2 =	vshrl.u32 v2, $0xE  }
0x3a9: {  	v2 =	vand.u32 $0x3FFF, v2  }
0x3aa: {  	[tilespmem:$0xBD00] =	vst v2  }
0x3ab: {  	v2 =	vld [tilespmem:s24+$0x90];
	_ =	sdelay $0x4  }
0x3ac: {  	v2 =	vshrl.u32 v2, $0xE  }
0x3ad: {  	v2 =	vand.u32 $0x3FFF, v2  }
0x3ae: {  	[tilespmem:$0xBD10] =	vst v2  }
0x3af: {  	v2 =	vld [tilespmem:s24+$0xA0];
	_ =	sdelay $0x4  }
0x3b0: {  	v2 =	vshrl.u32 v2, $0xE  }
0x3b1: {  	v2 =	vand.u32 $0x3FFF, v2  }
0x3b2: {  	[tilespmem:$0xBD20] =	vst v2  }
0x3b3: {  	v2 =	vld [tilespmem:s24+$0xB0];
	_ =	sdelay $0x4  }
0x3b4: {  	v2 =	vshrl.u32 v2, $0xE  }
0x3b5: {  	v2 =	vand.u32 $0x3FFF, v2  }
0x3b6: {  	[tilespmem:$0xBD30] =	vst v2  }
0x3b7: {  	v2 =	vld [tilespmem:s24+$0xC0];
	_ =	sdelay $0x4  }
0x3b8: {  	v2 =	vshrl.u32 v2, $0xE  }
0x3b9: {  	v2 =	vand.u32 $0x3FFF, v2  }
0x3ba: {  	[tilespmem:$0xBD40] =	vst v2  }
0x3bb: {  	v2 =	vld [tilespmem:s24+$0xD0];
	_ =	sdelay $0x4  }
0x3bc: {  	v2 =	vshrl.u32 v2, $0xE  }
0x3bd: {  	v2 =	vand.u32 $0x3FFF, v2  }
0x3be: {  	[tilespmem:$0xBD50] =	vst v2  }
0x3bf: {  	v2 =	vld [tilespmem:s24+$0xE0];
	_ =	sdelay $0x4  }
0x3c0: {  	v2 =	vshrl.u32 v2, $0xE  }
0x3c1: {  	v2 =	vand.u32 $0x3FFF, v2  }
0x3c2: {  	[tilespmem:$0xBD60] =	vst v2  }
0x3c3: {  	v2 =	vld [tilespmem:s24+$0xF0];
	_ =	sdelay $0x4  }
0x3c4: {  	v2 =	vshrl.u32 v2, $0xE  }
0x3c5: {  	v2 =	vand.u32 $0x3FFF, v2  }
0x3c6: {  	[tilespmem:$0xBD70] =	vst v2  }
0x3c7: {  	[spmem:s3] =	stream.indirect.scatter.add.f32 [tilespmem:s28], [sflag:$0x3], $0x80, s29, s23, $0xb8;
	[tilespmem:$0x1FC80] =	vst v63  }
0x3c8: {  	_ =	swait.ge [sflag:s22], $0x4000  }
.Ltmp6:
0x3c9: {  	[sflag:s22] =	ssyncset.done $0x0;
	(pc) =	sbr.rel @p1 .LBB2_5-.Ltmp6, $4  }
0x3ca: {  	[sflag:s22] =	ssyncadd.s32 $0xFFFFC000  }
0x3cb: {  	[spmem:s4] =	stream.indirect.scatter.add.f32 [tilespmem:s30], [sflag:$0x3], $0x1, s29, s23, $0xb8;
	[tilespmem:$0x1FC80] =	vst v63  }
0x3cc: {  	_ =	swait.ge [sflag:s22], $0x80  }
0x3cd: {  	[sflag:s22] =	ssyncset.done $0x0  }
.Ltmp7:
0x3ce: {  	_ = 	snop;
	(pc) =	sbr.rel .LBB2_6-.Ltmp7, $1  }
0x3cf: {  	_ =	sdelay $0x3  }
.LBB2_11:
0x3d0: {  	_ =	sfence.sel $0x180000  }
0x3d1: {  	[bflag:$0x0] =	sbarrier.arrive $0xFFFF  }
0x3d2: {  	_ =	strace $0x90000047  }
0x3d3: {  	s0 =	stileid.u32;
	[bflag:$0x2] =	sbarrier.arrive $0xFFFF  }
0x3d4: {  	p0 =	sne.s32 s0, $0x0;
	s0 =	rddreg [dreg:$0x4]  }
0x3d5: {  	s0 =	sadd.s32 @!p0 $0x100000, s0  }
0x3d6: {  	[sflag:s0] =	ssyncadd.tile.s32 @!p0 $0x1;
	_ =	shalt  }
.Lfunc_end2:
_tile_overlayer_lowered:
.L_overlay_start_2:
0x3d7: {  	(tag) =	ssettag $0x2  }
0x3d8: {  	s0 =	rddreg [dreg:$0x0];
	s2 =	stileid.u32  }
0x3d9: {  	s1 =	rddreg [dreg:$0x1];
	p0 =	sne.s32 s2, $0x0  }
0x3da: {  	s3 =	rddreg [dreg:$0x2];
	[bflag:$0x3] =	sbarrier.arrive $0xFFFF;
	s2 =	simm.s32 @!p0 $0x1C03  }
0x3db: {  	[timem:s3], [sflag:s2] =	dma.local @!p0 [hbm:s0], s1  }
0x3dc: {  	s0 =	simm.s32 @!p0 $0x3  }
0x3dd: {  	_ =	swait.ge @!p0 [sflag:s0], s1  }
0x3de: {  	s1 =	ssub.s32 @!p0 $0x0, s1;
	[sflag:s0] =	ssyncset.done @!p0 $0x0  }
0x3df: {  	[sflag:s0] =	ssyncadd.s32 @!p0 s1  }
0x3e0: {  	[bflag:$0x3] =	sbarrier.arrive $0xFFFF  }
0x3e1: {  	_ =	shalt  }

</sc_bundles>
